<compile_context>
chip_gen: v7x
topology: tpu7x:2x2x1
jax: 0.10.2.dev20260603
libtpu: 0.0.44.dev20260713+nightly
codegen_flags: <defaults>
</compile_context>

<pallas_src>
import functools

import jax
import jax.numpy as jnp
from jax import lax
from jax.experimental import pallas as pl
from jax.experimental.pallas import tpu as pltpu
from jax.experimental.pallas import tpu_sc as plsc

_N = 10000
_NP = 10240
_E = 320000
_F = 128
_H = 64
_C = 47
_CP = 48
_ALPHA = 0.1
_KHALF = 5

_NC = 2
_NS = 16
_NW = _NC * _NS
_BLK = 128
_NBLK = 80
_EPT = _NBLK * _BLK
_EP = _EPT * _NW
_RPT = _NP // _NS

_ROW_BLK = 1280
_GRID = _NP // _ROW_BLK

_mesh = plsc.VectorSubcoreMesh(core_axis_name="c", subcore_axis_name="s")
_f32 = jnp.float32
_sc_params = pltpu.CompilerParams(use_tc_tiling_on_sc=False)


def _mlp_body(x_ref, w1_ref, b1_ref, w2_ref, b2_ref, o_ref):
    dn = (((1,), (0,)), ((), ()))
    h1 = lax.dot_general(x_ref[...], w1_ref[...], dn,
                         precision=lax.Precision.HIGHEST,
                         preferred_element_type=_f32)
    h1 = jnp.maximum(h1 + b1_ref[...], 0.0)
    o_ref[...] = lax.dot_general(h1, w2_ref[...], dn,
                                 precision=lax.Precision.HIGHEST,
                                 preferred_element_type=_f32) + b2_ref[...]


def _mlp(xp, W1, b1r, W2p, b2r):
    return pl.pallas_call(
        _mlp_body,
        grid=(_GRID,),
        in_specs=[
            pl.BlockSpec((_ROW_BLK, _F), lambda i: (i, 0)),
            pl.BlockSpec((_F, _H), lambda i: (0, 0)),
            pl.BlockSpec((1, _H), lambda i: (0, 0)),
            pl.BlockSpec((_H, _CP), lambda i: (0, 0)),
            pl.BlockSpec((1, _CP), lambda i: (0, 0)),
        ],
        out_specs=pl.BlockSpec((_ROW_BLK, _CP), lambda i: (i, 0)),
        out_shape=jax.ShapeDtypeStruct((_NP, _CP), _f32),
    )(xp, W1, b1r, W2p, b2r)


@functools.partial(
    pl.kernel,
    out_type=jax.ShapeDtypeStruct((_NC, _NP, 16), _f32),
    mesh=_mesh,
    scratch_types=[
        pltpu.VMEM_SHARED((_NP, 16), _f32),
        pltpu.VMEM((_NBLK, _BLK), jnp.int32),
        pltpu.VMEM((_BLK, 16), _f32),
    ],
    compiler_params=_sc_params,
)
def _deg_kernel(dst_hbm, zeros_hbm, ones_hbm, out_hbm, acc_sh, dst_v, ones_v):
    cid = lax.axis_index("c")
    sid = lax.axis_index("s")
    r0 = sid * _RPT
    pltpu.sync_copy(zeros_hbm, acc_sh.at[pl.ds(r0, _RPT)])
    pltpu.sync_copy(ones_hbm, ones_v)
    base = (cid * _NS + sid) * _NBLK
    pltpu.sync_copy(dst_hbm.at[pl.ds(base, _NBLK)], dst_v)
    plsc.subcore_barrier()

    @pl.loop(0, _NBLK)
    def _(j):
        pltpu.sync_copy(ones_v, acc_sh.at[dst_v.at[j]], add=True)

    plsc.subcore_barrier()
    pltpu.sync_copy(acc_sh.at[pl.ds(r0, _RPT)],
                    out_hbm.at[cid, pl.ds(r0, _RPT)])


@functools.partial(
    pl.kernel,
    out_type=jax.ShapeDtypeStruct((_NC, _NP, _CP), _f32),
    mesh=_mesh,
    scratch_types=[
        pltpu.VMEM_SHARED((_NP, _CP), _f32),
        pltpu.VMEM((_NBLK, _BLK), jnp.int32),
        pltpu.VMEM((_NBLK, _BLK), jnp.int32),
        pltpu.VMEM((_BLK, _CP), _f32),
        pltpu.SemaphoreType.DMA,
    ],
    compiler_params=_sc_params,
)
def _hop_kernel(v_hbm, src_hbm, dst_hbm, zeros_hbm, out_hbm,
                acc_sh, src_v, dst_v, rows_v, sem):
    cid = lax.axis_index("c")
    sid = lax.axis_index("s")
    r0 = sid * _RPT
    pltpu.sync_copy(zeros_hbm, acc_sh.at[pl.ds(r0, _RPT)])
    base = (cid * _NS + sid) * _NBLK
    pltpu.sync_copy(src_hbm.at[pl.ds(base, _NBLK)], src_v)
    pltpu.sync_copy(dst_hbm.at[pl.ds(base, _NBLK)], dst_v)
    plsc.subcore_barrier()

    @pl.loop(0, _NBLK)
    def _(j):
        pltpu.async_copy(v_hbm.at[src_v.at[j]], rows_v, sem).wait()
        pltpu.sync_copy(rows_v, acc_sh.at[dst_v.at[j]], add=True)

    plsc.subcore_barrier()
    pltpu.sync_copy(acc_sh.at[pl.ds(r0, _RPT)],
                    out_hbm.at[cid, pl.ds(r0, _RPT)])


def _prep_body(parts_ref, h_ref, d2_ref, v0_ref, acc0_ref):
    p = parts_ref[...]
    deg = p[0, :, 0:1] + p[1, :, 0:1] + 1.0
    d2_ref[...] = 1.0 / deg
    v0 = lax.rsqrt(deg) * h_ref[...]
    v0_ref[...] = v0
    acc0_ref[...] = _ALPHA * v0


def _prep(parts, h):
    return pl.pallas_call(
        _prep_body,
        grid=(_GRID,),
        in_specs=[
            pl.BlockSpec((_NC, _ROW_BLK, 16), lambda i: (0, i, 0)),
            pl.BlockSpec((_ROW_BLK, _CP), lambda i: (i, 0)),
        ],
        out_specs=[
            pl.BlockSpec((_ROW_BLK, 1), lambda i: (i, 0)),
            pl.BlockSpec((_ROW_BLK, _CP), lambda i: (i, 0)),
            pl.BlockSpec((_ROW_BLK, _CP), lambda i: (i, 0)),
        ],
        out_shape=[
            jax.ShapeDtypeStruct((_NP, 1), _f32),
            jax.ShapeDtypeStruct((_NP, _CP), _f32),
            jax.ShapeDtypeStruct((_NP, _CP), _f32),
        ],
    )(parts, h)


def _combine_body(s_ref, v_ref, d2_ref, vn_ref):
    s = s_ref[...]
    vn_ref[...] = d2_ref[...] * (s[0] + s[1] + v_ref[...])


def _combine(s, v, d2):
    return pl.pallas_call(
        _combine_body,
        grid=(_GRID,),
        in_specs=[
            pl.BlockSpec((_NC, _ROW_BLK, _CP), lambda i: (0, i, 0)),
            pl.BlockSpec((_ROW_BLK, _CP), lambda i: (i, 0)),
            pl.BlockSpec((_ROW_BLK, 1), lambda i: (i, 0)),
        ],
        out_specs=pl.BlockSpec((_ROW_BLK, _CP), lambda i: (i, 0)),
        out_shape=jax.ShapeDtypeStruct((_NP, _CP), _f32),
    )(s, v, d2)


def _combine_acc_body(c, s_ref, v_ref, d2_ref, acc_ref, vn_ref, accn_ref):
    s = s_ref[...]
    vn = d2_ref[...] * (s[0] + s[1] + v_ref[...])
    vn_ref[...] = vn
    accn_ref[...] = acc_ref[...] + c * vn


def _combine_acc(s, v, d2, acc, c):
    return pl.pallas_call(
        functools.partial(_combine_acc_body, c),
        grid=(_GRID,),
        in_specs=[
            pl.BlockSpec((_NC, _ROW_BLK, _CP), lambda i: (0, i, 0)),
            pl.BlockSpec((_ROW_BLK, _CP), lambda i: (i, 0)),
            pl.BlockSpec((_ROW_BLK, 1), lambda i: (i, 0)),
            pl.BlockSpec((_ROW_BLK, _CP), lambda i: (i, 0)),
        ],
        out_specs=[
            pl.BlockSpec((_ROW_BLK, _CP), lambda i: (i, 0)),
            pl.BlockSpec((_ROW_BLK, _CP), lambda i: (i, 0)),
        ],
        out_shape=[
            jax.ShapeDtypeStruct((_NP, _CP), _f32),
            jax.ShapeDtypeStruct((_NP, _CP), _f32),
        ],
    )(s, v, d2, acc)


def _lsm_body(acc_ref, d2_ref, o_ref):
    t = lax.rsqrt(d2_ref[...]) * acc_ref[...]
    col = lax.broadcasted_iota(jnp.int32, t.shape, 1)
    valid = col < _C
    m = jnp.max(jnp.where(valid, t, -1e30), axis=1, keepdims=True)
    e = jnp.where(valid, jnp.exp(t - m), 0.0)
    o_ref[...] = (t - m) - jnp.log(jnp.sum(e, axis=1, keepdims=True))


def _lsm(acc, d2):
    return pl.pallas_call(
        _lsm_body,
        grid=(_GRID,),
        in_specs=[
            pl.BlockSpec((_ROW_BLK, _CP), lambda i: (i, 0)),
            pl.BlockSpec((_ROW_BLK, 1), lambda i: (i, 0)),
        ],
        out_specs=pl.BlockSpec((_ROW_BLK, _CP), lambda i: (i, 0)),
        out_shape=jax.ShapeDtypeStruct((_NP, _CP), _f32),
    )(acc, d2)


def kernel(x, edge_index, W1, b1, W2, b2):
    xp = jnp.zeros((_NP, _F), _f32).at[:_N].set(x)
    W2p = jnp.pad(W2, ((0, 0), (0, _CP - _C)))
    b1r = b1.reshape(1, _H)
    b2r = jnp.pad(b2, (0, _CP - _C)).reshape(1, _CP)

    pad = jnp.full((_EP - _E,), _N, jnp.int32)
    src2 = jnp.concatenate([edge_index[0].astype(jnp.int32), pad]
                           ).reshape(_NW * _NBLK, _BLK)
    dst2 = jnp.concatenate([edge_index[1].astype(jnp.int32), pad]
                           ).reshape(_NW * _NBLK, _BLK)
    zeros16 = jnp.zeros((_RPT, 16), _f32)
    ones16 = jnp.ones((_BLK, 16), _f32)
    zeros48 = jnp.zeros((_RPT, _CP), _f32)

    h = _mlp(xp, W1, b1r, W2p, b2r)
    parts = _deg_kernel(dst2, zeros16, ones16)
    d2, v, acc = _prep(parts, h)

    coef = [_ALPHA * (1.0 - _ALPHA) ** i for i in range(_KHALF + 1)]
    coef[_KHALF] = (1.0 - _ALPHA) ** _KHALF
    for i in range(1, _KHALF + 1):
        s = _hop_kernel(v, src2, dst2, zeros48)
        v = _combine(s, v, d2)
        s = _hop_kernel(v, src2, dst2, zeros48)
        v, acc = _combine_acc(s, v, d2, acc, coef[i])

    out = _lsm(acc, d2)
    return out[:_N, :_C]

# --- scband reference (transcript-rebuilt; emitter-appended) ---
"""Pipeline reference for scband-even-net-29085518528939 (READ-ONLY COPY).

The authoritative reference and input builder live on the scoring server;
editing this copy changes nothing except your own understanding.
"""

import jax, jax.numpy as jnp
import numpy as np

N = 10000
E = 320000
F_IN = 128
HID = 64
CLS = 47
K = 10
ALPHA = 0.1


def setup_inputs(seed: int = 0) -> dict:
    key = jax.random.key(seed)
    ks = jax.random.split(key, 6)
    x = jax.random.normal(ks[0], (N, F_IN), dtype=jnp.float32)
    edge_index = jax.random.randint(ks[1], (2, E), 0, N)
    W1 = jax.random.normal(ks[2], (F_IN, HID), dtype=jnp.float32) * (1.0 / np.sqrt(F_IN))
    b1 = jnp.zeros((HID,), dtype=jnp.float32)
    W2 = jax.random.normal(ks[3], (HID, CLS), dtype=jnp.float32) * (1.0 / np.sqrt(HID))
    b2 = jnp.zeros((CLS,), dtype=jnp.float32)
    return {"x": x, "edge_index": edge_index, "W1": W1, "b1": b1, "W2": W2, "b2": b2}


def reference(x, edge_index, W1, b1, W2, b2):
    # MLP (dropout is identity in eval mode)
    h = jnp.maximum(x @ W1 + b1, 0.0) @ W2 + b2
    n = x.shape[0]
    # gcn_norm with self-loops: A_hat = D^-1/2 (A + I) D^-1/2
    loops = jnp.arange(n, dtype=edge_index.dtype)
    src = jnp.concatenate([edge_index[0], loops])
    dst = jnp.concatenate([edge_index[1], loops])
    deg = jnp.zeros((n,), h.dtype).at[dst].add(1.0)
    dinv = jax.lax.rsqrt(deg)
    w = dinv[src] * dinv[dst]

    def prop(z):
        return jnp.zeros_like(z).at[dst].add(z[src] * w[:, None])

    # EvenNet propagation: GPR-style coefficients applied only at even hops
    khalf = K // 2
    coef = [ALPHA * (1.0 - ALPHA) ** i for i in range(khalf + 1)]
    coef[khalf] = (1.0 - ALPHA) ** khalf
    out = coef[0] * h
    cur = h
    for i in range(1, khalf + 1):
        cur = prop(prop(cur))
        out = out + coef[i] * cur
    return jax.nn.log_softmax(out, axis=1)

if __name__ == "__main__":
    import jax
    _d = setup_inputs()
    print(jax.jit(kernel)(*tuple(_d.values())))

</pallas_src>

<mosaic_0001>
#map = affine_map<(d0, d1) -> (0, 0)>
#map1 = affine_map<(d0, d1) -> (0, 0, 0)>
module attributes {stable_mosaic.version = 14 : i64} {
  func.func @_hop_kernel(%arg0: i32, %arg1: i32, %arg2: memref<10240x48xf32, #tpu.memory_space<hbm>>, %arg3: memref<2560x128xi32, #tpu.memory_space<hbm>>, %arg4: memref<2560x128xi32, #tpu.memory_space<hbm>>, %arg5: memref<640x48xf32, #tpu.memory_space<hbm>>, %arg6: memref<2x10240x48xf32, #tpu.memory_space<hbm>>, %arg7: memref<10240x48xf32, #tpu.memory_space<vmem_shared>>, %arg8: memref<80x128xi32, #tpu.memory_space<vmem>>, %arg9: memref<80x128xi32, #tpu.memory_space<vmem>>, %arg10: memref<128x48xf32, #tpu.memory_space<vmem>>, %arg11: memref<!tpu.dma_semaphore, #tpu.memory_space<semaphore_mem>>) attributes {dimension_semantics = [#tpu.dimension_semantics<core_parallel>, #tpu.dimension_semantics<subcore_parallel>], iteration_bounds = array<i64: 2, 16>, scalar_prefetch = 0 : i64, scratch_operands = 5 : i64, tpu.core_type = #tpu.core_type<sc_vector_subcore>, window_params = [{transform_indices = #map}, {transform_indices = #map}, {transform_indices = #map}, {transform_indices = #map}, {transform_indices = #map1}]} {
    %mul3A = arith.constant 640 : i32
    %mul3A_0 = arith.muli %arg1, %mul3A : i32
    "tpu.region"() ({
      %run_scoped3A = tpu.sem_alloc : memref<!tpu.dma_semaphore, #tpu.memory_space<semaphore_mem>>
      %dma_start3A = arith.constant 0 : i32
      %dma_start3A_10 = tpu.memref_slice %arg7[%mul3A_0, %dma_start3A] : memref<10240x48xf32, #tpu.memory_space<vmem_shared>> -> memref<640x48xf32, #tpu.memory_space<vmem_shared>>
      tpu.enqueue_dma source(%arg5 : memref<640x48xf32, #tpu.memory_space<hbm>>) target(%dma_start3A_10 : memref<640x48xf32, #tpu.memory_space<vmem_shared>>) target_semaphore(%run_scoped3A : memref<!tpu.dma_semaphore, #tpu.memory_space<semaphore_mem>>)
      %dma_wait3A = arith.constant 0 : i32
      %dma_wait3A_11 = tpu.memref_slice %arg7[%mul3A_0, %dma_wait3A] : memref<10240x48xf32, #tpu.memory_space<vmem_shared>> -> memref<640x48xf32, #tpu.memory_space<vmem_shared>>
      tpu.wait_dma2 semaphore(%run_scoped3A : memref<!tpu.dma_semaphore, #tpu.memory_space<semaphore_mem>>) src(%arg5 : memref<640x48xf32, #tpu.memory_space<hbm>>) dst(%dma_wait3A_11 : memref<640x48xf32, #tpu.memory_space<vmem_shared>>)
      tpu.yield
    }) : () -> ()
    %mul3A_1 = arith.constant 16 : i32
    %mul3A_2 = arith.muli %arg0, %mul3A_1 : i32
    %add3A = arith.addi %mul3A_2, %arg1 : i32
    %mul3A_3 = arith.constant 80 : i32
    %mul3A_4 = arith.muli %add3A, %mul3A_3 : i32
    "tpu.region"() ({
      %run_scoped3A = tpu.sem_alloc : memref<!tpu.dma_semaphore, #tpu.memory_space<semaphore_mem>>
      %dma_start3A = arith.constant 0 : i32
      %dma_start3A_10 = tpu.memref_slice %arg3[%mul3A_4, %dma_start3A] : memref<2560x128xi32, #tpu.memory_space<hbm>> -> memref<80x128xi32, #tpu.memory_space<hbm>>
      %dma_start3A_11 = arith.constant 0 : i32
      %dma_start3A_12 = tpu.memref_slice %arg3[%mul3A_4, %dma_start3A_11] : memref<2560x128xi32, #tpu.memory_space<hbm>> -> memref<80x128xi32, #tpu.memory_space<hbm>>
      tpu.enqueue_dma source(%dma_start3A_12 : memref<80x128xi32, #tpu.memory_space<hbm>>) target(%arg8 : memref<80x128xi32, #tpu.memory_space<vmem>>) target_semaphore(%run_scoped3A : memref<!tpu.dma_semaphore, #tpu.memory_space<semaphore_mem>>)
      %dma_wait3A = arith.constant 0 : i32
      %dma_wait3A_13 = tpu.memref_slice %arg3[%mul3A_4, %dma_wait3A] : memref<2560x128xi32, #tpu.memory_space<hbm>> -> memref<80x128xi32, #tpu.memory_space<hbm>>
      %dma_wait3A_14 = arith.constant 0 : i32
      %dma_wait3A_15 = tpu.memref_slice %arg3[%mul3A_4, %dma_wait3A_14] : memref<2560x128xi32, #tpu.memory_space<hbm>> -> memref<80x128xi32, #tpu.memory_space<hbm>>
      tpu.wait_dma2 semaphore(%run_scoped3A : memref<!tpu.dma_semaphore, #tpu.memory_space<semaphore_mem>>) src(%dma_wait3A_15 : memref<80x128xi32, #tpu.memory_space<hbm>>) dst(%arg8 : memref<80x128xi32, #tpu.memory_space<vmem>>)
      tpu.yield
    }) : () -> ()
    "tpu.region"() ({
      %run_scoped3A = tpu.sem_alloc : memref<!tpu.dma_semaphore, #tpu.memory_space<semaphore_mem>>
      %dma_start3A = arith.constant 0 : i32
      %dma_start3A_10 = tpu.memref_slice %arg4[%mul3A_4, %dma_start3A] : memref<2560x128xi32, #tpu.memory_space<hbm>> -> memref<80x128xi32, #tpu.memory_space<hbm>>
      %dma_start3A_11 = arith.constant 0 : i32
      %dma_start3A_12 = tpu.memref_slice %arg4[%mul3A_4, %dma_start3A_11] : memref<2560x128xi32, #tpu.memory_space<hbm>> -> memref<80x128xi32, #tpu.memory_space<hbm>>
      tpu.enqueue_dma source(%dma_start3A_12 : memref<80x128xi32, #tpu.memory_space<hbm>>) target(%arg9 : memref<80x128xi32, #tpu.memory_space<vmem>>) target_semaphore(%run_scoped3A : memref<!tpu.dma_semaphore, #tpu.memory_space<semaphore_mem>>)
      %dma_wait3A = arith.constant 0 : i32
      %dma_wait3A_13 = tpu.memref_slice %arg4[%mul3A_4, %dma_wait3A] : memref<2560x128xi32, #tpu.memory_space<hbm>> -> memref<80x128xi32, #tpu.memory_space<hbm>>
      %dma_wait3A_14 = arith.constant 0 : i32
      %dma_wait3A_15 = tpu.memref_slice %arg4[%mul3A_4, %dma_wait3A_14] : memref<2560x128xi32, #tpu.memory_space<hbm>> -> memref<80x128xi32, #tpu.memory_space<hbm>>
      tpu.wait_dma2 semaphore(%run_scoped3A : memref<!tpu.dma_semaphore, #tpu.memory_space<semaphore_mem>>) src(%dma_wait3A_15 : memref<80x128xi32, #tpu.memory_space<hbm>>) dst(%arg9 : memref<80x128xi32, #tpu.memory_space<vmem>>)
      tpu.yield
    }) : () -> ()
    %barrier3A = arith.constant 0 : index
    tpu.barrier barrier_id(%barrier3A)
    %scan3A = arith.constant 0 : i32
    %scan3A_5 = arith.constant 80 : i32
    %scan3A_6 = arith.addi %scan3A, %scan3A_5 : i32
    %scan3A_7 = arith.constant 1 : i32
    scf.for %scan3A_10 = %scan3A to %scan3A_6 step %scan3A_7  : i32 {
      %mul3A_11 = arith.constant 1 : i32
      %mul3A_12 = arith.muli %scan3A_10, %mul3A_11 : i32
      %add3A_13 = arith.constant 0 : i32
      %add3A_14 = arith.addi %add3A_13, %mul3A_12 : i32
      %dma_start3A = arith.constant 0 : i32
      %dma_start3A_15 = tpu.memref_slice %arg8[%add3A_14, %dma_start3A] : memref<80x128xi32, #tpu.memory_space<vmem>> -> memref<1x128xi32, #tpu.memory_space<vmem>>
      %dma_start3A_16 = tpu.memref_squeeze %dma_start3A_15 : memref<1x128xi32, #tpu.memory_space<vmem>> -> memref<128xi32, #tpu.memory_space<vmem>>
      %dma_start3A_17 = arith.constant 0 : i32
      %dma_start3A_18 = arith.constant 0 : i32
      %dma_start3A_19 = tpu.memref_slice %arg2[%dma_start3A_17, %dma_start3A_18] : memref<10240x48xf32, #tpu.memory_space<hbm>> -> memref<10240x48xf32, #tpu.memory_space<hbm>>
      tpu.enqueue_indirect_dma source(%dma_start3A_19 : memref<10240x48xf32, #tpu.memory_space<hbm>>) target(%arg10 : memref<128x48xf32, #tpu.memory_space<vmem>>) offsets(%dma_start3A_16 : memref<128xi32, #tpu.memory_space<vmem>>) semaphore(%arg11 : memref<!tpu.dma_semaphore, #tpu.memory_space<semaphore_mem>>)
      %dma_wait3A = arith.constant 0 : i32
      %dma_wait3A_20 = tpu.memref_slice %arg8[%add3A_14, %dma_wait3A] : memref<80x128xi32, #tpu.memory_space<vmem>> -> memref<1x128xi32, #tpu.memory_space<vmem>>
      %dma_wait3A_21 = tpu.memref_squeeze %dma_wait3A_20 : memref<1x128xi32, #tpu.memory_space<vmem>> -> memref<128xi32, #tpu.memory_space<vmem>>
      %dma_wait3A_22 = arith.constant 0 : i32
      %dma_wait3A_23 = arith.constant 0 : i32
      %dma_wait3A_24 = tpu.memref_slice %arg2[%dma_wait3A_22, %dma_wait3A_23] : memref<10240x48xf32, #tpu.memory_space<hbm>> -> memref<10240x48xf32, #tpu.memory_space<hbm>>
      tpu.wait_indirect_dma semaphore(%arg11 : memref<!tpu.dma_semaphore, #tpu.memory_space<semaphore_mem>>) src(%dma_wait3A_24 : memref<10240x48xf32, #tpu.memory_space<hbm>>) dst(%arg10 : memref<128x48xf32, #tpu.memory_space<vmem>>)
      "tpu.region"() ({
        %run_scoped3A = tpu.sem_alloc : memref<!tpu.dma_semaphore, #tpu.memory_space<semaphore_mem>>
        %dma_start3A_25 = arith.constant 0 : i32
        %dma_start3A_26 = tpu.memref_slice %arg9[%add3A_14, %dma_start3A_25] : memref<80x128xi32, #tpu.memory_space<vmem>> -> memref<1x128xi32, #tpu.memory_space<vmem>>
        %dma_start3A_27 = tpu.memref_squeeze %dma_start3A_26 : memref<1x128xi32, #tpu.memory_space<vmem>> -> memref<128xi32, #tpu.memory_space<vmem>>
        %dma_start3A_28 = arith.constant 0 : i32
        %dma_start3A_29 = arith.constant 0 : i32
        %dma_start3A_30 = tpu.memref_slice %arg7[%dma_start3A_28, %dma_start3A_29] : memref<10240x48xf32, #tpu.memory_space<vmem_shared>> -> memref<10240x48xf32, #tpu.memory_space<vmem_shared>>
        tpu.enqueue_indirect_dma source(%arg10 : memref<128x48xf32, #tpu.memory_space<vmem>>) target(%dma_start3A_30 : memref<10240x48xf32, #tpu.memory_space<vmem_shared>>) offsets(%dma_start3A_27 : memref<128xi32, #tpu.memory_space<vmem>>) semaphore(%run_scoped3A : memref<!tpu.dma_semaphore, #tpu.memory_space<semaphore_mem>>) {add = true}
        %dma_wait3A_31 = arith.constant 0 : i32
        %dma_wait3A_32 = tpu.memref_slice %arg9[%add3A_14, %dma_wait3A_31] : memref<80x128xi32, #tpu.memory_space<vmem>> -> memref<1x128xi32, #tpu.memory_space<vmem>>
        %dma_wait3A_33 = tpu.memref_squeeze %dma_wait3A_32 : memref<1x128xi32, #tpu.memory_space<vmem>> -> memref<128xi32, #tpu.memory_space<vmem>>
        %dma_wait3A_34 = arith.constant 0 : i32
        %dma_wait3A_35 = arith.constant 0 : i32
        %dma_wait3A_36 = tpu.memref_slice %arg7[%dma_wait3A_34, %dma_wait3A_35] : memref<10240x48xf32, #tpu.memory_space<vmem_shared>> -> memref<10240x48xf32, #tpu.memory_space<vmem_shared>>
        tpu.wait_indirect_dma semaphore(%run_scoped3A : memref<!tpu.dma_semaphore, #tpu.memory_space<semaphore_mem>>) src(%arg10 : memref<128x48xf32, #tpu.memory_space<vmem>>) dst(%dma_wait3A_36 : memref<10240x48xf32, #tpu.memory_space<vmem_shared>>)
        tpu.yield
      }) : () -> ()
    }
    %scan3A_8 = arith.constant 80 : i32
    %barrier3A_9 = arith.constant 0 : index
    tpu.barrier barrier_id(%barrier3A_9)
    "tpu.region"() ({
      %run_scoped3A = tpu.sem_alloc : memref<!tpu.dma_semaphore, #tpu.memory_space<semaphore_mem>>
      %dma_start3A = arith.constant 0 : i32
      %dma_start3A_10 = tpu.memref_slice %arg6[%arg0, %mul3A_0, %dma_start3A] : memref<2x10240x48xf32, #tpu.memory_space<hbm>> -> memref<1x640x48xf32, #tpu.memory_space<hbm>>
      %dma_start3A_11 = tpu.memref_squeeze %dma_start3A_10 : memref<1x640x48xf32, #tpu.memory_space<hbm>> -> memref<640x48xf32, #tpu.memory_space<hbm>>
      %dma_start3A_12 = arith.constant 0 : i32
      %dma_start3A_13 = tpu.memref_slice %arg7[%mul3A_0, %dma_start3A_12] : memref<10240x48xf32, #tpu.memory_space<vmem_shared>> -> memref<640x48xf32, #tpu.memory_space<vmem_shared>>
      tpu.enqueue_dma source(%dma_start3A_13 : memref<640x48xf32, #tpu.memory_space<vmem_shared>>) target(%dma_start3A_11 : memref<640x48xf32, #tpu.memory_space<hbm>>) target_semaphore(%run_scoped3A : memref<!tpu.dma_semaphore, #tpu.memory_space<semaphore_mem>>)
      %dma_wait3A = arith.constant 0 : i32
      %dma_wait3A_14 = tpu.memref_slice %arg6[%arg0, %mul3A_0, %dma_wait3A] : memref<2x10240x48xf32, #tpu.memory_space<hbm>> -> memref<1x640x48xf32, #tpu.memory_space<hbm>>
      %dma_wait3A_15 = tpu.memref_squeeze %dma_wait3A_14 : memref<1x640x48xf32, #tpu.memory_space<hbm>> -> memref<640x48xf32, #tpu.memory_space<hbm>>
      %dma_wait3A_16 = arith.constant 0 : i32
      %dma_wait3A_17 = tpu.memref_slice %arg7[%mul3A_0, %dma_wait3A_16] : memref<10240x48xf32, #tpu.memory_space<vmem_shared>> -> memref<640x48xf32, #tpu.memory_space<vmem_shared>>
      tpu.wait_dma2 semaphore(%run_scoped3A : memref<!tpu.dma_semaphore, #tpu.memory_space<semaphore_mem>>) src(%dma_wait3A_17 : memref<640x48xf32, #tpu.memory_space<vmem_shared>>) dst(%dma_wait3A_15 : memref<640x48xf32, #tpu.memory_space<hbm>>)
      tpu.yield
    }) : () -> ()
    return
  }
}

#map = affine_map<(d0, d1) -> (0, 0)>
#map1 = affine_map<(d0, d1) -> (0, 0, 0)>
module attributes {stable_mosaic.version = 14 : i64} {
  func.func @_deg_kernel(%arg0: i32, %arg1: i32, %arg2: memref<2560x128xi32, #tpu.memory_space<hbm>>, %arg3: memref<640x16xf32, #tpu.memory_space<hbm>>, %arg4: memref<128x16xf32, #tpu.memory_space<hbm>>, %arg5: memref<2x10240x16xf32, #tpu.memory_space<hbm>>, %arg6: memref<10240x16xf32, #tpu.memory_space<vmem_shared>>, %arg7: memref<80x128xi32, #tpu.memory_space<vmem>>, %arg8: memref<128x16xf32, #tpu.memory_space<vmem>>) attributes {dimension_semantics = [#tpu.dimension_semantics<core_parallel>, #tpu.dimension_semantics<subcore_parallel>], iteration_bounds = array<i64: 2, 16>, scalar_prefetch = 0 : i64, scratch_operands = 3 : i64, tpu.core_type = #tpu.core_type<sc_vector_subcore>, window_params = [{transform_indices = #map}, {transform_indices = #map}, {transform_indices = #map}, {transform_indices = #map1}]} {
    %mul3A = arith.constant 640 : i32
    %mul3A_0 = arith.muli %arg1, %mul3A : i32
    "tpu.region"() ({
      %run_scoped3A = tpu.sem_alloc : memref<!tpu.dma_semaphore, #tpu.memory_space<semaphore_mem>>
      %dma_start3A = arith.constant 0 : i32
      %dma_start3A_10 = tpu.memref_slice %arg6[%mul3A_0, %dma_start3A] : memref<10240x16xf32, #tpu.memory_space<vmem_shared>> -> memref<640x16xf32, #tpu.memory_space<vmem_shared>>
      tpu.enqueue_dma source(%arg3 : memref<640x16xf32, #tpu.memory_space<hbm>>) target(%dma_start3A_10 : memref<640x16xf32, #tpu.memory_space<vmem_shared>>) target_semaphore(%run_scoped3A : memref<!tpu.dma_semaphore, #tpu.memory_space<semaphore_mem>>)
      %dma_wait3A = arith.constant 0 : i32
      %dma_wait3A_11 = tpu.memref_slice %arg6[%mul3A_0, %dma_wait3A] : memref<10240x16xf32, #tpu.memory_space<vmem_shared>> -> memref<640x16xf32, #tpu.memory_space<vmem_shared>>
      tpu.wait_dma2 semaphore(%run_scoped3A : memref<!tpu.dma_semaphore, #tpu.memory_space<semaphore_mem>>) src(%arg3 : memref<640x16xf32, #tpu.memory_space<hbm>>) dst(%dma_wait3A_11 : memref<640x16xf32, #tpu.memory_space<vmem_shared>>)
      tpu.yield
    }) : () -> ()
    "tpu.region"() ({
      %run_scoped3A = tpu.sem_alloc : memref<!tpu.dma_semaphore, #tpu.memory_space<semaphore_mem>>
      tpu.enqueue_dma source(%arg4 : memref<128x16xf32, #tpu.memory_space<hbm>>) target(%arg8 : memref<128x16xf32, #tpu.memory_space<vmem>>) target_semaphore(%run_scoped3A : memref<!tpu.dma_semaphore, #tpu.memory_space<semaphore_mem>>)
      tpu.wait_dma2 semaphore(%run_scoped3A : memref<!tpu.dma_semaphore, #tpu.memory_space<semaphore_mem>>) src(%arg4 : memref<128x16xf32, #tpu.memory_space<hbm>>) dst(%arg8 : memref<128x16xf32, #tpu.memory_space<vmem>>)
      tpu.yield
    }) : () -> ()
    %mul3A_1 = arith.constant 16 : i32
    %mul3A_2 = arith.muli %arg0, %mul3A_1 : i32
    %add3A = arith.addi %mul3A_2, %arg1 : i32
    %mul3A_3 = arith.constant 80 : i32
    %mul3A_4 = arith.muli %add3A, %mul3A_3 : i32
    "tpu.region"() ({
      %run_scoped3A = tpu.sem_alloc : memref<!tpu.dma_semaphore, #tpu.memory_space<semaphore_mem>>
      %dma_start3A = arith.constant 0 : i32
      %dma_start3A_10 = tpu.memref_slice %arg2[%mul3A_4, %dma_start3A] : memref<2560x128xi32, #tpu.memory_space<hbm>> -> memref<80x128xi32, #tpu.memory_space<hbm>>
      %dma_start3A_11 = arith.constant 0 : i32
      %dma_start3A_12 = tpu.memref_slice %arg2[%mul3A_4, %dma_start3A_11] : memref<2560x128xi32, #tpu.memory_space<hbm>> -> memref<80x128xi32, #tpu.memory_space<hbm>>
      tpu.enqueue_dma source(%dma_start3A_12 : memref<80x128xi32, #tpu.memory_space<hbm>>) target(%arg7 : memref<80x128xi32, #tpu.memory_space<vmem>>) target_semaphore(%run_scoped3A : memref<!tpu.dma_semaphore, #tpu.memory_space<semaphore_mem>>)
      %dma_wait3A = arith.constant 0 : i32
      %dma_wait3A_13 = tpu.memref_slice %arg2[%mul3A_4, %dma_wait3A] : memref<2560x128xi32, #tpu.memory_space<hbm>> -> memref<80x128xi32, #tpu.memory_space<hbm>>
      %dma_wait3A_14 = arith.constant 0 : i32
      %dma_wait3A_15 = tpu.memref_slice %arg2[%mul3A_4, %dma_wait3A_14] : memref<2560x128xi32, #tpu.memory_space<hbm>> -> memref<80x128xi32, #tpu.memory_space<hbm>>
      tpu.wait_dma2 semaphore(%run_scoped3A : memref<!tpu.dma_semaphore, #tpu.memory_space<semaphore_mem>>) src(%dma_wait3A_15 : memref<80x128xi32, #tpu.memory_space<hbm>>) dst(%arg7 : memref<80x128xi32, #tpu.memory_space<vmem>>)
      tpu.yield
    }) : () -> ()
    %barrier3A = arith.constant 0 : index
    tpu.barrier barrier_id(%barrier3A)
    %scan3A = arith.constant 0 : i32
    %scan3A_5 = arith.constant 80 : i32
    %scan3A_6 = arith.addi %scan3A, %scan3A_5 : i32
    %scan3A_7 = arith.constant 1 : i32
    scf.for %scan3A_10 = %scan3A to %scan3A_6 step %scan3A_7  : i32 {
      %mul3A_11 = arith.constant 1 : i32
      %mul3A_12 = arith.muli %scan3A_10, %mul3A_11 : i32
      %add3A_13 = arith.constant 0 : i32
      %add3A_14 = arith.addi %add3A_13, %mul3A_12 : i32
      "tpu.region"() ({
        %run_scoped3A = tpu.sem_alloc : memref<!tpu.dma_semaphore, #tpu.memory_space<semaphore_mem>>
        %dma_start3A = arith.constant 0 : i32
        %dma_start3A_15 = tpu.memref_slice %arg7[%add3A_14, %dma_start3A] : memref<80x128xi32, #tpu.memory_space<vmem>> -> memref<1x128xi32, #tpu.memory_space<vmem>>
        %dma_start3A_16 = tpu.memref_squeeze %dma_start3A_15 : memref<1x128xi32, #tpu.memory_space<vmem>> -> memref<128xi32, #tpu.memory_space<vmem>>
        %dma_start3A_17 = arith.constant 0 : i32
        %dma_start3A_18 = arith.constant 0 : i32
        %dma_start3A_19 = tpu.memref_slice %arg6[%dma_start3A_17, %dma_start3A_18] : memref<10240x16xf32, #tpu.memory_space<vmem_shared>> -> memref<10240x16xf32, #tpu.memory_space<vmem_shared>>
        tpu.enqueue_indirect_dma source(%arg8 : memref<128x16xf32, #tpu.memory_space<vmem>>) target(%dma_start3A_19 : memref<10240x16xf32, #tpu.memory_space<vmem_shared>>) offsets(%dma_start3A_16 : memref<128xi32, #tpu.memory_space<vmem>>) semaphore(%run_scoped3A : memref<!tpu.dma_semaphore, #tpu.memory_space<semaphore_mem>>) {add = true}
        %dma_wait3A = arith.constant 0 : i32
        %dma_wait3A_20 = tpu.memref_slice %arg7[%add3A_14, %dma_wait3A] : memref<80x128xi32, #tpu.memory_space<vmem>> -> memref<1x128xi32, #tpu.memory_space<vmem>>
        %dma_wait3A_21 = tpu.memref_squeeze %dma_wait3A_20 : memref<1x128xi32, #tpu.memory_space<vmem>> -> memref<128xi32, #tpu.memory_space<vmem>>
        %dma_wait3A_22 = arith.constant 0 : i32
        %dma_wait3A_23 = arith.constant 0 : i32
        %dma_wait3A_24 = tpu.memref_slice %arg6[%dma_wait3A_22, %dma_wait3A_23] : memref<10240x16xf32, #tpu.memory_space<vmem_shared>> -> memref<10240x16xf32, #tpu.memory_space<vmem_shared>>
        tpu.wait_indirect_dma semaphore(%run_scoped3A : memref<!tpu.dma_semaphore, #tpu.memory_space<semaphore_mem>>) src(%arg8 : memref<128x16xf32, #tpu.memory_space<vmem>>) dst(%dma_wait3A_24 : memref<10240x16xf32, #tpu.memory_space<vmem_shared>>)
        tpu.yield
      }) : () -> ()
    }
    %scan3A_8 = arith.constant 80 : i32
    %barrier3A_9 = arith.constant 0 : index
    tpu.barrier barrier_id(%barrier3A_9)
    "tpu.region"() ({
      %run_scoped3A = tpu.sem_alloc : memref<!tpu.dma_semaphore, #tpu.memory_space<semaphore_mem>>
      %dma_start3A = arith.constant 0 : i32
      %dma_start3A_10 = tpu.memref_slice %arg5[%arg0, %mul3A_0, %dma_start3A] : memref<2x10240x16xf32, #tpu.memory_space<hbm>> -> memref<1x640x16xf32, #tpu.memory_space<hbm>>
      %dma_start3A_11 = tpu.memref_squeeze %dma_start3A_10 : memref<1x640x16xf32, #tpu.memory_space<hbm>> -> memref<640x16xf32, #tpu.memory_space<hbm>>
      %dma_start3A_12 = arith.constant 0 : i32
      %dma_start3A_13 = tpu.memref_slice %arg6[%mul3A_0, %dma_start3A_12] : memref<10240x16xf32, #tpu.memory_space<vmem_shared>> -> memref<640x16xf32, #tpu.memory_space<vmem_shared>>
      tpu.enqueue_dma source(%dma_start3A_13 : memref<640x16xf32, #tpu.memory_space<vmem_shared>>) target(%dma_start3A_11 : memref<640x16xf32, #tpu.memory_space<hbm>>) target_semaphore(%run_scoped3A : memref<!tpu.dma_semaphore, #tpu.memory_space<semaphore_mem>>)
      %dma_wait3A = arith.constant 0 : i32
      %dma_wait3A_14 = tpu.memref_slice %arg5[%arg0, %mul3A_0, %dma_wait3A] : memref<2x10240x16xf32, #tpu.memory_space<hbm>> -> memref<1x640x16xf32, #tpu.memory_space<hbm>>
      %dma_wait3A_15 = tpu.memref_squeeze %dma_wait3A_14 : memref<1x640x16xf32, #tpu.memory_space<hbm>> -> memref<640x16xf32, #tpu.memory_space<hbm>>
      %dma_wait3A_16 = arith.constant 0 : i32
      %dma_wait3A_17 = tpu.memref_slice %arg6[%mul3A_0, %dma_wait3A_16] : memref<10240x16xf32, #tpu.memory_space<vmem_shared>> -> memref<640x16xf32, #tpu.memory_space<vmem_shared>>
      tpu.wait_dma2 semaphore(%run_scoped3A : memref<!tpu.dma_semaphore, #tpu.memory_space<semaphore_mem>>) src(%dma_wait3A_17 : memref<640x16xf32, #tpu.memory_space<vmem_shared>>) dst(%dma_wait3A_15 : memref<640x16xf32, #tpu.memory_space<hbm>>)
      tpu.yield
    }) : () -> ()
    return
  }
}

#map = affine_map<(d0, d1) -> (0, 0)>
#map1 = affine_map<(d0, d1) -> (0, 0, 0)>
module attributes {stable_mosaic.version = 14 : i64} {
  func.func @_hop_kernel(%arg0: i32, %arg1: i32, %arg2: memref<10240x48xf32, #tpu.memory_space<hbm>>, %arg3: memref<2560x128xi32, #tpu.memory_space<hbm>>, %arg4: memref<2560x128xi32, #tpu.memory_space<hbm>>, %arg5: memref<640x48xf32, #tpu.memory_space<hbm>>, %arg6: memref<2x10240x48xf32, #tpu.memory_space<hbm>>, %arg7: memref<10240x48xf32, #tpu.memory_space<vmem_shared>>, %arg8: memref<80x128xi32, #tpu.memory_space<vmem>>, %arg9: memref<80x128xi32, #tpu.memory_space<vmem>>, %arg10: memref<128x48xf32, #tpu.memory_space<vmem>>, %arg11: memref<!tpu.dma_semaphore, #tpu.memory_space<semaphore_mem>>) attributes {dimension_semantics = [#tpu.dimension_semantics<core_parallel>, #tpu.dimension_semantics<subcore_parallel>], iteration_bounds = array<i64: 2, 16>, scalar_prefetch = 0 : i64, scratch_operands = 5 : i64, tpu.core_type = #tpu.core_type<sc_vector_subcore>, window_params = [{transform_indices = #map}, {transform_indices = #map}, {transform_indices = #map}, {transform_indices = #map}, {transform_indices = #map1}]} {
    %mul3A = arith.constant 640 : i32
    %mul3A_0 = arith.muli %arg1, %mul3A : i32
    "tpu.region"() ({
      %run_scoped3A = tpu.sem_alloc : memref<!tpu.dma_semaphore, #tpu.memory_space<semaphore_mem>>
      %dma_start3A = arith.constant 0 : i32
      %dma_start3A_10 = tpu.memref_slice %arg7[%mul3A_0, %dma_start3A] : memref<10240x48xf32, #tpu.memory_space<vmem_shared>> -> memref<640x48xf32, #tpu.memory_space<vmem_shared>>
      tpu.enqueue_dma source(%arg5 : memref<640x48xf32, #tpu.memory_space<hbm>>) target(%dma_start3A_10 : memref<640x48xf32, #tpu.memory_space<vmem_shared>>) target_semaphore(%run_scoped3A : memref<!tpu.dma_semaphore, #tpu.memory_space<semaphore_mem>>)
      %dma_wait3A = arith.constant 0 : i32
      %dma_wait3A_11 = tpu.memref_slice %arg7[%mul3A_0, %dma_wait3A] : memref<10240x48xf32, #tpu.memory_space<vmem_shared>> -> memref<640x48xf32, #tpu.memory_space<vmem_shared>>
      tpu.wait_dma2 semaphore(%run_scoped3A : memref<!tpu.dma_semaphore, #tpu.memory_space<semaphore_mem>>) src(%arg5 : memref<640x48xf32, #tpu.memory_space<hbm>>) dst(%dma_wait3A_11 : memref<640x48xf32, #tpu.memory_space<vmem_shared>>)
      tpu.yield
    }) : () -> ()
    %mul3A_1 = arith.constant 16 : i32
    %mul3A_2 = arith.muli %arg0, %mul3A_1 : i32
    %add3A = arith.addi %mul3A_2, %arg1 : i32
    %mul3A_3 = arith.constant 80 : i32
    %mul3A_4 = arith.muli %add3A, %mul3A_3 : i32
    "tpu.region"() ({
      %run_scoped3A = tpu.sem_alloc : memref<!tpu.dma_semaphore, #tpu.memory_space<semaphore_mem>>
      %dma_start3A = arith.constant 0 : i32
      %dma_start3A_10 = tpu.memref_slice %arg3[%mul3A_4, %dma_start3A] : memref<2560x128xi32, #tpu.memory_space<hbm>> -> memref<80x128xi32, #tpu.memory_space<hbm>>
      %dma_start3A_11 = arith.constant 0 : i32
      %dma_start3A_12 = tpu.memref_slice %arg3[%mul3A_4, %dma_start3A_11] : memref<2560x128xi32, #tpu.memory_space<hbm>> -> memref<80x128xi32, #tpu.memory_space<hbm>>
      tpu.enqueue_dma source(%dma_start3A_12 : memref<80x128xi32, #tpu.memory_space<hbm>>) target(%arg8 : memref<80x128xi32, #tpu.memory_space<vmem>>) target_semaphore(%run_scoped3A : memref<!tpu.dma_semaphore, #tpu.memory_space<semaphore_mem>>)
      %dma_wait3A = arith.constant 0 : i32
      %dma_wait3A_13 = tpu.memref_slice %arg3[%mul3A_4, %dma_wait3A] : memref<2560x128xi32, #tpu.memory_space<hbm>> -> memref<80x128xi32, #tpu.memory_space<hbm>>
      %dma_wait3A_14 = arith.constant 0 : i32
      %dma_wait3A_15 = tpu.memref_slice %arg3[%mul3A_4, %dma_wait3A_14] : memref<2560x128xi32, #tpu.memory_space<hbm>> -> memref<80x128xi32, #tpu.memory_space<hbm>>
      tpu.wait_dma2 semaphore(%run_scoped3A : memref<!tpu.dma_semaphore, #tpu.memory_space<semaphore_mem>>) src(%dma_wait3A_15 : memref<80x128xi32, #tpu.memory_space<hbm>>) dst(%arg8 : memref<80x128xi32, #tpu.memory_space<vmem>>)
      tpu.yield
    }) : () -> ()
    "tpu.region"() ({
      %run_scoped3A = tpu.sem_alloc : memref<!tpu.dma_semaphore, #tpu.memory_space<semaphore_mem>>
      %dma_start3A = arith.constant 0 : i32
      %dma_start3A_10 = tpu.memref_slice %arg4[%mul3A_4, %dma_start3A] : memref<2560x128xi32, #tpu.memory_space<hbm>> -> memref<80x128xi32, #tpu.memory_space<hbm>>
      %dma_start3A_11 = arith.constant 0 : i32
      %dma_start3A_12 = tpu.memref_slice %arg4[%mul3A_4, %dma_start3A_11] : memref<2560x128xi32, #tpu.memory_space<hbm>> -> memref<80x128xi32, #tpu.memory_space<hbm>>
      tpu.enqueue_dma source(%dma_start3A_12 : memref<80x128xi32, #tpu.memory_space<hbm>>) target(%arg9 : memref<80x128xi32, #tpu.memory_space<vmem>>) target_semaphore(%run_scoped3A : memref<!tpu.dma_semaphore, #tpu.memory_space<semaphore_mem>>)
      %dma_wait3A = arith.constant 0 : i32
      %dma_wait3A_13 = tpu.memref_slice %arg4[%mul3A_4, %dma_wait3A] : memref<2560x128xi32, #tpu.memory_space<hbm>> -> memref<80x128xi32, #tpu.memory_space<hbm>>
      %dma_wait3A_14 = arith.constant 0 : i32
      %dma_wait3A_15 = tpu.memref_slice %arg4[%mul3A_4, %dma_wait3A_14] : memref<2560x128xi32, #tpu.memory_space<hbm>> -> memref<80x128xi32, #tpu.memory_space<hbm>>
      tpu.wait_dma2 semaphore(%run_scoped3A : memref<!tpu.dma_semaphore, #tpu.memory_space<semaphore_mem>>) src(%dma_wait3A_15 : memref<80x128xi32, #tpu.memory_space<hbm>>) dst(%arg9 : memref<80x128xi32, #tpu.memory_space<vmem>>)
      tpu.yield
    }) : () -> ()
    %barrier3A = arith.constant 0 : index
    tpu.barrier barrier_id(%barrier3A)
    %scan3A = arith.constant 0 : i32
    %scan3A_5 = arith.constant 80 : i32
    %scan3A_6 = arith.addi %scan3A, %scan3A_5 : i32
    %scan3A_7 = arith.constant 1 : i32
    scf.for %scan3A_10 = %scan3A to %scan3A_6 step %scan3A_7  : i32 {
      %mul3A_11 = arith.constant 1 : i32
      %mul3A_12 = arith.muli %scan3A_10, %mul3A_11 : i32
      %add3A_13 = arith.constant 0 : i32
      %add3A_14 = arith.addi %add3A_13, %mul3A_12 : i32
      %dma_start3A = arith.constant 0 : i32
      %dma_start3A_15 = tpu.memref_slice %arg8[%add3A_14, %dma_start3A] : memref<80x128xi32, #tpu.memory_space<vmem>> -> memref<1x128xi32, #tpu.memory_space<vmem>>
      %dma_start3A_16 = tpu.memref_squeeze %dma_start3A_15 : memref<1x128xi32, #tpu.memory_space<vmem>> -> memref<128xi32, #tpu.memory_space<vmem>>
      %dma_start3A_17 = arith.constant 0 : i32
      %dma_start3A_18 = arith.constant 0 : i32
      %dma_start3A_19 = tpu.memref_slice %arg2[%dma_start3A_17, %dma_start3A_18] : memref<10240x48xf32, #tpu.memory_space<hbm>> -> memref<10240x48xf32, #tpu.memory_space<hbm>>
      tpu.enqueue_indirect_dma source(%dma_start3A_19 : memref<10240x48xf32, #tpu.memory_space<hbm>>) target(%arg10 : memref<128x48xf32, #tpu.memory_space<vmem>>) offsets(%dma_start3A_16 : memref<128xi32, #tpu.memory_space<vmem>>) semaphore(%arg11 : memref<!tpu.dma_semaphore, #tpu.memory_space<semaphore_mem>>)
      %dma_wait3A = arith.constant 0 : i32
      %dma_wait3A_20 = tpu.memref_slice %arg8[%add3A_14, %dma_wait3A] : memref<80x128xi32, #tpu.memory_space<vmem>> -> memref<1x128xi32, #tpu.memory_space<vmem>>
      %dma_wait3A_21 = tpu.memref_squeeze %dma_wait3A_20 : memref<1x128xi32, #tpu.memory_space<vmem>> -> memref<128xi32, #tpu.memory_space<vmem>>
      %dma_wait3A_22 = arith.constant 0 : i32
      %dma_wait3A_23 = arith.constant 0 : i32
      %dma_wait3A_24 = tpu.memref_slice %arg2[%dma_wait3A_22, %dma_wait3A_23] : memref<10240x48xf32, #tpu.memory_space<hbm>> -> memref<10240x48xf32, #tpu.memory_space<hbm>>
      tpu.wait_indirect_dma semaphore(%arg11 : memref<!tpu.dma_semaphore, #tpu.memory_space<semaphore_mem>>) src(%dma_wait3A_24 : memref<10240x48xf32, #tpu.memory_space<hbm>>) dst(%arg10 : memref<128x48xf32, #tpu.memory_space<vmem>>)
      "tpu.region"() ({
        %run_scoped3A = tpu.sem_alloc : memref<!tpu.dma_semaphore, #tpu.memory_space<semaphore_mem>>
        %dma_start3A_25 = arith.constant 0 : i32
        %dma_start3A_26 = tpu.memref_slice %arg9[%add3A_14, %dma_start3A_25] : memref<80x128xi32, #tpu.memory_space<vmem>> -> memref<1x128xi32, #tpu.memory_space<vmem>>
        %dma_start3A_27 = tpu.memref_squeeze %dma_start3A_26 : memref<1x128xi32, #tpu.memory_space<vmem>> -> memref<128xi32, #tpu.memory_space<vmem>>
        %dma_start3A_28 = arith.constant 0 : i32
        %dma_start3A_29 = arith.constant 0 : i32
        %dma_start3A_30 = tpu.memref_slice %arg7[%dma_start3A_28, %dma_start3A_29] : memref<10240x48xf32, #tpu.memory_space<vmem_shared>> -> memref<10240x48xf32, #tpu.memory_space<vmem_shared>>
        tpu.enqueue_indirect_dma source(%arg10 : memref<128x48xf32, #tpu.memory_space<vmem>>) target(%dma_start3A_30 : memref<10240x48xf32, #tpu.memory_space<vmem_shared>>) offsets(%dma_start3A_27 : memref<128xi32, #tpu.memory_space<vmem>>) semaphore(%run_scoped3A : memref<!tpu.dma_semaphore, #tpu.memory_space<semaphore_mem>>) {add = true}
        %dma_wait3A_31 = arith.constant 0 : i32
        %dma_wait3A_32 = tpu.memref_slice %arg9[%add3A_14, %dma_wait3A_31] : memref<80x128xi32, #tpu.memory_space<vmem>> -> memref<1x128xi32, #tpu.memory_space<vmem>>
        %dma_wait3A_33 = tpu.memref_squeeze %dma_wait3A_32 : memref<1x128xi32, #tpu.memory_space<vmem>> -> memref<128xi32, #tpu.memory_space<vmem>>
        %dma_wait3A_34 = arith.constant 0 : i32
        %dma_wait3A_35 = arith.constant 0 : i32
        %dma_wait3A_36 = tpu.memref_slice %arg7[%dma_wait3A_34, %dma_wait3A_35] : memref<10240x48xf32, #tpu.memory_space<vmem_shared>> -> memref<10240x48xf32, #tpu.memory_space<vmem_shared>>
        tpu.wait_indirect_dma semaphore(%run_scoped3A : memref<!tpu.dma_semaphore, #tpu.memory_space<semaphore_mem>>) src(%arg10 : memref<128x48xf32, #tpu.memory_space<vmem>>) dst(%dma_wait3A_36 : memref<10240x48xf32, #tpu.memory_space<vmem_shared>>)
        tpu.yield
      }) : () -> ()
    }
    %scan3A_8 = arith.constant 80 : i32
    %barrier3A_9 = arith.constant 0 : index
    tpu.barrier barrier_id(%barrier3A_9)
    "tpu.region"() ({
      %run_scoped3A = tpu.sem_alloc : memref<!tpu.dma_semaphore, #tpu.memory_space<semaphore_mem>>
      %dma_start3A = arith.constant 0 : i32
      %dma_start3A_10 = tpu.memref_slice %arg6[%arg0, %mul3A_0, %dma_start3A] : memref<2x10240x48xf32, #tpu.memory_space<hbm>> -> memref<1x640x48xf32, #tpu.memory_space<hbm>>
      %dma_start3A_11 = tpu.memref_squeeze %dma_start3A_10 : memref<1x640x48xf32, #tpu.memory_space<hbm>> -> memref<640x48xf32, #tpu.memory_space<hbm>>
      %dma_start3A_12 = arith.constant 0 : i32
      %dma_start3A_13 = tpu.memref_slice %arg7[%mul3A_0, %dma_start3A_12] : memref<10240x48xf32, #tpu.memory_space<vmem_shared>> -> memref<640x48xf32, #tpu.memory_space<vmem_shared>>
      tpu.enqueue_dma source(%dma_start3A_13 : memref<640x48xf32, #tpu.memory_space<vmem_shared>>) target(%dma_start3A_11 : memref<640x48xf32, #tpu.memory_space<hbm>>) target_semaphore(%run_scoped3A : memref<!tpu.dma_semaphore, #tpu.memory_space<semaphore_mem>>)
      %dma_wait3A = arith.constant 0 : i32
      %dma_wait3A_14 = tpu.memref_slice %arg6[%arg0, %mul3A_0, %dma_wait3A] : memref<2x10240x48xf32, #tpu.memory_space<hbm>> -> memref<1x640x48xf32, #tpu.memory_space<hbm>>
      %dma_wait3A_15 = tpu.memref_squeeze %dma_wait3A_14 : memref<1x640x48xf32, #tpu.memory_space<hbm>> -> memref<640x48xf32, #tpu.memory_space<hbm>>
      %dma_wait3A_16 = arith.constant 0 : i32
      %dma_wait3A_17 = tpu.memref_slice %arg7[%mul3A_0, %dma_wait3A_16] : memref<10240x48xf32, #tpu.memory_space<vmem_shared>> -> memref<640x48xf32, #tpu.memory_space<vmem_shared>>
      tpu.wait_dma2 semaphore(%run_scoped3A : memref<!tpu.dma_semaphore, #tpu.memory_space<semaphore_mem>>) src(%dma_wait3A_17 : memref<640x48xf32, #tpu.memory_space<vmem_shared>>) dst(%dma_wait3A_15 : memref<640x48xf32, #tpu.memory_space<hbm>>)
      tpu.yield
    }) : () -> ()
    return
  }
}

#map = affine_map<(d0, d1) -> (0, 0)>
#map1 = affine_map<(d0, d1) -> (0, 0, 0)>
module attributes {stable_mosaic.version = 14 : i64} {
  func.func @_hop_kernel(%arg0: i32, %arg1: i32, %arg2: memref<10240x48xf32, #tpu.memory_space<hbm>>, %arg3: memref<2560x128xi32, #tpu.memory_space<hbm>>, %arg4: memref<2560x128xi32, #tpu.memory_space<hbm>>, %arg5: memref<640x48xf32, #tpu.memory_space<hbm>>, %arg6: memref<2x10240x48xf32, #tpu.memory_space<hbm>>, %arg7: memref<10240x48xf32, #tpu.memory_space<vmem_shared>>, %arg8: memref<80x128xi32, #tpu.memory_space<vmem>>, %arg9: memref<80x128xi32, #tpu.memory_space<vmem>>, %arg10: memref<128x48xf32, #tpu.memory_space<vmem>>, %arg11: memref<!tpu.dma_semaphore, #tpu.memory_space<semaphore_mem>>) attributes {dimension_semantics = [#tpu.dimension_semantics<core_parallel>, #tpu.dimension_semantics<subcore_parallel>], iteration_bounds = array<i64: 2, 16>, scalar_prefetch = 0 : i64, scratch_operands = 5 : i64, tpu.core_type = #tpu.core_type<sc_vector_subcore>, window_params = [{transform_indices = #map}, {transform_indices = #map}, {transform_indices = #map}, {transform_indices = #map}, {transform_indices = #map1}]} {
    %mul3A = arith.constant 640 : i32
    %mul3A_0 = arith.muli %arg1, %mul3A : i32
    "tpu.region"() ({
      %run_scoped3A = tpu.sem_alloc : memref<!tpu.dma_semaphore, #tpu.memory_space<semaphore_mem>>
      %dma_start3A = arith.constant 0 : i32
      %dma_start3A_10 = tpu.memref_slice %arg7[%mul3A_0, %dma_start3A] : memref<10240x48xf32, #tpu.memory_space<vmem_shared>> -> memref<640x48xf32, #tpu.memory_space<vmem_shared>>
      tpu.enqueue_dma source(%arg5 : memref<640x48xf32, #tpu.memory_space<hbm>>) target(%dma_start3A_10 : memref<640x48xf32, #tpu.memory_space<vmem_shared>>) target_semaphore(%run_scoped3A : memref<!tpu.dma_semaphore, #tpu.memory_space<semaphore_mem>>)
      %dma_wait3A = arith.constant 0 : i32
      %dma_wait3A_11 = tpu.memref_slice %arg7[%mul3A_0, %dma_wait3A] : memref<10240x48xf32, #tpu.memory_space<vmem_shared>> -> memref<640x48xf32, #tpu.memory_space<vmem_shared>>
      tpu.wait_dma2 semaphore(%run_scoped3A : memref<!tpu.dma_semaphore, #tpu.memory_space<semaphore_mem>>) src(%arg5 : memref<640x48xf32, #tpu.memory_space<hbm>>) dst(%dma_wait3A_11 : memref<640x48xf32, #tpu.memory_space<vmem_shared>>)
      tpu.yield
    }) : () -> ()
    %mul3A_1 = arith.constant 16 : i32
    %mul3A_2 = arith.muli %arg0, %mul3A_1 : i32
    %add3A = arith.addi %mul3A_2, %arg1 : i32
    %mul3A_3 = arith.constant 80 : i32
    %mul3A_4 = arith.muli %add3A, %mul3A_3 : i32
    "tpu.region"() ({
      %run_scoped3A = tpu.sem_alloc : memref<!tpu.dma_semaphore, #tpu.memory_space<semaphore_mem>>
      %dma_start3A = arith.constant 0 : i32
      %dma_start3A_10 = tpu.memref_slice %arg3[%mul3A_4, %dma_start3A] : memref<2560x128xi32, #tpu.memory_space<hbm>> -> memref<80x128xi32, #tpu.memory_space<hbm>>
      %dma_start3A_11 = arith.constant 0 : i32
      %dma_start3A_12 = tpu.memref_slice %arg3[%mul3A_4, %dma_start3A_11] : memref<2560x128xi32, #tpu.memory_space<hbm>> -> memref<80x128xi32, #tpu.memory_space<hbm>>
      tpu.enqueue_dma source(%dma_start3A_12 : memref<80x128xi32, #tpu.memory_space<hbm>>) target(%arg8 : memref<80x128xi32, #tpu.memory_space<vmem>>) target_semaphore(%run_scoped3A : memref<!tpu.dma_semaphore, #tpu.memory_space<semaphore_mem>>)
      %dma_wait3A = arith.constant 0 : i32
      %dma_wait3A_13 = tpu.memref_slice %arg3[%mul3A_4, %dma_wait3A] : memref<2560x128xi32, #tpu.memory_space<hbm>> -> memref<80x128xi32, #tpu.memory_space<hbm>>
      %dma_wait3A_14 = arith.constant 0 : i32
      %dma_wait3A_15 = tpu.memref_slice %arg3[%mul3A_4, %dma_wait3A_14] : memref<2560x128xi32, #tpu.memory_space<hbm>> -> memref<80x128xi32, #tpu.memory_space<hbm>>
      tpu.wait_dma2 semaphore(%run_scoped3A : memref<!tpu.dma_semaphore, #tpu.memory_space<semaphore_mem>>) src(%dma_wait3A_15 : memref<80x128xi32, #tpu.memory_space<hbm>>) dst(%arg8 : memref<80x128xi32, #tpu.memory_space<vmem>>)
      tpu.yield
    }) : () -> ()
    "tpu.region"() ({
      %run_scoped3A = tpu.sem_alloc : memref<!tpu.dma_semaphore, #tpu.memory_space<semaphore_mem>>
      %dma_start3A = arith.constant 0 : i32
      %dma_start3A_10 = tpu.memref_slice %arg4[%mul3A_4, %dma_start3A] : memref<2560x128xi32, #tpu.memory_space<hbm>> -> memref<80x128xi32, #tpu.memory_space<hbm>>
      %dma_start3A_11 = arith.constant 0 : i32
      %dma_start3A_12 = tpu.memref_slice %arg4[%mul3A_4, %dma_start3A_11] : memref<2560x128xi32, #tpu.memory_space<hbm>> -> memref<80x128xi32, #tpu.memory_space<hbm>>
      tpu.enqueue_dma source(%dma_start3A_12 : memref<80x128xi32, #tpu.memory_space<hbm>>) target(%arg9 : memref<80x128xi32, #tpu.memory_space<vmem>>) target_semaphore(%run_scoped3A : memref<!tpu.dma_semaphore, #tpu.memory_space<semaphore_mem>>)
      %dma_wait3A = arith.constant 0 : i32
      %dma_wait3A_13 = tpu.memref_slice %arg4[%mul3A_4, %dma_wait3A] : memref<2560x128xi32, #tpu.memory_space<hbm>> -> memref<80x128xi32, #tpu.memory_space<hbm>>
      %dma_wait3A_14 = arith.constant 0 : i32
      %dma_wait3A_15 = tpu.memref_slice %arg4[%mul3A_4, %dma_wait3A_14] : memref<2560x128xi32, #tpu.memory_space<hbm>> -> memref<80x128xi32, #tpu.memory_space<hbm>>
      tpu.wait_dma2 semaphore(%run_scoped3A : memref<!tpu.dma_semaphore, #tpu.memory_space<semaphore_mem>>) src(%dma_wait3A_15 : memref<80x128xi32, #tpu.memory_space<hbm>>) dst(%arg9 : memref<80x128xi32, #tpu.memory_space<vmem>>)
      tpu.yield
    }) : () -> ()
    %barrier3A = arith.constant 0 : index
    tpu.barrier barrier_id(%barrier3A)
    %scan3A = arith.constant 0 : i32
    %scan3A_5 = arith.constant 80 : i32
    %scan3A_6 = arith.addi %scan3A, %scan3A_5 : i32
    %scan3A_7 = arith.constant 1 : i32
    scf.for %scan3A_10 = %scan3A to %scan3A_6 step %scan3A_7  : i32 {
      %mul3A_11 = arith.constant 1 : i32
      %mul3A_12 = arith.muli %scan3A_10, %mul3A_11 : i32
      %add3A_13 = arith.constant 0 : i32
      %add3A_14 = arith.addi %add3A_13, %mul3A_12 : i32
      %dma_start3A = arith.constant 0 : i32
      %dma_start3A_15 = tpu.memref_slice %arg8[%add3A_14, %dma_start3A] : memref<80x128xi32, #tpu.memory_space<vmem>> -> memref<1x128xi32, #tpu.memory_space<vmem>>
      %dma_start3A_16 = tpu.memref_squeeze %dma_start3A_15 : memref<1x128xi32, #tpu.memory_space<vmem>> -> memref<128xi32, #tpu.memory_space<vmem>>
      %dma_start3A_17 = arith.constant 0 : i32
      %dma_start3A_18 = arith.constant 0 : i32
      %dma_start3A_19 = tpu.memref_slice %arg2[%dma_start3A_17, %dma_start3A_18] : memref<10240x48xf32, #tpu.memory_space<hbm>> -> memref<10240x48xf32, #tpu.memory_space<hbm>>
      tpu.enqueue_indirect_dma source(%dma_start3A_19 : memref<10240x48xf32, #tpu.memory_space<hbm>>) target(%arg10 : memref<128x48xf32, #tpu.memory_space<vmem>>) offsets(%dma_start3A_16 : memref<128xi32, #tpu.memory_space<vmem>>) semaphore(%arg11 : memref<!tpu.dma_semaphore, #tpu.memory_space<semaphore_mem>>)
      %dma_wait3A = arith.constant 0 : i32
      %dma_wait3A_20 = tpu.memref_slice %arg8[%add3A_14, %dma_wait3A] : memref<80x128xi32, #tpu.memory_space<vmem>> -> memref<1x128xi32, #tpu.memory_space<vmem>>
      %dma_wait3A_21 = tpu.memref_squeeze %dma_wait3A_20 : memref<1x128xi32, #tpu.memory_space<vmem>> -> memref<128xi32, #tpu.memory_space<vmem>>
      %dma_wait3A_22 = arith.constant 0 : i32
      %dma_wait3A_23 = arith.constant 0 : i32
      %dma_wait3A_24 = tpu.memref_slice %arg2[%dma_wait3A_22, %dma_wait3A_23] : memref<10240x48xf32, #tpu.memory_space<hbm>> -> memref<10240x48xf32, #tpu.memory_space<hbm>>
      tpu.wait_indirect_dma semaphore(%arg11 : memref<!tpu.dma_semaphore, #tpu.memory_space<semaphore_mem>>) src(%dma_wait3A_24 : memref<10240x48xf32, #tpu.memory_space<hbm>>) dst(%arg10 : memref<128x48xf32, #tpu.memory_space<vmem>>)
      "tpu.region"() ({
        %run_scoped3A = tpu.sem_alloc : memref<!tpu.dma_semaphore, #tpu.memory_space<semaphore_mem>>
        %dma_start3A_25 = arith.constant 0 : i32
        %dma_start3A_26 = tpu.memref_slice %arg9[%add3A_14, %dma_start3A_25] : memref<80x128xi32, #tpu.memory_space<vmem>> -> memref<1x128xi32, #tpu.memory_space<vmem>>
        %dma_start3A_27 = tpu.memref_squeeze %dma_start3A_26 : memref<1x128xi32, #tpu.memory_space<vmem>> -> memref<128xi32, #tpu.memory_space<vmem>>
        %dma_start3A_28 = arith.constant 0 : i32
        %dma_start3A_29 = arith.constant 0 : i32
        %dma_start3A_30 = tpu.memref_slice %arg7[%dma_start3A_28, %dma_start3A_29] : memref<10240x48xf32, #tpu.memory_space<vmem_shared>> -> memref<10240x48xf32, #tpu.memory_space<vmem_shared>>
        tpu.enqueue_indirect_dma source(%arg10 : memref<128x48xf32, #tpu.memory_space<vmem>>) target(%dma_start3A_30 : memref<10240x48xf32, #tpu.memory_space<vmem_shared>>) offsets(%dma_start3A_27 : memref<128xi32, #tpu.memory_space<vmem>>) semaphore(%run_scoped3A : memref<!tpu.dma_semaphore, #tpu.memory_space<semaphore_mem>>) {add = true}
        %dma_wait3A_31 = arith.constant 0 : i32
        %dma_wait3A_32 = tpu.memref_slice %arg9[%add3A_14, %dma_wait3A_31] : memref<80x128xi32, #tpu.memory_space<vmem>> -> memref<1x128xi32, #tpu.memory_space<vmem>>
        %dma_wait3A_33 = tpu.memref_squeeze %dma_wait3A_32 : memref<1x128xi32, #tpu.memory_space<vmem>> -> memref<128xi32, #tpu.memory_space<vmem>>
        %dma_wait3A_34 = arith.constant 0 : i32
        %dma_wait3A_35 = arith.constant 0 : i32
        %dma_wait3A_36 = tpu.memref_slice %arg7[%dma_wait3A_34, %dma_wait3A_35] : memref<10240x48xf32, #tpu.memory_space<vmem_shared>> -> memref<10240x48xf32, #tpu.memory_space<vmem_shared>>
        tpu.wait_indirect_dma semaphore(%run_scoped3A : memref<!tpu.dma_semaphore, #tpu.memory_space<semaphore_mem>>) src(%arg10 : memref<128x48xf32, #tpu.memory_space<vmem>>) dst(%dma_wait3A_36 : memref<10240x48xf32, #tpu.memory_space<vmem_shared>>)
        tpu.yield
      }) : () -> ()
    }
    %scan3A_8 = arith.constant 80 : i32
    %barrier3A_9 = arith.constant 0 : index
    tpu.barrier barrier_id(%barrier3A_9)
    "tpu.region"() ({
      %run_scoped3A = tpu.sem_alloc : memref<!tpu.dma_semaphore, #tpu.memory_space<semaphore_mem>>
      %dma_start3A = arith.constant 0 : i32
      %dma_start3A_10 = tpu.memref_slice %arg6[%arg0, %mul3A_0, %dma_start3A] : memref<2x10240x48xf32, #tpu.memory_space<hbm>> -> memref<1x640x48xf32, #tpu.memory_space<hbm>>
      %dma_start3A_11 = tpu.memref_squeeze %dma_start3A_10 : memref<1x640x48xf32, #tpu.memory_space<hbm>> -> memref<640x48xf32, #tpu.memory_space<hbm>>
      %dma_start3A_12 = arith.constant 0 : i32
      %dma_start3A_13 = tpu.memref_slice %arg7[%mul3A_0, %dma_start3A_12] : memref<10240x48xf32, #tpu.memory_space<vmem_shared>> -> memref<640x48xf32, #tpu.memory_space<vmem_shared>>
      tpu.enqueue_dma source(%dma_start3A_13 : memref<640x48xf32, #tpu.memory_space<vmem_shared>>) target(%dma_start3A_11 : memref<640x48xf32, #tpu.memory_space<hbm>>) target_semaphore(%run_scoped3A : memref<!tpu.dma_semaphore, #tpu.memory_space<semaphore_mem>>)
      %dma_wait3A = arith.constant 0 : i32
      %dma_wait3A_14 = tpu.memref_slice %arg6[%arg0, %mul3A_0, %dma_wait3A] : memref<2x10240x48xf32, #tpu.memory_space<hbm>> -> memref<1x640x48xf32, #tpu.memory_space<hbm>>
      %dma_wait3A_15 = tpu.memref_squeeze %dma_wait3A_14 : memref<1x640x48xf32, #tpu.memory_space<hbm>> -> memref<640x48xf32, #tpu.memory_space<hbm>>
      %dma_wait3A_16 = arith.constant 0 : i32
      %dma_wait3A_17 = tpu.memref_slice %arg7[%mul3A_0, %dma_wait3A_16] : memref<10240x48xf32, #tpu.memory_space<vmem_shared>> -> memref<640x48xf32, #tpu.memory_space<vmem_shared>>
      tpu.wait_dma2 semaphore(%run_scoped3A : memref<!tpu.dma_semaphore, #tpu.memory_space<semaphore_mem>>) src(%dma_wait3A_17 : memref<640x48xf32, #tpu.memory_space<vmem_shared>>) dst(%dma_wait3A_15 : memref<640x48xf32, #tpu.memory_space<hbm>>)
      tpu.yield
    }) : () -> ()
    return
  }
}

#map = affine_map<(d0, d1) -> (0, 0)>
#map1 = affine_map<(d0, d1) -> (0, 0, 0)>
module attributes {stable_mosaic.version = 14 : i64} {
  func.func @_hop_kernel(%arg0: i32, %arg1: i32, %arg2: memref<10240x48xf32, #tpu.memory_space<hbm>>, %arg3: memref<2560x128xi32, #tpu.memory_space<hbm>>, %arg4: memref<2560x128xi32, #tpu.memory_space<hbm>>, %arg5: memref<640x48xf32, #tpu.memory_space<hbm>>, %arg6: memref<2x10240x48xf32, #tpu.memory_space<hbm>>, %arg7: memref<10240x48xf32, #tpu.memory_space<vmem_shared>>, %arg8: memref<80x128xi32, #tpu.memory_space<vmem>>, %arg9: memref<80x128xi32, #tpu.memory_space<vmem>>, %arg10: memref<128x48xf32, #tpu.memory_space<vmem>>, %arg11: memref<!tpu.dma_semaphore, #tpu.memory_space<semaphore_mem>>) attributes {dimension_semantics = [#tpu.dimension_semantics<core_parallel>, #tpu.dimension_semantics<subcore_parallel>], iteration_bounds = array<i64: 2, 16>, scalar_prefetch = 0 : i64, scratch_operands = 5 : i64, tpu.core_type = #tpu.core_type<sc_vector_subcore>, window_params = [{transform_indices = #map}, {transform_indices = #map}, {transform_indices = #map}, {transform_indices = #map}, {transform_indices = #map1}]} {
    %mul3A = arith.constant 640 : i32
    %mul3A_0 = arith.muli %arg1, %mul3A : i32
    "tpu.region"() ({
      %run_scoped3A = tpu.sem_alloc : memref<!tpu.dma_semaphore, #tpu.memory_space<semaphore_mem>>
      %dma_start3A = arith.constant 0 : i32
      %dma_start3A_10 = tpu.memref_slice %arg7[%mul3A_0, %dma_start3A] : memref<10240x48xf32, #tpu.memory_space<vmem_shared>> -> memref<640x48xf32, #tpu.memory_space<vmem_shared>>
      tpu.enqueue_dma source(%arg5 : memref<640x48xf32, #tpu.memory_space<hbm>>) target(%dma_start3A_10 : memref<640x48xf32, #tpu.memory_space<vmem_shared>>) target_semaphore(%run_scoped3A : memref<!tpu.dma_semaphore, #tpu.memory_space<semaphore_mem>>)
      %dma_wait3A = arith.constant 0 : i32
      %dma_wait3A_11 = tpu.memref_slice %arg7[%mul3A_0, %dma_wait3A] : memref<10240x48xf32, #tpu.memory_space<vmem_shared>> -> memref<640x48xf32, #tpu.memory_space<vmem_shared>>
      tpu.wait_dma2 semaphore(%run_scoped3A : memref<!tpu.dma_semaphore, #tpu.memory_space<semaphore_mem>>) src(%arg5 : memref<640x48xf32, #tpu.memory_space<hbm>>) dst(%dma_wait3A_11 : memref<640x48xf32, #tpu.memory_space<vmem_shared>>)
      tpu.yield
    }) : () -> ()
    %mul3A_1 = arith.constant 16 : i32
    %mul3A_2 = arith.muli %arg0, %mul3A_1 : i32
    %add3A = arith.addi %mul3A_2, %arg1 : i32
    %mul3A_3 = arith.constant 80 : i32
    %mul3A_4 = arith.muli %add3A, %mul3A_3 : i32
    "tpu.region"() ({
      %run_scoped3A = tpu.sem_alloc : memref<!tpu.dma_semaphore, #tpu.memory_space<semaphore_mem>>
      %dma_start3A = arith.constant 0 : i32
      %dma_start3A_10 = tpu.memref_slice %arg3[%mul3A_4, %dma_start3A] : memref<2560x128xi32, #tpu.memory_space<hbm>> -> memref<80x128xi32, #tpu.memory_space<hbm>>
      %dma_start3A_11 = arith.constant 0 : i32
      %dma_start3A_12 = tpu.memref_slice %arg3[%mul3A_4, %dma_start3A_11] : memref<2560x128xi32, #tpu.memory_space<hbm>> -> memref<80x128xi32, #tpu.memory_space<hbm>>
      tpu.enqueue_dma source(%dma_start3A_12 : memref<80x128xi32, #tpu.memory_space<hbm>>) target(%arg8 : memref<80x128xi32, #tpu.memory_space<vmem>>) target_semaphore(%run_scoped3A : memref<!tpu.dma_semaphore, #tpu.memory_space<semaphore_mem>>)
      %dma_wait3A = arith.constant 0 : i32
      %dma_wait3A_13 = tpu.memref_slice %arg3[%mul3A_4, %dma_wait3A] : memref<2560x128xi32, #tpu.memory_space<hbm>> -> memref<80x128xi32, #tpu.memory_space<hbm>>
      %dma_wait3A_14 = arith.constant 0 : i32
      %dma_wait3A_15 = tpu.memref_slice %arg3[%mul3A_4, %dma_wait3A_14] : memref<2560x128xi32, #tpu.memory_space<hbm>> -> memref<80x128xi32, #tpu.memory_space<hbm>>
      tpu.wait_dma2 semaphore(%run_scoped3A : memref<!tpu.dma_semaphore, #tpu.memory_space<semaphore_mem>>) src(%dma_wait3A_15 : memref<80x128xi32, #tpu.memory_space<hbm>>) dst(%arg8 : memref<80x128xi32, #tpu.memory_space<vmem>>)
      tpu.yield
    }) : () -> ()
    "tpu.region"() ({
      %run_scoped3A = tpu.sem_alloc : memref<!tpu.dma_semaphore, #tpu.memory_space<semaphore_mem>>
      %dma_start3A = arith.constant 0 : i32
      %dma_start3A_10 = tpu.memref_slice %arg4[%mul3A_4, %dma_start3A] : memref<2560x128xi32, #tpu.memory_space<hbm>> -> memref<80x128xi32, #tpu.memory_space<hbm>>
      %dma_start3A_11 = arith.constant 0 : i32
      %dma_start3A_12 = tpu.memref_slice %arg4[%mul3A_4, %dma_start3A_11] : memref<2560x128xi32, #tpu.memory_space<hbm>> -> memref<80x128xi32, #tpu.memory_space<hbm>>
      tpu.enqueue_dma source(%dma_start3A_12 : memref<80x128xi32, #tpu.memory_space<hbm>>) target(%arg9 : memref<80x128xi32, #tpu.memory_space<vmem>>) target_semaphore(%run_scoped3A : memref<!tpu.dma_semaphore, #tpu.memory_space<semaphore_mem>>)
      %dma_wait3A = arith.constant 0 : i32
      %dma_wait3A_13 = tpu.memref_slice %arg4[%mul3A_4, %dma_wait3A] : memref<2560x128xi32, #tpu.memory_space<hbm>> -> memref<80x128xi32, #tpu.memory_space<hbm>>
      %dma_wait3A_14 = arith.constant 0 : i32
      %dma_wait3A_15 = tpu.memref_slice %arg4[%mul3A_4, %dma_wait3A_14] : memref<2560x128xi32, #tpu.memory_space<hbm>> -> memref<80x128xi32, #tpu.memory_space<hbm>>
      tpu.wait_dma2 semaphore(%run_scoped3A : memref<!tpu.dma_semaphore, #tpu.memory_space<semaphore_mem>>) src(%dma_wait3A_15 : memref<80x128xi32, #tpu.memory_space<hbm>>) dst(%arg9 : memref<80x128xi32, #tpu.memory_space<vmem>>)
      tpu.yield
    }) : () -> ()
    %barrier3A = arith.constant 0 : index
    tpu.barrier barrier_id(%barrier3A)
    %scan3A = arith.constant 0 : i32
    %scan3A_5 = arith.constant 80 : i32
    %scan3A_6 = arith.addi %scan3A, %scan3A_5 : i32
    %scan3A_7 = arith.constant 1 : i32
    scf.for %scan3A_10 = %scan3A to %scan3A_6 step %scan3A_7  : i32 {
      %mul3A_11 = arith.constant 1 : i32
      %mul3A_12 = arith.muli %scan3A_10, %mul3A_11 : i32
      %add3A_13 = arith.constant 0 : i32
      %add3A_14 = arith.addi %add3A_13, %mul3A_12 : i32
      %dma_start3A = arith.constant 0 : i32
      %dma_start3A_15 = tpu.memref_slice %arg8[%add3A_14, %dma_start3A] : memref<80x128xi32, #tpu.memory_space<vmem>> -> memref<1x128xi32, #tpu.memory_space<vmem>>
      %dma_start3A_16 = tpu.memref_squeeze %dma_start3A_15 : memref<1x128xi32, #tpu.memory_space<vmem>> -> memref<128xi32, #tpu.memory_space<vmem>>
      %dma_start3A_17 = arith.constant 0 : i32
      %dma_start3A_18 = arith.constant 0 : i32
      %dma_start3A_19 = tpu.memref_slice %arg2[%dma_start3A_17, %dma_start3A_18] : memref<10240x48xf32, #tpu.memory_space<hbm>> -> memref<10240x48xf32, #tpu.memory_space<hbm>>
      tpu.enqueue_indirect_dma source(%dma_start3A_19 : memref<10240x48xf32, #tpu.memory_space<hbm>>) target(%arg10 : memref<128x48xf32, #tpu.memory_space<vmem>>) offsets(%dma_start3A_16 : memref<128xi32, #tpu.memory_space<vmem>>) semaphore(%arg11 : memref<!tpu.dma_semaphore, #tpu.memory_space<semaphore_mem>>)
      %dma_wait3A = arith.constant 0 : i32
      %dma_wait3A_20 = tpu.memref_slice %arg8[%add3A_14, %dma_wait3A] : memref<80x128xi32, #tpu.memory_space<vmem>> -> memref<1x128xi32, #tpu.memory_space<vmem>>
      %dma_wait3A_21 = tpu.memref_squeeze %dma_wait3A_20 : memref<1x128xi32, #tpu.memory_space<vmem>> -> memref<128xi32, #tpu.memory_space<vmem>>
      %dma_wait3A_22 = arith.constant 0 : i32
      %dma_wait3A_23 = arith.constant 0 : i32
      %dma_wait3A_24 = tpu.memref_slice %arg2[%dma_wait3A_22, %dma_wait3A_23] : memref<10240x48xf32, #tpu.memory_space<hbm>> -> memref<10240x48xf32, #tpu.memory_space<hbm>>
      tpu.wait_indirect_dma semaphore(%arg11 : memref<!tpu.dma_semaphore, #tpu.memory_space<semaphore_mem>>) src(%dma_wait3A_24 : memref<10240x48xf32, #tpu.memory_space<hbm>>) dst(%arg10 : memref<128x48xf32, #tpu.memory_space<vmem>>)
      "tpu.region"() ({
        %run_scoped3A = tpu.sem_alloc : memref<!tpu.dma_semaphore, #tpu.memory_space<semaphore_mem>>
        %dma_start3A_25 = arith.constant 0 : i32
        %dma_start3A_26 = tpu.memref_slice %arg9[%add3A_14, %dma_start3A_25] : memref<80x128xi32, #tpu.memory_space<vmem>> -> memref<1x128xi32, #tpu.memory_space<vmem>>
        %dma_start3A_27 = tpu.memref_squeeze %dma_start3A_26 : memref<1x128xi32, #tpu.memory_space<vmem>> -> memref<128xi32, #tpu.memory_space<vmem>>
        %dma_start3A_28 = arith.constant 0 : i32
        %dma_start3A_29 = arith.constant 0 : i32
        %dma_start3A_30 = tpu.memref_slice %arg7[%dma_start3A_28, %dma_start3A_29] : memref<10240x48xf32, #tpu.memory_space<vmem_shared>> -> memref<10240x48xf32, #tpu.memory_space<vmem_shared>>
        tpu.enqueue_indirect_dma source(%arg10 : memref<128x48xf32, #tpu.memory_space<vmem>>) target(%dma_start3A_30 : memref<10240x48xf32, #tpu.memory_space<vmem_shared>>) offsets(%dma_start3A_27 : memref<128xi32, #tpu.memory_space<vmem>>) semaphore(%run_scoped3A : memref<!tpu.dma_semaphore, #tpu.memory_space<semaphore_mem>>) {add = true}
        %dma_wait3A_31 = arith.constant 0 : i32
        %dma_wait3A_32 = tpu.memref_slice %arg9[%add3A_14, %dma_wait3A_31] : memref<80x128xi32, #tpu.memory_space<vmem>> -> memref<1x128xi32, #tpu.memory_space<vmem>>
        %dma_wait3A_33 = tpu.memref_squeeze %dma_wait3A_32 : memref<1x128xi32, #tpu.memory_space<vmem>> -> memref<128xi32, #tpu.memory_space<vmem>>
        %dma_wait3A_34 = arith.constant 0 : i32
        %dma_wait3A_35 = arith.constant 0 : i32
        %dma_wait3A_36 = tpu.memref_slice %arg7[%dma_wait3A_34, %dma_wait3A_35] : memref<10240x48xf32, #tpu.memory_space<vmem_shared>> -> memref<10240x48xf32, #tpu.memory_space<vmem_shared>>
        tpu.wait_indirect_dma semaphore(%run_scoped3A : memref<!tpu.dma_semaphore, #tpu.memory_space<semaphore_mem>>) src(%arg10 : memref<128x48xf32, #tpu.memory_space<vmem>>) dst(%dma_wait3A_36 : memref<10240x48xf32, #tpu.memory_space<vmem_shared>>)
        tpu.yield
      }) : () -> ()
    }
    %scan3A_8 = arith.constant 80 : i32
    %barrier3A_9 = arith.constant 0 : index
    tpu.barrier barrier_id(%barrier3A_9)
    "tpu.region"() ({
      %run_scoped3A = tpu.sem_alloc : memref<!tpu.dma_semaphore, #tpu.memory_space<semaphore_mem>>
      %dma_start3A = arith.constant 0 : i32
      %dma_start3A_10 = tpu.memref_slice %arg6[%arg0, %mul3A_0, %dma_start3A] : memref<2x10240x48xf32, #tpu.memory_space<hbm>> -> memref<1x640x48xf32, #tpu.memory_space<hbm>>
      %dma_start3A_11 = tpu.memref_squeeze %dma_start3A_10 : memref<1x640x48xf32, #tpu.memory_space<hbm>> -> memref<640x48xf32, #tpu.memory_space<hbm>>
      %dma_start3A_12 = arith.constant 0 : i32
      %dma_start3A_13 = tpu.memref_slice %arg7[%mul3A_0, %dma_start3A_12] : memref<10240x48xf32, #tpu.memory_space<vmem_shared>> -> memref<640x48xf32, #tpu.memory_space<vmem_shared>>
      tpu.enqueue_dma source(%dma_start3A_13 : memref<640x48xf32, #tpu.memory_space<vmem_shared>>) target(%dma_start3A_11 : memref<640x48xf32, #tpu.memory_space<hbm>>) target_semaphore(%run_scoped3A : memref<!tpu.dma_semaphore, #tpu.memory_space<semaphore_mem>>)
      %dma_wait3A = arith.constant 0 : i32
      %dma_wait3A_14 = tpu.memref_slice %arg6[%arg0, %mul3A_0, %dma_wait3A] : memref<2x10240x48xf32, #tpu.memory_space<hbm>> -> memref<1x640x48xf32, #tpu.memory_space<hbm>>
      %dma_wait3A_15 = tpu.memref_squeeze %dma_wait3A_14 : memref<1x640x48xf32, #tpu.memory_space<hbm>> -> memref<640x48xf32, #tpu.memory_space<hbm>>
      %dma_wait3A_16 = arith.constant 0 : i32
      %dma_wait3A_17 = tpu.memref_slice %arg7[%mul3A_0, %dma_wait3A_16] : memref<10240x48xf32, #tpu.memory_space<vmem_shared>> -> memref<640x48xf32, #tpu.memory_space<vmem_shared>>
      tpu.wait_dma2 semaphore(%run_scoped3A : memref<!tpu.dma_semaphore, #tpu.memory_space<semaphore_mem>>) src(%dma_wait3A_17 : memref<640x48xf32, #tpu.memory_space<vmem_shared>>) dst(%dma_wait3A_15 : memref<640x48xf32, #tpu.memory_space<hbm>>)
      tpu.yield
    }) : () -> ()
    return
  }
}

#map = affine_map<(d0, d1) -> (0, 0)>
#map1 = affine_map<(d0, d1) -> (0, 0, 0)>
module attributes {stable_mosaic.version = 14 : i64} {
  func.func @_hop_kernel(%arg0: i32, %arg1: i32, %arg2: memref<10240x48xf32, #tpu.memory_space<hbm>>, %arg3: memref<2560x128xi32, #tpu.memory_space<hbm>>, %arg4: memref<2560x128xi32, #tpu.memory_space<hbm>>, %arg5: memref<640x48xf32, #tpu.memory_space<hbm>>, %arg6: memref<2x10240x48xf32, #tpu.memory_space<hbm>>, %arg7: memref<10240x48xf32, #tpu.memory_space<vmem_shared>>, %arg8: memref<80x128xi32, #tpu.memory_space<vmem>>, %arg9: memref<80x128xi32, #tpu.memory_space<vmem>>, %arg10: memref<128x48xf32, #tpu.memory_space<vmem>>, %arg11: memref<!tpu.dma_semaphore, #tpu.memory_space<semaphore_mem>>) attributes {dimension_semantics = [#tpu.dimension_semantics<core_parallel>, #tpu.dimension_semantics<subcore_parallel>], iteration_bounds = array<i64: 2, 16>, scalar_prefetch = 0 : i64, scratch_operands = 5 : i64, tpu.core_type = #tpu.core_type<sc_vector_subcore>, window_params = [{transform_indices = #map}, {transform_indices = #map}, {transform_indices = #map}, {transform_indices = #map}, {transform_indices = #map1}]} {
    %mul3A = arith.constant 640 : i32
    %mul3A_0 = arith.muli %arg1, %mul3A : i32
    "tpu.region"() ({
      %run_scoped3A = tpu.sem_alloc : memref<!tpu.dma_semaphore, #tpu.memory_space<semaphore_mem>>
      %dma_start3A = arith.constant 0 : i32
      %dma_start3A_10 = tpu.memref_slice %arg7[%mul3A_0, %dma_start3A] : memref<10240x48xf32, #tpu.memory_space<vmem_shared>> -> memref<640x48xf32, #tpu.memory_space<vmem_shared>>
      tpu.enqueue_dma source(%arg5 : memref<640x48xf32, #tpu.memory_space<hbm>>) target(%dma_start3A_10 : memref<640x48xf32, #tpu.memory_space<vmem_shared>>) target_semaphore(%run_scoped3A : memref<!tpu.dma_semaphore, #tpu.memory_space<semaphore_mem>>)
      %dma_wait3A = arith.constant 0 : i32
      %dma_wait3A_11 = tpu.memref_slice %arg7[%mul3A_0, %dma_wait3A] : memref<10240x48xf32, #tpu.memory_space<vmem_shared>> -> memref<640x48xf32, #tpu.memory_space<vmem_shared>>
      tpu.wait_dma2 semaphore(%run_scoped3A : memref<!tpu.dma_semaphore, #tpu.memory_space<semaphore_mem>>) src(%arg5 : memref<640x48xf32, #tpu.memory_space<hbm>>) dst(%dma_wait3A_11 : memref<640x48xf32, #tpu.memory_space<vmem_shared>>)
      tpu.yield
    }) : () -> ()
    %mul3A_1 = arith.constant 16 : i32
    %mul3A_2 = arith.muli %arg0, %mul3A_1 : i32
    %add3A = arith.addi %mul3A_2, %arg1 : i32
    %mul3A_3 = arith.constant 80 : i32
    %mul3A_4 = arith.muli %add3A, %mul3A_3 : i32
    "tpu.region"() ({
      %run_scoped3A = tpu.sem_alloc : memref<!tpu.dma_semaphore, #tpu.memory_space<semaphore_mem>>
      %dma_start3A = arith.constant 0 : i32
      %dma_start3A_10 = tpu.memref_slice %arg3[%mul3A_4, %dma_start3A] : memref<2560x128xi32, #tpu.memory_space<hbm>> -> memref<80x128xi32, #tpu.memory_space<hbm>>
      %dma_start3A_11 = arith.constant 0 : i32
      %dma_start3A_12 = tpu.memref_slice %arg3[%mul3A_4, %dma_start3A_11] : memref<2560x128xi32, #tpu.memory_space<hbm>> -> memref<80x128xi32, #tpu.memory_space<hbm>>
      tpu.enqueue_dma source(%dma_start3A_12 : memref<80x128xi32, #tpu.memory_space<hbm>>) target(%arg8 : memref<80x128xi32, #tpu.memory_space<vmem>>) target_semaphore(%run_scoped3A : memref<!tpu.dma_semaphore, #tpu.memory_space<semaphore_mem>>)
      %dma_wait3A = arith.constant 0 : i32
      %dma_wait3A_13 = tpu.memref_slice %arg3[%mul3A_4, %dma_wait3A] : memref<2560x128xi32, #tpu.memory_space<hbm>> -> memref<80x128xi32, #tpu.memory_space<hbm>>
      %dma_wait3A_14 = arith.constant 0 : i32
      %dma_wait3A_15 = tpu.memref_slice %arg3[%mul3A_4, %dma_wait3A_14] : memref<2560x128xi32, #tpu.memory_space<hbm>> -> memref<80x128xi32, #tpu.memory_space<hbm>>
      tpu.wait_dma2 semaphore(%run_scoped3A : memref<!tpu.dma_semaphore, #tpu.memory_space<semaphore_mem>>) src(%dma_wait3A_15 : memref<80x128xi32, #tpu.memory_space<hbm>>) dst(%arg8 : memref<80x128xi32, #tpu.memory_space<vmem>>)
      tpu.yield
    }) : () -> ()
    "tpu.region"() ({
      %run_scoped3A = tpu.sem_alloc : memref<!tpu.dma_semaphore, #tpu.memory_space<semaphore_mem>>
      %dma_start3A = arith.constant 0 : i32
      %dma_start3A_10 = tpu.memref_slice %arg4[%mul3A_4, %dma_start3A] : memref<2560x128xi32, #tpu.memory_space<hbm>> -> memref<80x128xi32, #tpu.memory_space<hbm>>
      %dma_start3A_11 = arith.constant 0 : i32
      %dma_start3A_12 = tpu.memref_slice %arg4[%mul3A_4, %dma_start3A_11] : memref<2560x128xi32, #tpu.memory_space<hbm>> -> memref<80x128xi32, #tpu.memory_space<hbm>>
      tpu.enqueue_dma source(%dma_start3A_12 : memref<80x128xi32, #tpu.memory_space<hbm>>) target(%arg9 : memref<80x128xi32, #tpu.memory_space<vmem>>) target_semaphore(%run_scoped3A : memref<!tpu.dma_semaphore, #tpu.memory_space<semaphore_mem>>)
      %dma_wait3A = arith.constant 0 : i32
      %dma_wait3A_13 = tpu.memref_slice %arg4[%mul3A_4, %dma_wait3A] : memref<2560x128xi32, #tpu.memory_space<hbm>> -> memref<80x128xi32, #tpu.memory_space<hbm>>
      %dma_wait3A_14 = arith.constant 0 : i32
      %dma_wait3A_15 = tpu.memref_slice %arg4[%mul3A_4, %dma_wait3A_14] : memref<2560x128xi32, #tpu.memory_space<hbm>> -> memref<80x128xi32, #tpu.memory_space<hbm>>
      tpu.wait_dma2 semaphore(%run_scoped3A : memref<!tpu.dma_semaphore, #tpu.memory_space<semaphore_mem>>) src(%dma_wait3A_15 : memref<80x128xi32, #tpu.memory_space<hbm>>) dst(%arg9 : memref<80x128xi32, #tpu.memory_space<vmem>>)
      tpu.yield
    }) : () -> ()
    %barrier3A = arith.constant 0 : index
    tpu.barrier barrier_id(%barrier3A)
    %scan3A = arith.constant 0 : i32
    %scan3A_5 = arith.constant 80 : i32
    %scan3A_6 = arith.addi %scan3A, %scan3A_5 : i32
    %scan3A_7 = arith.constant 1 : i32
    scf.for %scan3A_10 = %scan3A to %scan3A_6 step %scan3A_7  : i32 {
      %mul3A_11 = arith.constant 1 : i32
      %mul3A_12 = arith.muli %scan3A_10, %mul3A_11 : i32
      %add3A_13 = arith.constant 0 : i32
      %add3A_14 = arith.addi %add3A_13, %mul3A_12 : i32
      %dma_start3A = arith.constant 0 : i32
      %dma_start3A_15 = tpu.memref_slice %arg8[%add3A_14, %dma_start3A] : memref<80x128xi32, #tpu.memory_space<vmem>> -> memref<1x128xi32, #tpu.memory_space<vmem>>
      %dma_start3A_16 = tpu.memref_squeeze %dma_start3A_15 : memref<1x128xi32, #tpu.memory_space<vmem>> -> memref<128xi32, #tpu.memory_space<vmem>>
      %dma_start3A_17 = arith.constant 0 : i32
      %dma_start3A_18 = arith.constant 0 : i32
      %dma_start3A_19 = tpu.memref_slice %arg2[%dma_start3A_17, %dma_start3A_18] : memref<10240x48xf32, #tpu.memory_space<hbm>> -> memref<10240x48xf32, #tpu.memory_space<hbm>>
      tpu.enqueue_indirect_dma source(%dma_start3A_19 : memref<10240x48xf32, #tpu.memory_space<hbm>>) target(%arg10 : memref<128x48xf32, #tpu.memory_space<vmem>>) offsets(%dma_start3A_16 : memref<128xi32, #tpu.memory_space<vmem>>) semaphore(%arg11 : memref<!tpu.dma_semaphore, #tpu.memory_space<semaphore_mem>>)
      %dma_wait3A = arith.constant 0 : i32
      %dma_wait3A_20 = tpu.memref_slice %arg8[%add3A_14, %dma_wait3A] : memref<80x128xi32, #tpu.memory_space<vmem>> -> memref<1x128xi32, #tpu.memory_space<vmem>>
      %dma_wait3A_21 = tpu.memref_squeeze %dma_wait3A_20 : memref<1x128xi32, #tpu.memory_space<vmem>> -> memref<128xi32, #tpu.memory_space<vmem>>
      %dma_wait3A_22 = arith.constant 0 : i32
      %dma_wait3A_23 = arith.constant 0 : i32
      %dma_wait3A_24 = tpu.memref_slice %arg2[%dma_wait3A_22, %dma_wait3A_23] : memref<10240x48xf32, #tpu.memory_space<hbm>> -> memref<10240x48xf32, #tpu.memory_space<hbm>>
      tpu.wait_indirect_dma semaphore(%arg11 : memref<!tpu.dma_semaphore, #tpu.memory_space<semaphore_mem>>) src(%dma_wait3A_24 : memref<10240x48xf32, #tpu.memory_space<hbm>>) dst(%arg10 : memref<128x48xf32, #tpu.memory_space<vmem>>)
      "tpu.region"() ({
        %run_scoped3A = tpu.sem_alloc : memref<!tpu.dma_semaphore, #tpu.memory_space<semaphore_mem>>
        %dma_start3A_25 = arith.constant 0 : i32
        %dma_start3A_26 = tpu.memref_slice %arg9[%add3A_14, %dma_start3A_25] : memref<80x128xi32, #tpu.memory_space<vmem>> -> memref<1x128xi32, #tpu.memory_space<vmem>>
        %dma_start3A_27 = tpu.memref_squeeze %dma_start3A_26 : memref<1x128xi32, #tpu.memory_space<vmem>> -> memref<128xi32, #tpu.memory_space<vmem>>
        %dma_start3A_28 = arith.constant 0 : i32
        %dma_start3A_29 = arith.constant 0 : i32
        %dma_start3A_30 = tpu.memref_slice %arg7[%dma_start3A_28, %dma_start3A_29] : memref<10240x48xf32, #tpu.memory_space<vmem_shared>> -> memref<10240x48xf32, #tpu.memory_space<vmem_shared>>
        tpu.enqueue_indirect_dma source(%arg10 : memref<128x48xf32, #tpu.memory_space<vmem>>) target(%dma_start3A_30 : memref<10240x48xf32, #tpu.memory_space<vmem_shared>>) offsets(%dma_start3A_27 : memref<128xi32, #tpu.memory_space<vmem>>) semaphore(%run_scoped3A : memref<!tpu.dma_semaphore, #tpu.memory_space<semaphore_mem>>) {add = true}
        %dma_wait3A_31 = arith.constant 0 : i32
        %dma_wait3A_32 = tpu.memref_slice %arg9[%add3A_14, %dma_wait3A_31] : memref<80x128xi32, #tpu.memory_space<vmem>> -> memref<1x128xi32, #tpu.memory_space<vmem>>
        %dma_wait3A_33 = tpu.memref_squeeze %dma_wait3A_32 : memref<1x128xi32, #tpu.memory_space<vmem>> -> memref<128xi32, #tpu.memory_space<vmem>>
        %dma_wait3A_34 = arith.constant 0 : i32
        %dma_wait3A_35 = arith.constant 0 : i32
        %dma_wait3A_36 = tpu.memref_slice %arg7[%dma_wait3A_34, %dma_wait3A_35] : memref<10240x48xf32, #tpu.memory_space<vmem_shared>> -> memref<10240x48xf32, #tpu.memory_space<vmem_shared>>
        tpu.wait_indirect_dma semaphore(%run_scoped3A : memref<!tpu.dma_semaphore, #tpu.memory_space<semaphore_mem>>) src(%arg10 : memref<128x48xf32, #tpu.memory_space<vmem>>) dst(%dma_wait3A_36 : memref<10240x48xf32, #tpu.memory_space<vmem_shared>>)
        tpu.yield
      }) : () -> ()
    }
    %scan3A_8 = arith.constant 80 : i32
    %barrier3A_9 = arith.constant 0 : index
    tpu.barrier barrier_id(%barrier3A_9)
    "tpu.region"() ({
      %run_scoped3A = tpu.sem_alloc : memref<!tpu.dma_semaphore, #tpu.memory_space<semaphore_mem>>
      %dma_start3A = arith.constant 0 : i32
      %dma_start3A_10 = tpu.memref_slice %arg6[%arg0, %mul3A_0, %dma_start3A] : memref<2x10240x48xf32, #tpu.memory_space<hbm>> -> memref<1x640x48xf32, #tpu.memory_space<hbm>>
      %dma_start3A_11 = tpu.memref_squeeze %dma_start3A_10 : memref<1x640x48xf32, #tpu.memory_space<hbm>> -> memref<640x48xf32, #tpu.memory_space<hbm>>
      %dma_start3A_12 = arith.constant 0 : i32
      %dma_start3A_13 = tpu.memref_slice %arg7[%mul3A_0, %dma_start3A_12] : memref<10240x48xf32, #tpu.memory_space<vmem_shared>> -> memref<640x48xf32, #tpu.memory_space<vmem_shared>>
      tpu.enqueue_dma source(%dma_start3A_13 : memref<640x48xf32, #tpu.memory_space<vmem_shared>>) target(%dma_start3A_11 : memref<640x48xf32, #tpu.memory_space<hbm>>) target_semaphore(%run_scoped3A : memref<!tpu.dma_semaphore, #tpu.memory_space<semaphore_mem>>)
      %dma_wait3A = arith.constant 0 : i32
      %dma_wait3A_14 = tpu.memref_slice %arg6[%arg0, %mul3A_0, %dma_wait3A] : memref<2x10240x48xf32, #tpu.memory_space<hbm>> -> memref<1x640x48xf32, #tpu.memory_space<hbm>>
      %dma_wait3A_15 = tpu.memref_squeeze %dma_wait3A_14 : memref<1x640x48xf32, #tpu.memory_space<hbm>> -> memref<640x48xf32, #tpu.memory_space<hbm>>
      %dma_wait3A_16 = arith.constant 0 : i32
      %dma_wait3A_17 = tpu.memref_slice %arg7[%mul3A_0, %dma_wait3A_16] : memref<10240x48xf32, #tpu.memory_space<vmem_shared>> -> memref<640x48xf32, #tpu.memory_space<vmem_shared>>
      tpu.wait_dma2 semaphore(%run_scoped3A : memref<!tpu.dma_semaphore, #tpu.memory_space<semaphore_mem>>) src(%dma_wait3A_17 : memref<640x48xf32, #tpu.memory_space<vmem_shared>>) dst(%dma_wait3A_15 : memref<640x48xf32, #tpu.memory_space<hbm>>)
      tpu.yield
    }) : () -> ()
    return
  }
}

#map = affine_map<(d0, d1) -> (0, 0)>
#map1 = affine_map<(d0, d1) -> (0, 0, 0)>
module attributes {stable_mosaic.version = 14 : i64} {
  func.func @_hop_kernel(%arg0: i32, %arg1: i32, %arg2: memref<10240x48xf32, #tpu.memory_space<hbm>>, %arg3: memref<2560x128xi32, #tpu.memory_space<hbm>>, %arg4: memref<2560x128xi32, #tpu.memory_space<hbm>>, %arg5: memref<640x48xf32, #tpu.memory_space<hbm>>, %arg6: memref<2x10240x48xf32, #tpu.memory_space<hbm>>, %arg7: memref<10240x48xf32, #tpu.memory_space<vmem_shared>>, %arg8: memref<80x128xi32, #tpu.memory_space<vmem>>, %arg9: memref<80x128xi32, #tpu.memory_space<vmem>>, %arg10: memref<128x48xf32, #tpu.memory_space<vmem>>, %arg11: memref<!tpu.dma_semaphore, #tpu.memory_space<semaphore_mem>>) attributes {dimension_semantics = [#tpu.dimension_semantics<core_parallel>, #tpu.dimension_semantics<subcore_parallel>], iteration_bounds = array<i64: 2, 16>, scalar_prefetch = 0 : i64, scratch_operands = 5 : i64, tpu.core_type = #tpu.core_type<sc_vector_subcore>, window_params = [{transform_indices = #map}, {transform_indices = #map}, {transform_indices = #map}, {transform_indices = #map}, {transform_indices = #map1}]} {
    %mul3A = arith.constant 640 : i32
    %mul3A_0 = arith.muli %arg1, %mul3A : i32
    "tpu.region"() ({
      %run_scoped3A = tpu.sem_alloc : memref<!tpu.dma_semaphore, #tpu.memory_space<semaphore_mem>>
      %dma_start3A = arith.constant 0 : i32
      %dma_start3A_10 = tpu.memref_slice %arg7[%mul3A_0, %dma_start3A] : memref<10240x48xf32, #tpu.memory_space<vmem_shared>> -> memref<640x48xf32, #tpu.memory_space<vmem_shared>>
      tpu.enqueue_dma source(%arg5 : memref<640x48xf32, #tpu.memory_space<hbm>>) target(%dma_start3A_10 : memref<640x48xf32, #tpu.memory_space<vmem_shared>>) target_semaphore(%run_scoped3A : memref<!tpu.dma_semaphore, #tpu.memory_space<semaphore_mem>>)
      %dma_wait3A = arith.constant 0 : i32
      %dma_wait3A_11 = tpu.memref_slice %arg7[%mul3A_0, %dma_wait3A] : memref<10240x48xf32, #tpu.memory_space<vmem_shared>> -> memref<640x48xf32, #tpu.memory_space<vmem_shared>>
      tpu.wait_dma2 semaphore(%run_scoped3A : memref<!tpu.dma_semaphore, #tpu.memory_space<semaphore_mem>>) src(%arg5 : memref<640x48xf32, #tpu.memory_space<hbm>>) dst(%dma_wait3A_11 : memref<640x48xf32, #tpu.memory_space<vmem_shared>>)
      tpu.yield
    }) : () -> ()
    %mul3A_1 = arith.constant 16 : i32
    %mul3A_2 = arith.muli %arg0, %mul3A_1 : i32
    %add3A = arith.addi %mul3A_2, %arg1 : i32
    %mul3A_3 = arith.constant 80 : i32
    %mul3A_4 = arith.muli %add3A, %mul3A_3 : i32
    "tpu.region"() ({
      %run_scoped3A = tpu.sem_alloc : memref<!tpu.dma_semaphore, #tpu.memory_space<semaphore_mem>>
      %dma_start3A = arith.constant 0 : i32
      %dma_start3A_10 = tpu.memref_slice %arg3[%mul3A_4, %dma_start3A] : memref<2560x128xi32, #tpu.memory_space<hbm>> -> memref<80x128xi32, #tpu.memory_space<hbm>>
      %dma_start3A_11 = arith.constant 0 : i32
      %dma_start3A_12 = tpu.memref_slice %arg3[%mul3A_4, %dma_start3A_11] : memref<2560x128xi32, #tpu.memory_space<hbm>> -> memref<80x128xi32, #tpu.memory_space<hbm>>
      tpu.enqueue_dma source(%dma_start3A_12 : memref<80x128xi32, #tpu.memory_space<hbm>>) target(%arg8 : memref<80x128xi32, #tpu.memory_space<vmem>>) target_semaphore(%run_scoped3A : memref<!tpu.dma_semaphore, #tpu.memory_space<semaphore_mem>>)
      %dma_wait3A = arith.constant 0 : i32
      %dma_wait3A_13 = tpu.memref_slice %arg3[%mul3A_4, %dma_wait3A] : memref<2560x128xi32, #tpu.memory_space<hbm>> -> memref<80x128xi32, #tpu.memory_space<hbm>>
      %dma_wait3A_14 = arith.constant 0 : i32
      %dma_wait3A_15 = tpu.memref_slice %arg3[%mul3A_4, %dma_wait3A_14] : memref<2560x128xi32, #tpu.memory_space<hbm>> -> memref<80x128xi32, #tpu.memory_space<hbm>>
      tpu.wait_dma2 semaphore(%run_scoped3A : memref<!tpu.dma_semaphore, #tpu.memory_space<semaphore_mem>>) src(%dma_wait3A_15 : memref<80x128xi32, #tpu.memory_space<hbm>>) dst(%arg8 : memref<80x128xi32, #tpu.memory_space<vmem>>)
      tpu.yield
    }) : () -> ()
    "tpu.region"() ({
      %run_scoped3A = tpu.sem_alloc : memref<!tpu.dma_semaphore, #tpu.memory_space<semaphore_mem>>
      %dma_start3A = arith.constant 0 : i32
      %dma_start3A_10 = tpu.memref_slice %arg4[%mul3A_4, %dma_start3A] : memref<2560x128xi32, #tpu.memory_space<hbm>> -> memref<80x128xi32, #tpu.memory_space<hbm>>
      %dma_start3A_11 = arith.constant 0 : i32
      %dma_start3A_12 = tpu.memref_slice %arg4[%mul3A_4, %dma_start3A_11] : memref<2560x128xi32, #tpu.memory_space<hbm>> -> memref<80x128xi32, #tpu.memory_space<hbm>>
      tpu.enqueue_dma source(%dma_start3A_12 : memref<80x128xi32, #tpu.memory_space<hbm>>) target(%arg9 : memref<80x128xi32, #tpu.memory_space<vmem>>) target_semaphore(%run_scoped3A : memref<!tpu.dma_semaphore, #tpu.memory_space<semaphore_mem>>)
      %dma_wait3A = arith.constant 0 : i32
      %dma_wait3A_13 = tpu.memref_slice %arg4[%mul3A_4, %dma_wait3A] : memref<2560x128xi32, #tpu.memory_space<hbm>> -> memref<80x128xi32, #tpu.memory_space<hbm>>
      %dma_wait3A_14 = arith.constant 0 : i32
      %dma_wait3A_15 = tpu.memref_slice %arg4[%mul3A_4, %dma_wait3A_14] : memref<2560x128xi32, #tpu.memory_space<hbm>> -> memref<80x128xi32, #tpu.memory_space<hbm>>
      tpu.wait_dma2 semaphore(%run_scoped3A : memref<!tpu.dma_semaphore, #tpu.memory_space<semaphore_mem>>) src(%dma_wait3A_15 : memref<80x128xi32, #tpu.memory_space<hbm>>) dst(%arg9 : memref<80x128xi32, #tpu.memory_space<vmem>>)
      tpu.yield
    }) : () -> ()
    %barrier3A = arith.constant 0 : index
    tpu.barrier barrier_id(%barrier3A)
    %scan3A = arith.constant 0 : i32
    %scan3A_5 = arith.constant 80 : i32
    %scan3A_6 = arith.addi %scan3A, %scan3A_5 : i32
    %scan3A_7 = arith.constant 1 : i32
    scf.for %scan3A_10 = %scan3A to %scan3A_6 step %scan3A_7  : i32 {
      %mul3A_11 = arith.constant 1 : i32
      %mul3A_12 = arith.muli %scan3A_10, %mul3A_11 : i32
      %add3A_13 = arith.constant 0 : i32
      %add3A_14 = arith.addi %add3A_13, %mul3A_12 : i32
      %dma_start3A = arith.constant 0 : i32
      %dma_start3A_15 = tpu.memref_slice %arg8[%add3A_14, %dma_start3A] : memref<80x128xi32, #tpu.memory_space<vmem>> -> memref<1x128xi32, #tpu.memory_space<vmem>>
      %dma_start3A_16 = tpu.memref_squeeze %dma_start3A_15 : memref<1x128xi32, #tpu.memory_space<vmem>> -> memref<128xi32, #tpu.memory_space<vmem>>
      %dma_start3A_17 = arith.constant 0 : i32
      %dma_start3A_18 = arith.constant 0 : i32
      %dma_start3A_19 = tpu.memref_slice %arg2[%dma_start3A_17, %dma_start3A_18] : memref<10240x48xf32, #tpu.memory_space<hbm>> -> memref<10240x48xf32, #tpu.memory_space<hbm>>
      tpu.enqueue_indirect_dma source(%dma_start3A_19 : memref<10240x48xf32, #tpu.memory_space<hbm>>) target(%arg10 : memref<128x48xf32, #tpu.memory_space<vmem>>) offsets(%dma_start3A_16 : memref<128xi32, #tpu.memory_space<vmem>>) semaphore(%arg11 : memref<!tpu.dma_semaphore, #tpu.memory_space<semaphore_mem>>)
      %dma_wait3A = arith.constant 0 : i32
      %dma_wait3A_20 = tpu.memref_slice %arg8[%add3A_14, %dma_wait3A] : memref<80x128xi32, #tpu.memory_space<vmem>> -> memref<1x128xi32, #tpu.memory_space<vmem>>
      %dma_wait3A_21 = tpu.memref_squeeze %dma_wait3A_20 : memref<1x128xi32, #tpu.memory_space<vmem>> -> memref<128xi32, #tpu.memory_space<vmem>>
      %dma_wait3A_22 = arith.constant 0 : i32
      %dma_wait3A_23 = arith.constant 0 : i32
      %dma_wait3A_24 = tpu.memref_slice %arg2[%dma_wait3A_22, %dma_wait3A_23] : memref<10240x48xf32, #tpu.memory_space<hbm>> -> memref<10240x48xf32, #tpu.memory_space<hbm>>
      tpu.wait_indirect_dma semaphore(%arg11 : memref<!tpu.dma_semaphore, #tpu.memory_space<semaphore_mem>>) src(%dma_wait3A_24 : memref<10240x48xf32, #tpu.memory_space<hbm>>) dst(%arg10 : memref<128x48xf32, #tpu.memory_space<vmem>>)
      "tpu.region"() ({
        %run_scoped3A = tpu.sem_alloc : memref<!tpu.dma_semaphore, #tpu.memory_space<semaphore_mem>>
        %dma_start3A_25 = arith.constant 0 : i32
        %dma_start3A_26 = tpu.memref_slice %arg9[%add3A_14, %dma_start3A_25] : memref<80x128xi32, #tpu.memory_space<vmem>> -> memref<1x128xi32, #tpu.memory_space<vmem>>
        %dma_start3A_27 = tpu.memref_squeeze %dma_start3A_26 : memref<1x128xi32, #tpu.memory_space<vmem>> -> memref<128xi32, #tpu.memory_space<vmem>>
        %dma_start3A_28 = arith.constant 0 : i32
        %dma_start3A_29 = arith.constant 0 : i32
        %dma_start3A_30 = tpu.memref_slice %arg7[%dma_start3A_28, %dma_start3A_29] : memref<10240x48xf32, #tpu.memory_space<vmem_shared>> -> memref<10240x48xf32, #tpu.memory_space<vmem_shared>>
        tpu.enqueue_indirect_dma source(%arg10 : memref<128x48xf32, #tpu.memory_space<vmem>>) target(%dma_start3A_30 : memref<10240x48xf32, #tpu.memory_space<vmem_shared>>) offsets(%dma_start3A_27 : memref<128xi32, #tpu.memory_space<vmem>>) semaphore(%run_scoped3A : memref<!tpu.dma_semaphore, #tpu.memory_space<semaphore_mem>>) {add = true}
        %dma_wait3A_31 = arith.constant 0 : i32
        %dma_wait3A_32 = tpu.memref_slice %arg9[%add3A_14, %dma_wait3A_31] : memref<80x128xi32, #tpu.memory_space<vmem>> -> memref<1x128xi32, #tpu.memory_space<vmem>>
        %dma_wait3A_33 = tpu.memref_squeeze %dma_wait3A_32 : memref<1x128xi32, #tpu.memory_space<vmem>> -> memref<128xi32, #tpu.memory_space<vmem>>
        %dma_wait3A_34 = arith.constant 0 : i32
        %dma_wait3A_35 = arith.constant 0 : i32
        %dma_wait3A_36 = tpu.memref_slice %arg7[%dma_wait3A_34, %dma_wait3A_35] : memref<10240x48xf32, #tpu.memory_space<vmem_shared>> -> memref<10240x48xf32, #tpu.memory_space<vmem_shared>>
        tpu.wait_indirect_dma semaphore(%run_scoped3A : memref<!tpu.dma_semaphore, #tpu.memory_space<semaphore_mem>>) src(%arg10 : memref<128x48xf32, #tpu.memory_space<vmem>>) dst(%dma_wait3A_36 : memref<10240x48xf32, #tpu.memory_space<vmem_shared>>)
        tpu.yield
      }) : () -> ()
    }
    %scan3A_8 = arith.constant 80 : i32
    %barrier3A_9 = arith.constant 0 : index
    tpu.barrier barrier_id(%barrier3A_9)
    "tpu.region"() ({
      %run_scoped3A = tpu.sem_alloc : memref<!tpu.dma_semaphore, #tpu.memory_space<semaphore_mem>>
      %dma_start3A = arith.constant 0 : i32
      %dma_start3A_10 = tpu.memref_slice %arg6[%arg0, %mul3A_0, %dma_start3A] : memref<2x10240x48xf32, #tpu.memory_space<hbm>> -> memref<1x640x48xf32, #tpu.memory_space<hbm>>
      %dma_start3A_11 = tpu.memref_squeeze %dma_start3A_10 : memref<1x640x48xf32, #tpu.memory_space<hbm>> -> memref<640x48xf32, #tpu.memory_space<hbm>>
      %dma_start3A_12 = arith.constant 0 : i32
      %dma_start3A_13 = tpu.memref_slice %arg7[%mul3A_0, %dma_start3A_12] : memref<10240x48xf32, #tpu.memory_space<vmem_shared>> -> memref<640x48xf32, #tpu.memory_space<vmem_shared>>
      tpu.enqueue_dma source(%dma_start3A_13 : memref<640x48xf32, #tpu.memory_space<vmem_shared>>) target(%dma_start3A_11 : memref<640x48xf32, #tpu.memory_space<hbm>>) target_semaphore(%run_scoped3A : memref<!tpu.dma_semaphore, #tpu.memory_space<semaphore_mem>>)
      %dma_wait3A = arith.constant 0 : i32
      %dma_wait3A_14 = tpu.memref_slice %arg6[%arg0, %mul3A_0, %dma_wait3A] : memref<2x10240x48xf32, #tpu.memory_space<hbm>> -> memref<1x640x48xf32, #tpu.memory_space<hbm>>
      %dma_wait3A_15 = tpu.memref_squeeze %dma_wait3A_14 : memref<1x640x48xf32, #tpu.memory_space<hbm>> -> memref<640x48xf32, #tpu.memory_space<hbm>>
      %dma_wait3A_16 = arith.constant 0 : i32
      %dma_wait3A_17 = tpu.memref_slice %arg7[%mul3A_0, %dma_wait3A_16] : memref<10240x48xf32, #tpu.memory_space<vmem_shared>> -> memref<640x48xf32, #tpu.memory_space<vmem_shared>>
      tpu.wait_dma2 semaphore(%run_scoped3A : memref<!tpu.dma_semaphore, #tpu.memory_space<semaphore_mem>>) src(%dma_wait3A_17 : memref<640x48xf32, #tpu.memory_space<vmem_shared>>) dst(%dma_wait3A_15 : memref<640x48xf32, #tpu.memory_space<hbm>>)
      tpu.yield
    }) : () -> ()
    return
  }
}

#map = affine_map<(d0, d1) -> (0, 0)>
#map1 = affine_map<(d0, d1) -> (0, 0, 0)>
module attributes {stable_mosaic.version = 14 : i64} {
  func.func @_hop_kernel(%arg0: i32, %arg1: i32, %arg2: memref<10240x48xf32, #tpu.memory_space<hbm>>, %arg3: memref<2560x128xi32, #tpu.memory_space<hbm>>, %arg4: memref<2560x128xi32, #tpu.memory_space<hbm>>, %arg5: memref<640x48xf32, #tpu.memory_space<hbm>>, %arg6: memref<2x10240x48xf32, #tpu.memory_space<hbm>>, %arg7: memref<10240x48xf32, #tpu.memory_space<vmem_shared>>, %arg8: memref<80x128xi32, #tpu.memory_space<vmem>>, %arg9: memref<80x128xi32, #tpu.memory_space<vmem>>, %arg10: memref<128x48xf32, #tpu.memory_space<vmem>>, %arg11: memref<!tpu.dma_semaphore, #tpu.memory_space<semaphore_mem>>) attributes {dimension_semantics = [#tpu.dimension_semantics<core_parallel>, #tpu.dimension_semantics<subcore_parallel>], iteration_bounds = array<i64: 2, 16>, scalar_prefetch = 0 : i64, scratch_operands = 5 : i64, tpu.core_type = #tpu.core_type<sc_vector_subcore>, window_params = [{transform_indices = #map}, {transform_indices = #map}, {transform_indices = #map}, {transform_indices = #map}, {transform_indices = #map1}]} {
    %mul3A = arith.constant 640 : i32
    %mul3A_0 = arith.muli %arg1, %mul3A : i32
    "tpu.region"() ({
      %run_scoped3A = tpu.sem_alloc : memref<!tpu.dma_semaphore, #tpu.memory_space<semaphore_mem>>
      %dma_start3A = arith.constant 0 : i32
      %dma_start3A_10 = tpu.memref_slice %arg7[%mul3A_0, %dma_start3A] : memref<10240x48xf32, #tpu.memory_space<vmem_shared>> -> memref<640x48xf32, #tpu.memory_space<vmem_shared>>
      tpu.enqueue_dma source(%arg5 : memref<640x48xf32, #tpu.memory_space<hbm>>) target(%dma_start3A_10 : memref<640x48xf32, #tpu.memory_space<vmem_shared>>) target_semaphore(%run_scoped3A : memref<!tpu.dma_semaphore, #tpu.memory_space<semaphore_mem>>)
      %dma_wait3A = arith.constant 0 : i32
      %dma_wait3A_11 = tpu.memref_slice %arg7[%mul3A_0, %dma_wait3A] : memref<10240x48xf32, #tpu.memory_space<vmem_shared>> -> memref<640x48xf32, #tpu.memory_space<vmem_shared>>
      tpu.wait_dma2 semaphore(%run_scoped3A : memref<!tpu.dma_semaphore, #tpu.memory_space<semaphore_mem>>) src(%arg5 : memref<640x48xf32, #tpu.memory_space<hbm>>) dst(%dma_wait3A_11 : memref<640x48xf32, #tpu.memory_space<vmem_shared>>)
      tpu.yield
    }) : () -> ()
    %mul3A_1 = arith.constant 16 : i32
    %mul3A_2 = arith.muli %arg0, %mul3A_1 : i32
    %add3A = arith.addi %mul3A_2, %arg1 : i32
    %mul3A_3 = arith.constant 80 : i32
    %mul3A_4 = arith.muli %add3A, %mul3A_3 : i32
    "tpu.region"() ({
      %run_scoped3A = tpu.sem_alloc : memref<!tpu.dma_semaphore, #tpu.memory_space<semaphore_mem>>
      %dma_start3A = arith.constant 0 : i32
      %dma_start3A_10 = tpu.memref_slice %arg3[%mul3A_4, %dma_start3A] : memref<2560x128xi32, #tpu.memory_space<hbm>> -> memref<80x128xi32, #tpu.memory_space<hbm>>
      %dma_start3A_11 = arith.constant 0 : i32
      %dma_start3A_12 = tpu.memref_slice %arg3[%mul3A_4, %dma_start3A_11] : memref<2560x128xi32, #tpu.memory_space<hbm>> -> memref<80x128xi32, #tpu.memory_space<hbm>>
      tpu.enqueue_dma source(%dma_start3A_12 : memref<80x128xi32, #tpu.memory_space<hbm>>) target(%arg8 : memref<80x128xi32, #tpu.memory_space<vmem>>) target_semaphore(%run_scoped3A : memref<!tpu.dma_semaphore, #tpu.memory_space<semaphore_mem>>)
      %dma_wait3A = arith.constant 0 : i32
      %dma_wait3A_13 = tpu.memref_slice %arg3[%mul3A_4, %dma_wait3A] : memref<2560x128xi32, #tpu.memory_space<hbm>> -> memref<80x128xi32, #tpu.memory_space<hbm>>
      %dma_wait3A_14 = arith.constant 0 : i32
      %dma_wait3A_15 = tpu.memref_slice %arg3[%mul3A_4, %dma_wait3A_14] : memref<2560x128xi32, #tpu.memory_space<hbm>> -> memref<80x128xi32, #tpu.memory_space<hbm>>
      tpu.wait_dma2 semaphore(%run_scoped3A : memref<!tpu.dma_semaphore, #tpu.memory_space<semaphore_mem>>) src(%dma_wait3A_15 : memref<80x128xi32, #tpu.memory_space<hbm>>) dst(%arg8 : memref<80x128xi32, #tpu.memory_space<vmem>>)
      tpu.yield
    }) : () -> ()
    "tpu.region"() ({
      %run_scoped3A = tpu.sem_alloc : memref<!tpu.dma_semaphore, #tpu.memory_space<semaphore_mem>>
      %dma_start3A = arith.constant 0 : i32
      %dma_start3A_10 = tpu.memref_slice %arg4[%mul3A_4, %dma_start3A] : memref<2560x128xi32, #tpu.memory_space<hbm>> -> memref<80x128xi32, #tpu.memory_space<hbm>>
      %dma_start3A_11 = arith.constant 0 : i32
      %dma_start3A_12 = tpu.memref_slice %arg4[%mul3A_4, %dma_start3A_11] : memref<2560x128xi32, #tpu.memory_space<hbm>> -> memref<80x128xi32, #tpu.memory_space<hbm>>
      tpu.enqueue_dma source(%dma_start3A_12 : memref<80x128xi32, #tpu.memory_space<hbm>>) target(%arg9 : memref<80x128xi32, #tpu.memory_space<vmem>>) target_semaphore(%run_scoped3A : memref<!tpu.dma_semaphore, #tpu.memory_space<semaphore_mem>>)
      %dma_wait3A = arith.constant 0 : i32
      %dma_wait3A_13 = tpu.memref_slice %arg4[%mul3A_4, %dma_wait3A] : memref<2560x128xi32, #tpu.memory_space<hbm>> -> memref<80x128xi32, #tpu.memory_space<hbm>>
      %dma_wait3A_14 = arith.constant 0 : i32
      %dma_wait3A_15 = tpu.memref_slice %arg4[%mul3A_4, %dma_wait3A_14] : memref<2560x128xi32, #tpu.memory_space<hbm>> -> memref<80x128xi32, #tpu.memory_space<hbm>>
      tpu.wait_dma2 semaphore(%run_scoped3A : memref<!tpu.dma_semaphore, #tpu.memory_space<semaphore_mem>>) src(%dma_wait3A_15 : memref<80x128xi32, #tpu.memory_space<hbm>>) dst(%arg9 : memref<80x128xi32, #tpu.memory_space<vmem>>)
      tpu.yield
    }) : () -> ()
    %barrier3A = arith.constant 0 : index
    tpu.barrier barrier_id(%barrier3A)
    %scan3A = arith.constant 0 : i32
    %scan3A_5 = arith.constant 80 : i32
    %scan3A_6 = arith.addi %scan3A, %scan3A_5 : i32
    %scan3A_7 = arith.constant 1 : i32
    scf.for %scan3A_10 = %scan3A to %scan3A_6 step %scan3A_7  : i32 {
      %mul3A_11 = arith.constant 1 : i32
      %mul3A_12 = arith.muli %scan3A_10, %mul3A_11 : i32
      %add3A_13 = arith.constant 0 : i32
      %add3A_14 = arith.addi %add3A_13, %mul3A_12 : i32
      %dma_start3A = arith.constant 0 : i32
      %dma_start3A_15 = tpu.memref_slice %arg8[%add3A_14, %dma_start3A] : memref<80x128xi32, #tpu.memory_space<vmem>> -> memref<1x128xi32, #tpu.memory_space<vmem>>
      %dma_start3A_16 = tpu.memref_squeeze %dma_start3A_15 : memref<1x128xi32, #tpu.memory_space<vmem>> -> memref<128xi32, #tpu.memory_space<vmem>>
      %dma_start3A_17 = arith.constant 0 : i32
      %dma_start3A_18 = arith.constant 0 : i32
      %dma_start3A_19 = tpu.memref_slice %arg2[%dma_start3A_17, %dma_start3A_18] : memref<10240x48xf32, #tpu.memory_space<hbm>> -> memref<10240x48xf32, #tpu.memory_space<hbm>>
      tpu.enqueue_indirect_dma source(%dma_start3A_19 : memref<10240x48xf32, #tpu.memory_space<hbm>>) target(%arg10 : memref<128x48xf32, #tpu.memory_space<vmem>>) offsets(%dma_start3A_16 : memref<128xi32, #tpu.memory_space<vmem>>) semaphore(%arg11 : memref<!tpu.dma_semaphore, #tpu.memory_space<semaphore_mem>>)
      %dma_wait3A = arith.constant 0 : i32
      %dma_wait3A_20 = tpu.memref_slice %arg8[%add3A_14, %dma_wait3A] : memref<80x128xi32, #tpu.memory_space<vmem>> -> memref<1x128xi32, #tpu.memory_space<vmem>>
      %dma_wait3A_21 = tpu.memref_squeeze %dma_wait3A_20 : memref<1x128xi32, #tpu.memory_space<vmem>> -> memref<128xi32, #tpu.memory_space<vmem>>
      %dma_wait3A_22 = arith.constant 0 : i32
      %dma_wait3A_23 = arith.constant 0 : i32
      %dma_wait3A_24 = tpu.memref_slice %arg2[%dma_wait3A_22, %dma_wait3A_23] : memref<10240x48xf32, #tpu.memory_space<hbm>> -> memref<10240x48xf32, #tpu.memory_space<hbm>>
      tpu.wait_indirect_dma semaphore(%arg11 : memref<!tpu.dma_semaphore, #tpu.memory_space<semaphore_mem>>) src(%dma_wait3A_24 : memref<10240x48xf32, #tpu.memory_space<hbm>>) dst(%arg10 : memref<128x48xf32, #tpu.memory_space<vmem>>)
      "tpu.region"() ({
        %run_scoped3A = tpu.sem_alloc : memref<!tpu.dma_semaphore, #tpu.memory_space<semaphore_mem>>
        %dma_start3A_25 = arith.constant 0 : i32
        %dma_start3A_26 = tpu.memref_slice %arg9[%add3A_14, %dma_start3A_25] : memref<80x128xi32, #tpu.memory_space<vmem>> -> memref<1x128xi32, #tpu.memory_space<vmem>>
        %dma_start3A_27 = tpu.memref_squeeze %dma_start3A_26 : memref<1x128xi32, #tpu.memory_space<vmem>> -> memref<128xi32, #tpu.memory_space<vmem>>
        %dma_start3A_28 = arith.constant 0 : i32
        %dma_start3A_29 = arith.constant 0 : i32
        %dma_start3A_30 = tpu.memref_slice %arg7[%dma_start3A_28, %dma_start3A_29] : memref<10240x48xf32, #tpu.memory_space<vmem_shared>> -> memref<10240x48xf32, #tpu.memory_space<vmem_shared>>
        tpu.enqueue_indirect_dma source(%arg10 : memref<128x48xf32, #tpu.memory_space<vmem>>) target(%dma_start3A_30 : memref<10240x48xf32, #tpu.memory_space<vmem_shared>>) offsets(%dma_start3A_27 : memref<128xi32, #tpu.memory_space<vmem>>) semaphore(%run_scoped3A : memref<!tpu.dma_semaphore, #tpu.memory_space<semaphore_mem>>) {add = true}
        %dma_wait3A_31 = arith.constant 0 : i32
        %dma_wait3A_32 = tpu.memref_slice %arg9[%add3A_14, %dma_wait3A_31] : memref<80x128xi32, #tpu.memory_space<vmem>> -> memref<1x128xi32, #tpu.memory_space<vmem>>
        %dma_wait3A_33 = tpu.memref_squeeze %dma_wait3A_32 : memref<1x128xi32, #tpu.memory_space<vmem>> -> memref<128xi32, #tpu.memory_space<vmem>>
        %dma_wait3A_34 = arith.constant 0 : i32
        %dma_wait3A_35 = arith.constant 0 : i32
        %dma_wait3A_36 = tpu.memref_slice %arg7[%dma_wait3A_34, %dma_wait3A_35] : memref<10240x48xf32, #tpu.memory_space<vmem_shared>> -> memref<10240x48xf32, #tpu.memory_space<vmem_shared>>
        tpu.wait_indirect_dma semaphore(%run_scoped3A : memref<!tpu.dma_semaphore, #tpu.memory_space<semaphore_mem>>) src(%arg10 : memref<128x48xf32, #tpu.memory_space<vmem>>) dst(%dma_wait3A_36 : memref<10240x48xf32, #tpu.memory_space<vmem_shared>>)
        tpu.yield
      }) : () -> ()
    }
    %scan3A_8 = arith.constant 80 : i32
    %barrier3A_9 = arith.constant 0 : index
    tpu.barrier barrier_id(%barrier3A_9)
    "tpu.region"() ({
      %run_scoped3A = tpu.sem_alloc : memref<!tpu.dma_semaphore, #tpu.memory_space<semaphore_mem>>
      %dma_start3A = arith.constant 0 : i32
      %dma_start3A_10 = tpu.memref_slice %arg6[%arg0, %mul3A_0, %dma_start3A] : memref<2x10240x48xf32, #tpu.memory_space<hbm>> -> memref<1x640x48xf32, #tpu.memory_space<hbm>>
      %dma_start3A_11 = tpu.memref_squeeze %dma_start3A_10 : memref<1x640x48xf32, #tpu.memory_space<hbm>> -> memref<640x48xf32, #tpu.memory_space<hbm>>
      %dma_start3A_12 = arith.constant 0 : i32
      %dma_start3A_13 = tpu.memref_slice %arg7[%mul3A_0, %dma_start3A_12] : memref<10240x48xf32, #tpu.memory_space<vmem_shared>> -> memref<640x48xf32, #tpu.memory_space<vmem_shared>>
      tpu.enqueue_dma source(%dma_start3A_13 : memref<640x48xf32, #tpu.memory_space<vmem_shared>>) target(%dma_start3A_11 : memref<640x48xf32, #tpu.memory_space<hbm>>) target_semaphore(%run_scoped3A : memref<!tpu.dma_semaphore, #tpu.memory_space<semaphore_mem>>)
      %dma_wait3A = arith.constant 0 : i32
      %dma_wait3A_14 = tpu.memref_slice %arg6[%arg0, %mul3A_0, %dma_wait3A] : memref<2x10240x48xf32, #tpu.memory_space<hbm>> -> memref<1x640x48xf32, #tpu.memory_space<hbm>>
      %dma_wait3A_15 = tpu.memref_squeeze %dma_wait3A_14 : memref<1x640x48xf32, #tpu.memory_space<hbm>> -> memref<640x48xf32, #tpu.memory_space<hbm>>
      %dma_wait3A_16 = arith.constant 0 : i32
      %dma_wait3A_17 = tpu.memref_slice %arg7[%mul3A_0, %dma_wait3A_16] : memref<10240x48xf32, #tpu.memory_space<vmem_shared>> -> memref<640x48xf32, #tpu.memory_space<vmem_shared>>
      tpu.wait_dma2 semaphore(%run_scoped3A : memref<!tpu.dma_semaphore, #tpu.memory_space<semaphore_mem>>) src(%dma_wait3A_17 : memref<640x48xf32, #tpu.memory_space<vmem_shared>>) dst(%dma_wait3A_15 : memref<640x48xf32, #tpu.memory_space<hbm>>)
      tpu.yield
    }) : () -> ()
    return
  }
}

#map = affine_map<(d0, d1) -> (0, 0)>
#map1 = affine_map<(d0, d1) -> (0, 0, 0)>
module attributes {stable_mosaic.version = 14 : i64} {
  func.func @_hop_kernel(%arg0: i32, %arg1: i32, %arg2: memref<10240x48xf32, #tpu.memory_space<hbm>>, %arg3: memref<2560x128xi32, #tpu.memory_space<hbm>>, %arg4: memref<2560x128xi32, #tpu.memory_space<hbm>>, %arg5: memref<640x48xf32, #tpu.memory_space<hbm>>, %arg6: memref<2x10240x48xf32, #tpu.memory_space<hbm>>, %arg7: memref<10240x48xf32, #tpu.memory_space<vmem_shared>>, %arg8: memref<80x128xi32, #tpu.memory_space<vmem>>, %arg9: memref<80x128xi32, #tpu.memory_space<vmem>>, %arg10: memref<128x48xf32, #tpu.memory_space<vmem>>, %arg11: memref<!tpu.dma_semaphore, #tpu.memory_space<semaphore_mem>>) attributes {dimension_semantics = [#tpu.dimension_semantics<core_parallel>, #tpu.dimension_semantics<subcore_parallel>], iteration_bounds = array<i64: 2, 16>, scalar_prefetch = 0 : i64, scratch_operands = 5 : i64, tpu.core_type = #tpu.core_type<sc_vector_subcore>, window_params = [{transform_indices = #map}, {transform_indices = #map}, {transform_indices = #map}, {transform_indices = #map}, {transform_indices = #map1}]} {
    %mul3A = arith.constant 640 : i32
    %mul3A_0 = arith.muli %arg1, %mul3A : i32
    "tpu.region"() ({
      %run_scoped3A = tpu.sem_alloc : memref<!tpu.dma_semaphore, #tpu.memory_space<semaphore_mem>>
      %dma_start3A = arith.constant 0 : i32
      %dma_start3A_10 = tpu.memref_slice %arg7[%mul3A_0, %dma_start3A] : memref<10240x48xf32, #tpu.memory_space<vmem_shared>> -> memref<640x48xf32, #tpu.memory_space<vmem_shared>>
      tpu.enqueue_dma source(%arg5 : memref<640x48xf32, #tpu.memory_space<hbm>>) target(%dma_start3A_10 : memref<640x48xf32, #tpu.memory_space<vmem_shared>>) target_semaphore(%run_scoped3A : memref<!tpu.dma_semaphore, #tpu.memory_space<semaphore_mem>>)
      %dma_wait3A = arith.constant 0 : i32
      %dma_wait3A_11 = tpu.memref_slice %arg7[%mul3A_0, %dma_wait3A] : memref<10240x48xf32, #tpu.memory_space<vmem_shared>> -> memref<640x48xf32, #tpu.memory_space<vmem_shared>>
      tpu.wait_dma2 semaphore(%run_scoped3A : memref<!tpu.dma_semaphore, #tpu.memory_space<semaphore_mem>>) src(%arg5 : memref<640x48xf32, #tpu.memory_space<hbm>>) dst(%dma_wait3A_11 : memref<640x48xf32, #tpu.memory_space<vmem_shared>>)
      tpu.yield
    }) : () -> ()
    %mul3A_1 = arith.constant 16 : i32
    %mul3A_2 = arith.muli %arg0, %mul3A_1 : i32
    %add3A = arith.addi %mul3A_2, %arg1 : i32
    %mul3A_3 = arith.constant 80 : i32
    %mul3A_4 = arith.muli %add3A, %mul3A_3 : i32
    "tpu.region"() ({
      %run_scoped3A = tpu.sem_alloc : memref<!tpu.dma_semaphore, #tpu.memory_space<semaphore_mem>>
      %dma_start3A = arith.constant 0 : i32
      %dma_start3A_10 = tpu.memref_slice %arg3[%mul3A_4, %dma_start3A] : memref<2560x128xi32, #tpu.memory_space<hbm>> -> memref<80x128xi32, #tpu.memory_space<hbm>>
      %dma_start3A_11 = arith.constant 0 : i32
      %dma_start3A_12 = tpu.memref_slice %arg3[%mul3A_4, %dma_start3A_11] : memref<2560x128xi32, #tpu.memory_space<hbm>> -> memref<80x128xi32, #tpu.memory_space<hbm>>
      tpu.enqueue_dma source(%dma_start3A_12 : memref<80x128xi32, #tpu.memory_space<hbm>>) target(%arg8 : memref<80x128xi32, #tpu.memory_space<vmem>>) target_semaphore(%run_scoped3A : memref<!tpu.dma_semaphore, #tpu.memory_space<semaphore_mem>>)
      %dma_wait3A = arith.constant 0 : i32
      %dma_wait3A_13 = tpu.memref_slice %arg3[%mul3A_4, %dma_wait3A] : memref<2560x128xi32, #tpu.memory_space<hbm>> -> memref<80x128xi32, #tpu.memory_space<hbm>>
      %dma_wait3A_14 = arith.constant 0 : i32
      %dma_wait3A_15 = tpu.memref_slice %arg3[%mul3A_4, %dma_wait3A_14] : memref<2560x128xi32, #tpu.memory_space<hbm>> -> memref<80x128xi32, #tpu.memory_space<hbm>>
      tpu.wait_dma2 semaphore(%run_scoped3A : memref<!tpu.dma_semaphore, #tpu.memory_space<semaphore_mem>>) src(%dma_wait3A_15 : memref<80x128xi32, #tpu.memory_space<hbm>>) dst(%arg8 : memref<80x128xi32, #tpu.memory_space<vmem>>)
      tpu.yield
    }) : () -> ()
    "tpu.region"() ({
      %run_scoped3A = tpu.sem_alloc : memref<!tpu.dma_semaphore, #tpu.memory_space<semaphore_mem>>
      %dma_start3A = arith.constant 0 : i32
      %dma_start3A_10 = tpu.memref_slice %arg4[%mul3A_4, %dma_start3A] : memref<2560x128xi32, #tpu.memory_space<hbm>> -> memref<80x128xi32, #tpu.memory_space<hbm>>
      %dma_start3A_11 = arith.constant 0 : i32
      %dma_start3A_12 = tpu.memref_slice %arg4[%mul3A_4, %dma_start3A_11] : memref<2560x128xi32, #tpu.memory_space<hbm>> -> memref<80x128xi32, #tpu.memory_space<hbm>>
      tpu.enqueue_dma source(%dma_start3A_12 : memref<80x128xi32, #tpu.memory_space<hbm>>) target(%arg9 : memref<80x128xi32, #tpu.memory_space<vmem>>) target_semaphore(%run_scoped3A : memref<!tpu.dma_semaphore, #tpu.memory_space<semaphore_mem>>)
      %dma_wait3A = arith.constant 0 : i32
      %dma_wait3A_13 = tpu.memref_slice %arg4[%mul3A_4, %dma_wait3A] : memref<2560x128xi32, #tpu.memory_space<hbm>> -> memref<80x128xi32, #tpu.memory_space<hbm>>
      %dma_wait3A_14 = arith.constant 0 : i32
      %dma_wait3A_15 = tpu.memref_slice %arg4[%mul3A_4, %dma_wait3A_14] : memref<2560x128xi32, #tpu.memory_space<hbm>> -> memref<80x128xi32, #tpu.memory_space<hbm>>
      tpu.wait_dma2 semaphore(%run_scoped3A : memref<!tpu.dma_semaphore, #tpu.memory_space<semaphore_mem>>) src(%dma_wait3A_15 : memref<80x128xi32, #tpu.memory_space<hbm>>) dst(%arg9 : memref<80x128xi32, #tpu.memory_space<vmem>>)
      tpu.yield
    }) : () -> ()
    %barrier3A = arith.constant 0 : index
    tpu.barrier barrier_id(%barrier3A)
    %scan3A = arith.constant 0 : i32
    %scan3A_5 = arith.constant 80 : i32
    %scan3A_6 = arith.addi %scan3A, %scan3A_5 : i32
    %scan3A_7 = arith.constant 1 : i32
    scf.for %scan3A_10 = %scan3A to %scan3A_6 step %scan3A_7  : i32 {
      %mul3A_11 = arith.constant 1 : i32
      %mul3A_12 = arith.muli %scan3A_10, %mul3A_11 : i32
      %add3A_13 = arith.constant 0 : i32
      %add3A_14 = arith.addi %add3A_13, %mul3A_12 : i32
      %dma_start3A = arith.constant 0 : i32
      %dma_start3A_15 = tpu.memref_slice %arg8[%add3A_14, %dma_start3A] : memref<80x128xi32, #tpu.memory_space<vmem>> -> memref<1x128xi32, #tpu.memory_space<vmem>>
      %dma_start3A_16 = tpu.memref_squeeze %dma_start3A_15 : memref<1x128xi32, #tpu.memory_space<vmem>> -> memref<128xi32, #tpu.memory_space<vmem>>
      %dma_start3A_17 = arith.constant 0 : i32
      %dma_start3A_18 = arith.constant 0 : i32
      %dma_start3A_19 = tpu.memref_slice %arg2[%dma_start3A_17, %dma_start3A_18] : memref<10240x48xf32, #tpu.memory_space<hbm>> -> memref<10240x48xf32, #tpu.memory_space<hbm>>
      tpu.enqueue_indirect_dma source(%dma_start3A_19 : memref<10240x48xf32, #tpu.memory_space<hbm>>) target(%arg10 : memref<128x48xf32, #tpu.memory_space<vmem>>) offsets(%dma_start3A_16 : memref<128xi32, #tpu.memory_space<vmem>>) semaphore(%arg11 : memref<!tpu.dma_semaphore, #tpu.memory_space<semaphore_mem>>)
      %dma_wait3A = arith.constant 0 : i32
      %dma_wait3A_20 = tpu.memref_slice %arg8[%add3A_14, %dma_wait3A] : memref<80x128xi32, #tpu.memory_space<vmem>> -> memref<1x128xi32, #tpu.memory_space<vmem>>
      %dma_wait3A_21 = tpu.memref_squeeze %dma_wait3A_20 : memref<1x128xi32, #tpu.memory_space<vmem>> -> memref<128xi32, #tpu.memory_space<vmem>>
      %dma_wait3A_22 = arith.constant 0 : i32
      %dma_wait3A_23 = arith.constant 0 : i32
      %dma_wait3A_24 = tpu.memref_slice %arg2[%dma_wait3A_22, %dma_wait3A_23] : memref<10240x48xf32, #tpu.memory_space<hbm>> -> memref<10240x48xf32, #tpu.memory_space<hbm>>
      tpu.wait_indirect_dma semaphore(%arg11 : memref<!tpu.dma_semaphore, #tpu.memory_space<semaphore_mem>>) src(%dma_wait3A_24 : memref<10240x48xf32, #tpu.memory_space<hbm>>) dst(%arg10 : memref<128x48xf32, #tpu.memory_space<vmem>>)
      "tpu.region"() ({
        %run_scoped3A = tpu.sem_alloc : memref<!tpu.dma_semaphore, #tpu.memory_space<semaphore_mem>>
        %dma_start3A_25 = arith.constant 0 : i32
        %dma_start3A_26 = tpu.memref_slice %arg9[%add3A_14, %dma_start3A_25] : memref<80x128xi32, #tpu.memory_space<vmem>> -> memref<1x128xi32, #tpu.memory_space<vmem>>
        %dma_start3A_27 = tpu.memref_squeeze %dma_start3A_26 : memref<1x128xi32, #tpu.memory_space<vmem>> -> memref<128xi32, #tpu.memory_space<vmem>>
        %dma_start3A_28 = arith.constant 0 : i32
        %dma_start3A_29 = arith.constant 0 : i32
        %dma_start3A_30 = tpu.memref_slice %arg7[%dma_start3A_28, %dma_start3A_29] : memref<10240x48xf32, #tpu.memory_space<vmem_shared>> -> memref<10240x48xf32, #tpu.memory_space<vmem_shared>>
        tpu.enqueue_indirect_dma source(%arg10 : memref<128x48xf32, #tpu.memory_space<vmem>>) target(%dma_start3A_30 : memref<10240x48xf32, #tpu.memory_space<vmem_shared>>) offsets(%dma_start3A_27 : memref<128xi32, #tpu.memory_space<vmem>>) semaphore(%run_scoped3A : memref<!tpu.dma_semaphore, #tpu.memory_space<semaphore_mem>>) {add = true}
        %dma_wait3A_31 = arith.constant 0 : i32
        %dma_wait3A_32 = tpu.memref_slice %arg9[%add3A_14, %dma_wait3A_31] : memref<80x128xi32, #tpu.memory_space<vmem>> -> memref<1x128xi32, #tpu.memory_space<vmem>>
        %dma_wait3A_33 = tpu.memref_squeeze %dma_wait3A_32 : memref<1x128xi32, #tpu.memory_space<vmem>> -> memref<128xi32, #tpu.memory_space<vmem>>
        %dma_wait3A_34 = arith.constant 0 : i32
        %dma_wait3A_35 = arith.constant 0 : i32
        %dma_wait3A_36 = tpu.memref_slice %arg7[%dma_wait3A_34, %dma_wait3A_35] : memref<10240x48xf32, #tpu.memory_space<vmem_shared>> -> memref<10240x48xf32, #tpu.memory_space<vmem_shared>>
        tpu.wait_indirect_dma semaphore(%run_scoped3A : memref<!tpu.dma_semaphore, #tpu.memory_space<semaphore_mem>>) src(%arg10 : memref<128x48xf32, #tpu.memory_space<vmem>>) dst(%dma_wait3A_36 : memref<10240x48xf32, #tpu.memory_space<vmem_shared>>)
        tpu.yield
      }) : () -> ()
    }
    %scan3A_8 = arith.constant 80 : i32
    %barrier3A_9 = arith.constant 0 : index
    tpu.barrier barrier_id(%barrier3A_9)
    "tpu.region"() ({
      %run_scoped3A = tpu.sem_alloc : memref<!tpu.dma_semaphore, #tpu.memory_space<semaphore_mem>>
      %dma_start3A = arith.constant 0 : i32
      %dma_start3A_10 = tpu.memref_slice %arg6[%arg0, %mul3A_0, %dma_start3A] : memref<2x10240x48xf32, #tpu.memory_space<hbm>> -> memref<1x640x48xf32, #tpu.memory_space<hbm>>
      %dma_start3A_11 = tpu.memref_squeeze %dma_start3A_10 : memref<1x640x48xf32, #tpu.memory_space<hbm>> -> memref<640x48xf32, #tpu.memory_space<hbm>>
      %dma_start3A_12 = arith.constant 0 : i32
      %dma_start3A_13 = tpu.memref_slice %arg7[%mul3A_0, %dma_start3A_12] : memref<10240x48xf32, #tpu.memory_space<vmem_shared>> -> memref<640x48xf32, #tpu.memory_space<vmem_shared>>
      tpu.enqueue_dma source(%dma_start3A_13 : memref<640x48xf32, #tpu.memory_space<vmem_shared>>) target(%dma_start3A_11 : memref<640x48xf32, #tpu.memory_space<hbm>>) target_semaphore(%run_scoped3A : memref<!tpu.dma_semaphore, #tpu.memory_space<semaphore_mem>>)
      %dma_wait3A = arith.constant 0 : i32
      %dma_wait3A_14 = tpu.memref_slice %arg6[%arg0, %mul3A_0, %dma_wait3A] : memref<2x10240x48xf32, #tpu.memory_space<hbm>> -> memref<1x640x48xf32, #tpu.memory_space<hbm>>
      %dma_wait3A_15 = tpu.memref_squeeze %dma_wait3A_14 : memref<1x640x48xf32, #tpu.memory_space<hbm>> -> memref<640x48xf32, #tpu.memory_space<hbm>>
      %dma_wait3A_16 = arith.constant 0 : i32
      %dma_wait3A_17 = tpu.memref_slice %arg7[%mul3A_0, %dma_wait3A_16] : memref<10240x48xf32, #tpu.memory_space<vmem_shared>> -> memref<640x48xf32, #tpu.memory_space<vmem_shared>>
      tpu.wait_dma2 semaphore(%run_scoped3A : memref<!tpu.dma_semaphore, #tpu.memory_space<semaphore_mem>>) src(%dma_wait3A_17 : memref<640x48xf32, #tpu.memory_space<vmem_shared>>) dst(%dma_wait3A_15 : memref<640x48xf32, #tpu.memory_space<hbm>>)
      tpu.yield
    }) : () -> ()
    return
  }
}

#map = affine_map<(d0, d1) -> (0, 0)>
#map1 = affine_map<(d0, d1) -> (0, 0, 0)>
module attributes {stable_mosaic.version = 14 : i64} {
  func.func @_hop_kernel(%arg0: i32, %arg1: i32, %arg2: memref<10240x48xf32, #tpu.memory_space<hbm>>, %arg3: memref<2560x128xi32, #tpu.memory_space<hbm>>, %arg4: memref<2560x128xi32, #tpu.memory_space<hbm>>, %arg5: memref<640x48xf32, #tpu.memory_space<hbm>>, %arg6: memref<2x10240x48xf32, #tpu.memory_space<hbm>>, %arg7: memref<10240x48xf32, #tpu.memory_space<vmem_shared>>, %arg8: memref<80x128xi32, #tpu.memory_space<vmem>>, %arg9: memref<80x128xi32, #tpu.memory_space<vmem>>, %arg10: memref<128x48xf32, #tpu.memory_space<vmem>>, %arg11: memref<!tpu.dma_semaphore, #tpu.memory_space<semaphore_mem>>) attributes {dimension_semantics = [#tpu.dimension_semantics<core_parallel>, #tpu.dimension_semantics<subcore_parallel>], iteration_bounds = array<i64: 2, 16>, scalar_prefetch = 0 : i64, scratch_operands = 5 : i64, tpu.core_type = #tpu.core_type<sc_vector_subcore>, window_params = [{transform_indices = #map}, {transform_indices = #map}, {transform_indices = #map}, {transform_indices = #map}, {transform_indices = #map1}]} {
    %mul3A = arith.constant 640 : i32
    %mul3A_0 = arith.muli %arg1, %mul3A : i32
    "tpu.region"() ({
      %run_scoped3A = tpu.sem_alloc : memref<!tpu.dma_semaphore, #tpu.memory_space<semaphore_mem>>
      %dma_start3A = arith.constant 0 : i32
      %dma_start3A_10 = tpu.memref_slice %arg7[%mul3A_0, %dma_start3A] : memref<10240x48xf32, #tpu.memory_space<vmem_shared>> -> memref<640x48xf32, #tpu.memory_space<vmem_shared>>
      tpu.enqueue_dma source(%arg5 : memref<640x48xf32, #tpu.memory_space<hbm>>) target(%dma_start3A_10 : memref<640x48xf32, #tpu.memory_space<vmem_shared>>) target_semaphore(%run_scoped3A : memref<!tpu.dma_semaphore, #tpu.memory_space<semaphore_mem>>)
      %dma_wait3A = arith.constant 0 : i32
      %dma_wait3A_11 = tpu.memref_slice %arg7[%mul3A_0, %dma_wait3A] : memref<10240x48xf32, #tpu.memory_space<vmem_shared>> -> memref<640x48xf32, #tpu.memory_space<vmem_shared>>
      tpu.wait_dma2 semaphore(%run_scoped3A : memref<!tpu.dma_semaphore, #tpu.memory_space<semaphore_mem>>) src(%arg5 : memref<640x48xf32, #tpu.memory_space<hbm>>) dst(%dma_wait3A_11 : memref<640x48xf32, #tpu.memory_space<vmem_shared>>)
      tpu.yield
    }) : () -> ()
    %mul3A_1 = arith.constant 16 : i32
    %mul3A_2 = arith.muli %arg0, %mul3A_1 : i32
    %add3A = arith.addi %mul3A_2, %arg1 : i32
    %mul3A_3 = arith.constant 80 : i32
    %mul3A_4 = arith.muli %add3A, %mul3A_3 : i32
    "tpu.region"() ({
      %run_scoped3A = tpu.sem_alloc : memref<!tpu.dma_semaphore, #tpu.memory_space<semaphore_mem>>
      %dma_start3A = arith.constant 0 : i32
      %dma_start3A_10 = tpu.memref_slice %arg3[%mul3A_4, %dma_start3A] : memref<2560x128xi32, #tpu.memory_space<hbm>> -> memref<80x128xi32, #tpu.memory_space<hbm>>
      %dma_start3A_11 = arith.constant 0 : i32
      %dma_start3A_12 = tpu.memref_slice %arg3[%mul3A_4, %dma_start3A_11] : memref<2560x128xi32, #tpu.memory_space<hbm>> -> memref<80x128xi32, #tpu.memory_space<hbm>>
      tpu.enqueue_dma source(%dma_start3A_12 : memref<80x128xi32, #tpu.memory_space<hbm>>) target(%arg8 : memref<80x128xi32, #tpu.memory_space<vmem>>) target_semaphore(%run_scoped3A : memref<!tpu.dma_semaphore, #tpu.memory_space<semaphore_mem>>)
      %dma_wait3A = arith.constant 0 : i32
      %dma_wait3A_13 = tpu.memref_slice %arg3[%mul3A_4, %dma_wait3A] : memref<2560x128xi32, #tpu.memory_space<hbm>> -> memref<80x128xi32, #tpu.memory_space<hbm>>
      %dma_wait3A_14 = arith.constant 0 : i32
      %dma_wait3A_15 = tpu.memref_slice %arg3[%mul3A_4, %dma_wait3A_14] : memref<2560x128xi32, #tpu.memory_space<hbm>> -> memref<80x128xi32, #tpu.memory_space<hbm>>
      tpu.wait_dma2 semaphore(%run_scoped3A : memref<!tpu.dma_semaphore, #tpu.memory_space<semaphore_mem>>) src(%dma_wait3A_15 : memref<80x128xi32, #tpu.memory_space<hbm>>) dst(%arg8 : memref<80x128xi32, #tpu.memory_space<vmem>>)
      tpu.yield
    }) : () -> ()
    "tpu.region"() ({
      %run_scoped3A = tpu.sem_alloc : memref<!tpu.dma_semaphore, #tpu.memory_space<semaphore_mem>>
      %dma_start3A = arith.constant 0 : i32
      %dma_start3A_10 = tpu.memref_slice %arg4[%mul3A_4, %dma_start3A] : memref<2560x128xi32, #tpu.memory_space<hbm>> -> memref<80x128xi32, #tpu.memory_space<hbm>>
      %dma_start3A_11 = arith.constant 0 : i32
      %dma_start3A_12 = tpu.memref_slice %arg4[%mul3A_4, %dma_start3A_11] : memref<2560x128xi32, #tpu.memory_space<hbm>> -> memref<80x128xi32, #tpu.memory_space<hbm>>
      tpu.enqueue_dma source(%dma_start3A_12 : memref<80x128xi32, #tpu.memory_space<hbm>>) target(%arg9 : memref<80x128xi32, #tpu.memory_space<vmem>>) target_semaphore(%run_scoped3A : memref<!tpu.dma_semaphore, #tpu.memory_space<semaphore_mem>>)
      %dma_wait3A = arith.constant 0 : i32
      %dma_wait3A_13 = tpu.memref_slice %arg4[%mul3A_4, %dma_wait3A] : memref<2560x128xi32, #tpu.memory_space<hbm>> -> memref<80x128xi32, #tpu.memory_space<hbm>>
      %dma_wait3A_14 = arith.constant 0 : i32
      %dma_wait3A_15 = tpu.memref_slice %arg4[%mul3A_4, %dma_wait3A_14] : memref<2560x128xi32, #tpu.memory_space<hbm>> -> memref<80x128xi32, #tpu.memory_space<hbm>>
      tpu.wait_dma2 semaphore(%run_scoped3A : memref<!tpu.dma_semaphore, #tpu.memory_space<semaphore_mem>>) src(%dma_wait3A_15 : memref<80x128xi32, #tpu.memory_space<hbm>>) dst(%arg9 : memref<80x128xi32, #tpu.memory_space<vmem>>)
      tpu.yield
    }) : () -> ()
    %barrier3A = arith.constant 0 : index
    tpu.barrier barrier_id(%barrier3A)
    %scan3A = arith.constant 0 : i32
    %scan3A_5 = arith.constant 80 : i32
    %scan3A_6 = arith.addi %scan3A, %scan3A_5 : i32
    %scan3A_7 = arith.constant 1 : i32
    scf.for %scan3A_10 = %scan3A to %scan3A_6 step %scan3A_7  : i32 {
      %mul3A_11 = arith.constant 1 : i32
      %mul3A_12 = arith.muli %scan3A_10, %mul3A_11 : i32
      %add3A_13 = arith.constant 0 : i32
      %add3A_14 = arith.addi %add3A_13, %mul3A_12 : i32
      %dma_start3A = arith.constant 0 : i32
      %dma_start3A_15 = tpu.memref_slice %arg8[%add3A_14, %dma_start3A] : memref<80x128xi32, #tpu.memory_space<vmem>> -> memref<1x128xi32, #tpu.memory_space<vmem>>
      %dma_start3A_16 = tpu.memref_squeeze %dma_start3A_15 : memref<1x128xi32, #tpu.memory_space<vmem>> -> memref<128xi32, #tpu.memory_space<vmem>>
      %dma_start3A_17 = arith.constant 0 : i32
      %dma_start3A_18 = arith.constant 0 : i32
      %dma_start3A_19 = tpu.memref_slice %arg2[%dma_start3A_17, %dma_start3A_18] : memref<10240x48xf32, #tpu.memory_space<hbm>> -> memref<10240x48xf32, #tpu.memory_space<hbm>>
      tpu.enqueue_indirect_dma source(%dma_start3A_19 : memref<10240x48xf32, #tpu.memory_space<hbm>>) target(%arg10 : memref<128x48xf32, #tpu.memory_space<vmem>>) offsets(%dma_start3A_16 : memref<128xi32, #tpu.memory_space<vmem>>) semaphore(%arg11 : memref<!tpu.dma_semaphore, #tpu.memory_space<semaphore_mem>>)
      %dma_wait3A = arith.constant 0 : i32
      %dma_wait3A_20 = tpu.memref_slice %arg8[%add3A_14, %dma_wait3A] : memref<80x128xi32, #tpu.memory_space<vmem>> -> memref<1x128xi32, #tpu.memory_space<vmem>>
      %dma_wait3A_21 = tpu.memref_squeeze %dma_wait3A_20 : memref<1x128xi32, #tpu.memory_space<vmem>> -> memref<128xi32, #tpu.memory_space<vmem>>
      %dma_wait3A_22 = arith.constant 0 : i32
      %dma_wait3A_23 = arith.constant 0 : i32
      %dma_wait3A_24 = tpu.memref_slice %arg2[%dma_wait3A_22, %dma_wait3A_23] : memref<10240x48xf32, #tpu.memory_space<hbm>> -> memref<10240x48xf32, #tpu.memory_space<hbm>>
      tpu.wait_indirect_dma semaphore(%arg11 : memref<!tpu.dma_semaphore, #tpu.memory_space<semaphore_mem>>) src(%dma_wait3A_24 : memref<10240x48xf32, #tpu.memory_space<hbm>>) dst(%arg10 : memref<128x48xf32, #tpu.memory_space<vmem>>)
      "tpu.region"() ({
        %run_scoped3A = tpu.sem_alloc : memref<!tpu.dma_semaphore, #tpu.memory_space<semaphore_mem>>
        %dma_start3A_25 = arith.constant 0 : i32
        %dma_start3A_26 = tpu.memref_slice %arg9[%add3A_14, %dma_start3A_25] : memref<80x128xi32, #tpu.memory_space<vmem>> -> memref<1x128xi32, #tpu.memory_space<vmem>>
        %dma_start3A_27 = tpu.memref_squeeze %dma_start3A_26 : memref<1x128xi32, #tpu.memory_space<vmem>> -> memref<128xi32, #tpu.memory_space<vmem>>
        %dma_start3A_28 = arith.constant 0 : i32
        %dma_start3A_29 = arith.constant 0 : i32
        %dma_start3A_30 = tpu.memref_slice %arg7[%dma_start3A_28, %dma_start3A_29] : memref<10240x48xf32, #tpu.memory_space<vmem_shared>> -> memref<10240x48xf32, #tpu.memory_space<vmem_shared>>
        tpu.enqueue_indirect_dma source(%arg10 : memref<128x48xf32, #tpu.memory_space<vmem>>) target(%dma_start3A_30 : memref<10240x48xf32, #tpu.memory_space<vmem_shared>>) offsets(%dma_start3A_27 : memref<128xi32, #tpu.memory_space<vmem>>) semaphore(%run_scoped3A : memref<!tpu.dma_semaphore, #tpu.memory_space<semaphore_mem>>) {add = true}
        %dma_wait3A_31 = arith.constant 0 : i32
        %dma_wait3A_32 = tpu.memref_slice %arg9[%add3A_14, %dma_wait3A_31] : memref<80x128xi32, #tpu.memory_space<vmem>> -> memref<1x128xi32, #tpu.memory_space<vmem>>
        %dma_wait3A_33 = tpu.memref_squeeze %dma_wait3A_32 : memref<1x128xi32, #tpu.memory_space<vmem>> -> memref<128xi32, #tpu.memory_space<vmem>>
        %dma_wait3A_34 = arith.constant 0 : i32
        %dma_wait3A_35 = arith.constant 0 : i32
        %dma_wait3A_36 = tpu.memref_slice %arg7[%dma_wait3A_34, %dma_wait3A_35] : memref<10240x48xf32, #tpu.memory_space<vmem_shared>> -> memref<10240x48xf32, #tpu.memory_space<vmem_shared>>
        tpu.wait_indirect_dma semaphore(%run_scoped3A : memref<!tpu.dma_semaphore, #tpu.memory_space<semaphore_mem>>) src(%arg10 : memref<128x48xf32, #tpu.memory_space<vmem>>) dst(%dma_wait3A_36 : memref<10240x48xf32, #tpu.memory_space<vmem_shared>>)
        tpu.yield
      }) : () -> ()
    }
    %scan3A_8 = arith.constant 80 : i32
    %barrier3A_9 = arith.constant 0 : index
    tpu.barrier barrier_id(%barrier3A_9)
    "tpu.region"() ({
      %run_scoped3A = tpu.sem_alloc : memref<!tpu.dma_semaphore, #tpu.memory_space<semaphore_mem>>
      %dma_start3A = arith.constant 0 : i32
      %dma_start3A_10 = tpu.memref_slice %arg6[%arg0, %mul3A_0, %dma_start3A] : memref<2x10240x48xf32, #tpu.memory_space<hbm>> -> memref<1x640x48xf32, #tpu.memory_space<hbm>>
      %dma_start3A_11 = tpu.memref_squeeze %dma_start3A_10 : memref<1x640x48xf32, #tpu.memory_space<hbm>> -> memref<640x48xf32, #tpu.memory_space<hbm>>
      %dma_start3A_12 = arith.constant 0 : i32
      %dma_start3A_13 = tpu.memref_slice %arg7[%mul3A_0, %dma_start3A_12] : memref<10240x48xf32, #tpu.memory_space<vmem_shared>> -> memref<640x48xf32, #tpu.memory_space<vmem_shared>>
      tpu.enqueue_dma source(%dma_start3A_13 : memref<640x48xf32, #tpu.memory_space<vmem_shared>>) target(%dma_start3A_11 : memref<640x48xf32, #tpu.memory_space<hbm>>) target_semaphore(%run_scoped3A : memref<!tpu.dma_semaphore, #tpu.memory_space<semaphore_mem>>)
      %dma_wait3A = arith.constant 0 : i32
      %dma_wait3A_14 = tpu.memref_slice %arg6[%arg0, %mul3A_0, %dma_wait3A] : memref<2x10240x48xf32, #tpu.memory_space<hbm>> -> memref<1x640x48xf32, #tpu.memory_space<hbm>>
      %dma_wait3A_15 = tpu.memref_squeeze %dma_wait3A_14 : memref<1x640x48xf32, #tpu.memory_space<hbm>> -> memref<640x48xf32, #tpu.memory_space<hbm>>
      %dma_wait3A_16 = arith.constant 0 : i32
      %dma_wait3A_17 = tpu.memref_slice %arg7[%mul3A_0, %dma_wait3A_16] : memref<10240x48xf32, #tpu.memory_space<vmem_shared>> -> memref<640x48xf32, #tpu.memory_space<vmem_shared>>
      tpu.wait_dma2 semaphore(%run_scoped3A : memref<!tpu.dma_semaphore, #tpu.memory_space<semaphore_mem>>) src(%dma_wait3A_17 : memref<640x48xf32, #tpu.memory_space<vmem_shared>>) dst(%dma_wait3A_15 : memref<640x48xf32, #tpu.memory_space<hbm>>)
      tpu.yield
    }) : () -> ()
    return
  }
}

#map = affine_map<(d0, d1) -> (0, 0)>
#map1 = affine_map<(d0, d1) -> (0, 0, 0)>
module attributes {stable_mosaic.version = 14 : i64} {
  func.func @_hop_kernel(%arg0: i32, %arg1: i32, %arg2: memref<10240x48xf32, #tpu.memory_space<hbm>>, %arg3: memref<2560x128xi32, #tpu.memory_space<hbm>>, %arg4: memref<2560x128xi32, #tpu.memory_space<hbm>>, %arg5: memref<640x48xf32, #tpu.memory_space<hbm>>, %arg6: memref<2x10240x48xf32, #tpu.memory_space<hbm>>, %arg7: memref<10240x48xf32, #tpu.memory_space<vmem_shared>>, %arg8: memref<80x128xi32, #tpu.memory_space<vmem>>, %arg9: memref<80x128xi32, #tpu.memory_space<vmem>>, %arg10: memref<128x48xf32, #tpu.memory_space<vmem>>, %arg11: memref<!tpu.dma_semaphore, #tpu.memory_space<semaphore_mem>>) attributes {dimension_semantics = [#tpu.dimension_semantics<core_parallel>, #tpu.dimension_semantics<subcore_parallel>], iteration_bounds = array<i64: 2, 16>, scalar_prefetch = 0 : i64, scratch_operands = 5 : i64, tpu.core_type = #tpu.core_type<sc_vector_subcore>, window_params = [{transform_indices = #map}, {transform_indices = #map}, {transform_indices = #map}, {transform_indices = #map}, {transform_indices = #map1}]} {
    %mul3A = arith.constant 640 : i32
    %mul3A_0 = arith.muli %arg1, %mul3A : i32
    "tpu.region"() ({
      %run_scoped3A = tpu.sem_alloc : memref<!tpu.dma_semaphore, #tpu.memory_space<semaphore_mem>>
      %dma_start3A = arith.constant 0 : i32
      %dma_start3A_10 = tpu.memref_slice %arg7[%mul3A_0, %dma_start3A] : memref<10240x48xf32, #tpu.memory_space<vmem_shared>> -> memref<640x48xf32, #tpu.memory_space<vmem_shared>>
      tpu.enqueue_dma source(%arg5 : memref<640x48xf32, #tpu.memory_space<hbm>>) target(%dma_start3A_10 : memref<640x48xf32, #tpu.memory_space<vmem_shared>>) target_semaphore(%run_scoped3A : memref<!tpu.dma_semaphore, #tpu.memory_space<semaphore_mem>>)
      %dma_wait3A = arith.constant 0 : i32
      %dma_wait3A_11 = tpu.memref_slice %arg7[%mul3A_0, %dma_wait3A] : memref<10240x48xf32, #tpu.memory_space<vmem_shared>> -> memref<640x48xf32, #tpu.memory_space<vmem_shared>>
      tpu.wait_dma2 semaphore(%run_scoped3A : memref<!tpu.dma_semaphore, #tpu.memory_space<semaphore_mem>>) src(%arg5 : memref<640x48xf32, #tpu.memory_space<hbm>>) dst(%dma_wait3A_11 : memref<640x48xf32, #tpu.memory_space<vmem_shared>>)
      tpu.yield
    }) : () -> ()
    %mul3A_1 = arith.constant 16 : i32
    %mul3A_2 = arith.muli %arg0, %mul3A_1 : i32
    %add3A = arith.addi %mul3A_2, %arg1 : i32
    %mul3A_3 = arith.constant 80 : i32
    %mul3A_4 = arith.muli %add3A, %mul3A_3 : i32
    "tpu.region"() ({
      %run_scoped3A = tpu.sem_alloc : memref<!tpu.dma_semaphore, #tpu.memory_space<semaphore_mem>>
      %dma_start3A = arith.constant 0 : i32
      %dma_start3A_10 = tpu.memref_slice %arg3[%mul3A_4, %dma_start3A] : memref<2560x128xi32, #tpu.memory_space<hbm>> -> memref<80x128xi32, #tpu.memory_space<hbm>>
      %dma_start3A_11 = arith.constant 0 : i32
      %dma_start3A_12 = tpu.memref_slice %arg3[%mul3A_4, %dma_start3A_11] : memref<2560x128xi32, #tpu.memory_space<hbm>> -> memref<80x128xi32, #tpu.memory_space<hbm>>
      tpu.enqueue_dma source(%dma_start3A_12 : memref<80x128xi32, #tpu.memory_space<hbm>>) target(%arg8 : memref<80x128xi32, #tpu.memory_space<vmem>>) target_semaphore(%run_scoped3A : memref<!tpu.dma_semaphore, #tpu.memory_space<semaphore_mem>>)
      %dma_wait3A = arith.constant 0 : i32
      %dma_wait3A_13 = tpu.memref_slice %arg3[%mul3A_4, %dma_wait3A] : memref<2560x128xi32, #tpu.memory_space<hbm>> -> memref<80x128xi32, #tpu.memory_space<hbm>>
      %dma_wait3A_14 = arith.constant 0 : i32
      %dma_wait3A_15 = tpu.memref_slice %arg3[%mul3A_4, %dma_wait3A_14] : memref<2560x128xi32, #tpu.memory_space<hbm>> -> memref<80x128xi32, #tpu.memory_space<hbm>>
      tpu.wait_dma2 semaphore(%run_scoped3A : memref<!tpu.dma_semaphore, #tpu.memory_space<semaphore_mem>>) src(%dma_wait3A_15 : memref<80x128xi32, #tpu.memory_space<hbm>>) dst(%arg8 : memref<80x128xi32, #tpu.memory_space<vmem>>)
      tpu.yield
    }) : () -> ()
    "tpu.region"() ({
      %run_scoped3A = tpu.sem_alloc : memref<!tpu.dma_semaphore, #tpu.memory_space<semaphore_mem>>
      %dma_start3A = arith.constant 0 : i32
      %dma_start3A_10 = tpu.memref_slice %arg4[%mul3A_4, %dma_start3A] : memref<2560x128xi32, #tpu.memory_space<hbm>> -> memref<80x128xi32, #tpu.memory_space<hbm>>
      %dma_start3A_11 = arith.constant 0 : i32
      %dma_start3A_12 = tpu.memref_slice %arg4[%mul3A_4, %dma_start3A_11] : memref<2560x128xi32, #tpu.memory_space<hbm>> -> memref<80x128xi32, #tpu.memory_space<hbm>>
      tpu.enqueue_dma source(%dma_start3A_12 : memref<80x128xi32, #tpu.memory_space<hbm>>) target(%arg9 : memref<80x128xi32, #tpu.memory_space<vmem>>) target_semaphore(%run_scoped3A : memref<!tpu.dma_semaphore, #tpu.memory_space<semaphore_mem>>)
      %dma_wait3A = arith.constant 0 : i32
      %dma_wait3A_13 = tpu.memref_slice %arg4[%mul3A_4, %dma_wait3A] : memref<2560x128xi32, #tpu.memory_space<hbm>> -> memref<80x128xi32, #tpu.memory_space<hbm>>
      %dma_wait3A_14 = arith.constant 0 : i32
      %dma_wait3A_15 = tpu.memref_slice %arg4[%mul3A_4, %dma_wait3A_14] : memref<2560x128xi32, #tpu.memory_space<hbm>> -> memref<80x128xi32, #tpu.memory_space<hbm>>
      tpu.wait_dma2 semaphore(%run_scoped3A : memref<!tpu.dma_semaphore, #tpu.memory_space<semaphore_mem>>) src(%dma_wait3A_15 : memref<80x128xi32, #tpu.memory_space<hbm>>) dst(%arg9 : memref<80x128xi32, #tpu.memory_space<vmem>>)
      tpu.yield
    }) : () -> ()
    %barrier3A = arith.constant 0 : index
    tpu.barrier barrier_id(%barrier3A)
    %scan3A = arith.constant 0 : i32
    %scan3A_5 = arith.constant 80 : i32
    %scan3A_6 = arith.addi %scan3A, %scan3A_5 : i32
    %scan3A_7 = arith.constant 1 : i32
    scf.for %scan3A_10 = %scan3A to %scan3A_6 step %scan3A_7  : i32 {
      %mul3A_11 = arith.constant 1 : i32
      %mul3A_12 = arith.muli %scan3A_10, %mul3A_11 : i32
      %add3A_13 = arith.constant 0 : i32
      %add3A_14 = arith.addi %add3A_13, %mul3A_12 : i32
      %dma_start3A = arith.constant 0 : i32
      %dma_start3A_15 = tpu.memref_slice %arg8[%add3A_14, %dma_start3A] : memref<80x128xi32, #tpu.memory_space<vmem>> -> memref<1x128xi32, #tpu.memory_space<vmem>>
      %dma_start3A_16 = tpu.memref_squeeze %dma_start3A_15 : memref<1x128xi32, #tpu.memory_space<vmem>> -> memref<128xi32, #tpu.memory_space<vmem>>
      %dma_start3A_17 = arith.constant 0 : i32
      %dma_start3A_18 = arith.constant 0 : i32
      %dma_start3A_19 = tpu.memref_slice %arg2[%dma_start3A_17, %dma_start3A_18] : memref<10240x48xf32, #tpu.memory_space<hbm>> -> memref<10240x48xf32, #tpu.memory_space<hbm>>
      tpu.enqueue_indirect_dma source(%dma_start3A_19 : memref<10240x48xf32, #tpu.memory_space<hbm>>) target(%arg10 : memref<128x48xf32, #tpu.memory_space<vmem>>) offsets(%dma_start3A_16 : memref<128xi32, #tpu.memory_space<vmem>>) semaphore(%arg11 : memref<!tpu.dma_semaphore, #tpu.memory_space<semaphore_mem>>)
      %dma_wait3A = arith.constant 0 : i32
      %dma_wait3A_20 = tpu.memref_slice %arg8[%add3A_14, %dma_wait3A] : memref<80x128xi32, #tpu.memory_space<vmem>> -> memref<1x128xi32, #tpu.memory_space<vmem>>
      %dma_wait3A_21 = tpu.memref_squeeze %dma_wait3A_20 : memref<1x128xi32, #tpu.memory_space<vmem>> -> memref<128xi32, #tpu.memory_space<vmem>>
      %dma_wait3A_22 = arith.constant 0 : i32
      %dma_wait3A_23 = arith.constant 0 : i32
      %dma_wait3A_24 = tpu.memref_slice %arg2[%dma_wait3A_22, %dma_wait3A_23] : memref<10240x48xf32, #tpu.memory_space<hbm>> -> memref<10240x48xf32, #tpu.memory_space<hbm>>
      tpu.wait_indirect_dma semaphore(%arg11 : memref<!tpu.dma_semaphore, #tpu.memory_space<semaphore_mem>>) src(%dma_wait3A_24 : memref<10240x48xf32, #tpu.memory_space<hbm>>) dst(%arg10 : memref<128x48xf32, #tpu.memory_space<vmem>>)
      "tpu.region"() ({
        %run_scoped3A = tpu.sem_alloc : memref<!tpu.dma_semaphore, #tpu.memory_space<semaphore_mem>>
        %dma_start3A_25 = arith.constant 0 : i32
        %dma_start3A_26 = tpu.memref_slice %arg9[%add3A_14, %dma_start3A_25] : memref<80x128xi32, #tpu.memory_space<vmem>> -> memref<1x128xi32, #tpu.memory_space<vmem>>
        %dma_start3A_27 = tpu.memref_squeeze %dma_start3A_26 : memref<1x128xi32, #tpu.memory_space<vmem>> -> memref<128xi32, #tpu.memory_space<vmem>>
        %dma_start3A_28 = arith.constant 0 : i32
        %dma_start3A_29 = arith.constant 0 : i32
        %dma_start3A_30 = tpu.memref_slice %arg7[%dma_start3A_28, %dma_start3A_29] : memref<10240x48xf32, #tpu.memory_space<vmem_shared>> -> memref<10240x48xf32, #tpu.memory_space<vmem_shared>>
        tpu.enqueue_indirect_dma source(%arg10 : memref<128x48xf32, #tpu.memory_space<vmem>>) target(%dma_start3A_30 : memref<10240x48xf32, #tpu.memory_space<vmem_shared>>) offsets(%dma_start3A_27 : memref<128xi32, #tpu.memory_space<vmem>>) semaphore(%run_scoped3A : memref<!tpu.dma_semaphore, #tpu.memory_space<semaphore_mem>>) {add = true}
        %dma_wait3A_31 = arith.constant 0 : i32
        %dma_wait3A_32 = tpu.memref_slice %arg9[%add3A_14, %dma_wait3A_31] : memref<80x128xi32, #tpu.memory_space<vmem>> -> memref<1x128xi32, #tpu.memory_space<vmem>>
        %dma_wait3A_33 = tpu.memref_squeeze %dma_wait3A_32 : memref<1x128xi32, #tpu.memory_space<vmem>> -> memref<128xi32, #tpu.memory_space<vmem>>
        %dma_wait3A_34 = arith.constant 0 : i32
        %dma_wait3A_35 = arith.constant 0 : i32
        %dma_wait3A_36 = tpu.memref_slice %arg7[%dma_wait3A_34, %dma_wait3A_35] : memref<10240x48xf32, #tpu.memory_space<vmem_shared>> -> memref<10240x48xf32, #tpu.memory_space<vmem_shared>>
        tpu.wait_indirect_dma semaphore(%run_scoped3A : memref<!tpu.dma_semaphore, #tpu.memory_space<semaphore_mem>>) src(%arg10 : memref<128x48xf32, #tpu.memory_space<vmem>>) dst(%dma_wait3A_36 : memref<10240x48xf32, #tpu.memory_space<vmem_shared>>)
        tpu.yield
      }) : () -> ()
    }
    %scan3A_8 = arith.constant 80 : i32
    %barrier3A_9 = arith.constant 0 : index
    tpu.barrier barrier_id(%barrier3A_9)
    "tpu.region"() ({
      %run_scoped3A = tpu.sem_alloc : memref<!tpu.dma_semaphore, #tpu.memory_space<semaphore_mem>>
      %dma_start3A = arith.constant 0 : i32
      %dma_start3A_10 = tpu.memref_slice %arg6[%arg0, %mul3A_0, %dma_start3A] : memref<2x10240x48xf32, #tpu.memory_space<hbm>> -> memref<1x640x48xf32, #tpu.memory_space<hbm>>
      %dma_start3A_11 = tpu.memref_squeeze %dma_start3A_10 : memref<1x640x48xf32, #tpu.memory_space<hbm>> -> memref<640x48xf32, #tpu.memory_space<hbm>>
      %dma_start3A_12 = arith.constant 0 : i32
      %dma_start3A_13 = tpu.memref_slice %arg7[%mul3A_0, %dma_start3A_12] : memref<10240x48xf32, #tpu.memory_space<vmem_shared>> -> memref<640x48xf32, #tpu.memory_space<vmem_shared>>
      tpu.enqueue_dma source(%dma_start3A_13 : memref<640x48xf32, #tpu.memory_space<vmem_shared>>) target(%dma_start3A_11 : memref<640x48xf32, #tpu.memory_space<hbm>>) target_semaphore(%run_scoped3A : memref<!tpu.dma_semaphore, #tpu.memory_space<semaphore_mem>>)
      %dma_wait3A = arith.constant 0 : i32
      %dma_wait3A_14 = tpu.memref_slice %arg6[%arg0, %mul3A_0, %dma_wait3A] : memref<2x10240x48xf32, #tpu.memory_space<hbm>> -> memref<1x640x48xf32, #tpu.memory_space<hbm>>
      %dma_wait3A_15 = tpu.memref_squeeze %dma_wait3A_14 : memref<1x640x48xf32, #tpu.memory_space<hbm>> -> memref<640x48xf32, #tpu.memory_space<hbm>>
      %dma_wait3A_16 = arith.constant 0 : i32
      %dma_wait3A_17 = tpu.memref_slice %arg7[%mul3A_0, %dma_wait3A_16] : memref<10240x48xf32, #tpu.memory_space<vmem_shared>> -> memref<640x48xf32, #tpu.memory_space<vmem_shared>>
      tpu.wait_dma2 semaphore(%run_scoped3A : memref<!tpu.dma_semaphore, #tpu.memory_space<semaphore_mem>>) src(%dma_wait3A_17 : memref<640x48xf32, #tpu.memory_space<vmem_shared>>) dst(%dma_wait3A_15 : memref<640x48xf32, #tpu.memory_space<hbm>>)
      tpu.yield
    }) : () -> ()
    return
  }
}

module attributes {stable_mosaic.version = 14 : i64} {
  func.func @_mlp_body(%arg0: i32, %arg1: memref<1280x128xf32, #tpu.memory_space<vmem>>, %arg2: memref<128x64xf32, #tpu.memory_space<vmem>>, %arg3: memref<1x64xf32, #tpu.memory_space<vmem>>, %arg4: memref<64x48xf32, #tpu.memory_space<vmem>>, %arg5: memref<1x48xf32, #tpu.memory_space<vmem>>, %arg6: memref<1280x48xf32, #tpu.memory_space<vmem>>) attributes {dimension_semantics = [#tpu.dimension_semantics<arbitrary>], iteration_bounds = array<i64: 8>, scalar_prefetch = 0 : i64, scratch_operands = 0 : i64, tpu.core_type = #tpu.core_type<tc>, window_params = [{transform_indices = @transform_0, window_bounds = array<i64: 1280, 128>}, {pipeline_mode = #tpu.pipeline_mode<synchronous>, transform_indices = @transform_1, window_bounds = array<i64: 128, 64>}, {pipeline_mode = #tpu.pipeline_mode<synchronous>, transform_indices = @transform_2, window_bounds = array<i64: 1, 64>}, {pipeline_mode = #tpu.pipeline_mode<synchronous>, transform_indices = @transform_3, window_bounds = array<i64: 64, 48>}, {pipeline_mode = #tpu.pipeline_mode<synchronous>, transform_indices = @transform_4, window_bounds = array<i64: 1, 48>}, {transform_indices = @transform_5, window_bounds = array<i64: 1280, 48>}]} {
    %get3A = arith.constant 0 : index
    %get3A_0 = arith.constant 0 : index
    %get3A_1 = vector.load %arg1[%get3A, %get3A_0] : memref<1280x128xf32, #tpu.memory_space<vmem>>, vector<1280x128xf32>
    %get3A_2 = arith.constant 0 : index
    %get3A_3 = arith.constant 0 : index
    %get3A_4 = vector.load %arg2[%get3A_2, %get3A_3] : memref<128x64xf32, #tpu.memory_space<vmem>>, vector<128x64xf32>
    %dot_general3A = arith.constant dense<0.000000e+00> : vector<1280x64xf32>
    %dot_general3A_5 = tpu.matmul %get3A_1, %get3A_4, %dot_general3A {dimension_numbers = #tpu.dot_dimension_numbers<[1], [0], [0], [1], [0, 0, 1, 1], [], []>, precision = #tpu.contract_precision<fp32>, transpose_lhs_hint = false} : vector<1280x128xf32>, vector<128x64xf32>, vector<1280x64xf32> -> vector<1280x64xf32>
    %get3A_6 = arith.constant 0 : index
    %get3A_7 = arith.constant 0 : index
    %get3A_8 = vector.load %arg3[%get3A_6, %get3A_7] : memref<1x64xf32, #tpu.memory_space<vmem>>, vector<1x64xf32>
    %add3A = vector.broadcast %get3A_8 : vector<1x64xf32> to vector<1280x64xf32>
    %add3A_9 = arith.addf %dot_general3A_5, %add3A : vector<1280x64xf32>
    %max3A = arith.constant 0.000000e+00 : f32
    %max3A_10 = vector.broadcast %max3A : f32 to vector<1280x64xf32>
    %max3A_11 = arith.maximumf %add3A_9, %max3A_10 : vector<1280x64xf32>
    %get3A_12 = arith.constant 0 : index
    %get3A_13 = arith.constant 0 : index
    %get3A_14 = vector.load %arg4[%get3A_12, %get3A_13] : memref<64x48xf32, #tpu.memory_space<vmem>>, vector<64x48xf32>
    %dot_general3A_15 = arith.constant dense<0.000000e+00> : vector<1280x48xf32>
    %dot_general3A_16 = tpu.matmul %max3A_11, %get3A_14, %dot_general3A_15 {dimension_numbers = #tpu.dot_dimension_numbers<[1], [0], [0], [1], [0, 0, 1, 1], [], []>, precision = #tpu.contract_precision<fp32>, transpose_lhs_hint = false} : vector<1280x64xf32>, vector<64x48xf32>, vector<1280x48xf32> -> vector<1280x48xf32>
    %get3A_17 = arith.constant 0 : index
    %get3A_18 = arith.constant 0 : index
    %get3A_19 = vector.load %arg5[%get3A_17, %get3A_18] : memref<1x48xf32, #tpu.memory_space<vmem>>, vector<1x48xf32>
    %add3A_20 = vector.broadcast %get3A_19 : vector<1x48xf32> to vector<1280x48xf32>
    %add3A_21 = arith.addf %dot_general3A_16, %add3A_20 : vector<1280x48xf32>
    %swap3A = arith.constant 0 : index
    %swap3A_22 = arith.constant 0 : index
    %swap3A_23 = vector.load %arg6[%swap3A, %swap3A_22] : memref<1280x48xf32, #tpu.memory_space<vmem>>, vector<1280x48xf32>
    tpu.vector_store %arg6[%swap3A, %swap3A_22], %add3A_21 {strides = array<i32>} : memref<1280x48xf32, #tpu.memory_space<vmem>>, vector<1280x48xf32>,
    return
  }
  func.func @transform_0(%arg0: i32) -> (i32, i32) {
    %c0_i32 = arith.constant 0 : i32
    %c0_i32_0 = arith.constant 0 : i32
    return %arg0, %c0_i32 : i32, i32
  }
  func.func @transform_1(%arg0: i32) -> (i32, i32) {
    %c0_i32 = arith.constant 0 : i32
    %c0_i32_0 = arith.constant 0 : i32
    %c0_i32_1 = arith.constant 0 : i32
    return %c0_i32, %c0_i32_0 : i32, i32
  }
  func.func @transform_2(%arg0: i32) -> (i32, i32) {
    %c0_i32 = arith.constant 0 : i32
    %c0_i32_0 = arith.constant 0 : i32
    %c0_i32_1 = arith.constant 0 : i32
    return %c0_i32, %c0_i32_0 : i32, i32
  }
  func.func @transform_3(%arg0: i32) -> (i32, i32) {
    %c0_i32 = arith.constant 0 : i32
    %c0_i32_0 = arith.constant 0 : i32
    %c0_i32_1 = arith.constant 0 : i32
    return %c0_i32, %c0_i32_0 : i32, i32
  }
  func.func @transform_4(%arg0: i32) -> (i32, i32) {
    %c0_i32 = arith.constant 0 : i32
    %c0_i32_0 = arith.constant 0 : i32
    %c0_i32_1 = arith.constant 0 : i32
    return %c0_i32, %c0_i32_0 : i32, i32
  }
  func.func @transform_5(%arg0: i32) -> (i32, i32) {
    %c0_i32 = arith.constant 0 : i32
    %c0_i32_0 = arith.constant 0 : i32
    return %arg0, %c0_i32 : i32, i32
  }
}

module attributes {stable_mosaic.version = 14 : i64} {
  func.func @_prep_body(%arg0: i32, %arg1: memref<2x1280x16xf32, #tpu.memory_space<vmem>>, %arg2: memref<1280x48xf32, #tpu.memory_space<vmem>>, %arg3: memref<1280x1xf32, #tpu.memory_space<vmem>>, %arg4: memref<1280x48xf32, #tpu.memory_space<vmem>>, %arg5: memref<1280x48xf32, #tpu.memory_space<vmem>>) attributes {dimension_semantics = [#tpu.dimension_semantics<arbitrary>], iteration_bounds = array<i64: 8>, scalar_prefetch = 0 : i64, scratch_operands = 0 : i64, tpu.core_type = #tpu.core_type<tc>, window_params = [{transform_indices = @transform_0, window_bounds = array<i64: 2, 1280, 16>}, {transform_indices = @transform_1, window_bounds = array<i64: 1280, 48>}, {transform_indices = @transform_2, window_bounds = array<i64: 1280, 1>}, {transform_indices = @transform_3, window_bounds = array<i64: 1280, 48>}, {transform_indices = @transform_4, window_bounds = array<i64: 1280, 48>}]} {
    %get3A = arith.constant 0 : index
    %get3A_0 = arith.constant 0 : index
    %get3A_1 = arith.constant 0 : index
    %get3A_2 = vector.load %arg1[%get3A, %get3A_0, %get3A_1] : memref<2x1280x16xf32, #tpu.memory_space<vmem>>, vector<2x1280x16xf32>
    %slice3A = vector.extract_strided_slice %get3A_2 {offsets = [0, 0, 0], sizes = [1, 1280, 1], strides = [1, 1, 1]} : vector<2x1280x16xf32> to vector<1x1280x1xf32>
    %squeeze3A = vector.shape_cast %slice3A : vector<1x1280x1xf32> to vector<1280x1xf32>
    %slice3A_3 = vector.extract_strided_slice %get3A_2 {offsets = [1, 0, 0], sizes = [1, 1280, 1], strides = [1, 1, 1]} : vector<2x1280x16xf32> to vector<1x1280x1xf32>
    %squeeze3A_4 = vector.shape_cast %slice3A_3 : vector<1x1280x1xf32> to vector<1280x1xf32>
    %add3A = arith.addf %squeeze3A, %squeeze3A_4 : vector<1280x1xf32>
    %add3A_5 = arith.constant 1.000000e+00 : f32
    %add3A_6 = vector.broadcast %add3A_5 : f32 to vector<1280x1xf32>
    %add3A_7 = arith.addf %add3A, %add3A_6 : vector<1280x1xf32>
    %div3A = arith.constant 1.000000e+00 : f32
    %div3A_8 = vector.broadcast %div3A : f32 to vector<1280x1xf32>
    %div3A_9 = arith.divf %div3A_8, %add3A_7 : vector<1280x1xf32>
    %swap3A = arith.constant 0 : index
    %swap3A_10 = arith.constant 0 : index
    %swap3A_11 = vector.load %arg3[%swap3A, %swap3A_10] : memref<1280x1xf32, #tpu.memory_space<vmem>>, vector<1280x1xf32>
    tpu.vector_store %arg3[%swap3A, %swap3A_10], %div3A_9 {strides = array<i32>} : memref<1280x1xf32, #tpu.memory_space<vmem>>, vector<1280x1xf32>,
    %rsqrt3A = math.rsqrt %add3A_7 : vector<1280x1xf32>
    %get3A_12 = arith.constant 0 : index
    %get3A_13 = arith.constant 0 : index
    %get3A_14 = vector.load %arg2[%get3A_12, %get3A_13] : memref<1280x48xf32, #tpu.memory_space<vmem>>, vector<1280x48xf32>
    %mul3A = vector.broadcast %rsqrt3A : vector<1280x1xf32> to vector<1280x48xf32>
    %mul3A_15 = arith.mulf %mul3A, %get3A_14 : vector<1280x48xf32>
    %swap3A_16 = arith.constant 0 : index
    %swap3A_17 = arith.constant 0 : index
    %swap3A_18 = vector.load %arg4[%swap3A_16, %swap3A_17] : memref<1280x48xf32, #tpu.memory_space<vmem>>, vector<1280x48xf32>
    tpu.vector_store %arg4[%swap3A_16, %swap3A_17], %mul3A_15 {strides = array<i32>} : memref<1280x48xf32, #tpu.memory_space<vmem>>, vector<1280x48xf32>,
    %mul3A_19 = arith.constant 1.000000e-01 : f32
    %mul3A_20 = vector.broadcast %mul3A_19 : f32 to vector<1280x48xf32>
    %mul3A_21 = arith.mulf %mul3A_20, %mul3A_15 : vector<1280x48xf32>
    %swap3A_22 = arith.constant 0 : index
    %swap3A_23 = arith.constant 0 : index
    %swap3A_24 = vector.load %arg5[%swap3A_22, %swap3A_23] : memref<1280x48xf32, #tpu.memory_space<vmem>>, vector<1280x48xf32>
    tpu.vector_store %arg5[%swap3A_22, %swap3A_23], %mul3A_21 {strides = array<i32>} : memref<1280x48xf32, #tpu.memory_space<vmem>>, vector<1280x48xf32>,
    return
  }
  func.func @transform_0(%arg0: i32) -> (i32, i32, i32) {
    %c0_i32 = arith.constant 0 : i32
    %c0_i32_0 = arith.constant 0 : i32
    %c0_i32_1 = arith.constant 0 : i32
    return %c0_i32, %arg0, %c0_i32_0 : i32, i32, i32
  }
  func.func @transform_1(%arg0: i32) -> (i32, i32) {
    %c0_i32 = arith.constant 0 : i32
    %c0_i32_0 = arith.constant 0 : i32
    return %arg0, %c0_i32 : i32, i32
  }
  func.func @transform_2(%arg0: i32) -> (i32, i32) {
    %c0_i32 = arith.constant 0 : i32
    %c0_i32_0 = arith.constant 0 : i32
    return %arg0, %c0_i32 : i32, i32
  }
  func.func @transform_3(%arg0: i32) -> (i32, i32) {
    %c0_i32 = arith.constant 0 : i32
    %c0_i32_0 = arith.constant 0 : i32
    return %arg0, %c0_i32 : i32, i32
  }
  func.func @transform_4(%arg0: i32) -> (i32, i32) {
    %c0_i32 = arith.constant 0 : i32
    %c0_i32_0 = arith.constant 0 : i32
    return %arg0, %c0_i32 : i32, i32
  }
}

module attributes {stable_mosaic.version = 14 : i64} {
  func.func @_combine_body(%arg0: i32, %arg1: memref<2x1280x48xf32, #tpu.memory_space<vmem>>, %arg2: memref<1280x48xf32, #tpu.memory_space<vmem>>, %arg3: memref<1280x1xf32, #tpu.memory_space<vmem>>, %arg4: memref<1280x48xf32, #tpu.memory_space<vmem>>) attributes {dimension_semantics = [#tpu.dimension_semantics<arbitrary>], iteration_bounds = array<i64: 8>, scalar_prefetch = 0 : i64, scratch_operands = 0 : i64, tpu.core_type = #tpu.core_type<tc>, window_params = [{transform_indices = @transform_0, window_bounds = array<i64: 2, 1280, 48>}, {transform_indices = @transform_1, window_bounds = array<i64: 1280, 48>}, {transform_indices = @transform_2, window_bounds = array<i64: 1280, 1>}, {transform_indices = @transform_3, window_bounds = array<i64: 1280, 48>}]} {
    %get3A = arith.constant 0 : index
    %get3A_0 = arith.constant 0 : index
    %get3A_1 = arith.constant 0 : index
    %get3A_2 = vector.load %arg1[%get3A, %get3A_0, %get3A_1] : memref<2x1280x48xf32, #tpu.memory_space<vmem>>, vector<2x1280x48xf32>
    %get3A_3 = arith.constant 0 : index
    %get3A_4 = arith.constant 0 : index
    %get3A_5 = vector.load %arg3[%get3A_3, %get3A_4] : memref<1280x1xf32, #tpu.memory_space<vmem>>, vector<1280x1xf32>
    %slice3A = vector.extract_strided_slice %get3A_2 {offsets = [0, 0, 0], sizes = [1, 1280, 48], strides = [1, 1, 1]} : vector<2x1280x48xf32> to vector<1x1280x48xf32>
    %squeeze3A = vector.shape_cast %slice3A : vector<1x1280x48xf32> to vector<1280x48xf32>
    %slice3A_6 = vector.extract_strided_slice %get3A_2 {offsets = [1, 0, 0], sizes = [1, 1280, 48], strides = [1, 1, 1]} : vector<2x1280x48xf32> to vector<1x1280x48xf32>
    %squeeze3A_7 = vector.shape_cast %slice3A_6 : vector<1x1280x48xf32> to vector<1280x48xf32>
    %add3A = arith.addf %squeeze3A, %squeeze3A_7 : vector<1280x48xf32>
    %get3A_8 = arith.constant 0 : index
    %get3A_9 = arith.constant 0 : index
    %get3A_10 = vector.load %arg2[%get3A_8, %get3A_9] : memref<1280x48xf32, #tpu.memory_space<vmem>>, vector<1280x48xf32>
    %add3A_11 = arith.addf %add3A, %get3A_10 : vector<1280x48xf32>
    %mul3A = vector.broadcast %get3A_5 : vector<1280x1xf32> to vector<1280x48xf32>
    %mul3A_12 = arith.mulf %mul3A, %add3A_11 : vector<1280x48xf32>
    %swap3A = arith.constant 0 : index
    %swap3A_13 = arith.constant 0 : index
    %swap3A_14 = vector.load %arg4[%swap3A, %swap3A_13] : memref<1280x48xf32, #tpu.memory_space<vmem>>, vector<1280x48xf32>
    tpu.vector_store %arg4[%swap3A, %swap3A_13], %mul3A_12 {strides = array<i32>} : memref<1280x48xf32, #tpu.memory_space<vmem>>, vector<1280x48xf32>,
    return
  }
  func.func @transform_0(%arg0: i32) -> (i32, i32, i32) {
    %c0_i32 = arith.constant 0 : i32
    %c0_i32_0 = arith.constant 0 : i32
    %c0_i32_1 = arith.constant 0 : i32
    return %c0_i32, %arg0, %c0_i32_0 : i32, i32, i32
  }
  func.func @transform_1(%arg0: i32) -> (i32, i32) {
    %c0_i32 = arith.constant 0 : i32
    %c0_i32_0 = arith.constant 0 : i32
    return %arg0, %c0_i32 : i32, i32
  }
  func.func @transform_2(%arg0: i32) -> (i32, i32) {
    %c0_i32 = arith.constant 0 : i32
    %c0_i32_0 = arith.constant 0 : i32
    return %arg0, %c0_i32 : i32, i32
  }
  func.func @transform_3(%arg0: i32) -> (i32, i32) {
    %c0_i32 = arith.constant 0 : i32
    %c0_i32_0 = arith.constant 0 : i32
    return %arg0, %c0_i32 : i32, i32
  }
}

module attributes {stable_mosaic.version = 14 : i64} {
  func.func @_combine_acc_body(%arg0: i32, %arg1: memref<2x1280x48xf32, #tpu.memory_space<vmem>>, %arg2: memref<1280x48xf32, #tpu.memory_space<vmem>>, %arg3: memref<1280x1xf32, #tpu.memory_space<vmem>>, %arg4: memref<1280x48xf32, #tpu.memory_space<vmem>>, %arg5: memref<1280x48xf32, #tpu.memory_space<vmem>>, %arg6: memref<1280x48xf32, #tpu.memory_space<vmem>>) attributes {dimension_semantics = [#tpu.dimension_semantics<arbitrary>], iteration_bounds = array<i64: 8>, scalar_prefetch = 0 : i64, scratch_operands = 0 : i64, tpu.core_type = #tpu.core_type<tc>, window_params = [{transform_indices = @transform_0, window_bounds = array<i64: 2, 1280, 48>}, {transform_indices = @transform_1, window_bounds = array<i64: 1280, 48>}, {transform_indices = @transform_2, window_bounds = array<i64: 1280, 1>}, {transform_indices = @transform_3, window_bounds = array<i64: 1280, 48>}, {transform_indices = @transform_4, window_bounds = array<i64: 1280, 48>}, {transform_indices = @transform_5, window_bounds = array<i64: 1280, 48>}]} {
    %get3A = arith.constant 0 : index
    %get3A_0 = arith.constant 0 : index
    %get3A_1 = arith.constant 0 : index
    %get3A_2 = vector.load %arg1[%get3A, %get3A_0, %get3A_1] : memref<2x1280x48xf32, #tpu.memory_space<vmem>>, vector<2x1280x48xf32>
    %get3A_3 = arith.constant 0 : index
    %get3A_4 = arith.constant 0 : index
    %get3A_5 = vector.load %arg3[%get3A_3, %get3A_4] : memref<1280x1xf32, #tpu.memory_space<vmem>>, vector<1280x1xf32>
    %slice3A = vector.extract_strided_slice %get3A_2 {offsets = [0, 0, 0], sizes = [1, 1280, 48], strides = [1, 1, 1]} : vector<2x1280x48xf32> to vector<1x1280x48xf32>
    %squeeze3A = vector.shape_cast %slice3A : vector<1x1280x48xf32> to vector<1280x48xf32>
    %slice3A_6 = vector.extract_strided_slice %get3A_2 {offsets = [1, 0, 0], sizes = [1, 1280, 48], strides = [1, 1, 1]} : vector<2x1280x48xf32> to vector<1x1280x48xf32>
    %squeeze3A_7 = vector.shape_cast %slice3A_6 : vector<1x1280x48xf32> to vector<1280x48xf32>
    %add3A = arith.addf %squeeze3A, %squeeze3A_7 : vector<1280x48xf32>
    %get3A_8 = arith.constant 0 : index
    %get3A_9 = arith.constant 0 : index
    %get3A_10 = vector.load %arg2[%get3A_8, %get3A_9] : memref<1280x48xf32, #tpu.memory_space<vmem>>, vector<1280x48xf32>
    %add3A_11 = arith.addf %add3A, %get3A_10 : vector<1280x48xf32>
    %mul3A = vector.broadcast %get3A_5 : vector<1280x1xf32> to vector<1280x48xf32>
    %mul3A_12 = arith.mulf %mul3A, %add3A_11 : vector<1280x48xf32>
    %swap3A = arith.constant 0 : index
    %swap3A_13 = arith.constant 0 : index
    %swap3A_14 = vector.load %arg5[%swap3A, %swap3A_13] : memref<1280x48xf32, #tpu.memory_space<vmem>>, vector<1280x48xf32>
    tpu.vector_store %arg5[%swap3A, %swap3A_13], %mul3A_12 {strides = array<i32>} : memref<1280x48xf32, #tpu.memory_space<vmem>>, vector<1280x48xf32>,
    %get3A_15 = arith.constant 0 : index
    %get3A_16 = arith.constant 0 : index
    %get3A_17 = vector.load %arg4[%get3A_15, %get3A_16] : memref<1280x48xf32, #tpu.memory_space<vmem>>, vector<1280x48xf32>
    %mul3A_18 = arith.constant 9.000000e-02 : f32
    %mul3A_19 = vector.broadcast %mul3A_18 : f32 to vector<1280x48xf32>
    %mul3A_20 = arith.mulf %mul3A_19, %mul3A_12 : vector<1280x48xf32>
    %add3A_21 = arith.addf %get3A_17, %mul3A_20 : vector<1280x48xf32>
    %swap3A_22 = arith.constant 0 : index
    %swap3A_23 = arith.constant 0 : index
    %swap3A_24 = vector.load %arg6[%swap3A_22, %swap3A_23] : memref<1280x48xf32, #tpu.memory_space<vmem>>, vector<1280x48xf32>
    tpu.vector_store %arg6[%swap3A_22, %swap3A_23], %add3A_21 {strides = array<i32>} : memref<1280x48xf32, #tpu.memory_space<vmem>>, vector<1280x48xf32>,
    return
  }
  func.func @transform_0(%arg0: i32) -> (i32, i32, i32) {
    %c0_i32 = arith.constant 0 : i32
    %c0_i32_0 = arith.constant 0 : i32
    %c0_i32_1 = arith.constant 0 : i32
    return %c0_i32, %arg0, %c0_i32_0 : i32, i32, i32
  }
  func.func @transform_1(%arg0: i32) -> (i32, i32) {
    %c0_i32 = arith.constant 0 : i32
    %c0_i32_0 = arith.constant 0 : i32
    return %arg0, %c0_i32 : i32, i32
  }
  func.func @transform_2(%arg0: i32) -> (i32, i32) {
    %c0_i32 = arith.constant 0 : i32
    %c0_i32_0 = arith.constant 0 : i32
    return %arg0, %c0_i32 : i32, i32
  }
  func.func @transform_3(%arg0: i32) -> (i32, i32) {
    %c0_i32 = arith.constant 0 : i32
    %c0_i32_0 = arith.constant 0 : i32
    return %arg0, %c0_i32 : i32, i32
  }
  func.func @transform_4(%arg0: i32) -> (i32, i32) {
    %c0_i32 = arith.constant 0 : i32
    %c0_i32_0 = arith.constant 0 : i32
    return %arg0, %c0_i32 : i32, i32
  }
  func.func @transform_5(%arg0: i32) -> (i32, i32) {
    %c0_i32 = arith.constant 0 : i32
    %c0_i32_0 = arith.constant 0 : i32
    return %arg0, %c0_i32 : i32, i32
  }
}

module attributes {stable_mosaic.version = 14 : i64} {
  func.func @_combine_acc_body(%arg0: i32, %arg1: memref<2x1280x48xf32, #tpu.memory_space<vmem>>, %arg2: memref<1280x48xf32, #tpu.memory_space<vmem>>, %arg3: memref<1280x1xf32, #tpu.memory_space<vmem>>, %arg4: memref<1280x48xf32, #tpu.memory_space<vmem>>, %arg5: memref<1280x48xf32, #tpu.memory_space<vmem>>, %arg6: memref<1280x48xf32, #tpu.memory_space<vmem>>) attributes {dimension_semantics = [#tpu.dimension_semantics<arbitrary>], iteration_bounds = array<i64: 8>, scalar_prefetch = 0 : i64, scratch_operands = 0 : i64, tpu.core_type = #tpu.core_type<tc>, window_params = [{transform_indices = @transform_0, window_bounds = array<i64: 2, 1280, 48>}, {transform_indices = @transform_1, window_bounds = array<i64: 1280, 48>}, {transform_indices = @transform_2, window_bounds = array<i64: 1280, 1>}, {transform_indices = @transform_3, window_bounds = array<i64: 1280, 48>}, {transform_indices = @transform_4, window_bounds = array<i64: 1280, 48>}, {transform_indices = @transform_5, window_bounds = array<i64: 1280, 48>}]} {
    %get3A = arith.constant 0 : index
    %get3A_0 = arith.constant 0 : index
    %get3A_1 = arith.constant 0 : index
    %get3A_2 = vector.load %arg1[%get3A, %get3A_0, %get3A_1] : memref<2x1280x48xf32, #tpu.memory_space<vmem>>, vector<2x1280x48xf32>
    %get3A_3 = arith.constant 0 : index
    %get3A_4 = arith.constant 0 : index
    %get3A_5 = vector.load %arg3[%get3A_3, %get3A_4] : memref<1280x1xf32, #tpu.memory_space<vmem>>, vector<1280x1xf32>
    %slice3A = vector.extract_strided_slice %get3A_2 {offsets = [0, 0, 0], sizes = [1, 1280, 48], strides = [1, 1, 1]} : vector<2x1280x48xf32> to vector<1x1280x48xf32>
    %squeeze3A = vector.shape_cast %slice3A : vector<1x1280x48xf32> to vector<1280x48xf32>
    %slice3A_6 = vector.extract_strided_slice %get3A_2 {offsets = [1, 0, 0], sizes = [1, 1280, 48], strides = [1, 1, 1]} : vector<2x1280x48xf32> to vector<1x1280x48xf32>
    %squeeze3A_7 = vector.shape_cast %slice3A_6 : vector<1x1280x48xf32> to vector<1280x48xf32>
    %add3A = arith.addf %squeeze3A, %squeeze3A_7 : vector<1280x48xf32>
    %get3A_8 = arith.constant 0 : index
    %get3A_9 = arith.constant 0 : index
    %get3A_10 = vector.load %arg2[%get3A_8, %get3A_9] : memref<1280x48xf32, #tpu.memory_space<vmem>>, vector<1280x48xf32>
    %add3A_11 = arith.addf %add3A, %get3A_10 : vector<1280x48xf32>
    %mul3A = vector.broadcast %get3A_5 : vector<1280x1xf32> to vector<1280x48xf32>
    %mul3A_12 = arith.mulf %mul3A, %add3A_11 : vector<1280x48xf32>
    %swap3A = arith.constant 0 : index
    %swap3A_13 = arith.constant 0 : index
    %swap3A_14 = vector.load %arg5[%swap3A, %swap3A_13] : memref<1280x48xf32, #tpu.memory_space<vmem>>, vector<1280x48xf32>
    tpu.vector_store %arg5[%swap3A, %swap3A_13], %mul3A_12 {strides = array<i32>} : memref<1280x48xf32, #tpu.memory_space<vmem>>, vector<1280x48xf32>,
    %get3A_15 = arith.constant 0 : index
    %get3A_16 = arith.constant 0 : index
    %get3A_17 = vector.load %arg4[%get3A_15, %get3A_16] : memref<1280x48xf32, #tpu.memory_space<vmem>>, vector<1280x48xf32>
    %mul3A_18 = arith.constant 8.100000e-02 : f32
    %mul3A_19 = vector.broadcast %mul3A_18 : f32 to vector<1280x48xf32>
    %mul3A_20 = arith.mulf %mul3A_19, %mul3A_12 : vector<1280x48xf32>
    %add3A_21 = arith.addf %get3A_17, %mul3A_20 : vector<1280x48xf32>
    %swap3A_22 = arith.constant 0 : index
    %swap3A_23 = arith.constant 0 : index
    %swap3A_24 = vector.load %arg6[%swap3A_22, %swap3A_23] : memref<1280x48xf32, #tpu.memory_space<vmem>>, vector<1280x48xf32>
    tpu.vector_store %arg6[%swap3A_22, %swap3A_23], %add3A_21 {strides = array<i32>} : memref<1280x48xf32, #tpu.memory_space<vmem>>, vector<1280x48xf32>,
    return
  }
  func.func @transform_0(%arg0: i32) -> (i32, i32, i32) {
    %c0_i32 = arith.constant 0 : i32
    %c0_i32_0 = arith.constant 0 : i32
    %c0_i32_1 = arith.constant 0 : i32
    return %c0_i32, %arg0, %c0_i32_0 : i32, i32, i32
  }
  func.func @transform_1(%arg0: i32) -> (i32, i32) {
    %c0_i32 = arith.constant 0 : i32
    %c0_i32_0 = arith.constant 0 : i32
    return %arg0, %c0_i32 : i32, i32
  }
  func.func @transform_2(%arg0: i32) -> (i32, i32) {
    %c0_i32 = arith.constant 0 : i32
    %c0_i32_0 = arith.constant 0 : i32
    return %arg0, %c0_i32 : i32, i32
  }
  func.func @transform_3(%arg0: i32) -> (i32, i32) {
    %c0_i32 = arith.constant 0 : i32
    %c0_i32_0 = arith.constant 0 : i32
    return %arg0, %c0_i32 : i32, i32
  }
  func.func @transform_4(%arg0: i32) -> (i32, i32) {
    %c0_i32 = arith.constant 0 : i32
    %c0_i32_0 = arith.constant 0 : i32
    return %arg0, %c0_i32 : i32, i32
  }
  func.func @transform_5(%arg0: i32) -> (i32, i32) {
    %c0_i32 = arith.constant 0 : i32
    %c0_i32_0 = arith.constant 0 : i32
    return %arg0, %c0_i32 : i32, i32
  }
}

module attributes {stable_mosaic.version = 14 : i64} {
  func.func @_combine_acc_body(%arg0: i32, %arg1: memref<2x1280x48xf32, #tpu.memory_space<vmem>>, %arg2: memref<1280x48xf32, #tpu.memory_space<vmem>>, %arg3: memref<1280x1xf32, #tpu.memory_space<vmem>>, %arg4: memref<1280x48xf32, #tpu.memory_space<vmem>>, %arg5: memref<1280x48xf32, #tpu.memory_space<vmem>>, %arg6: memref<1280x48xf32, #tpu.memory_space<vmem>>) attributes {dimension_semantics = [#tpu.dimension_semantics<arbitrary>], iteration_bounds = array<i64: 8>, scalar_prefetch = 0 : i64, scratch_operands = 0 : i64, tpu.core_type = #tpu.core_type<tc>, window_params = [{transform_indices = @transform_0, window_bounds = array<i64: 2, 1280, 48>}, {transform_indices = @transform_1, window_bounds = array<i64: 1280, 48>}, {transform_indices = @transform_2, window_bounds = array<i64: 1280, 1>}, {transform_indices = @transform_3, window_bounds = array<i64: 1280, 48>}, {transform_indices = @transform_4, window_bounds = array<i64: 1280, 48>}, {transform_indices = @transform_5, window_bounds = array<i64: 1280, 48>}]} {
    %get3A = arith.constant 0 : index
    %get3A_0 = arith.constant 0 : index
    %get3A_1 = arith.constant 0 : index
    %get3A_2 = vector.load %arg1[%get3A, %get3A_0, %get3A_1] : memref<2x1280x48xf32, #tpu.memory_space<vmem>>, vector<2x1280x48xf32>
    %get3A_3 = arith.constant 0 : index
    %get3A_4 = arith.constant 0 : index
    %get3A_5 = vector.load %arg3[%get3A_3, %get3A_4] : memref<1280x1xf32, #tpu.memory_space<vmem>>, vector<1280x1xf32>
    %slice3A = vector.extract_strided_slice %get3A_2 {offsets = [0, 0, 0], sizes = [1, 1280, 48], strides = [1, 1, 1]} : vector<2x1280x48xf32> to vector<1x1280x48xf32>
    %squeeze3A = vector.shape_cast %slice3A : vector<1x1280x48xf32> to vector<1280x48xf32>
    %slice3A_6 = vector.extract_strided_slice %get3A_2 {offsets = [1, 0, 0], sizes = [1, 1280, 48], strides = [1, 1, 1]} : vector<2x1280x48xf32> to vector<1x1280x48xf32>
    %squeeze3A_7 = vector.shape_cast %slice3A_6 : vector<1x1280x48xf32> to vector<1280x48xf32>
    %add3A = arith.addf %squeeze3A, %squeeze3A_7 : vector<1280x48xf32>
    %get3A_8 = arith.constant 0 : index
    %get3A_9 = arith.constant 0 : index
    %get3A_10 = vector.load %arg2[%get3A_8, %get3A_9] : memref<1280x48xf32, #tpu.memory_space<vmem>>, vector<1280x48xf32>
    %add3A_11 = arith.addf %add3A, %get3A_10 : vector<1280x48xf32>
    %mul3A = vector.broadcast %get3A_5 : vector<1280x1xf32> to vector<1280x48xf32>
    %mul3A_12 = arith.mulf %mul3A, %add3A_11 : vector<1280x48xf32>
    %swap3A = arith.constant 0 : index
    %swap3A_13 = arith.constant 0 : index
    %swap3A_14 = vector.load %arg5[%swap3A, %swap3A_13] : memref<1280x48xf32, #tpu.memory_space<vmem>>, vector<1280x48xf32>
    tpu.vector_store %arg5[%swap3A, %swap3A_13], %mul3A_12 {strides = array<i32>} : memref<1280x48xf32, #tpu.memory_space<vmem>>, vector<1280x48xf32>,
    %get3A_15 = arith.constant 0 : index
    %get3A_16 = arith.constant 0 : index
    %get3A_17 = vector.load %arg4[%get3A_15, %get3A_16] : memref<1280x48xf32, #tpu.memory_space<vmem>>, vector<1280x48xf32>
    %mul3A_18 = arith.constant 7.290000e-02 : f32
    %mul3A_19 = vector.broadcast %mul3A_18 : f32 to vector<1280x48xf32>
    %mul3A_20 = arith.mulf %mul3A_19, %mul3A_12 : vector<1280x48xf32>
    %add3A_21 = arith.addf %get3A_17, %mul3A_20 : vector<1280x48xf32>
    %swap3A_22 = arith.constant 0 : index
    %swap3A_23 = arith.constant 0 : index
    %swap3A_24 = vector.load %arg6[%swap3A_22, %swap3A_23] : memref<1280x48xf32, #tpu.memory_space<vmem>>, vector<1280x48xf32>
    tpu.vector_store %arg6[%swap3A_22, %swap3A_23], %add3A_21 {strides = array<i32>} : memref<1280x48xf32, #tpu.memory_space<vmem>>, vector<1280x48xf32>,
    return
  }
  func.func @transform_0(%arg0: i32) -> (i32, i32, i32) {
    %c0_i32 = arith.constant 0 : i32
    %c0_i32_0 = arith.constant 0 : i32
    %c0_i32_1 = arith.constant 0 : i32
    return %c0_i32, %arg0, %c0_i32_0 : i32, i32, i32
  }
  func.func @transform_1(%arg0: i32) -> (i32, i32) {
    %c0_i32 = arith.constant 0 : i32
    %c0_i32_0 = arith.constant 0 : i32
    return %arg0, %c0_i32 : i32, i32
  }
  func.func @transform_2(%arg0: i32) -> (i32, i32) {
    %c0_i32 = arith.constant 0 : i32
    %c0_i32_0 = arith.constant 0 : i32
    return %arg0, %c0_i32 : i32, i32
  }
  func.func @transform_3(%arg0: i32) -> (i32, i32) {
    %c0_i32 = arith.constant 0 : i32
    %c0_i32_0 = arith.constant 0 : i32
    return %arg0, %c0_i32 : i32, i32
  }
  func.func @transform_4(%arg0: i32) -> (i32, i32) {
    %c0_i32 = arith.constant 0 : i32
    %c0_i32_0 = arith.constant 0 : i32
    return %arg0, %c0_i32 : i32, i32
  }
  func.func @transform_5(%arg0: i32) -> (i32, i32) {
    %c0_i32 = arith.constant 0 : i32
    %c0_i32_0 = arith.constant 0 : i32
    return %arg0, %c0_i32 : i32, i32
  }
}

module attributes {stable_mosaic.version = 14 : i64} {
  func.func @_combine_acc_body(%arg0: i32, %arg1: memref<2x1280x48xf32, #tpu.memory_space<vmem>>, %arg2: memref<1280x48xf32, #tpu.memory_space<vmem>>, %arg3: memref<1280x1xf32, #tpu.memory_space<vmem>>, %arg4: memref<1280x48xf32, #tpu.memory_space<vmem>>, %arg5: memref<1280x48xf32, #tpu.memory_space<vmem>>, %arg6: memref<1280x48xf32, #tpu.memory_space<vmem>>) attributes {dimension_semantics = [#tpu.dimension_semantics<arbitrary>], iteration_bounds = array<i64: 8>, scalar_prefetch = 0 : i64, scratch_operands = 0 : i64, tpu.core_type = #tpu.core_type<tc>, window_params = [{transform_indices = @transform_0, window_bounds = array<i64: 2, 1280, 48>}, {transform_indices = @transform_1, window_bounds = array<i64: 1280, 48>}, {transform_indices = @transform_2, window_bounds = array<i64: 1280, 1>}, {transform_indices = @transform_3, window_bounds = array<i64: 1280, 48>}, {transform_indices = @transform_4, window_bounds = array<i64: 1280, 48>}, {transform_indices = @transform_5, window_bounds = array<i64: 1280, 48>}]} {
    %get3A = arith.constant 0 : index
    %get3A_0 = arith.constant 0 : index
    %get3A_1 = arith.constant 0 : index
    %get3A_2 = vector.load %arg1[%get3A, %get3A_0, %get3A_1] : memref<2x1280x48xf32, #tpu.memory_space<vmem>>, vector<2x1280x48xf32>
    %get3A_3 = arith.constant 0 : index
    %get3A_4 = arith.constant 0 : index
    %get3A_5 = vector.load %arg3[%get3A_3, %get3A_4] : memref<1280x1xf32, #tpu.memory_space<vmem>>, vector<1280x1xf32>
    %slice3A = vector.extract_strided_slice %get3A_2 {offsets = [0, 0, 0], sizes = [1, 1280, 48], strides = [1, 1, 1]} : vector<2x1280x48xf32> to vector<1x1280x48xf32>
    %squeeze3A = vector.shape_cast %slice3A : vector<1x1280x48xf32> to vector<1280x48xf32>
    %slice3A_6 = vector.extract_strided_slice %get3A_2 {offsets = [1, 0, 0], sizes = [1, 1280, 48], strides = [1, 1, 1]} : vector<2x1280x48xf32> to vector<1x1280x48xf32>
    %squeeze3A_7 = vector.shape_cast %slice3A_6 : vector<1x1280x48xf32> to vector<1280x48xf32>
    %add3A = arith.addf %squeeze3A, %squeeze3A_7 : vector<1280x48xf32>
    %get3A_8 = arith.constant 0 : index
    %get3A_9 = arith.constant 0 : index
    %get3A_10 = vector.load %arg2[%get3A_8, %get3A_9] : memref<1280x48xf32, #tpu.memory_space<vmem>>, vector<1280x48xf32>
    %add3A_11 = arith.addf %add3A, %get3A_10 : vector<1280x48xf32>
    %mul3A = vector.broadcast %get3A_5 : vector<1280x1xf32> to vector<1280x48xf32>
    %mul3A_12 = arith.mulf %mul3A, %add3A_11 : vector<1280x48xf32>
    %swap3A = arith.constant 0 : index
    %swap3A_13 = arith.constant 0 : index
    %swap3A_14 = vector.load %arg5[%swap3A, %swap3A_13] : memref<1280x48xf32, #tpu.memory_space<vmem>>, vector<1280x48xf32>
    tpu.vector_store %arg5[%swap3A, %swap3A_13], %mul3A_12 {strides = array<i32>} : memref<1280x48xf32, #tpu.memory_space<vmem>>, vector<1280x48xf32>,
    %get3A_15 = arith.constant 0 : index
    %get3A_16 = arith.constant 0 : index
    %get3A_17 = vector.load %arg4[%get3A_15, %get3A_16] : memref<1280x48xf32, #tpu.memory_space<vmem>>, vector<1280x48xf32>
    %mul3A_18 = arith.constant 6.561000e-02 : f32
    %mul3A_19 = vector.broadcast %mul3A_18 : f32 to vector<1280x48xf32>
    %mul3A_20 = arith.mulf %mul3A_19, %mul3A_12 : vector<1280x48xf32>
    %add3A_21 = arith.addf %get3A_17, %mul3A_20 : vector<1280x48xf32>
    %swap3A_22 = arith.constant 0 : index
    %swap3A_23 = arith.constant 0 : index
    %swap3A_24 = vector.load %arg6[%swap3A_22, %swap3A_23] : memref<1280x48xf32, #tpu.memory_space<vmem>>, vector<1280x48xf32>
    tpu.vector_store %arg6[%swap3A_22, %swap3A_23], %add3A_21 {strides = array<i32>} : memref<1280x48xf32, #tpu.memory_space<vmem>>, vector<1280x48xf32>,
    return
  }
  func.func @transform_0(%arg0: i32) -> (i32, i32, i32) {
    %c0_i32 = arith.constant 0 : i32
    %c0_i32_0 = arith.constant 0 : i32
    %c0_i32_1 = arith.constant 0 : i32
    return %c0_i32, %arg0, %c0_i32_0 : i32, i32, i32
  }
  func.func @transform_1(%arg0: i32) -> (i32, i32) {
    %c0_i32 = arith.constant 0 : i32
    %c0_i32_0 = arith.constant 0 : i32
    return %arg0, %c0_i32 : i32, i32
  }
  func.func @transform_2(%arg0: i32) -> (i32, i32) {
    %c0_i32 = arith.constant 0 : i32
    %c0_i32_0 = arith.constant 0 : i32
    return %arg0, %c0_i32 : i32, i32
  }
  func.func @transform_3(%arg0: i32) -> (i32, i32) {
    %c0_i32 = arith.constant 0 : i32
    %c0_i32_0 = arith.constant 0 : i32
    return %arg0, %c0_i32 : i32, i32
  }
  func.func @transform_4(%arg0: i32) -> (i32, i32) {
    %c0_i32 = arith.constant 0 : i32
    %c0_i32_0 = arith.constant 0 : i32
    return %arg0, %c0_i32 : i32, i32
  }
  func.func @transform_5(%arg0: i32) -> (i32, i32) {
    %c0_i32 = arith.constant 0 : i32
    %c0_i32_0 = arith.constant 0 : i32
    return %arg0, %c0_i32 : i32, i32
  }
}

module attributes {stable_mosaic.version = 14 : i64} {
  func.func @_combine_acc_body(%arg0: i32, %arg1: memref<2x1280x48xf32, #tpu.memory_space<vmem>>, %arg2: memref<1280x48xf32, #tpu.memory_space<vmem>>, %arg3: memref<1280x1xf32, #tpu.memory_space<vmem>>, %arg4: memref<1280x48xf32, #tpu.memory_space<vmem>>, %arg5: memref<1280x48xf32, #tpu.memory_space<vmem>>, %arg6: memref<1280x48xf32, #tpu.memory_space<vmem>>) attributes {dimension_semantics = [#tpu.dimension_semantics<arbitrary>], iteration_bounds = array<i64: 8>, scalar_prefetch = 0 : i64, scratch_operands = 0 : i64, tpu.core_type = #tpu.core_type<tc>, window_params = [{transform_indices = @transform_0, window_bounds = array<i64: 2, 1280, 48>}, {transform_indices = @transform_1, window_bounds = array<i64: 1280, 48>}, {transform_indices = @transform_2, window_bounds = array<i64: 1280, 1>}, {transform_indices = @transform_3, window_bounds = array<i64: 1280, 48>}, {transform_indices = @transform_4, window_bounds = array<i64: 1280, 48>}, {transform_indices = @transform_5, window_bounds = array<i64: 1280, 48>}]} {
    %get3A = arith.constant 0 : index
    %get3A_0 = arith.constant 0 : index
    %get3A_1 = arith.constant 0 : index
    %get3A_2 = vector.load %arg1[%get3A, %get3A_0, %get3A_1] : memref<2x1280x48xf32, #tpu.memory_space<vmem>>, vector<2x1280x48xf32>
    %get3A_3 = arith.constant 0 : index
    %get3A_4 = arith.constant 0 : index
    %get3A_5 = vector.load %arg3[%get3A_3, %get3A_4] : memref<1280x1xf32, #tpu.memory_space<vmem>>, vector<1280x1xf32>
    %slice3A = vector.extract_strided_slice %get3A_2 {offsets = [0, 0, 0], sizes = [1, 1280, 48], strides = [1, 1, 1]} : vector<2x1280x48xf32> to vector<1x1280x48xf32>
    %squeeze3A = vector.shape_cast %slice3A : vector<1x1280x48xf32> to vector<1280x48xf32>
    %slice3A_6 = vector.extract_strided_slice %get3A_2 {offsets = [1, 0, 0], sizes = [1, 1280, 48], strides = [1, 1, 1]} : vector<2x1280x48xf32> to vector<1x1280x48xf32>
    %squeeze3A_7 = vector.shape_cast %slice3A_6 : vector<1x1280x48xf32> to vector<1280x48xf32>
    %add3A = arith.addf %squeeze3A, %squeeze3A_7 : vector<1280x48xf32>
    %get3A_8 = arith.constant 0 : index
    %get3A_9 = arith.constant 0 : index
    %get3A_10 = vector.load %arg2[%get3A_8, %get3A_9] : memref<1280x48xf32, #tpu.memory_space<vmem>>, vector<1280x48xf32>
    %add3A_11 = arith.addf %add3A, %get3A_10 : vector<1280x48xf32>
    %mul3A = vector.broadcast %get3A_5 : vector<1280x1xf32> to vector<1280x48xf32>
    %mul3A_12 = arith.mulf %mul3A, %add3A_11 : vector<1280x48xf32>
    %swap3A = arith.constant 0 : index
    %swap3A_13 = arith.constant 0 : index
    %swap3A_14 = vector.load %arg5[%swap3A, %swap3A_13] : memref<1280x48xf32, #tpu.memory_space<vmem>>, vector<1280x48xf32>
    tpu.vector_store %arg5[%swap3A, %swap3A_13], %mul3A_12 {strides = array<i32>} : memref<1280x48xf32, #tpu.memory_space<vmem>>, vector<1280x48xf32>,
    %get3A_15 = arith.constant 0 : index
    %get3A_16 = arith.constant 0 : index
    %get3A_17 = vector.load %arg4[%get3A_15, %get3A_16] : memref<1280x48xf32, #tpu.memory_space<vmem>>, vector<1280x48xf32>
    %mul3A_18 = arith.constant 5.904900e-01 : f32
    %mul3A_19 = vector.broadcast %mul3A_18 : f32 to vector<1280x48xf32>
    %mul3A_20 = arith.mulf %mul3A_19, %mul3A_12 : vector<1280x48xf32>
    %add3A_21 = arith.addf %get3A_17, %mul3A_20 : vector<1280x48xf32>
    %swap3A_22 = arith.constant 0 : index
    %swap3A_23 = arith.constant 0 : index
    %swap3A_24 = vector.load %arg6[%swap3A_22, %swap3A_23] : memref<1280x48xf32, #tpu.memory_space<vmem>>, vector<1280x48xf32>
    tpu.vector_store %arg6[%swap3A_22, %swap3A_23], %add3A_21 {strides = array<i32>} : memref<1280x48xf32, #tpu.memory_space<vmem>>, vector<1280x48xf32>,
    return
  }
  func.func @transform_0(%arg0: i32) -> (i32, i32, i32) {
    %c0_i32 = arith.constant 0 : i32
    %c0_i32_0 = arith.constant 0 : i32
    %c0_i32_1 = arith.constant 0 : i32
    return %c0_i32, %arg0, %c0_i32_0 : i32, i32, i32
  }
  func.func @transform_1(%arg0: i32) -> (i32, i32) {
    %c0_i32 = arith.constant 0 : i32
    %c0_i32_0 = arith.constant 0 : i32
    return %arg0, %c0_i32 : i32, i32
  }
  func.func @transform_2(%arg0: i32) -> (i32, i32) {
    %c0_i32 = arith.constant 0 : i32
    %c0_i32_0 = arith.constant 0 : i32
    return %arg0, %c0_i32 : i32, i32
  }
  func.func @transform_3(%arg0: i32) -> (i32, i32) {
    %c0_i32 = arith.constant 0 : i32
    %c0_i32_0 = arith.constant 0 : i32
    return %arg0, %c0_i32 : i32, i32
  }
  func.func @transform_4(%arg0: i32) -> (i32, i32) {
    %c0_i32 = arith.constant 0 : i32
    %c0_i32_0 = arith.constant 0 : i32
    return %arg0, %c0_i32 : i32, i32
  }
  func.func @transform_5(%arg0: i32) -> (i32, i32) {
    %c0_i32 = arith.constant 0 : i32
    %c0_i32_0 = arith.constant 0 : i32
    return %arg0, %c0_i32 : i32, i32
  }
}

module attributes {stable_mosaic.version = 14 : i64} {
  func.func @_lsm_body(%arg0: i32, %arg1: memref<1280x48xf32, #tpu.memory_space<vmem>>, %arg2: memref<1280x1xf32, #tpu.memory_space<vmem>>, %arg3: memref<1280x48xf32, #tpu.memory_space<vmem>>) attributes {dimension_semantics = [#tpu.dimension_semantics<arbitrary>], iteration_bounds = array<i64: 8>, scalar_prefetch = 0 : i64, scratch_operands = 0 : i64, tpu.core_type = #tpu.core_type<tc>, window_params = [{transform_indices = @transform_0, window_bounds = array<i64: 1280, 48>}, {transform_indices = @transform_1, window_bounds = array<i64: 1280, 1>}, {transform_indices = @transform_2, window_bounds = array<i64: 1280, 48>}]} {
    %get3A = arith.constant 0 : index
    %get3A_0 = arith.constant 0 : index
    %get3A_1 = vector.load %arg2[%get3A, %get3A_0] : memref<1280x1xf32, #tpu.memory_space<vmem>>, vector<1280x1xf32>
    %rsqrt3A = math.rsqrt %get3A_1 : vector<1280x1xf32>
    %get3A_2 = arith.constant 0 : index
    %get3A_3 = arith.constant 0 : index
    %get3A_4 = vector.load %arg1[%get3A_2, %get3A_3] : memref<1280x48xf32, #tpu.memory_space<vmem>>, vector<1280x48xf32>
    %mul3A = vector.broadcast %rsqrt3A : vector<1280x1xf32> to vector<1280x48xf32>
    %mul3A_5 = arith.mulf %mul3A, %get3A_4 : vector<1280x48xf32>
    %iota3A = tpu.iota {dimensions = array<i32: 1>} : vector<1280x48xi32>
    %lt3A = arith.constant 47 : i32
    %lt3A_6 = vector.broadcast %lt3A : i32 to vector<1280x48xi32>
    %lt3A_7 = arith.cmpi slt, %iota3A, %lt3A_6 : vector<1280x48xi32>
    %jit3A = arith.constant -1.000000e+30 : f32
    %broadcast_in_dim3A = vector.broadcast %jit3A : f32 to vector<1280x48xf32>
    %select_n3A = arith.select %lt3A_7, %mul3A_5, %broadcast_in_dim3A : vector<1280x48xi1>, vector<1280x48xf32>
    %reduce_max3A = arith.constant dense<0xFF800000> : vector<1280xf32>
    %reduce_max3A_8 = vector.multi_reduction <maximumf>, %select_n3A, %reduce_max3A [1] : vector<1280x48xf32> to vector<1280xf32>
    %broadcast_in_dim3A_9 = vector.shape_cast %reduce_max3A_8 : vector<1280xf32> to vector<1280x1xf32>
    %sub3A = vector.broadcast %broadcast_in_dim3A_9 : vector<1280x1xf32> to vector<1280x48xf32>
    %sub3A_10 = arith.subf %mul3A_5, %sub3A : vector<1280x48xf32>
    %exp3A = math.exp %sub3A_10 : vector<1280x48xf32>
    %jit3A_11 = arith.constant 0.000000e+00 : f32
    %broadcast_in_dim3A_12 = vector.broadcast %jit3A_11 : f32 to vector<1280x48xf32>
    %select_n3A_13 = arith.select %lt3A_7, %exp3A, %broadcast_in_dim3A_12 : vector<1280x48xi1>, vector<1280x48xf32>
    %sub3A_14 = vector.broadcast %broadcast_in_dim3A_9 : vector<1280x1xf32> to vector<1280x48xf32>
    %sub3A_15 = arith.subf %mul3A_5, %sub3A_14 : vector<1280x48xf32>
    %reduce_sum3A = arith.constant dense<0.000000e+00> : vector<1280xf32>
    %reduce_sum3A_16 = vector.multi_reduction <add>, %select_n3A_13, %reduce_sum3A [1] : vector<1280x48xf32> to vector<1280xf32>
    %broadcast_in_dim3A_17 = vector.shape_cast %reduce_sum3A_16 : vector<1280xf32> to vector<1280x1xf32>
    %log3A = math.log %broadcast_in_dim3A_17 : vector<1280x1xf32>
    %sub3A_18 = vector.broadcast %log3A : vector<1280x1xf32> to vector<1280x48xf32>
    %sub3A_19 = arith.subf %sub3A_15, %sub3A_18 : vector<1280x48xf32>
    %swap3A = arith.constant 0 : index
    %swap3A_20 = arith.constant 0 : index
    %swap3A_21 = vector.load %arg3[%swap3A, %swap3A_20] : memref<1280x48xf32, #tpu.memory_space<vmem>>, vector<1280x48xf32>
    tpu.vector_store %arg3[%swap3A, %swap3A_20], %sub3A_19 {strides = array<i32>} : memref<1280x48xf32, #tpu.memory_space<vmem>>, vector<1280x48xf32>,
    return
  }
  func.func @transform_0(%arg0: i32) -> (i32, i32) {
    %c0_i32 = arith.constant 0 : i32
    %c0_i32_0 = arith.constant 0 : i32
    return %arg0, %c0_i32 : i32, i32
  }
  func.func @transform_1(%arg0: i32) -> (i32, i32) {
    %c0_i32 = arith.constant 0 : i32
    %c0_i32_0 = arith.constant 0 : i32
    return %arg0, %c0_i32 : i32, i32
  }
  func.func @transform_2(%arg0: i32) -> (i32, i32) {
    %c0_i32 = arith.constant 0 : i32
    %c0_i32_0 = arith.constant 0 : i32
    return %arg0, %c0_i32 : i32, i32
  }
}

</mosaic_0001>

<sc_bundles>
// kernel: kernel.26.cloned.1.call-start
scs
__scs_entry_jumppad:
0x0: {  	(pc) =	sbr.rel $0x88, $3  }
0x1: {  	(tag) =	ssettag $0x0;
	lr =	simm.s32 $0x1  }
0x2: {  	[smem:$0x3F9B] =	sst lr;
	_ =	strace $0xD0000000  }
0x3: {  	_ = 	snop  }
0x4: {  	_ = 	snop  }
0x5: {  	_ = 	snop  }
0x6: {  	_ = 	snop  }
0x7: {  	_ = 	snop  }
__scs_overlays_trampoline_lowered:
0x8: {  	[smem:$0x3FAA] =	sst s0  }
0x9: {  	[smem:$0x3FAB] =	sst s1  }
0xa: {  	[smem:$0x3FAC] =	sst s2  }
0xb: {  	[smem:$0x3FAD] =	sst s3  }
0xc: {  	[smem:$0x3FAE] =	sst s4  }
0xd: {  	[smem:$0x3FAF] =	sst s5  }
0xe: {  	[smem:$0x3FB0] =	sst s6  }
0xf: {  	[smem:$0x3FB1] =	sst s7  }
0x10: {  	[smem:$0x3FB2] =	sst s8  }
0x11: {  	[smem:$0x3FB3] =	sst s9;
	s0 =	simm.s32 @!p0 $0x0  }
0x12: {  	s1 =	sld [smem:$0x3F99];
	s0 =	simm.s32 @p0 $0x1  }
0x13: {  	[smem:$0x3FB4] =	sst s0;
	s0 =	simm.s32 @!p1 $0x0  }
0x14: {  	s2 =	sld [smem:$0x3F98];
	s0 =	simm.s32 @p1 $0x1  }
0x15: {  	[smem:$0x3FB5] =	sst s0;
	s0 =	simm.s32 @!p2 $0x0  }
0x16: {  	s3 =	sld [smem:$0x3FDB];
	s0 =	simm.s32 @p2 $0x1  }
0x17: {  	s4 =	simm.s32 $0x1BF5;
	[smem:$0x3FB7] =	sst s0  }
0x18: {  	s0 =	sld [smem:$0x3F9A];
	_ =	swait.ge [sflag:s4], $0x0  }
0x19: {  	s7 =	sld [smem:$0x3F9B]  }
0x1a: {  	s8 =	sadd.s32 $0xFFFFE003, lr  }
0x1b: {  	s9 =	sadd.s32 $0xFFFFFEF7, lr;
	s5 =	simm.s32 $0xFFFFFFFF;
	p2 =	slt.u32 s8, $0xFFFFF086  }
0x1c: {  	p1 =	slt.u32 s9, $0xF7A;
	s5 =	simm.s32 @!p2 $0x0  }
0x1d: {  	s5 =	simm.s32 @p1 $0x1;
	p0 =	seq.s32 s7, s2  }
0x1e: {  	s7 =	smul.u32 @!p0 $0xF7A, s2;
	p2 =	seq.s32 @!p0 s5, $0x0  }
0x1f: {  	s9 =	smul.u32 $0xF7A, s1;
	s8 =	simm.s32 @!p0 $0x1BF5;
	p2 =	por !p2, p0  }
0x20: {  	[sflag:s8] =	ssyncset.s32 @!p0 $0xFFFFF086;
	s6 =	sadd.s32 @!p0 s3, s7;
	s7 =	simm.s32 @!p0 $0x108  }
0x21: {  	s3 =	sadd.s32 s3, s9;
	s6 =	sadd.s32 @!p0 $0x88, s6;
	s7 =	simm.s32 @p2 $0x1082  }
0x22: {  	[simem:s7], [sflag:s8] =	dma.local @!p0 [hbm:s6], $0xF7A  }
0x23: {  	s9 =	sor.u32 $0xD0000000, s2;
	s6 =	simm.s32 $0x108;
	_ =	swait.ge @!p0 [sflag:s8], $0x0  }
0x24: {  	s3 =	sadd.s32 $0x88, s3;
	s6 =	simm.s32 @!p1 $0x1082;
	[sflag:s4] =	ssyncset.s32 $0xFFFFF086  }
0x25: {  	[simem:s6], [sflag:s4] =	dma.local [hbm:s3], $0xF7A  }
0x26: {  	[smem:$0x3F9B] =	sst s1;
	(tag) =	ssettag s2;
	_ =	strace s9  }
0x27: {  	s1 =	sld [smem:$0x3FAB]  }
0x28: {  	s2 =	sld [smem:$0x3FAC]  }
0x29: {  	s4 =	sld [smem:$0x3FAE]  }
0x2a: {  	p0 =	seq.s32 s5, $0x0;
	s5 =	sld [smem:$0x3FAF]  }
0x2b: {  	s6 =	sld [smem:$0x3FB0]  }
0x2c: {  	s7 =	sld [smem:$0x3FB1]  }
0x2d: {  	s3 =	simm.s32 $0x108;
	s8 =	sld [smem:$0x3FB2]  }
0x2e: {  	s3 =	simm.s32 @!p0 $0x1082;
	s9 =	sld [smem:$0x3FB3]  }
0x2f: {  	lr =	sadd.s32 s0, s3;
	s0 =	sld [smem:$0x3FAA]  }
0x30: {  	s3 =	sld [smem:$0x3FAD]  }
0x31: {  	[smem:$0x3FB6] =	sst s10  }
0x32: {  	s10 =	sld [smem:$0x3FB4];
	_ =	sdelay $0x3  }
0x33: {  	p0 =	seq.s32 s10, $0x1;
	s10 =	sld [smem:$0x3FB6];
	_ =	sdelay $0x3  }
0x34: {  	[smem:$0x3FB6] =	sst s10  }
0x35: {  	s10 =	sld [smem:$0x3FB5];
	_ =	sdelay $0x3  }
0x36: {  	p1 =	seq.s32 s10, $0x1;
	s10 =	sld [smem:$0x3FB6];
	_ =	sdelay $0x3  }
0x37: {  	[smem:$0x3FB6] =	sst s10  }
0x38: {  	s10 =	sld [smem:$0x3FB7]  }
0x39: {  	_ = 	snop;
	(pc) =	sbr.ind lr, $3  }
0x3a: {  	_ = 	snop  }
0x3b: {  	_ = 	snop  }
0x3c: {  	p2 =	seq.s32 s10, $0x1;
	s10 =	sld [smem:$0x3FB6]  }
0x3d: {  	_ =	shalt  }
0x3e: {  	_ =	shalt  }
0x3f: {  	_ =	shalt  }
0x40: {  	_ =	shalt  }
0x41: {  	_ =	shalt  }
0x42: {  	_ =	shalt  }
0x43: {  	_ =	shalt  }
0x44: {  	_ =	shalt  }
0x45: {  	_ =	shalt  }
0x46: {  	_ =	shalt  }
0x47: {  	_ =	shalt  }
0x48: {  	_ =	shalt  }
0x49: {  	_ =	shalt  }
0x4a: {  	_ =	shalt  }
0x4b: {  	_ =	shalt  }
0x4c: {  	_ =	shalt  }
0x4d: {  	_ =	shalt  }
0x4e: {  	_ =	shalt  }
0x4f: {  	_ =	shalt  }
0x50: {  	_ =	shalt  }
0x51: {  	_ =	shalt  }
0x52: {  	_ =	shalt  }
0x53: {  	_ =	shalt  }
0x54: {  	_ =	shalt  }
0x55: {  	_ =	shalt  }
0x56: {  	_ =	shalt  }
0x57: {  	_ =	shalt  }
0x58: {  	_ =	shalt  }
0x59: {  	_ =	shalt  }
0x5a: {  	_ =	shalt  }
0x5b: {  	_ =	shalt  }
0x5c: {  	_ =	shalt  }
0x5d: {  	_ =	shalt  }
0x5e: {  	_ =	shalt  }
0x5f: {  	_ =	shalt  }
0x60: {  	_ =	shalt  }
0x61: {  	_ =	shalt  }
0x62: {  	_ =	shalt  }
0x63: {  	_ =	shalt  }
0x64: {  	_ =	shalt  }
0x65: {  	_ =	shalt  }
0x66: {  	_ =	shalt  }
0x67: {  	_ =	shalt  }
0x68: {  	_ =	shalt  }
0x69: {  	_ =	shalt  }
0x6a: {  	_ =	shalt  }
0x6b: {  	_ =	shalt  }
0x6c: {  	_ =	shalt  }
0x6d: {  	_ =	shalt  }
0x6e: {  	_ =	shalt  }
0x6f: {  	_ =	shalt  }
0x70: {  	_ =	shalt  }
0x71: {  	_ =	shalt  }
0x72: {  	_ =	shalt  }
0x73: {  	_ =	shalt  }
0x74: {  	_ =	shalt  }
0x75: {  	_ =	shalt  }
0x76: {  	_ =	shalt  }
0x77: {  	_ =	shalt  }
0x78: {  	_ =	shalt  }
0x79: {  	_ =	shalt  }
0x7a: {  	_ =	shalt  }
0x7b: {  	_ =	shalt  }
0x7c: {  	_ =	shalt  }
0x7d: {  	_ =	shalt  }
0x7e: {  	_ =	shalt  }
0x7f: {  	_ =	shalt  }
0x80: {  	_ =	shalt  }
0x81: {  	_ =	shalt  }
0x82: {  	_ =	shalt  }
0x83: {  	_ =	shalt  }
0x84: {  	_ =	shalt  }
0x85: {  	_ =	shalt  }
0x86: {  	_ =	shalt  }
0x87: {  	_ =	shalt  }
.Lfunc_end0:
.L_simem_size_0:
called_computation_lowered:
.L_overlay_start_0:
0x88: {  	s2 =	sld [smem:$0x3FD9]  }
0x89: {  	s3 =	sld [smem:$0x3FFE];
	_ =	sdelay $0x1  }
0x8a: {  	s1 =	srdreg.scid  }
0x8b: {  	s0 =	sand.u32 $0x1, s1  }
0x8c: {  	s17 =	sshll.u32 s0, $0xA;
	s2 =	sadd.s32 s3, s2  }
0x8d: {  	s2 =	sadd.s32 s2, s17  }
0x8e: {  	[smem:$0x3FC2] =	sst s2  }
0x8f: {  	_ = 	snop  }
0x90: {  	s2 =	sld [smem:$0x3FD0];
	(tm) =	ssettm $0x1  }
0x91: {  	s18 =	sld [smem:$0x3FFB];
	_ =	sdelay $0x3  }
0x92: {  	_ =	strace s18  }
0x93: {  	s3 =	sld [smem:$0x3FFC];
	_ =	sdelay $0x3  }
0x94: {  	_ =	strace s3  }
0x95: {  	s3 =	sld [smem:$0x3FFD];
	_ =	sdelay $0x3  }
0x96: {  	_ =	strace s3  }
0x97: {  	_ =	strace $0x8FFFFFFF  }
0x98: {  	s19 =	sld [smem:$0x3FDB];
	_ =	sdelay $0x1  }
0x99: {  	s4 =	simm.s32 $_scs_section_size  }
0x9a: {  	s5 =	simm.s32 $_size__tile_overlayer_lowered;
	s6 =	simm.s32 $_tile_overlayer_lowered  }
0x9b: {  	s22 =	simm.s32 $0x1BFF;
	s21 =	sshll.u32 s6, $0x1;
	s3 =	sadd.s32 s4, s19  }
0x9c: {  	s7 =	simm.s32 $0x0;
	s20 =	sshll.u32 s5, $0x1;
	s5 =	sadd.s32 s21, s3  }
0x9d: {  	[timem:s7], [sflag:s22] =	dma.local [hbm:s5], s20  }
0x9e: {  	_ =	swait.ge [sflag:s22], s20  }
0x9f: {  	s4 =	ssub.s32 $0x0, s20;
	[sflag:s22] =	ssyncset.done $0x0  }
0xa0: {  	[sflag:s22] =	ssyncadd.s32 s4;
	_ =	sdelay $0x1  }
0xa1: {  	s23 =	simm.s32 $0x1B8B  }
0xa2: {  	_ =	swait.ge [sflag:s23], $0x1  }
0xa3: {  	[sflag:s23] =	ssyncset.done $0x0  }
0xa4: {  	s25 =	simm.s32 $0x1B8E;
	s24 =	sld [smem:$0x3FFE];
	[sflag:s23] =	ssyncadd.s32 $0xFFFFFFFF  }
0xa5: {  	s26 =	simm.s32 $execute0_lowered;
	[smem:$0x3FD2] =	sst s25  }
0xa6: {  	s5 =	sshll.u32 s26, $0x1;
	_ =	strace $0x80000046;
	[dreg:$0x1] =	wrdreg $0xFFFFFFFF  }
0xa7: {  	s28 =	simm.s32 $_size_execute0_lowered;
	s3 =	sadd.s32 s3, s5;
	[dreg:$0x0] =	wrdreg $0x0  }
0xa8: {  	s5 =	sshll.u32 s28, $0x1;
	[dreg:$0x2] =	wrdreg s3  }
0xa9: {  	[dreg:$0x3] =	wrdreg s5  }
0xaa: {  	[dreg:$0x4] =	wrdreg $0xC0  }
0xab: {  	_ =	task [dreg:s7], $0x5FFFF  }
0xac: {  	[dreg:$0x1] =	wrdreg $0xFFFFFFFF  }
0xad: {  	[dreg:$0x0] =	wrdreg $0x60  }
0xae: {  	[dreg:$0x2] =	wrdreg s2  }
0xaf: {  	[dreg:$0x3] =	wrdreg s24  }
0xb0: {  	[dreg:$0x4] =	wrdreg $0x0  }
0xb1: {  	[dreg:$0x5] =	wrdreg $0x9  }
0xb2: {  	_ =	task.clear_ibuf [dreg:s7], $0x6FFFF;
	_ =	strace $0x90000046  }
0xb3: {  	s29 =	simm.s32 $0x9;
	_ =	strace $0x80000048  }
0xb4: {  	_ =	swait.ge [sflag:s29], $0x1  }
0xb5: {  	[sflag:s29] =	ssyncadd.s32 $0xFFFFFFFF  }
0xb6: {  	_ =	strace $0x90000048  }
0xb7: {  	_ =	sfence  }
0xb8: {  	s30 =	sld [smem:$0x0];
	_ =	sdelay $0x2  }
0xb9: {  	s31 =	sshll.u32 s1, $0xD;
	s1 =	sshrl.u32 s1, $0x2  }
0xba: {  	s3 =	sand.u32 $0x4000, s31;
	s1 =	sadd.s32 s1, s30  }
0xbb: {  	s0 =	sor.u32 s3, s0;
	s1 =	sshll.u32 s1, $0x11  }
0xbc: {  	s0 =	sor.u32 s1, s0  }
0xbd: {  	s0 =	sadd.s32 $0x8F2B, s0  }
0xbe: {  	[sflag:s0] =	ssyncadd.remote.s32 $0x1  }
0xbf: {  	_ =	sfence.sel $0xFFFF  }
0xc0: {  	[dreg:$0x0] =	wrdreg $0xFFFFFFFF;
	(pc) =	sbr.abs _section_cstart, $3  }
0xc1: {  	[dreg:$0x1] =	wrdreg $0xFFFFFFFF  }
0xc2: {  	_ =	task.clear_ibuf [dreg:s7], $0x2FFFF;
	_ =	strace $0x9FFFFFFF  }
0xc3: {  	(tm) =	ssettm $0x7FFFFFFF  }
tec
execute0_lowered:
.L_overlay_start_1:
0x0: {  	(tag) =	ssettag $0x1  }
0x1: {  	s7 =	rddreg [dreg:$0x0]  }
0x2: {  	s6 =	rddreg [dreg:$0x1];
	s1 =	srdreg.scid  }
0x3: {  	s0 =	stileid.u32;
	s2 =	rddreg [dreg:$0x2]  }
0x4: {  	s3 =	simm.s32 $0x0;
	s14 =	simm.s32 $0x80;
	s15 =	simm.s32 $0x0  }
0x5: {  	s8 =	sand.u32 $0x1, s1;
	s9 =	smul.u32 $0x2800, s0;
	s1 =	rddreg [dreg:$0x3]  }
0x6: {  	[smem:$0x7FF] =	sst s3;
	s4 =	sadd.s32 $0x4C00, s6;
	s12 =	sshll.u32 s0, $0x6  }
0x7: {  	s5 =	smul.u32 $0x28000, s8;
	s11 =	sshll.u32 s8, $0x4;
	s29 =	ssub.s32 $0x2, s8  }
0x8: {  	_ =	strace $0x80000047;
	s30 =	sor.u32 s0, s11;
	s31 =	sshrl.u32 s29, $0x1  }
0x9: {  	s13 =	sadd.s32 s9, s2;
	s10 =	sadd.s32 s9, s5;
	s5 =	sadd.s32 $0x4A00, s6  }
0xa: {  	s8 =	smul.u32 $0x500, s30;
	s11 =	ssub.s32 s29, s31;
	s10 =	sshrl.u32 s10, $0x3  }
0xb: {  	s9 =	smax.u32 s11, $0x1;
	s11 =	simm.s32 $0x1;
	s10 =	sadd.s32 s10, s6  }
0xc: {  	s6 =	sor.u32 $0x1C01, s12;
	s7 =	sadd.s32 s7, s8;
	s12 =	simm.s32 $0x5000  }
0xd: {  	s8 =	sadd.s32 $0x5200, s10;
	s10 =	sshrl.u32 s13, $0x3;
	s13 =	simm.s32 $0x2800  }
.LBB2_1:
0xe: {  	[spmem:s10], [sflag:s6] =	dma.local [hbm:s4], $0x500  }
0xf: {  	_ =	swait.ge [sflag:s11], $0x500  }
0x10: {  	[sflag:s11] =	ssyncset.done $0x0  }
0x11: {  	[sflag:s11] =	ssyncadd.s32 $0xFFFFFB00  }
0x12: {  	[tilespmem:s12], [sflag:$0x1] =	stream.linear.gather [hbm4b:s5+s3], $0x800, $0x38;
	[tilespmem:$0x5800] =	vst v63  }
0x13: {  	_ =	swait.ge [sflag:s11], $0x800  }
0x14: {  	[sflag:s11] =	ssyncset.done $0x0  }
0x15: {  	[sflag:s11] =	ssyncadd.s32 $0xFFFFF800  }
0x16: {  	[tilespmem:s13], [sflag:$0x1] =	stream.linear.gather [hbm4b:s7+s3], $0x2800, $0x38;
	[tilespmem:$0x5800] =	vst v63  }
0x17: {  	_ =	swait.ge [sflag:s11], $0x2800  }
0x18: {  	[sflag:s11] =	ssyncset.done $0x0  }
0x19: {  	[sflag:s11] =	ssyncadd.s32 $0xFFFFD800  }
0x1a: {  	s16 =	simm.s32 $0x2800;
	[bflag:$0x0] =	sbarrier.arrive $0xFFFF  }
0x1b: {  	[spmem:s2] =	stream.indirect.scatter.add.f32 [tilespmem:s12], [sflag:$0x1], $0x10, s16, s14, $0xb8;
	[tilespmem:$0x5800] =	vst v63  }
0x1c: {  	s16 =	simm.s32 $0x200;
	_ =	swait.ge [sflag:s11], $0x800  }
.LBB2_2:
0x1d: {  	s17 =	sshra.s32 s16, $0x2;
	[sflag:s11] =	ssyncset.done $0x0;
	p0 =	sne.s32 s16, $0x9E00  }
.Ltmp0:
0x1e: {  	s17 =	sadd.s32 $0x2800, s17;
	[sflag:s11] =	ssyncadd.s32 $0xFFFFF800;
	(pc) =	sbr.rel @p0 .LBB2_2-.Ltmp0, $3  }
0x1f: {  	[spmem:s2] =	stream.indirect.scatter.add.f32 [tilespmem:s12], [sflag:$0x1], $0x10, s17, s14, $0xb8;
	[tilespmem:$0x5800] =	vst v63  }
0x20: {  	s16 =	sadd.s32 $0x200, s16;
	_ =	sdelay $0x1  }
0x21: {  	_ =	swait.ge [sflag:s11], $0x800  }
0x22: {  	[sflag:s11] =	ssyncset.done $0x0;
	s15 =	sadd.s32 $0x1, s15  }
0x23: {  	[sflag:s11] =	ssyncadd.s32 $0xFFFFF800;
	p0 =	sne.s32 s15, s9  }
.Ltmp1:
0x24: {  	[bflag:$0x0] =	sbarrier.arrive $0xFFFF;
	(pc) =	sbr.rel @p0 .LBB2_1-.Ltmp1, $4  }
0x25: {  	[hbm:s8], [sflag:s6] =	dma.local [spmem:s10], $0x500  }
0x26: {  	_ =	swait.ge [sflag:s11], $0x500  }
0x27: {  	[sflag:s11] =	ssyncset.done $0x0  }
0x28: {  	[sflag:s11] =	ssyncadd.s32 $0xFFFFFB00  }
0x29: {  	_ =	sfence.sel $0x180000  }
0x2a: {  	[bflag:$0x0] =	sbarrier.arrive $0xFFFF  }
0x2b: {  	p0 =	sne.s32 s0, $0x0;
	_ =	strace $0x90000047  }
0x2c: {  	s0 =	sadd.s32 @!p0 $0x100000, s1;
	[bflag:$0x2] =	sbarrier.arrive $0xFFFF  }
0x2d: {  	[sflag:s0] =	ssyncadd.tile.s32 @!p0 $0x1;
	_ =	shalt  }
.Lfunc_end2:
_tile_overlayer_lowered:
.L_overlay_start_2:
0x2e: {  	(tag) =	ssettag $0x2  }
0x2f: {  	s0 =	rddreg [dreg:$0x0];
	s2 =	stileid.u32  }
0x30: {  	s1 =	rddreg [dreg:$0x1];
	p0 =	sne.s32 s2, $0x0  }
0x31: {  	s3 =	rddreg [dreg:$0x2];
	[bflag:$0x3] =	sbarrier.arrive $0xFFFF;
	s2 =	simm.s32 @!p0 $0x1C01  }
0x32: {  	[timem:s3], [sflag:s2] =	dma.local @!p0 [hbm:s0], s1  }
0x33: {  	s0 =	simm.s32 @!p0 $0x1  }
0x34: {  	_ =	swait.ge @!p0 [sflag:s0], s1  }
0x35: {  	s1 =	ssub.s32 @!p0 $0x0, s1;
	[sflag:s0] =	ssyncset.done @!p0 $0x0  }
0x36: {  	[sflag:s0] =	ssyncadd.s32 @!p0 s1  }
0x37: {  	[bflag:$0x3] =	sbarrier.arrive $0xFFFF  }
0x38: {  	_ =	shalt  }

// kernel: kernel.29.cloned.1.call-start
scs
__scs_entry_jumppad:
0x0: {  	(pc) =	sbr.rel $0x88, $3  }
0x1: {  	(tag) =	ssettag $0x0;
	lr =	simm.s32 $0x1  }
0x2: {  	[smem:$0x3F9B] =	sst lr;
	_ =	strace $0xD0000000  }
0x3: {  	_ = 	snop  }
0x4: {  	_ = 	snop  }
0x5: {  	_ = 	snop  }
0x6: {  	_ = 	snop  }
0x7: {  	_ = 	snop  }
__scs_overlays_trampoline_lowered:
0x8: {  	[smem:$0x3FAA] =	sst s0  }
0x9: {  	[smem:$0x3FAB] =	sst s1  }
0xa: {  	[smem:$0x3FAC] =	sst s2  }
0xb: {  	[smem:$0x3FAD] =	sst s3  }
0xc: {  	[smem:$0x3FAE] =	sst s4  }
0xd: {  	[smem:$0x3FAF] =	sst s5  }
0xe: {  	[smem:$0x3FB0] =	sst s6  }
0xf: {  	[smem:$0x3FB1] =	sst s7  }
0x10: {  	[smem:$0x3FB2] =	sst s8  }
0x11: {  	[smem:$0x3FB3] =	sst s9;
	s0 =	simm.s32 @!p0 $0x0  }
0x12: {  	s1 =	sld [smem:$0x3F99];
	s0 =	simm.s32 @p0 $0x1  }
0x13: {  	[smem:$0x3FB4] =	sst s0;
	s0 =	simm.s32 @!p1 $0x0  }
0x14: {  	s2 =	sld [smem:$0x3F98];
	s0 =	simm.s32 @p1 $0x1  }
0x15: {  	[smem:$0x3FB5] =	sst s0;
	s0 =	simm.s32 @!p2 $0x0  }
0x16: {  	s3 =	sld [smem:$0x3FDB];
	s0 =	simm.s32 @p2 $0x1  }
0x17: {  	s4 =	simm.s32 $0x1BF5;
	[smem:$0x3FB7] =	sst s0  }
0x18: {  	s0 =	sld [smem:$0x3F9A];
	_ =	swait.ge [sflag:s4], $0x0  }
0x19: {  	s7 =	sld [smem:$0x3F9B]  }
0x1a: {  	s8 =	sadd.s32 $0xFFFFE003, lr  }
0x1b: {  	s9 =	sadd.s32 $0xFFFFFEF7, lr;
	s5 =	simm.s32 $0xFFFFFFFF;
	p2 =	slt.u32 s8, $0xFFFFF086  }
0x1c: {  	p1 =	slt.u32 s9, $0xF7A;
	s5 =	simm.s32 @!p2 $0x0  }
0x1d: {  	s5 =	simm.s32 @p1 $0x1;
	p0 =	seq.s32 s7, s2  }
0x1e: {  	s7 =	smul.u32 @!p0 $0xF7A, s2;
	p2 =	seq.s32 @!p0 s5, $0x0  }
0x1f: {  	s9 =	smul.u32 $0xF7A, s1;
	s8 =	simm.s32 @!p0 $0x1BF5;
	p2 =	por !p2, p0  }
0x20: {  	[sflag:s8] =	ssyncset.s32 @!p0 $0xFFFFF086;
	s6 =	sadd.s32 @!p0 s3, s7;
	s7 =	simm.s32 @!p0 $0x108  }
0x21: {  	s3 =	sadd.s32 s3, s9;
	s6 =	sadd.s32 @!p0 $0x88, s6;
	s7 =	simm.s32 @p2 $0x1082  }
0x22: {  	[simem:s7], [sflag:s8] =	dma.local @!p0 [hbm:s6], $0xF7A  }
0x23: {  	s9 =	sor.u32 $0xD0000000, s2;
	s6 =	simm.s32 $0x108;
	_ =	swait.ge @!p0 [sflag:s8], $0x0  }
0x24: {  	s3 =	sadd.s32 $0x88, s3;
	s6 =	simm.s32 @!p1 $0x1082;
	[sflag:s4] =	ssyncset.s32 $0xFFFFF086  }
0x25: {  	[simem:s6], [sflag:s4] =	dma.local [hbm:s3], $0xF7A  }
0x26: {  	[smem:$0x3F9B] =	sst s1;
	(tag) =	ssettag s2;
	_ =	strace s9  }
0x27: {  	s1 =	sld [smem:$0x3FAB]  }
0x28: {  	s2 =	sld [smem:$0x3FAC]  }
0x29: {  	s4 =	sld [smem:$0x3FAE]  }
0x2a: {  	p0 =	seq.s32 s5, $0x0;
	s5 =	sld [smem:$0x3FAF]  }
0x2b: {  	s6 =	sld [smem:$0x3FB0]  }
0x2c: {  	s7 =	sld [smem:$0x3FB1]  }
0x2d: {  	s3 =	simm.s32 $0x108;
	s8 =	sld [smem:$0x3FB2]  }
0x2e: {  	s3 =	simm.s32 @!p0 $0x1082;
	s9 =	sld [smem:$0x3FB3]  }
0x2f: {  	lr =	sadd.s32 s0, s3;
	s0 =	sld [smem:$0x3FAA]  }
0x30: {  	s3 =	sld [smem:$0x3FAD]  }
0x31: {  	[smem:$0x3FB6] =	sst s10  }
0x32: {  	s10 =	sld [smem:$0x3FB4];
	_ =	sdelay $0x3  }
0x33: {  	p0 =	seq.s32 s10, $0x1;
	s10 =	sld [smem:$0x3FB6];
	_ =	sdelay $0x3  }
0x34: {  	[smem:$0x3FB6] =	sst s10  }
0x35: {  	s10 =	sld [smem:$0x3FB5];
	_ =	sdelay $0x3  }
0x36: {  	p1 =	seq.s32 s10, $0x1;
	s10 =	sld [smem:$0x3FB6];
	_ =	sdelay $0x3  }
0x37: {  	[smem:$0x3FB6] =	sst s10  }
0x38: {  	s10 =	sld [smem:$0x3FB7]  }
0x39: {  	_ = 	snop;
	(pc) =	sbr.ind lr, $3  }
0x3a: {  	_ = 	snop  }
0x3b: {  	_ = 	snop  }
0x3c: {  	p2 =	seq.s32 s10, $0x1;
	s10 =	sld [smem:$0x3FB6]  }
0x3d: {  	_ =	shalt  }
0x3e: {  	_ =	shalt  }
0x3f: {  	_ =	shalt  }
0x40: {  	_ =	shalt  }
0x41: {  	_ =	shalt  }
0x42: {  	_ =	shalt  }
0x43: {  	_ =	shalt  }
0x44: {  	_ =	shalt  }
0x45: {  	_ =	shalt  }
0x46: {  	_ =	shalt  }
0x47: {  	_ =	shalt  }
0x48: {  	_ =	shalt  }
0x49: {  	_ =	shalt  }
0x4a: {  	_ =	shalt  }
0x4b: {  	_ =	shalt  }
0x4c: {  	_ =	shalt  }
0x4d: {  	_ =	shalt  }
0x4e: {  	_ =	shalt  }
0x4f: {  	_ =	shalt  }
0x50: {  	_ =	shalt  }
0x51: {  	_ =	shalt  }
0x52: {  	_ =	shalt  }
0x53: {  	_ =	shalt  }
0x54: {  	_ =	shalt  }
0x55: {  	_ =	shalt  }
0x56: {  	_ =	shalt  }
0x57: {  	_ =	shalt  }
0x58: {  	_ =	shalt  }
0x59: {  	_ =	shalt  }
0x5a: {  	_ =	shalt  }
0x5b: {  	_ =	shalt  }
0x5c: {  	_ =	shalt  }
0x5d: {  	_ =	shalt  }
0x5e: {  	_ =	shalt  }
0x5f: {  	_ =	shalt  }
0x60: {  	_ =	shalt  }
0x61: {  	_ =	shalt  }
0x62: {  	_ =	shalt  }
0x63: {  	_ =	shalt  }
0x64: {  	_ =	shalt  }
0x65: {  	_ =	shalt  }
0x66: {  	_ =	shalt  }
0x67: {  	_ =	shalt  }
0x68: {  	_ =	shalt  }
0x69: {  	_ =	shalt  }
0x6a: {  	_ =	shalt  }
0x6b: {  	_ =	shalt  }
0x6c: {  	_ =	shalt  }
0x6d: {  	_ =	shalt  }
0x6e: {  	_ =	shalt  }
0x6f: {  	_ =	shalt  }
0x70: {  	_ =	shalt  }
0x71: {  	_ =	shalt  }
0x72: {  	_ =	shalt  }
0x73: {  	_ =	shalt  }
0x74: {  	_ =	shalt  }
0x75: {  	_ =	shalt  }
0x76: {  	_ =	shalt  }
0x77: {  	_ =	shalt  }
0x78: {  	_ =	shalt  }
0x79: {  	_ =	shalt  }
0x7a: {  	_ =	shalt  }
0x7b: {  	_ =	shalt  }
0x7c: {  	_ =	shalt  }
0x7d: {  	_ =	shalt  }
0x7e: {  	_ =	shalt  }
0x7f: {  	_ =	shalt  }
0x80: {  	_ =	shalt  }
0x81: {  	_ =	shalt  }
0x82: {  	_ =	shalt  }
0x83: {  	_ =	shalt  }
0x84: {  	_ =	shalt  }
0x85: {  	_ =	shalt  }
0x86: {  	_ =	shalt  }
0x87: {  	_ =	shalt  }
.Lfunc_end0:
.L_simem_size_0:
called_computation.1_lowered:
.L_overlay_start_0:
0x88: {  	s2 =	sld [smem:$0x3FD9]  }
0x89: {  	s3 =	sld [smem:$0x3FFE];
	_ =	sdelay $0x1  }
0x8a: {  	s1 =	srdreg.scid  }
0x8b: {  	s0 =	sand.u32 $0x1, s1  }
0x8c: {  	s17 =	sshll.u32 s0, $0xA;
	s2 =	sadd.s32 s3, s2  }
0x8d: {  	s2 =	sadd.s32 s2, s17  }
0x8e: {  	[smem:$0x3FC2] =	sst s2  }
0x8f: {  	_ = 	snop  }
0x90: {  	s2 =	sld [smem:$0x3FD0];
	(tm) =	ssettm $0x1  }
0x91: {  	s18 =	sld [smem:$0x3FFB];
	_ =	sdelay $0x3  }
0x92: {  	_ =	strace s18  }
0x93: {  	s3 =	sld [smem:$0x3FFC];
	_ =	sdelay $0x3  }
0x94: {  	_ =	strace s3  }
0x95: {  	s3 =	sld [smem:$0x3FFD];
	_ =	sdelay $0x3  }
0x96: {  	_ =	strace s3  }
0x97: {  	_ =	strace $0x8FFFFFFF  }
0x98: {  	s19 =	sld [smem:$0x3FDB];
	_ =	sdelay $0x1  }
0x99: {  	s4 =	simm.s32 $_scs_section_size  }
0x9a: {  	s5 =	simm.s32 $_size__tile_overlayer_lowered;
	s6 =	simm.s32 $_tile_overlayer_lowered  }
0x9b: {  	s22 =	simm.s32 $0x1BFF;
	s21 =	sshll.u32 s6, $0x1;
	s3 =	sadd.s32 s4, s19  }
0x9c: {  	s7 =	simm.s32 $0x0;
	s20 =	sshll.u32 s5, $0x1;
	s5 =	sadd.s32 s21, s3  }
0x9d: {  	[timem:s7], [sflag:s22] =	dma.local [hbm:s5], s20  }
0x9e: {  	_ =	swait.ge [sflag:s22], s20  }
0x9f: {  	s4 =	ssub.s32 $0x0, s20;
	[sflag:s22] =	ssyncset.done $0x0  }
0xa0: {  	[sflag:s22] =	ssyncadd.s32 s4;
	_ =	sdelay $0x1  }
0xa1: {  	s23 =	simm.s32 $0x1B8B  }
0xa2: {  	_ =	swait.ge [sflag:s23], $0x1  }
0xa3: {  	[sflag:s23] =	ssyncset.done $0x0  }
0xa4: {  	s25 =	simm.s32 $0x1B8E;
	s24 =	sld [smem:$0x3FFE];
	[sflag:s23] =	ssyncadd.s32 $0xFFFFFFFF  }
0xa5: {  	s26 =	simm.s32 $execute0_lowered;
	[smem:$0x3FD2] =	sst s25  }
0xa6: {  	s5 =	sshll.u32 s26, $0x1;
	_ =	strace $0x80000049;
	[dreg:$0x1] =	wrdreg $0xFFFFFFFF  }
0xa7: {  	s28 =	simm.s32 $_size_execute0_lowered;
	s3 =	sadd.s32 s3, s5;
	[dreg:$0x0] =	wrdreg $0x0  }
0xa8: {  	s5 =	sshll.u32 s28, $0x1;
	[dreg:$0x2] =	wrdreg s3  }
0xa9: {  	[dreg:$0x3] =	wrdreg s5  }
0xaa: {  	[dreg:$0x4] =	wrdreg $0xC0  }
0xab: {  	_ =	task [dreg:s7], $0x5FFFF  }
0xac: {  	[dreg:$0x1] =	wrdreg $0xFFFFFFFF  }
0xad: {  	[dreg:$0x0] =	wrdreg $0x60  }
0xae: {  	[dreg:$0x2] =	wrdreg s24  }
0xaf: {  	[dreg:$0x3] =	wrdreg s2  }
0xb0: {  	[dreg:$0x4] =	wrdreg $0x0  }
0xb1: {  	[dreg:$0x5] =	wrdreg $0x9  }
0xb2: {  	_ =	task.clear_ibuf [dreg:s7], $0x6FFFF;
	_ =	strace $0x90000049  }
0xb3: {  	s29 =	simm.s32 $0x9;
	_ =	strace $0x8000004B  }
0xb4: {  	_ =	swait.ge [sflag:s29], $0x1  }
0xb5: {  	[sflag:s29] =	ssyncadd.s32 $0xFFFFFFFF  }
0xb6: {  	_ =	strace $0x9000004B  }
0xb7: {  	_ =	sfence  }
0xb8: {  	s30 =	sld [smem:$0x0];
	_ =	sdelay $0x2  }
0xb9: {  	s31 =	sshll.u32 s1, $0xD;
	s1 =	sshrl.u32 s1, $0x2  }
0xba: {  	s3 =	sand.u32 $0x4000, s31;
	s1 =	sadd.s32 s1, s30  }
0xbb: {  	s0 =	sor.u32 s3, s0;
	s1 =	sshll.u32 s1, $0x11  }
0xbc: {  	s0 =	sor.u32 s1, s0  }
0xbd: {  	s0 =	sadd.s32 $0x8F2B, s0  }
0xbe: {  	[sflag:s0] =	ssyncadd.remote.s32 $0x1  }
0xbf: {  	_ =	sfence.sel $0xFFFF  }
0xc0: {  	[dreg:$0x0] =	wrdreg $0xFFFFFFFF;
	(pc) =	sbr.abs _section_cstart, $3  }
0xc1: {  	[dreg:$0x1] =	wrdreg $0xFFFFFFFF  }
0xc2: {  	_ =	task.clear_ibuf [dreg:s7], $0x2FFFF;
	_ =	strace $0x9FFFFFFF  }
0xc3: {  	(tm) =	ssettm $0x7FFFFFFF  }
tec
execute0_lowered:
.L_overlay_start_1:
0x0: {  	(tag) =	ssettag $0x1  }
0x1: {  	s7 =	rddreg [dreg:$0x0]  }
0x2: {  	s0 =	srdreg.scid;
	s8 =	rddreg [dreg:$0x1]  }
0x3: {  	s2 =	rddreg [dreg:$0x2];
	s3 =	simm.s32 $0x0;
	s16 =	simm.s32 $0xC800  }
0x4: {  	s17 =	simm.s32 $0x1;
	s6 =	sand.u32 $0x1, s0;
	s0 =	stileid.u32  }
0x5: {  	s18 =	simm.s32 $0x0;
	[smem:$0x7FF] =	sst s3;
	s10 =	smul.u32 $0x7800, s0  }
0x6: {  	s4 =	sadd.s32 $0x41200, s7;
	s1 =	sshll.u32 s6, $0x4;
	s5 =	smul.u32 $0x78000, s6  }
0x7: {  	s6 =	ssub.s32 $0x2, s6;
	s13 =	sshll.u32 s0, $0x6;
	s1 =	sor.u32 s0, s1  }
0x8: {  	s31 =	sshrl.u32 s6, $0x1;
	s9 =	smul.u32 $0x500, s1;
	s1 =	rddreg [dreg:$0x3]  }
0x9: {  	_ =	strace $0x8000004A;
	s12 =	sadd.s32 s10, s5;
	s5 =	sadd.s32 $0x4A00, s7  }
0xa: {  	s14 =	ssub.s32 s6, s31;
	s15 =	sadd.s32 s10, s2;
	s6 =	sor.u32 $0x1C02, s13  }
0xb: {  	s13 =	simm.s32 $0x7800;
	s12 =	sshrl.u32 s12, $0x3;
	s10 =	smax.u32 s14, $0x1  }
0xc: {  	s14 =	simm.s32 $0xA000;
	s11 =	sadd.s32 s9, s7;
	s12 =	sadd.s32 s12, s7  }
0xd: {  	s8 =	sadd.s32 s8, s9;
	s7 =	sadd.s32 $0xF200, s11;
	s9 =	sadd.s32 $0x50200, s12  }
0xe: {  	s11 =	sshrl.u32 s15, $0x3;
	s12 =	simm.s32 $0x2;
	s15 =	simm.s32 $0x80  }
.LBB2_1:
0xf: {  	[spmem:s11], [sflag:s6] =	dma.local [hbm:s5], $0xF00  }
0x10: {  	_ =	swait.ge [sflag:s12], $0xF00  }
0x11: {  	[sflag:s12] =	ssyncset.done $0x0  }
0x12: {  	[sflag:s12] =	ssyncadd.s32 $0xFFFFF100  }
0x13: {  	[tilespmem:s13], [sflag:$0x2] =	stream.linear.gather [hbm4b:s7+s3], $0x2800, $0x38;
	[tilespmem:$0xE000] =	vst v63  }
0x14: {  	_ =	swait.ge [sflag:s12], $0x2800  }
0x15: {  	[sflag:s12] =	ssyncset.done $0x0  }
0x16: {  	[sflag:s12] =	ssyncadd.s32 $0xFFFFD800  }
0x17: {  	[tilespmem:s14], [sflag:$0x2] =	stream.linear.gather [hbm4b:s8+s3], $0x2800, $0x38;
	[tilespmem:$0xE000] =	vst v63  }
0x18: {  	_ =	swait.ge [sflag:s12], $0x2800  }
0x19: {  	[sflag:s12] =	ssyncset.done $0x0  }
0x1a: {  	[sflag:s12] =	ssyncadd.s32 $0xFFFFD800  }
0x1b: {  	s19 =	simm.s32 $0x7800;
	[bflag:$0x0] =	sbarrier.arrive $0xFFFF  }
0x1c: {  	[tilespmem:s16], [sflag:$0x1] =	stream.indirect.gather [hbm4b:s4+s15], $0x30, s19, s15, $0xb8;
	[tilespmem:$0xE000] =	vst v63  }
0x1d: {  	_ =	swait.ge [sflag:s17], $0x1800  }
0x1e: {  	[sflag:s17] =	ssyncset.done $0x0  }
0x1f: {  	s31 =	simm.s32 $0xA000;
	[sflag:s17] =	ssyncadd.s32 $0xFFFFE800  }
0x20: {  	[spmem:s2] =	stream.indirect.scatter.add.f32 [tilespmem:s16], [sflag:$0x2], $0x30, s31, s15, $0xb8;
	[tilespmem:$0xE000] =	vst v63  }
0x21: {  	_ =	swait.ge [sflag:s12], $0x1800  }
0x22: {  	s20 =	simm.s32 $0x400;
	s19 =	simm.s32 $0x80;
	[sflag:s12] =	ssyncset.done $0x0  }
.LBB2_2:
0x23: {  	s21 =	sadd.s32 $0x7800, s19  }
0x24: {  	[sflag:s12] =	ssyncadd.s32 $0xFFFFE800;
	s22 =	smov.u32 s20;
	s23 =	sadd.s32 $0x200, s20  }
0x25: {  	[tilespmem:s16], [sflag:$0x1] =	stream.indirect.gather [hbm4b:s4+s15], $0x30, s21, s15, $0xb8;
	[tilespmem:$0xE000] =	vst v63  }
0x26: {  	p0 =	sne.s32 s20, $0x9E00;
	_ =	swait.ge [sflag:s17], $0x1800  }
.Ltmp0:
0x27: {  	[sflag:s17] =	ssyncset.done $0x0;
	(pc) =	sbr.rel @p0 .LBB2_2-.Ltmp0, $4  }
0x28: {  	s19 =	sadd.s32 $0xA000, s19;
	[sflag:s17] =	ssyncadd.s32 $0xFFFFE800  }
0x29: {  	[spmem:s2] =	stream.indirect.scatter.add.f32 [tilespmem:s16], [sflag:$0x2], $0x30, s19, s15, $0xb8;
	[tilespmem:$0xE000] =	vst v63  }
0x2a: {  	_ =	swait.ge [sflag:s12], $0x1800  }
0x2b: {  	s20 =	smov.u32 s23;
	s19 =	sshra.s32 s22, $0x2;
	[sflag:s12] =	ssyncset.done $0x0  }
0x2c: {  	s20 =	sadd.s32 $0x7800, s19;
	[sflag:s12] =	ssyncadd.s32 $0xFFFFE800  }
0x2d: {  	[tilespmem:s16], [sflag:$0x1] =	stream.indirect.gather [hbm4b:s4+s15], $0x30, s20, s15, $0xb8;
	[tilespmem:$0xE000] =	vst v63  }
0x2e: {  	_ =	swait.ge [sflag:s17], $0x1800  }
0x2f: {  	[sflag:s17] =	ssyncset.done $0x0  }
0x30: {  	s31 =	sadd.s32 $0xA000, s19;
	[sflag:s17] =	ssyncadd.s32 $0xFFFFE800  }
0x31: {  	[spmem:s2] =	stream.indirect.scatter.add.f32 [tilespmem:s16], [sflag:$0x2], $0x30, s31, s15, $0xb8;
	[tilespmem:$0xE000] =	vst v63  }
0x32: {  	_ =	swait.ge [sflag:s12], $0x1800  }
0x33: {  	s18 =	sadd.s32 $0x1, s18;
	[sflag:s12] =	ssyncset.done $0x0  }
0x34: {  	p0 =	sne.s32 s18, s10;
	[sflag:s12] =	ssyncadd.s32 $0xFFFFE800  }
.Ltmp1:
0x35: {  	[bflag:$0x0] =	sbarrier.arrive $0xFFFF;
	(pc) =	sbr.rel @p0 .LBB2_1-.Ltmp1, $4  }
0x36: {  	[hbm:s9], [sflag:s6] =	dma.local [spmem:s11], $0xF00  }
0x37: {  	_ =	swait.ge [sflag:s12], $0xF00  }
0x38: {  	[sflag:s12] =	ssyncset.done $0x0  }
0x39: {  	[sflag:s12] =	ssyncadd.s32 $0xFFFFF100  }
0x3a: {  	_ =	sfence.sel $0x180000  }
0x3b: {  	[bflag:$0x0] =	sbarrier.arrive $0xFFFF  }
0x3c: {  	p0 =	sne.s32 s0, $0x0;
	_ =	strace $0x9000004A  }
0x3d: {  	s0 =	sadd.s32 @!p0 $0x100000, s1;
	[bflag:$0x2] =	sbarrier.arrive $0xFFFF  }
0x3e: {  	[sflag:s0] =	ssyncadd.tile.s32 @!p0 $0x1;
	_ =	shalt  }
.Lfunc_end2:
_tile_overlayer_lowered:
.L_overlay_start_2:
0x3f: {  	(tag) =	ssettag $0x2  }
0x40: {  	s0 =	rddreg [dreg:$0x0];
	s2 =	stileid.u32  }
0x41: {  	s1 =	rddreg [dreg:$0x1];
	p0 =	sne.s32 s2, $0x0  }
0x42: {  	s3 =	rddreg [dreg:$0x2];
	[bflag:$0x3] =	sbarrier.arrive $0xFFFF;
	s2 =	simm.s32 @!p0 $0x1C02  }
0x43: {  	[timem:s3], [sflag:s2] =	dma.local @!p0 [hbm:s0], s1  }
0x44: {  	s0 =	simm.s32 @!p0 $0x2  }
0x45: {  	_ =	swait.ge @!p0 [sflag:s0], s1  }
0x46: {  	s1 =	ssub.s32 @!p0 $0x0, s1;
	[sflag:s0] =	ssyncset.done @!p0 $0x0  }
0x47: {  	[sflag:s0] =	ssyncadd.s32 @!p0 s1  }
0x48: {  	[bflag:$0x3] =	sbarrier.arrive $0xFFFF  }
0x49: {  	_ =	shalt  }

// kernel: kernel.32.cloned.1.call-start
scs
__scs_entry_jumppad:
0x0: {  	(pc) =	sbr.rel $0x88, $3  }
0x1: {  	(tag) =	ssettag $0x0;
	lr =	simm.s32 $0x1  }
0x2: {  	[smem:$0x3F9B] =	sst lr;
	_ =	strace $0xD0000000  }
0x3: {  	_ = 	snop  }
0x4: {  	_ = 	snop  }
0x5: {  	_ = 	snop  }
0x6: {  	_ = 	snop  }
0x7: {  	_ = 	snop  }
__scs_overlays_trampoline_lowered:
0x8: {  	[smem:$0x3FAA] =	sst s0  }
0x9: {  	[smem:$0x3FAB] =	sst s1  }
0xa: {  	[smem:$0x3FAC] =	sst s2  }
0xb: {  	[smem:$0x3FAD] =	sst s3  }
0xc: {  	[smem:$0x3FAE] =	sst s4  }
0xd: {  	[smem:$0x3FAF] =	sst s5  }
0xe: {  	[smem:$0x3FB0] =	sst s6  }
0xf: {  	[smem:$0x3FB1] =	sst s7  }
0x10: {  	[smem:$0x3FB2] =	sst s8  }
0x11: {  	[smem:$0x3FB3] =	sst s9;
	s0 =	simm.s32 @!p0 $0x0  }
0x12: {  	s1 =	sld [smem:$0x3F99];
	s0 =	simm.s32 @p0 $0x1  }
0x13: {  	[smem:$0x3FB4] =	sst s0;
	s0 =	simm.s32 @!p1 $0x0  }
0x14: {  	s2 =	sld [smem:$0x3F98];
	s0 =	simm.s32 @p1 $0x1  }
0x15: {  	[smem:$0x3FB5] =	sst s0;
	s0 =	simm.s32 @!p2 $0x0  }
0x16: {  	s3 =	sld [smem:$0x3FDB];
	s0 =	simm.s32 @p2 $0x1  }
0x17: {  	s4 =	simm.s32 $0x1BF5;
	[smem:$0x3FB7] =	sst s0  }
0x18: {  	s0 =	sld [smem:$0x3F9A];
	_ =	swait.ge [sflag:s4], $0x0  }
0x19: {  	s7 =	sld [smem:$0x3F9B]  }
0x1a: {  	s8 =	sadd.s32 $0xFFFFE003, lr  }
0x1b: {  	s9 =	sadd.s32 $0xFFFFFEF7, lr;
	s5 =	simm.s32 $0xFFFFFFFF;
	p2 =	slt.u32 s8, $0xFFFFF086  }
0x1c: {  	p1 =	slt.u32 s9, $0xF7A;
	s5 =	simm.s32 @!p2 $0x0  }
0x1d: {  	s5 =	simm.s32 @p1 $0x1;
	p0 =	seq.s32 s7, s2  }
0x1e: {  	s7 =	smul.u32 @!p0 $0xF7A, s2;
	p2 =	seq.s32 @!p0 s5, $0x0  }
0x1f: {  	s9 =	smul.u32 $0xF7A, s1;
	s8 =	simm.s32 @!p0 $0x1BF5;
	p2 =	por !p2, p0  }
0x20: {  	[sflag:s8] =	ssyncset.s32 @!p0 $0xFFFFF086;
	s6 =	sadd.s32 @!p0 s3, s7;
	s7 =	simm.s32 @!p0 $0x108  }
0x21: {  	s3 =	sadd.s32 s3, s9;
	s6 =	sadd.s32 @!p0 $0x88, s6;
	s7 =	simm.s32 @p2 $0x1082  }
0x22: {  	[simem:s7], [sflag:s8] =	dma.local @!p0 [hbm:s6], $0xF7A  }
0x23: {  	s9 =	sor.u32 $0xD0000000, s2;
	s6 =	simm.s32 $0x108;
	_ =	swait.ge @!p0 [sflag:s8], $0x0  }
0x24: {  	s3 =	sadd.s32 $0x88, s3;
	s6 =	simm.s32 @!p1 $0x1082;
	[sflag:s4] =	ssyncset.s32 $0xFFFFF086  }
0x25: {  	[simem:s6], [sflag:s4] =	dma.local [hbm:s3], $0xF7A  }
0x26: {  	[smem:$0x3F9B] =	sst s1;
	(tag) =	ssettag s2;
	_ =	strace s9  }
0x27: {  	s1 =	sld [smem:$0x3FAB]  }
0x28: {  	s2 =	sld [smem:$0x3FAC]  }
0x29: {  	s4 =	sld [smem:$0x3FAE]  }
0x2a: {  	p0 =	seq.s32 s5, $0x0;
	s5 =	sld [smem:$0x3FAF]  }
0x2b: {  	s6 =	sld [smem:$0x3FB0]  }
0x2c: {  	s7 =	sld [smem:$0x3FB1]  }
0x2d: {  	s3 =	simm.s32 $0x108;
	s8 =	sld [smem:$0x3FB2]  }
0x2e: {  	s3 =	simm.s32 @!p0 $0x1082;
	s9 =	sld [smem:$0x3FB3]  }
0x2f: {  	lr =	sadd.s32 s0, s3;
	s0 =	sld [smem:$0x3FAA]  }
0x30: {  	s3 =	sld [smem:$0x3FAD]  }
0x31: {  	[smem:$0x3FB6] =	sst s10  }
0x32: {  	s10 =	sld [smem:$0x3FB4];
	_ =	sdelay $0x3  }
0x33: {  	p0 =	seq.s32 s10, $0x1;
	s10 =	sld [smem:$0x3FB6];
	_ =	sdelay $0x3  }
0x34: {  	[smem:$0x3FB6] =	sst s10  }
0x35: {  	s10 =	sld [smem:$0x3FB5];
	_ =	sdelay $0x3  }
0x36: {  	p1 =	seq.s32 s10, $0x1;
	s10 =	sld [smem:$0x3FB6];
	_ =	sdelay $0x3  }
0x37: {  	[smem:$0x3FB6] =	sst s10  }
0x38: {  	s10 =	sld [smem:$0x3FB7]  }
0x39: {  	_ = 	snop;
	(pc) =	sbr.ind lr, $3  }
0x3a: {  	_ = 	snop  }
0x3b: {  	_ = 	snop  }
0x3c: {  	p2 =	seq.s32 s10, $0x1;
	s10 =	sld [smem:$0x3FB6]  }
0x3d: {  	_ =	shalt  }
0x3e: {  	_ =	shalt  }
0x3f: {  	_ =	shalt  }
0x40: {  	_ =	shalt  }
0x41: {  	_ =	shalt  }
0x42: {  	_ =	shalt  }
0x43: {  	_ =	shalt  }
0x44: {  	_ =	shalt  }
0x45: {  	_ =	shalt  }
0x46: {  	_ =	shalt  }
0x47: {  	_ =	shalt  }
0x48: {  	_ =	shalt  }
0x49: {  	_ =	shalt  }
0x4a: {  	_ =	shalt  }
0x4b: {  	_ =	shalt  }
0x4c: {  	_ =	shalt  }
0x4d: {  	_ =	shalt  }
0x4e: {  	_ =	shalt  }
0x4f: {  	_ =	shalt  }
0x50: {  	_ =	shalt  }
0x51: {  	_ =	shalt  }
0x52: {  	_ =	shalt  }
0x53: {  	_ =	shalt  }
0x54: {  	_ =	shalt  }
0x55: {  	_ =	shalt  }
0x56: {  	_ =	shalt  }
0x57: {  	_ =	shalt  }
0x58: {  	_ =	shalt  }
0x59: {  	_ =	shalt  }
0x5a: {  	_ =	shalt  }
0x5b: {  	_ =	shalt  }
0x5c: {  	_ =	shalt  }
0x5d: {  	_ =	shalt  }
0x5e: {  	_ =	shalt  }
0x5f: {  	_ =	shalt  }
0x60: {  	_ =	shalt  }
0x61: {  	_ =	shalt  }
0x62: {  	_ =	shalt  }
0x63: {  	_ =	shalt  }
0x64: {  	_ =	shalt  }
0x65: {  	_ =	shalt  }
0x66: {  	_ =	shalt  }
0x67: {  	_ =	shalt  }
0x68: {  	_ =	shalt  }
0x69: {  	_ =	shalt  }
0x6a: {  	_ =	shalt  }
0x6b: {  	_ =	shalt  }
0x6c: {  	_ =	shalt  }
0x6d: {  	_ =	shalt  }
0x6e: {  	_ =	shalt  }
0x6f: {  	_ =	shalt  }
0x70: {  	_ =	shalt  }
0x71: {  	_ =	shalt  }
0x72: {  	_ =	shalt  }
0x73: {  	_ =	shalt  }
0x74: {  	_ =	shalt  }
0x75: {  	_ =	shalt  }
0x76: {  	_ =	shalt  }
0x77: {  	_ =	shalt  }
0x78: {  	_ =	shalt  }
0x79: {  	_ =	shalt  }
0x7a: {  	_ =	shalt  }
0x7b: {  	_ =	shalt  }
0x7c: {  	_ =	shalt  }
0x7d: {  	_ =	shalt  }
0x7e: {  	_ =	shalt  }
0x7f: {  	_ =	shalt  }
0x80: {  	_ =	shalt  }
0x81: {  	_ =	shalt  }
0x82: {  	_ =	shalt  }
0x83: {  	_ =	shalt  }
0x84: {  	_ =	shalt  }
0x85: {  	_ =	shalt  }
0x86: {  	_ =	shalt  }
0x87: {  	_ =	shalt  }
.Lfunc_end0:
.L_simem_size_0:
called_computation.2_lowered:
.L_overlay_start_0:
0x88: {  	s2 =	sld [smem:$0x3FD9]  }
0x89: {  	s3 =	sld [smem:$0x3FFE];
	_ =	sdelay $0x1  }
0x8a: {  	s1 =	srdreg.scid  }
0x8b: {  	s0 =	sand.u32 $0x1, s1  }
0x8c: {  	s17 =	sshll.u32 s0, $0xA;
	s2 =	sadd.s32 s3, s2  }
0x8d: {  	s2 =	sadd.s32 s2, s17  }
0x8e: {  	[smem:$0x3FC2] =	sst s2  }
0x8f: {  	_ = 	snop  }
0x90: {  	s2 =	sld [smem:$0x3FD0];
	(tm) =	ssettm $0x1  }
0x91: {  	s18 =	sld [smem:$0x3FFB];
	_ =	sdelay $0x3  }
0x92: {  	_ =	strace s18  }
0x93: {  	s3 =	sld [smem:$0x3FFC];
	_ =	sdelay $0x3  }
0x94: {  	_ =	strace s3  }
0x95: {  	s3 =	sld [smem:$0x3FFD];
	_ =	sdelay $0x3  }
0x96: {  	_ =	strace s3  }
0x97: {  	_ =	strace $0x8FFFFFFF  }
0x98: {  	s19 =	sld [smem:$0x3FDB];
	_ =	sdelay $0x1  }
0x99: {  	s4 =	simm.s32 $_scs_section_size  }
0x9a: {  	s5 =	simm.s32 $_size__tile_overlayer_lowered;
	s6 =	simm.s32 $_tile_overlayer_lowered  }
0x9b: {  	s22 =	simm.s32 $0x1BFF;
	s21 =	sshll.u32 s6, $0x1;
	s3 =	sadd.s32 s4, s19  }
0x9c: {  	s7 =	simm.s32 $0x0;
	s20 =	sshll.u32 s5, $0x1;
	s5 =	sadd.s32 s21, s3  }
0x9d: {  	[timem:s7], [sflag:s22] =	dma.local [hbm:s5], s20  }
0x9e: {  	_ =	swait.ge [sflag:s22], s20  }
0x9f: {  	s4 =	ssub.s32 $0x0, s20;
	[sflag:s22] =	ssyncset.done $0x0  }
0xa0: {  	[sflag:s22] =	ssyncadd.s32 s4;
	_ =	sdelay $0x1  }
0xa1: {  	s23 =	simm.s32 $0x1B8B  }
0xa2: {  	_ =	swait.ge [sflag:s23], $0x1  }
0xa3: {  	[sflag:s23] =	ssyncset.done $0x0  }
0xa4: {  	s25 =	simm.s32 $0x1B8E;
	s24 =	sld [smem:$0x3FFE];
	[sflag:s23] =	ssyncadd.s32 $0xFFFFFFFF  }
0xa5: {  	s26 =	simm.s32 $execute0_lowered;
	[smem:$0x3FD2] =	sst s25  }
0xa6: {  	s5 =	sshll.u32 s26, $0x1;
	_ =	strace $0x8000004C;
	[dreg:$0x1] =	wrdreg $0xFFFFFFFF  }
0xa7: {  	s28 =	simm.s32 $_size_execute0_lowered;
	s3 =	sadd.s32 s3, s5;
	[dreg:$0x0] =	wrdreg $0x0  }
0xa8: {  	s5 =	sshll.u32 s28, $0x1;
	[dreg:$0x2] =	wrdreg s3  }
0xa9: {  	[dreg:$0x3] =	wrdreg s5  }
0xaa: {  	[dreg:$0x4] =	wrdreg $0xC0  }
0xab: {  	_ =	task [dreg:s7], $0x5FFFF  }
0xac: {  	[dreg:$0x1] =	wrdreg $0xFFFFFFFF  }
0xad: {  	[dreg:$0x0] =	wrdreg $0x60  }
0xae: {  	[dreg:$0x2] =	wrdreg s24  }
0xaf: {  	[dreg:$0x3] =	wrdreg s2  }
0xb0: {  	[dreg:$0x4] =	wrdreg $0x0  }
0xb1: {  	[dreg:$0x5] =	wrdreg $0x9  }
0xb2: {  	_ =	task.clear_ibuf [dreg:s7], $0x6FFFF;
	_ =	strace $0x9000004C  }
0xb3: {  	s29 =	simm.s32 $0x9;
	_ =	strace $0x8000004E  }
0xb4: {  	_ =	swait.ge [sflag:s29], $0x1  }
0xb5: {  	[sflag:s29] =	ssyncadd.s32 $0xFFFFFFFF  }
0xb6: {  	_ =	strace $0x9000004E  }
0xb7: {  	_ =	sfence  }
0xb8: {  	s30 =	sld [smem:$0x0];
	_ =	sdelay $0x2  }
0xb9: {  	s31 =	sshll.u32 s1, $0xD;
	s1 =	sshrl.u32 s1, $0x2  }
0xba: {  	s3 =	sand.u32 $0x4000, s31;
	s1 =	sadd.s32 s1, s30  }
0xbb: {  	s0 =	sor.u32 s3, s0;
	s1 =	sshll.u32 s1, $0x11  }
0xbc: {  	s0 =	sor.u32 s1, s0  }
0xbd: {  	s0 =	sadd.s32 $0x8F2B, s0  }
0xbe: {  	[sflag:s0] =	ssyncadd.remote.s32 $0x1  }
0xbf: {  	_ =	sfence.sel $0xFFFF  }
0xc0: {  	[dreg:$0x0] =	wrdreg $0xFFFFFFFF;
	(pc) =	sbr.abs _section_cstart, $3  }
0xc1: {  	[dreg:$0x1] =	wrdreg $0xFFFFFFFF  }
0xc2: {  	_ =	task.clear_ibuf [dreg:s7], $0x2FFFF;
	_ =	strace $0x9FFFFFFF  }
0xc3: {  	(tm) =	ssettm $0x7FFFFFFF  }
tec
execute0_lowered:
.L_overlay_start_1:
0x0: {  	(tag) =	ssettag $0x1  }
0x1: {  	s7 =	rddreg [dreg:$0x0]  }
0x2: {  	s0 =	srdreg.scid;
	s8 =	rddreg [dreg:$0x1]  }
0x3: {  	s2 =	rddreg [dreg:$0x2];
	s3 =	simm.s32 $0x0;
	s16 =	simm.s32 $0xC800  }
0x4: {  	s17 =	simm.s32 $0x1;
	s6 =	sand.u32 $0x1, s0;
	s0 =	stileid.u32  }
0x5: {  	s18 =	simm.s32 $0x0;
	[smem:$0x7FF] =	sst s3;
	s10 =	smul.u32 $0x7800, s0  }
0x6: {  	s4 =	sadd.s32 $0x41200, s7;
	s1 =	sshll.u32 s6, $0x4;
	s5 =	smul.u32 $0x78000, s6  }
0x7: {  	s6 =	ssub.s32 $0x2, s6;
	s13 =	sshll.u32 s0, $0x6;
	s1 =	sor.u32 s0, s1  }
0x8: {  	s31 =	sshrl.u32 s6, $0x1;
	s9 =	smul.u32 $0x500, s1;
	s1 =	rddreg [dreg:$0x3]  }
0x9: {  	_ =	strace $0x8000004D;
	s12 =	sadd.s32 s10, s5;
	s5 =	sadd.s32 $0x4A00, s7  }
0xa: {  	s14 =	ssub.s32 s6, s31;
	s15 =	sadd.s32 s10, s2;
	s6 =	sor.u32 $0x1C02, s13  }
0xb: {  	s13 =	simm.s32 $0x7800;
	s12 =	sshrl.u32 s12, $0x3;
	s10 =	smax.u32 s14, $0x1  }
0xc: {  	s14 =	simm.s32 $0xA000;
	s11 =	sadd.s32 s9, s7;
	s12 =	sadd.s32 s12, s7  }
0xd: {  	s8 =	sadd.s32 s8, s9;
	s7 =	sadd.s32 $0xF200, s11;
	s9 =	sadd.s32 $0x50200, s12  }
0xe: {  	s11 =	sshrl.u32 s15, $0x3;
	s12 =	simm.s32 $0x2;
	s15 =	simm.s32 $0x80  }
.LBB2_1:
0xf: {  	[spmem:s11], [sflag:s6] =	dma.local [hbm:s5], $0xF00  }
0x10: {  	_ =	swait.ge [sflag:s12], $0xF00  }
0x11: {  	[sflag:s12] =	ssyncset.done $0x0  }
0x12: {  	[sflag:s12] =	ssyncadd.s32 $0xFFFFF100  }
0x13: {  	[tilespmem:s13], [sflag:$0x2] =	stream.linear.gather [hbm4b:s7+s3], $0x2800, $0x38;
	[tilespmem:$0xE000] =	vst v63  }
0x14: {  	_ =	swait.ge [sflag:s12], $0x2800  }
0x15: {  	[sflag:s12] =	ssyncset.done $0x0  }
0x16: {  	[sflag:s12] =	ssyncadd.s32 $0xFFFFD800  }
0x17: {  	[tilespmem:s14], [sflag:$0x2] =	stream.linear.gather [hbm4b:s8+s3], $0x2800, $0x38;
	[tilespmem:$0xE000] =	vst v63  }
0x18: {  	_ =	swait.ge [sflag:s12], $0x2800  }
0x19: {  	[sflag:s12] =	ssyncset.done $0x0  }
0x1a: {  	[sflag:s12] =	ssyncadd.s32 $0xFFFFD800  }
0x1b: {  	s19 =	simm.s32 $0x7800;
	[bflag:$0x0] =	sbarrier.arrive $0xFFFF  }
0x1c: {  	[tilespmem:s16], [sflag:$0x1] =	stream.indirect.gather [hbm4b:s4+s15], $0x30, s19, s15, $0xb8;
	[tilespmem:$0xE000] =	vst v63  }
0x1d: {  	_ =	swait.ge [sflag:s17], $0x1800  }
0x1e: {  	[sflag:s17] =	ssyncset.done $0x0  }
0x1f: {  	s31 =	simm.s32 $0xA000;
	[sflag:s17] =	ssyncadd.s32 $0xFFFFE800  }
0x20: {  	[spmem:s2] =	stream.indirect.scatter.add.f32 [tilespmem:s16], [sflag:$0x2], $0x30, s31, s15, $0xb8;
	[tilespmem:$0xE000] =	vst v63  }
0x21: {  	_ =	swait.ge [sflag:s12], $0x1800  }
0x22: {  	s20 =	simm.s32 $0x400;
	s19 =	simm.s32 $0x80;
	[sflag:s12] =	ssyncset.done $0x0  }
.LBB2_2:
0x23: {  	s21 =	sadd.s32 $0x7800, s19  }
0x24: {  	[sflag:s12] =	ssyncadd.s32 $0xFFFFE800;
	s22 =	smov.u32 s20;
	s23 =	sadd.s32 $0x200, s20  }
0x25: {  	[tilespmem:s16], [sflag:$0x1] =	stream.indirect.gather [hbm4b:s4+s15], $0x30, s21, s15, $0xb8;
	[tilespmem:$0xE000] =	vst v63  }
0x26: {  	p0 =	sne.s32 s20, $0x9E00;
	_ =	swait.ge [sflag:s17], $0x1800  }
.Ltmp0:
0x27: {  	[sflag:s17] =	ssyncset.done $0x0;
	(pc) =	sbr.rel @p0 .LBB2_2-.Ltmp0, $4  }
0x28: {  	s19 =	sadd.s32 $0xA000, s19;
	[sflag:s17] =	ssyncadd.s32 $0xFFFFE800  }
0x29: {  	[spmem:s2] =	stream.indirect.scatter.add.f32 [tilespmem:s16], [sflag:$0x2], $0x30, s19, s15, $0xb8;
	[tilespmem:$0xE000] =	vst v63  }
0x2a: {  	_ =	swait.ge [sflag:s12], $0x1800  }
0x2b: {  	s20 =	smov.u32 s23;
	s19 =	sshra.s32 s22, $0x2;
	[sflag:s12] =	ssyncset.done $0x0  }
0x2c: {  	s20 =	sadd.s32 $0x7800, s19;
	[sflag:s12] =	ssyncadd.s32 $0xFFFFE800  }
0x2d: {  	[tilespmem:s16], [sflag:$0x1] =	stream.indirect.gather [hbm4b:s4+s15], $0x30, s20, s15, $0xb8;
	[tilespmem:$0xE000] =	vst v63  }
0x2e: {  	_ =	swait.ge [sflag:s17], $0x1800  }
0x2f: {  	[sflag:s17] =	ssyncset.done $0x0  }
0x30: {  	s31 =	sadd.s32 $0xA000, s19;
	[sflag:s17] =	ssyncadd.s32 $0xFFFFE800  }
0x31: {  	[spmem:s2] =	stream.indirect.scatter.add.f32 [tilespmem:s16], [sflag:$0x2], $0x30, s31, s15, $0xb8;
	[tilespmem:$0xE000] =	vst v63  }
0x32: {  	_ =	swait.ge [sflag:s12], $0x1800  }
0x33: {  	s18 =	sadd.s32 $0x1, s18;
	[sflag:s12] =	ssyncset.done $0x0  }
0x34: {  	p0 =	sne.s32 s18, s10;
	[sflag:s12] =	ssyncadd.s32 $0xFFFFE800  }
.Ltmp1:
0x35: {  	[bflag:$0x0] =	sbarrier.arrive $0xFFFF;
	(pc) =	sbr.rel @p0 .LBB2_1-.Ltmp1, $4  }
0x36: {  	[hbm:s9], [sflag:s6] =	dma.local [spmem:s11], $0xF00  }
0x37: {  	_ =	swait.ge [sflag:s12], $0xF00  }
0x38: {  	[sflag:s12] =	ssyncset.done $0x0  }
0x39: {  	[sflag:s12] =	ssyncadd.s32 $0xFFFFF100  }
0x3a: {  	_ =	sfence.sel $0x180000  }
0x3b: {  	[bflag:$0x0] =	sbarrier.arrive $0xFFFF  }
0x3c: {  	p0 =	sne.s32 s0, $0x0;
	_ =	strace $0x9000004D  }
0x3d: {  	s0 =	sadd.s32 @!p0 $0x100000, s1;
	[bflag:$0x2] =	sbarrier.arrive $0xFFFF  }
0x3e: {  	[sflag:s0] =	ssyncadd.tile.s32 @!p0 $0x1;
	_ =	shalt  }
.Lfunc_end2:
_tile_overlayer_lowered:
.L_overlay_start_2:
0x3f: {  	(tag) =	ssettag $0x2  }
0x40: {  	s0 =	rddreg [dreg:$0x0];
	s2 =	stileid.u32  }
0x41: {  	s1 =	rddreg [dreg:$0x1];
	p0 =	sne.s32 s2, $0x0  }
0x42: {  	s3 =	rddreg [dreg:$0x2];
	[bflag:$0x3] =	sbarrier.arrive $0xFFFF;
	s2 =	simm.s32 @!p0 $0x1C02  }
0x43: {  	[timem:s3], [sflag:s2] =	dma.local @!p0 [hbm:s0], s1  }
0x44: {  	s0 =	simm.s32 @!p0 $0x2  }
0x45: {  	_ =	swait.ge @!p0 [sflag:s0], s1  }
0x46: {  	s1 =	ssub.s32 @!p0 $0x0, s1;
	[sflag:s0] =	ssyncset.done @!p0 $0x0  }
0x47: {  	[sflag:s0] =	ssyncadd.s32 @!p0 s1  }
0x48: {  	[bflag:$0x3] =	sbarrier.arrive $0xFFFF  }
0x49: {  	_ =	shalt  }

// kernel: kernel.35.cloned.1.call-start
scs
__scs_entry_jumppad:
0x0: {  	(pc) =	sbr.rel $0x88, $3  }
0x1: {  	(tag) =	ssettag $0x0;
	lr =	simm.s32 $0x1  }
0x2: {  	[smem:$0x3F9B] =	sst lr;
	_ =	strace $0xD0000000  }
0x3: {  	_ = 	snop  }
0x4: {  	_ = 	snop  }
0x5: {  	_ = 	snop  }
0x6: {  	_ = 	snop  }
0x7: {  	_ = 	snop  }
__scs_overlays_trampoline_lowered:
0x8: {  	[smem:$0x3FAA] =	sst s0  }
0x9: {  	[smem:$0x3FAB] =	sst s1  }
0xa: {  	[smem:$0x3FAC] =	sst s2  }
0xb: {  	[smem:$0x3FAD] =	sst s3  }
0xc: {  	[smem:$0x3FAE] =	sst s4  }
0xd: {  	[smem:$0x3FAF] =	sst s5  }
0xe: {  	[smem:$0x3FB0] =	sst s6  }
0xf: {  	[smem:$0x3FB1] =	sst s7  }
0x10: {  	[smem:$0x3FB2] =	sst s8  }
0x11: {  	[smem:$0x3FB3] =	sst s9;
	s0 =	simm.s32 @!p0 $0x0  }
0x12: {  	s1 =	sld [smem:$0x3F99];
	s0 =	simm.s32 @p0 $0x1  }
0x13: {  	[smem:$0x3FB4] =	sst s0;
	s0 =	simm.s32 @!p1 $0x0  }
0x14: {  	s2 =	sld [smem:$0x3F98];
	s0 =	simm.s32 @p1 $0x1  }
0x15: {  	[smem:$0x3FB5] =	sst s0;
	s0 =	simm.s32 @!p2 $0x0  }
0x16: {  	s3 =	sld [smem:$0x3FDB];
	s0 =	simm.s32 @p2 $0x1  }
0x17: {  	s4 =	simm.s32 $0x1BF5;
	[smem:$0x3FB7] =	sst s0  }
0x18: {  	s0 =	sld [smem:$0x3F9A];
	_ =	swait.ge [sflag:s4], $0x0  }
0x19: {  	s7 =	sld [smem:$0x3F9B]  }
0x1a: {  	s8 =	sadd.s32 $0xFFFFE003, lr  }
0x1b: {  	s9 =	sadd.s32 $0xFFFFFEF7, lr;
	s5 =	simm.s32 $0xFFFFFFFF;
	p2 =	slt.u32 s8, $0xFFFFF086  }
0x1c: {  	p1 =	slt.u32 s9, $0xF7A;
	s5 =	simm.s32 @!p2 $0x0  }
0x1d: {  	s5 =	simm.s32 @p1 $0x1;
	p0 =	seq.s32 s7, s2  }
0x1e: {  	s7 =	smul.u32 @!p0 $0xF7A, s2;
	p2 =	seq.s32 @!p0 s5, $0x0  }
0x1f: {  	s9 =	smul.u32 $0xF7A, s1;
	s8 =	simm.s32 @!p0 $0x1BF5;
	p2 =	por !p2, p0  }
0x20: {  	[sflag:s8] =	ssyncset.s32 @!p0 $0xFFFFF086;
	s6 =	sadd.s32 @!p0 s3, s7;
	s7 =	simm.s32 @!p0 $0x108  }
0x21: {  	s3 =	sadd.s32 s3, s9;
	s6 =	sadd.s32 @!p0 $0x88, s6;
	s7 =	simm.s32 @p2 $0x1082  }
0x22: {  	[simem:s7], [sflag:s8] =	dma.local @!p0 [hbm:s6], $0xF7A  }
0x23: {  	s9 =	sor.u32 $0xD0000000, s2;
	s6 =	simm.s32 $0x108;
	_ =	swait.ge @!p0 [sflag:s8], $0x0  }
0x24: {  	s3 =	sadd.s32 $0x88, s3;
	s6 =	simm.s32 @!p1 $0x1082;
	[sflag:s4] =	ssyncset.s32 $0xFFFFF086  }
0x25: {  	[simem:s6], [sflag:s4] =	dma.local [hbm:s3], $0xF7A  }
0x26: {  	[smem:$0x3F9B] =	sst s1;
	(tag) =	ssettag s2;
	_ =	strace s9  }
0x27: {  	s1 =	sld [smem:$0x3FAB]  }
0x28: {  	s2 =	sld [smem:$0x3FAC]  }
0x29: {  	s4 =	sld [smem:$0x3FAE]  }
0x2a: {  	p0 =	seq.s32 s5, $0x0;
	s5 =	sld [smem:$0x3FAF]  }
0x2b: {  	s6 =	sld [smem:$0x3FB0]  }
0x2c: {  	s7 =	sld [smem:$0x3FB1]  }
0x2d: {  	s3 =	simm.s32 $0x108;
	s8 =	sld [smem:$0x3FB2]  }
0x2e: {  	s3 =	simm.s32 @!p0 $0x1082;
	s9 =	sld [smem:$0x3FB3]  }
0x2f: {  	lr =	sadd.s32 s0, s3;
	s0 =	sld [smem:$0x3FAA]  }
0x30: {  	s3 =	sld [smem:$0x3FAD]  }
0x31: {  	[smem:$0x3FB6] =	sst s10  }
0x32: {  	s10 =	sld [smem:$0x3FB4];
	_ =	sdelay $0x3  }
0x33: {  	p0 =	seq.s32 s10, $0x1;
	s10 =	sld [smem:$0x3FB6];
	_ =	sdelay $0x3  }
0x34: {  	[smem:$0x3FB6] =	sst s10  }
0x35: {  	s10 =	sld [smem:$0x3FB5];
	_ =	sdelay $0x3  }
0x36: {  	p1 =	seq.s32 s10, $0x1;
	s10 =	sld [smem:$0x3FB6];
	_ =	sdelay $0x3  }
0x37: {  	[smem:$0x3FB6] =	sst s10  }
0x38: {  	s10 =	sld [smem:$0x3FB7]  }
0x39: {  	_ = 	snop;
	(pc) =	sbr.ind lr, $3  }
0x3a: {  	_ = 	snop  }
0x3b: {  	_ = 	snop  }
0x3c: {  	p2 =	seq.s32 s10, $0x1;
	s10 =	sld [smem:$0x3FB6]  }
0x3d: {  	_ =	shalt  }
0x3e: {  	_ =	shalt  }
0x3f: {  	_ =	shalt  }
0x40: {  	_ =	shalt  }
0x41: {  	_ =	shalt  }
0x42: {  	_ =	shalt  }
0x43: {  	_ =	shalt  }
0x44: {  	_ =	shalt  }
0x45: {  	_ =	shalt  }
0x46: {  	_ =	shalt  }
0x47: {  	_ =	shalt  }
0x48: {  	_ =	shalt  }
0x49: {  	_ =	shalt  }
0x4a: {  	_ =	shalt  }
0x4b: {  	_ =	shalt  }
0x4c: {  	_ =	shalt  }
0x4d: {  	_ =	shalt  }
0x4e: {  	_ =	shalt  }
0x4f: {  	_ =	shalt  }
0x50: {  	_ =	shalt  }
0x51: {  	_ =	shalt  }
0x52: {  	_ =	shalt  }
0x53: {  	_ =	shalt  }
0x54: {  	_ =	shalt  }
0x55: {  	_ =	shalt  }
0x56: {  	_ =	shalt  }
0x57: {  	_ =	shalt  }
0x58: {  	_ =	shalt  }
0x59: {  	_ =	shalt  }
0x5a: {  	_ =	shalt  }
0x5b: {  	_ =	shalt  }
0x5c: {  	_ =	shalt  }
0x5d: {  	_ =	shalt  }
0x5e: {  	_ =	shalt  }
0x5f: {  	_ =	shalt  }
0x60: {  	_ =	shalt  }
0x61: {  	_ =	shalt  }
0x62: {  	_ =	shalt  }
0x63: {  	_ =	shalt  }
0x64: {  	_ =	shalt  }
0x65: {  	_ =	shalt  }
0x66: {  	_ =	shalt  }
0x67: {  	_ =	shalt  }
0x68: {  	_ =	shalt  }
0x69: {  	_ =	shalt  }
0x6a: {  	_ =	shalt  }
0x6b: {  	_ =	shalt  }
0x6c: {  	_ =	shalt  }
0x6d: {  	_ =	shalt  }
0x6e: {  	_ =	shalt  }
0x6f: {  	_ =	shalt  }
0x70: {  	_ =	shalt  }
0x71: {  	_ =	shalt  }
0x72: {  	_ =	shalt  }
0x73: {  	_ =	shalt  }
0x74: {  	_ =	shalt  }
0x75: {  	_ =	shalt  }
0x76: {  	_ =	shalt  }
0x77: {  	_ =	shalt  }
0x78: {  	_ =	shalt  }
0x79: {  	_ =	shalt  }
0x7a: {  	_ =	shalt  }
0x7b: {  	_ =	shalt  }
0x7c: {  	_ =	shalt  }
0x7d: {  	_ =	shalt  }
0x7e: {  	_ =	shalt  }
0x7f: {  	_ =	shalt  }
0x80: {  	_ =	shalt  }
0x81: {  	_ =	shalt  }
0x82: {  	_ =	shalt  }
0x83: {  	_ =	shalt  }
0x84: {  	_ =	shalt  }
0x85: {  	_ =	shalt  }
0x86: {  	_ =	shalt  }
0x87: {  	_ =	shalt  }
.Lfunc_end0:
.L_simem_size_0:
called_computation.3_lowered:
.L_overlay_start_0:
0x88: {  	s2 =	sld [smem:$0x3FD9]  }
0x89: {  	s3 =	sld [smem:$0x3FFE];
	_ =	sdelay $0x1  }
0x8a: {  	s1 =	srdreg.scid  }
0x8b: {  	s0 =	sand.u32 $0x1, s1  }
0x8c: {  	s17 =	sshll.u32 s0, $0xA;
	s2 =	sadd.s32 s3, s2  }
0x8d: {  	s2 =	sadd.s32 s2, s17  }
0x8e: {  	[smem:$0x3FC2] =	sst s2  }
0x8f: {  	_ = 	snop  }
0x90: {  	s2 =	sld [smem:$0x3FD0];
	(tm) =	ssettm $0x1  }
0x91: {  	s18 =	sld [smem:$0x3FFB];
	_ =	sdelay $0x3  }
0x92: {  	_ =	strace s18  }
0x93: {  	s3 =	sld [smem:$0x3FFC];
	_ =	sdelay $0x3  }
0x94: {  	_ =	strace s3  }
0x95: {  	s3 =	sld [smem:$0x3FFD];
	_ =	sdelay $0x3  }
0x96: {  	_ =	strace s3  }
0x97: {  	_ =	strace $0x8FFFFFFF  }
0x98: {  	s19 =	sld [smem:$0x3FDB];
	_ =	sdelay $0x1  }
0x99: {  	s4 =	simm.s32 $_scs_section_size  }
0x9a: {  	s5 =	simm.s32 $_size__tile_overlayer_lowered;
	s6 =	simm.s32 $_tile_overlayer_lowered  }
0x9b: {  	s22 =	simm.s32 $0x1BFF;
	s21 =	sshll.u32 s6, $0x1;
	s3 =	sadd.s32 s4, s19  }
0x9c: {  	s7 =	simm.s32 $0x0;
	s20 =	sshll.u32 s5, $0x1;
	s5 =	sadd.s32 s21, s3  }
0x9d: {  	[timem:s7], [sflag:s22] =	dma.local [hbm:s5], s20  }
0x9e: {  	_ =	swait.ge [sflag:s22], s20  }
0x9f: {  	s4 =	ssub.s32 $0x0, s20;
	[sflag:s22] =	ssyncset.done $0x0  }
0xa0: {  	[sflag:s22] =	ssyncadd.s32 s4;
	_ =	sdelay $0x1  }
0xa1: {  	s23 =	simm.s32 $0x1B8B  }
0xa2: {  	_ =	swait.ge [sflag:s23], $0x1  }
0xa3: {  	[sflag:s23] =	ssyncset.done $0x0  }
0xa4: {  	s25 =	simm.s32 $0x1B8E;
	s24 =	sld [smem:$0x3FFE];
	[sflag:s23] =	ssyncadd.s32 $0xFFFFFFFF  }
0xa5: {  	s26 =	simm.s32 $execute0_lowered;
	[smem:$0x3FD2] =	sst s25  }
0xa6: {  	s5 =	sshll.u32 s26, $0x1;
	_ =	strace $0x8000004F;
	[dreg:$0x1] =	wrdreg $0xFFFFFFFF  }
0xa7: {  	s28 =	simm.s32 $_size_execute0_lowered;
	s3 =	sadd.s32 s3, s5;
	[dreg:$0x0] =	wrdreg $0x0  }
0xa8: {  	s5 =	sshll.u32 s28, $0x1;
	[dreg:$0x2] =	wrdreg s3  }
0xa9: {  	[dreg:$0x3] =	wrdreg s5  }
0xaa: {  	[dreg:$0x4] =	wrdreg $0xC0  }
0xab: {  	_ =	task [dreg:s7], $0x5FFFF  }
0xac: {  	[dreg:$0x1] =	wrdreg $0xFFFFFFFF  }
0xad: {  	[dreg:$0x0] =	wrdreg $0x60  }
0xae: {  	[dreg:$0x2] =	wrdreg s24  }
0xaf: {  	[dreg:$0x3] =	wrdreg s2  }
0xb0: {  	[dreg:$0x4] =	wrdreg $0x0  }
0xb1: {  	[dreg:$0x5] =	wrdreg $0x9  }
0xb2: {  	_ =	task.clear_ibuf [dreg:s7], $0x6FFFF;
	_ =	strace $0x9000004F  }
0xb3: {  	s29 =	simm.s32 $0x9;
	_ =	strace $0x80000051  }
0xb4: {  	_ =	swait.ge [sflag:s29], $0x1  }
0xb5: {  	[sflag:s29] =	ssyncadd.s32 $0xFFFFFFFF  }
0xb6: {  	_ =	strace $0x90000051  }
0xb7: {  	_ =	sfence  }
0xb8: {  	s30 =	sld [smem:$0x0];
	_ =	sdelay $0x2  }
0xb9: {  	s31 =	sshll.u32 s1, $0xD;
	s1 =	sshrl.u32 s1, $0x2  }
0xba: {  	s3 =	sand.u32 $0x4000, s31;
	s1 =	sadd.s32 s1, s30  }
0xbb: {  	s0 =	sor.u32 s3, s0;
	s1 =	sshll.u32 s1, $0x11  }
0xbc: {  	s0 =	sor.u32 s1, s0  }
0xbd: {  	s0 =	sadd.s32 $0x8F2B, s0  }
0xbe: {  	[sflag:s0] =	ssyncadd.remote.s32 $0x1  }
0xbf: {  	_ =	sfence.sel $0xFFFF  }
0xc0: {  	[dreg:$0x0] =	wrdreg $0xFFFFFFFF;
	(pc) =	sbr.abs _section_cstart, $3  }
0xc1: {  	[dreg:$0x1] =	wrdreg $0xFFFFFFFF  }
0xc2: {  	_ =	task.clear_ibuf [dreg:s7], $0x2FFFF;
	_ =	strace $0x9FFFFFFF  }
0xc3: {  	(tm) =	ssettm $0x7FFFFFFF  }
tec
execute0_lowered:
.L_overlay_start_1:
0x0: {  	(tag) =	ssettag $0x1  }
0x1: {  	s7 =	rddreg [dreg:$0x0]  }
0x2: {  	s0 =	srdreg.scid;
	s8 =	rddreg [dreg:$0x1]  }
0x3: {  	s2 =	rddreg [dreg:$0x2];
	s3 =	simm.s32 $0x0;
	s16 =	simm.s32 $0xC800  }
0x4: {  	s17 =	simm.s32 $0x1;
	s6 =	sand.u32 $0x1, s0;
	s0 =	stileid.u32  }
0x5: {  	s18 =	simm.s32 $0x0;
	[smem:$0x7FF] =	sst s3;
	s10 =	smul.u32 $0x7800, s0  }
0x6: {  	s4 =	sadd.s32 $0x41200, s7;
	s1 =	sshll.u32 s6, $0x4;
	s5 =	smul.u32 $0x78000, s6  }
0x7: {  	s6 =	ssub.s32 $0x2, s6;
	s13 =	sshll.u32 s0, $0x6;
	s1 =	sor.u32 s0, s1  }
0x8: {  	s31 =	sshrl.u32 s6, $0x1;
	s9 =	smul.u32 $0x500, s1;
	s1 =	rddreg [dreg:$0x3]  }
0x9: {  	_ =	strace $0x80000050;
	s12 =	sadd.s32 s10, s5;
	s5 =	sadd.s32 $0x4A00, s7  }
0xa: {  	s14 =	ssub.s32 s6, s31;
	s15 =	sadd.s32 s10, s2;
	s6 =	sor.u32 $0x1C02, s13  }
0xb: {  	s13 =	simm.s32 $0x7800;
	s12 =	sshrl.u32 s12, $0x3;
	s10 =	smax.u32 s14, $0x1  }
0xc: {  	s14 =	simm.s32 $0xA000;
	s11 =	sadd.s32 s9, s7;
	s12 =	sadd.s32 s12, s7  }
0xd: {  	s8 =	sadd.s32 s8, s9;
	s7 =	sadd.s32 $0xF200, s11;
	s9 =	sadd.s32 $0x50200, s12  }
0xe: {  	s11 =	sshrl.u32 s15, $0x3;
	s12 =	simm.s32 $0x2;
	s15 =	simm.s32 $0x80  }
.LBB2_1:
0xf: {  	[spmem:s11], [sflag:s6] =	dma.local [hbm:s5], $0xF00  }
0x10: {  	_ =	swait.ge [sflag:s12], $0xF00  }
0x11: {  	[sflag:s12] =	ssyncset.done $0x0  }
0x12: {  	[sflag:s12] =	ssyncadd.s32 $0xFFFFF100  }
0x13: {  	[tilespmem:s13], [sflag:$0x2] =	stream.linear.gather [hbm4b:s7+s3], $0x2800, $0x38;
	[tilespmem:$0xE000] =	vst v63  }
0x14: {  	_ =	swait.ge [sflag:s12], $0x2800  }
0x15: {  	[sflag:s12] =	ssyncset.done $0x0  }
0x16: {  	[sflag:s12] =	ssyncadd.s32 $0xFFFFD800  }
0x17: {  	[tilespmem:s14], [sflag:$0x2] =	stream.linear.gather [hbm4b:s8+s3], $0x2800, $0x38;
	[tilespmem:$0xE000] =	vst v63  }
0x18: {  	_ =	swait.ge [sflag:s12], $0x2800  }
0x19: {  	[sflag:s12] =	ssyncset.done $0x0  }
0x1a: {  	[sflag:s12] =	ssyncadd.s32 $0xFFFFD800  }
0x1b: {  	s19 =	simm.s32 $0x7800;
	[bflag:$0x0] =	sbarrier.arrive $0xFFFF  }
0x1c: {  	[tilespmem:s16], [sflag:$0x1] =	stream.indirect.gather [hbm4b:s4+s15], $0x30, s19, s15, $0xb8;
	[tilespmem:$0xE000] =	vst v63  }
0x1d: {  	_ =	swait.ge [sflag:s17], $0x1800  }
0x1e: {  	[sflag:s17] =	ssyncset.done $0x0  }
0x1f: {  	s31 =	simm.s32 $0xA000;
	[sflag:s17] =	ssyncadd.s32 $0xFFFFE800  }
0x20: {  	[spmem:s2] =	stream.indirect.scatter.add.f32 [tilespmem:s16], [sflag:$0x2], $0x30, s31, s15, $0xb8;
	[tilespmem:$0xE000] =	vst v63  }
0x21: {  	_ =	swait.ge [sflag:s12], $0x1800  }
0x22: {  	s20 =	simm.s32 $0x400;
	s19 =	simm.s32 $0x80;
	[sflag:s12] =	ssyncset.done $0x0  }
.LBB2_2:
0x23: {  	s21 =	sadd.s32 $0x7800, s19  }
0x24: {  	[sflag:s12] =	ssyncadd.s32 $0xFFFFE800;
	s22 =	smov.u32 s20;
	s23 =	sadd.s32 $0x200, s20  }
0x25: {  	[tilespmem:s16], [sflag:$0x1] =	stream.indirect.gather [hbm4b:s4+s15], $0x30, s21, s15, $0xb8;
	[tilespmem:$0xE000] =	vst v63  }
0x26: {  	p0 =	sne.s32 s20, $0x9E00;
	_ =	swait.ge [sflag:s17], $0x1800  }
.Ltmp0:
0x27: {  	[sflag:s17] =	ssyncset.done $0x0;
	(pc) =	sbr.rel @p0 .LBB2_2-.Ltmp0, $4  }
0x28: {  	s19 =	sadd.s32 $0xA000, s19;
	[sflag:s17] =	ssyncadd.s32 $0xFFFFE800  }
0x29: {  	[spmem:s2] =	stream.indirect.scatter.add.f32 [tilespmem:s16], [sflag:$0x2], $0x30, s19, s15, $0xb8;
	[tilespmem:$0xE000] =	vst v63  }
0x2a: {  	_ =	swait.ge [sflag:s12], $0x1800  }
0x2b: {  	s20 =	smov.u32 s23;
	s19 =	sshra.s32 s22, $0x2;
	[sflag:s12] =	ssyncset.done $0x0  }
0x2c: {  	s20 =	sadd.s32 $0x7800, s19;
	[sflag:s12] =	ssyncadd.s32 $0xFFFFE800  }
0x2d: {  	[tilespmem:s16], [sflag:$0x1] =	stream.indirect.gather [hbm4b:s4+s15], $0x30, s20, s15, $0xb8;
	[tilespmem:$0xE000] =	vst v63  }
0x2e: {  	_ =	swait.ge [sflag:s17], $0x1800  }
0x2f: {  	[sflag:s17] =	ssyncset.done $0x0  }
0x30: {  	s31 =	sadd.s32 $0xA000, s19;
	[sflag:s17] =	ssyncadd.s32 $0xFFFFE800  }
0x31: {  	[spmem:s2] =	stream.indirect.scatter.add.f32 [tilespmem:s16], [sflag:$0x2], $0x30, s31, s15, $0xb8;
	[tilespmem:$0xE000] =	vst v63  }
0x32: {  	_ =	swait.ge [sflag:s12], $0x1800  }
0x33: {  	s18 =	sadd.s32 $0x1, s18;
	[sflag:s12] =	ssyncset.done $0x0  }
0x34: {  	p0 =	sne.s32 s18, s10;
	[sflag:s12] =	ssyncadd.s32 $0xFFFFE800  }
.Ltmp1:
0x35: {  	[bflag:$0x0] =	sbarrier.arrive $0xFFFF;
	(pc) =	sbr.rel @p0 .LBB2_1-.Ltmp1, $4  }
0x36: {  	[hbm:s9], [sflag:s6] =	dma.local [spmem:s11], $0xF00  }
0x37: {  	_ =	swait.ge [sflag:s12], $0xF00  }
0x38: {  	[sflag:s12] =	ssyncset.done $0x0  }
0x39: {  	[sflag:s12] =	ssyncadd.s32 $0xFFFFF100  }
0x3a: {  	_ =	sfence.sel $0x180000  }
0x3b: {  	[bflag:$0x0] =	sbarrier.arrive $0xFFFF  }
0x3c: {  	p0 =	sne.s32 s0, $0x0;
	_ =	strace $0x90000050  }
0x3d: {  	s0 =	sadd.s32 @!p0 $0x100000, s1;
	[bflag:$0x2] =	sbarrier.arrive $0xFFFF  }
0x3e: {  	[sflag:s0] =	ssyncadd.tile.s32 @!p0 $0x1;
	_ =	shalt  }
.Lfunc_end2:
_tile_overlayer_lowered:
.L_overlay_start_2:
0x3f: {  	(tag) =	ssettag $0x2  }
0x40: {  	s0 =	rddreg [dreg:$0x0];
	s2 =	stileid.u32  }
0x41: {  	s1 =	rddreg [dreg:$0x1];
	p0 =	sne.s32 s2, $0x0  }
0x42: {  	s3 =	rddreg [dreg:$0x2];
	[bflag:$0x3] =	sbarrier.arrive $0xFFFF;
	s2 =	simm.s32 @!p0 $0x1C02  }
0x43: {  	[timem:s3], [sflag:s2] =	dma.local @!p0 [hbm:s0], s1  }
0x44: {  	s0 =	simm.s32 @!p0 $0x2  }
0x45: {  	_ =	swait.ge @!p0 [sflag:s0], s1  }
0x46: {  	s1 =	ssub.s32 @!p0 $0x0, s1;
	[sflag:s0] =	ssyncset.done @!p0 $0x0  }
0x47: {  	[sflag:s0] =	ssyncadd.s32 @!p0 s1  }
0x48: {  	[bflag:$0x3] =	sbarrier.arrive $0xFFFF  }
0x49: {  	_ =	shalt  }

// kernel: kernel.38.cloned.1.call-start
scs
__scs_entry_jumppad:
0x0: {  	(pc) =	sbr.rel $0x88, $3  }
0x1: {  	(tag) =	ssettag $0x0;
	lr =	simm.s32 $0x1  }
0x2: {  	[smem:$0x3F9B] =	sst lr;
	_ =	strace $0xD0000000  }
0x3: {  	_ = 	snop  }
0x4: {  	_ = 	snop  }
0x5: {  	_ = 	snop  }
0x6: {  	_ = 	snop  }
0x7: {  	_ = 	snop  }
__scs_overlays_trampoline_lowered:
0x8: {  	[smem:$0x3FAA] =	sst s0  }
0x9: {  	[smem:$0x3FAB] =	sst s1  }
0xa: {  	[smem:$0x3FAC] =	sst s2  }
0xb: {  	[smem:$0x3FAD] =	sst s3  }
0xc: {  	[smem:$0x3FAE] =	sst s4  }
0xd: {  	[smem:$0x3FAF] =	sst s5  }
0xe: {  	[smem:$0x3FB0] =	sst s6  }
0xf: {  	[smem:$0x3FB1] =	sst s7  }
0x10: {  	[smem:$0x3FB2] =	sst s8  }
0x11: {  	[smem:$0x3FB3] =	sst s9;
	s0 =	simm.s32 @!p0 $0x0  }
0x12: {  	s1 =	sld [smem:$0x3F99];
	s0 =	simm.s32 @p0 $0x1  }
0x13: {  	[smem:$0x3FB4] =	sst s0;
	s0 =	simm.s32 @!p1 $0x0  }
0x14: {  	s2 =	sld [smem:$0x3F98];
	s0 =	simm.s32 @p1 $0x1  }
0x15: {  	[smem:$0x3FB5] =	sst s0;
	s0 =	simm.s32 @!p2 $0x0  }
0x16: {  	s3 =	sld [smem:$0x3FDB];
	s0 =	simm.s32 @p2 $0x1  }
0x17: {  	s4 =	simm.s32 $0x1BF5;
	[smem:$0x3FB7] =	sst s0  }
0x18: {  	s0 =	sld [smem:$0x3F9A];
	_ =	swait.ge [sflag:s4], $0x0  }
0x19: {  	s7 =	sld [smem:$0x3F9B]  }
0x1a: {  	s8 =	sadd.s32 $0xFFFFE003, lr  }
0x1b: {  	s9 =	sadd.s32 $0xFFFFFEF7, lr;
	s5 =	simm.s32 $0xFFFFFFFF;
	p2 =	slt.u32 s8, $0xFFFFF086  }
0x1c: {  	p1 =	slt.u32 s9, $0xF7A;
	s5 =	simm.s32 @!p2 $0x0  }
0x1d: {  	s5 =	simm.s32 @p1 $0x1;
	p0 =	seq.s32 s7, s2  }
0x1e: {  	s7 =	smul.u32 @!p0 $0xF7A, s2;
	p2 =	seq.s32 @!p0 s5, $0x0  }
0x1f: {  	s9 =	smul.u32 $0xF7A, s1;
	s8 =	simm.s32 @!p0 $0x1BF5;
	p2 =	por !p2, p0  }
0x20: {  	[sflag:s8] =	ssyncset.s32 @!p0 $0xFFFFF086;
	s6 =	sadd.s32 @!p0 s3, s7;
	s7 =	simm.s32 @!p0 $0x108  }
0x21: {  	s3 =	sadd.s32 s3, s9;
	s6 =	sadd.s32 @!p0 $0x88, s6;
	s7 =	simm.s32 @p2 $0x1082  }
0x22: {  	[simem:s7], [sflag:s8] =	dma.local @!p0 [hbm:s6], $0xF7A  }
0x23: {  	s9 =	sor.u32 $0xD0000000, s2;
	s6 =	simm.s32 $0x108;
	_ =	swait.ge @!p0 [sflag:s8], $0x0  }
0x24: {  	s3 =	sadd.s32 $0x88, s3;
	s6 =	simm.s32 @!p1 $0x1082;
	[sflag:s4] =	ssyncset.s32 $0xFFFFF086  }
0x25: {  	[simem:s6], [sflag:s4] =	dma.local [hbm:s3], $0xF7A  }
0x26: {  	[smem:$0x3F9B] =	sst s1;
	(tag) =	ssettag s2;
	_ =	strace s9  }
0x27: {  	s1 =	sld [smem:$0x3FAB]  }
0x28: {  	s2 =	sld [smem:$0x3FAC]  }
0x29: {  	s4 =	sld [smem:$0x3FAE]  }
0x2a: {  	p0 =	seq.s32 s5, $0x0;
	s5 =	sld [smem:$0x3FAF]  }
0x2b: {  	s6 =	sld [smem:$0x3FB0]  }
0x2c: {  	s7 =	sld [smem:$0x3FB1]  }
0x2d: {  	s3 =	simm.s32 $0x108;
	s8 =	sld [smem:$0x3FB2]  }
0x2e: {  	s3 =	simm.s32 @!p0 $0x1082;
	s9 =	sld [smem:$0x3FB3]  }
0x2f: {  	lr =	sadd.s32 s0, s3;
	s0 =	sld [smem:$0x3FAA]  }
0x30: {  	s3 =	sld [smem:$0x3FAD]  }
0x31: {  	[smem:$0x3FB6] =	sst s10  }
0x32: {  	s10 =	sld [smem:$0x3FB4];
	_ =	sdelay $0x3  }
0x33: {  	p0 =	seq.s32 s10, $0x1;
	s10 =	sld [smem:$0x3FB6];
	_ =	sdelay $0x3  }
0x34: {  	[smem:$0x3FB6] =	sst s10  }
0x35: {  	s10 =	sld [smem:$0x3FB5];
	_ =	sdelay $0x3  }
0x36: {  	p1 =	seq.s32 s10, $0x1;
	s10 =	sld [smem:$0x3FB6];
	_ =	sdelay $0x3  }
0x37: {  	[smem:$0x3FB6] =	sst s10  }
0x38: {  	s10 =	sld [smem:$0x3FB7]  }
0x39: {  	_ = 	snop;
	(pc) =	sbr.ind lr, $3  }
0x3a: {  	_ = 	snop  }
0x3b: {  	_ = 	snop  }
0x3c: {  	p2 =	seq.s32 s10, $0x1;
	s10 =	sld [smem:$0x3FB6]  }
0x3d: {  	_ =	shalt  }
0x3e: {  	_ =	shalt  }
0x3f: {  	_ =	shalt  }
0x40: {  	_ =	shalt  }
0x41: {  	_ =	shalt  }
0x42: {  	_ =	shalt  }
0x43: {  	_ =	shalt  }
0x44: {  	_ =	shalt  }
0x45: {  	_ =	shalt  }
0x46: {  	_ =	shalt  }
0x47: {  	_ =	shalt  }
0x48: {  	_ =	shalt  }
0x49: {  	_ =	shalt  }
0x4a: {  	_ =	shalt  }
0x4b: {  	_ =	shalt  }
0x4c: {  	_ =	shalt  }
0x4d: {  	_ =	shalt  }
0x4e: {  	_ =	shalt  }
0x4f: {  	_ =	shalt  }
0x50: {  	_ =	shalt  }
0x51: {  	_ =	shalt  }
0x52: {  	_ =	shalt  }
0x53: {  	_ =	shalt  }
0x54: {  	_ =	shalt  }
0x55: {  	_ =	shalt  }
0x56: {  	_ =	shalt  }
0x57: {  	_ =	shalt  }
0x58: {  	_ =	shalt  }
0x59: {  	_ =	shalt  }
0x5a: {  	_ =	shalt  }
0x5b: {  	_ =	shalt  }
0x5c: {  	_ =	shalt  }
0x5d: {  	_ =	shalt  }
0x5e: {  	_ =	shalt  }
0x5f: {  	_ =	shalt  }
0x60: {  	_ =	shalt  }
0x61: {  	_ =	shalt  }
0x62: {  	_ =	shalt  }
0x63: {  	_ =	shalt  }
0x64: {  	_ =	shalt  }
0x65: {  	_ =	shalt  }
0x66: {  	_ =	shalt  }
0x67: {  	_ =	shalt  }
0x68: {  	_ =	shalt  }
0x69: {  	_ =	shalt  }
0x6a: {  	_ =	shalt  }
0x6b: {  	_ =	shalt  }
0x6c: {  	_ =	shalt  }
0x6d: {  	_ =	shalt  }
0x6e: {  	_ =	shalt  }
0x6f: {  	_ =	shalt  }
0x70: {  	_ =	shalt  }
0x71: {  	_ =	shalt  }
0x72: {  	_ =	shalt  }
0x73: {  	_ =	shalt  }
0x74: {  	_ =	shalt  }
0x75: {  	_ =	shalt  }
0x76: {  	_ =	shalt  }
0x77: {  	_ =	shalt  }
0x78: {  	_ =	shalt  }
0x79: {  	_ =	shalt  }
0x7a: {  	_ =	shalt  }
0x7b: {  	_ =	shalt  }
0x7c: {  	_ =	shalt  }
0x7d: {  	_ =	shalt  }
0x7e: {  	_ =	shalt  }
0x7f: {  	_ =	shalt  }
0x80: {  	_ =	shalt  }
0x81: {  	_ =	shalt  }
0x82: {  	_ =	shalt  }
0x83: {  	_ =	shalt  }
0x84: {  	_ =	shalt  }
0x85: {  	_ =	shalt  }
0x86: {  	_ =	shalt  }
0x87: {  	_ =	shalt  }
.Lfunc_end0:
.L_simem_size_0:
called_computation.4_lowered:
.L_overlay_start_0:
0x88: {  	s2 =	sld [smem:$0x3FD9]  }
0x89: {  	s3 =	sld [smem:$0x3FFE];
	_ =	sdelay $0x1  }
0x8a: {  	s1 =	srdreg.scid  }
0x8b: {  	s0 =	sand.u32 $0x1, s1  }
0x8c: {  	s17 =	sshll.u32 s0, $0xA;
	s2 =	sadd.s32 s3, s2  }
0x8d: {  	s2 =	sadd.s32 s2, s17  }
0x8e: {  	[smem:$0x3FC2] =	sst s2  }
0x8f: {  	_ = 	snop  }
0x90: {  	s2 =	sld [smem:$0x3FD0];
	(tm) =	ssettm $0x1  }
0x91: {  	s18 =	sld [smem:$0x3FFB];
	_ =	sdelay $0x3  }
0x92: {  	_ =	strace s18  }
0x93: {  	s3 =	sld [smem:$0x3FFC];
	_ =	sdelay $0x3  }
0x94: {  	_ =	strace s3  }
0x95: {  	s3 =	sld [smem:$0x3FFD];
	_ =	sdelay $0x3  }
0x96: {  	_ =	strace s3  }
0x97: {  	_ =	strace $0x8FFFFFFF  }
0x98: {  	s19 =	sld [smem:$0x3FDB];
	_ =	sdelay $0x1  }
0x99: {  	s4 =	simm.s32 $_scs_section_size  }
0x9a: {  	s5 =	simm.s32 $_size__tile_overlayer_lowered;
	s6 =	simm.s32 $_tile_overlayer_lowered  }
0x9b: {  	s22 =	simm.s32 $0x1BFF;
	s21 =	sshll.u32 s6, $0x1;
	s3 =	sadd.s32 s4, s19  }
0x9c: {  	s7 =	simm.s32 $0x0;
	s20 =	sshll.u32 s5, $0x1;
	s5 =	sadd.s32 s21, s3  }
0x9d: {  	[timem:s7], [sflag:s22] =	dma.local [hbm:s5], s20  }
0x9e: {  	_ =	swait.ge [sflag:s22], s20  }
0x9f: {  	s4 =	ssub.s32 $0x0, s20;
	[sflag:s22] =	ssyncset.done $0x0  }
0xa0: {  	[sflag:s22] =	ssyncadd.s32 s4;
	_ =	sdelay $0x1  }
0xa1: {  	s23 =	simm.s32 $0x1B8B  }
0xa2: {  	_ =	swait.ge [sflag:s23], $0x1  }
0xa3: {  	[sflag:s23] =	ssyncset.done $0x0  }
0xa4: {  	s25 =	simm.s32 $0x1B8E;
	s24 =	sld [smem:$0x3FFE];
	[sflag:s23] =	ssyncadd.s32 $0xFFFFFFFF  }
0xa5: {  	s26 =	simm.s32 $execute0_lowered;
	[smem:$0x3FD2] =	sst s25  }
0xa6: {  	s5 =	sshll.u32 s26, $0x1;
	_ =	strace $0x80000052;
	[dreg:$0x1] =	wrdreg $0xFFFFFFFF  }
0xa7: {  	s28 =	simm.s32 $_size_execute0_lowered;
	s3 =	sadd.s32 s3, s5;
	[dreg:$0x0] =	wrdreg $0x0  }
0xa8: {  	s5 =	sshll.u32 s28, $0x1;
	[dreg:$0x2] =	wrdreg s3  }
0xa9: {  	[dreg:$0x3] =	wrdreg s5  }
0xaa: {  	[dreg:$0x4] =	wrdreg $0xC0  }
0xab: {  	_ =	task [dreg:s7], $0x5FFFF  }
0xac: {  	[dreg:$0x1] =	wrdreg $0xFFFFFFFF  }
0xad: {  	[dreg:$0x0] =	wrdreg $0x60  }
0xae: {  	[dreg:$0x2] =	wrdreg s24  }
0xaf: {  	[dreg:$0x3] =	wrdreg s2  }
0xb0: {  	[dreg:$0x4] =	wrdreg $0x0  }
0xb1: {  	[dreg:$0x5] =	wrdreg $0x9  }
0xb2: {  	_ =	task.clear_ibuf [dreg:s7], $0x6FFFF;
	_ =	strace $0x90000052  }
0xb3: {  	s29 =	simm.s32 $0x9;
	_ =	strace $0x80000054  }
0xb4: {  	_ =	swait.ge [sflag:s29], $0x1  }
0xb5: {  	[sflag:s29] =	ssyncadd.s32 $0xFFFFFFFF  }
0xb6: {  	_ =	strace $0x90000054  }
0xb7: {  	_ =	sfence  }
0xb8: {  	s30 =	sld [smem:$0x0];
	_ =	sdelay $0x2  }
0xb9: {  	s31 =	sshll.u32 s1, $0xD;
	s1 =	sshrl.u32 s1, $0x2  }
0xba: {  	s3 =	sand.u32 $0x4000, s31;
	s1 =	sadd.s32 s1, s30  }
0xbb: {  	s0 =	sor.u32 s3, s0;
	s1 =	sshll.u32 s1, $0x11  }
0xbc: {  	s0 =	sor.u32 s1, s0  }
0xbd: {  	s0 =	sadd.s32 $0x8F2B, s0  }
0xbe: {  	[sflag:s0] =	ssyncadd.remote.s32 $0x1  }
0xbf: {  	_ =	sfence.sel $0xFFFF  }
0xc0: {  	[dreg:$0x0] =	wrdreg $0xFFFFFFFF;
	(pc) =	sbr.abs _section_cstart, $3  }
0xc1: {  	[dreg:$0x1] =	wrdreg $0xFFFFFFFF  }
0xc2: {  	_ =	task.clear_ibuf [dreg:s7], $0x2FFFF;
	_ =	strace $0x9FFFFFFF  }
0xc3: {  	(tm) =	ssettm $0x7FFFFFFF  }
tec
execute0_lowered:
.L_overlay_start_1:
0x0: {  	(tag) =	ssettag $0x1  }
0x1: {  	s7 =	rddreg [dreg:$0x0]  }
0x2: {  	s0 =	srdreg.scid;
	s8 =	rddreg [dreg:$0x1]  }
0x3: {  	s2 =	rddreg [dreg:$0x2];
	s3 =	simm.s32 $0x0;
	s16 =	simm.s32 $0xC800  }
0x4: {  	s17 =	simm.s32 $0x1;
	s6 =	sand.u32 $0x1, s0;
	s0 =	stileid.u32  }
0x5: {  	s18 =	simm.s32 $0x0;
	[smem:$0x7FF] =	sst s3;
	s10 =	smul.u32 $0x7800, s0  }
0x6: {  	s4 =	sadd.s32 $0x41200, s7;
	s1 =	sshll.u32 s6, $0x4;
	s5 =	smul.u32 $0x78000, s6  }
0x7: {  	s6 =	ssub.s32 $0x2, s6;
	s13 =	sshll.u32 s0, $0x6;
	s1 =	sor.u32 s0, s1  }
0x8: {  	s31 =	sshrl.u32 s6, $0x1;
	s9 =	smul.u32 $0x500, s1;
	s1 =	rddreg [dreg:$0x3]  }
0x9: {  	_ =	strace $0x80000053;
	s12 =	sadd.s32 s10, s5;
	s5 =	sadd.s32 $0x4A00, s7  }
0xa: {  	s14 =	ssub.s32 s6, s31;
	s15 =	sadd.s32 s10, s2;
	s6 =	sor.u32 $0x1C02, s13  }
0xb: {  	s13 =	simm.s32 $0x7800;
	s12 =	sshrl.u32 s12, $0x3;
	s10 =	smax.u32 s14, $0x1  }
0xc: {  	s14 =	simm.s32 $0xA000;
	s11 =	sadd.s32 s9, s7;
	s12 =	sadd.s32 s12, s7  }
0xd: {  	s8 =	sadd.s32 s8, s9;
	s7 =	sadd.s32 $0xF200, s11;
	s9 =	sadd.s32 $0x50200, s12  }
0xe: {  	s11 =	sshrl.u32 s15, $0x3;
	s12 =	simm.s32 $0x2;
	s15 =	simm.s32 $0x80  }
.LBB2_1:
0xf: {  	[spmem:s11], [sflag:s6] =	dma.local [hbm:s5], $0xF00  }
0x10: {  	_ =	swait.ge [sflag:s12], $0xF00  }
0x11: {  	[sflag:s12] =	ssyncset.done $0x0  }
0x12: {  	[sflag:s12] =	ssyncadd.s32 $0xFFFFF100  }
0x13: {  	[tilespmem:s13], [sflag:$0x2] =	stream.linear.gather [hbm4b:s7+s3], $0x2800, $0x38;
	[tilespmem:$0xE000] =	vst v63  }
0x14: {  	_ =	swait.ge [sflag:s12], $0x2800  }
0x15: {  	[sflag:s12] =	ssyncset.done $0x0  }
0x16: {  	[sflag:s12] =	ssyncadd.s32 $0xFFFFD800  }
0x17: {  	[tilespmem:s14], [sflag:$0x2] =	stream.linear.gather [hbm4b:s8+s3], $0x2800, $0x38;
	[tilespmem:$0xE000] =	vst v63  }
0x18: {  	_ =	swait.ge [sflag:s12], $0x2800  }
0x19: {  	[sflag:s12] =	ssyncset.done $0x0  }
0x1a: {  	[sflag:s12] =	ssyncadd.s32 $0xFFFFD800  }
0x1b: {  	s19 =	simm.s32 $0x7800;
	[bflag:$0x0] =	sbarrier.arrive $0xFFFF  }
0x1c: {  	[tilespmem:s16], [sflag:$0x1] =	stream.indirect.gather [hbm4b:s4+s15], $0x30, s19, s15, $0xb8;
	[tilespmem:$0xE000] =	vst v63  }
0x1d: {  	_ =	swait.ge [sflag:s17], $0x1800  }
0x1e: {  	[sflag:s17] =	ssyncset.done $0x0  }
0x1f: {  	s31 =	simm.s32 $0xA000;
	[sflag:s17] =	ssyncadd.s32 $0xFFFFE800  }
0x20: {  	[spmem:s2] =	stream.indirect.scatter.add.f32 [tilespmem:s16], [sflag:$0x2], $0x30, s31, s15, $0xb8;
	[tilespmem:$0xE000] =	vst v63  }
0x21: {  	_ =	swait.ge [sflag:s12], $0x1800  }
0x22: {  	s20 =	simm.s32 $0x400;
	s19 =	simm.s32 $0x80;
	[sflag:s12] =	ssyncset.done $0x0  }
.LBB2_2:
0x23: {  	s21 =	sadd.s32 $0x7800, s19  }
0x24: {  	[sflag:s12] =	ssyncadd.s32 $0xFFFFE800;
	s22 =	smov.u32 s20;
	s23 =	sadd.s32 $0x200, s20  }
0x25: {  	[tilespmem:s16], [sflag:$0x1] =	stream.indirect.gather [hbm4b:s4+s15], $0x30, s21, s15, $0xb8;
	[tilespmem:$0xE000] =	vst v63  }
0x26: {  	p0 =	sne.s32 s20, $0x9E00;
	_ =	swait.ge [sflag:s17], $0x1800  }
.Ltmp0:
0x27: {  	[sflag:s17] =	ssyncset.done $0x0;
	(pc) =	sbr.rel @p0 .LBB2_2-.Ltmp0, $4  }
0x28: {  	s19 =	sadd.s32 $0xA000, s19;
	[sflag:s17] =	ssyncadd.s32 $0xFFFFE800  }
0x29: {  	[spmem:s2] =	stream.indirect.scatter.add.f32 [tilespmem:s16], [sflag:$0x2], $0x30, s19, s15, $0xb8;
	[tilespmem:$0xE000] =	vst v63  }
0x2a: {  	_ =	swait.ge [sflag:s12], $0x1800  }
0x2b: {  	s20 =	smov.u32 s23;
	s19 =	sshra.s32 s22, $0x2;
	[sflag:s12] =	ssyncset.done $0x0  }
0x2c: {  	s20 =	sadd.s32 $0x7800, s19;
	[sflag:s12] =	ssyncadd.s32 $0xFFFFE800  }
0x2d: {  	[tilespmem:s16], [sflag:$0x1] =	stream.indirect.gather [hbm4b:s4+s15], $0x30, s20, s15, $0xb8;
	[tilespmem:$0xE000] =	vst v63  }
0x2e: {  	_ =	swait.ge [sflag:s17], $0x1800  }
0x2f: {  	[sflag:s17] =	ssyncset.done $0x0  }
0x30: {  	s31 =	sadd.s32 $0xA000, s19;
	[sflag:s17] =	ssyncadd.s32 $0xFFFFE800  }
0x31: {  	[spmem:s2] =	stream.indirect.scatter.add.f32 [tilespmem:s16], [sflag:$0x2], $0x30, s31, s15, $0xb8;
	[tilespmem:$0xE000] =	vst v63  }
0x32: {  	_ =	swait.ge [sflag:s12], $0x1800  }
0x33: {  	s18 =	sadd.s32 $0x1, s18;
	[sflag:s12] =	ssyncset.done $0x0  }
0x34: {  	p0 =	sne.s32 s18, s10;
	[sflag:s12] =	ssyncadd.s32 $0xFFFFE800  }
.Ltmp1:
0x35: {  	[bflag:$0x0] =	sbarrier.arrive $0xFFFF;
	(pc) =	sbr.rel @p0 .LBB2_1-.Ltmp1, $4  }
0x36: {  	[hbm:s9], [sflag:s6] =	dma.local [spmem:s11], $0xF00  }
0x37: {  	_ =	swait.ge [sflag:s12], $0xF00  }
0x38: {  	[sflag:s12] =	ssyncset.done $0x0  }
0x39: {  	[sflag:s12] =	ssyncadd.s32 $0xFFFFF100  }
0x3a: {  	_ =	sfence.sel $0x180000  }
0x3b: {  	[bflag:$0x0] =	sbarrier.arrive $0xFFFF  }
0x3c: {  	p0 =	sne.s32 s0, $0x0;
	_ =	strace $0x90000053  }
0x3d: {  	s0 =	sadd.s32 @!p0 $0x100000, s1;
	[bflag:$0x2] =	sbarrier.arrive $0xFFFF  }
0x3e: {  	[sflag:s0] =	ssyncadd.tile.s32 @!p0 $0x1;
	_ =	shalt  }
.Lfunc_end2:
_tile_overlayer_lowered:
.L_overlay_start_2:
0x3f: {  	(tag) =	ssettag $0x2  }
0x40: {  	s0 =	rddreg [dreg:$0x0];
	s2 =	stileid.u32  }
0x41: {  	s1 =	rddreg [dreg:$0x1];
	p0 =	sne.s32 s2, $0x0  }
0x42: {  	s3 =	rddreg [dreg:$0x2];
	[bflag:$0x3] =	sbarrier.arrive $0xFFFF;
	s2 =	simm.s32 @!p0 $0x1C02  }
0x43: {  	[timem:s3], [sflag:s2] =	dma.local @!p0 [hbm:s0], s1  }
0x44: {  	s0 =	simm.s32 @!p0 $0x2  }
0x45: {  	_ =	swait.ge @!p0 [sflag:s0], s1  }
0x46: {  	s1 =	ssub.s32 @!p0 $0x0, s1;
	[sflag:s0] =	ssyncset.done @!p0 $0x0  }
0x47: {  	[sflag:s0] =	ssyncadd.s32 @!p0 s1  }
0x48: {  	[bflag:$0x3] =	sbarrier.arrive $0xFFFF  }
0x49: {  	_ =	shalt  }

// kernel: kernel.41.cloned.1.call-start
scs
__scs_entry_jumppad:
0x0: {  	(pc) =	sbr.rel $0x88, $3  }
0x1: {  	(tag) =	ssettag $0x0;
	lr =	simm.s32 $0x1  }
0x2: {  	[smem:$0x3F9B] =	sst lr;
	_ =	strace $0xD0000000  }
0x3: {  	_ = 	snop  }
0x4: {  	_ = 	snop  }
0x5: {  	_ = 	snop  }
0x6: {  	_ = 	snop  }
0x7: {  	_ = 	snop  }
__scs_overlays_trampoline_lowered:
0x8: {  	[smem:$0x3FAA] =	sst s0  }
0x9: {  	[smem:$0x3FAB] =	sst s1  }
0xa: {  	[smem:$0x3FAC] =	sst s2  }
0xb: {  	[smem:$0x3FAD] =	sst s3  }
0xc: {  	[smem:$0x3FAE] =	sst s4  }
0xd: {  	[smem:$0x3FAF] =	sst s5  }
0xe: {  	[smem:$0x3FB0] =	sst s6  }
0xf: {  	[smem:$0x3FB1] =	sst s7  }
0x10: {  	[smem:$0x3FB2] =	sst s8  }
0x11: {  	[smem:$0x3FB3] =	sst s9;
	s0 =	simm.s32 @!p0 $0x0  }
0x12: {  	s1 =	sld [smem:$0x3F99];
	s0 =	simm.s32 @p0 $0x1  }
0x13: {  	[smem:$0x3FB4] =	sst s0;
	s0 =	simm.s32 @!p1 $0x0  }
0x14: {  	s2 =	sld [smem:$0x3F98];
	s0 =	simm.s32 @p1 $0x1  }
0x15: {  	[smem:$0x3FB5] =	sst s0;
	s0 =	simm.s32 @!p2 $0x0  }
0x16: {  	s3 =	sld [smem:$0x3FDB];
	s0 =	simm.s32 @p2 $0x1  }
0x17: {  	s4 =	simm.s32 $0x1BF5;
	[smem:$0x3FB7] =	sst s0  }
0x18: {  	s0 =	sld [smem:$0x3F9A];
	_ =	swait.ge [sflag:s4], $0x0  }
0x19: {  	s7 =	sld [smem:$0x3F9B]  }
0x1a: {  	s8 =	sadd.s32 $0xFFFFE003, lr  }
0x1b: {  	s9 =	sadd.s32 $0xFFFFFEF7, lr;
	s5 =	simm.s32 $0xFFFFFFFF;
	p2 =	slt.u32 s8, $0xFFFFF086  }
0x1c: {  	p1 =	slt.u32 s9, $0xF7A;
	s5 =	simm.s32 @!p2 $0x0  }
0x1d: {  	s5 =	simm.s32 @p1 $0x1;
	p0 =	seq.s32 s7, s2  }
0x1e: {  	s7 =	smul.u32 @!p0 $0xF7A, s2;
	p2 =	seq.s32 @!p0 s5, $0x0  }
0x1f: {  	s9 =	smul.u32 $0xF7A, s1;
	s8 =	simm.s32 @!p0 $0x1BF5;
	p2 =	por !p2, p0  }
0x20: {  	[sflag:s8] =	ssyncset.s32 @!p0 $0xFFFFF086;
	s6 =	sadd.s32 @!p0 s3, s7;
	s7 =	simm.s32 @!p0 $0x108  }
0x21: {  	s3 =	sadd.s32 s3, s9;
	s6 =	sadd.s32 @!p0 $0x88, s6;
	s7 =	simm.s32 @p2 $0x1082  }
0x22: {  	[simem:s7], [sflag:s8] =	dma.local @!p0 [hbm:s6], $0xF7A  }
0x23: {  	s9 =	sor.u32 $0xD0000000, s2;
	s6 =	simm.s32 $0x108;
	_ =	swait.ge @!p0 [sflag:s8], $0x0  }
0x24: {  	s3 =	sadd.s32 $0x88, s3;
	s6 =	simm.s32 @!p1 $0x1082;
	[sflag:s4] =	ssyncset.s32 $0xFFFFF086  }
0x25: {  	[simem:s6], [sflag:s4] =	dma.local [hbm:s3], $0xF7A  }
0x26: {  	[smem:$0x3F9B] =	sst s1;
	(tag) =	ssettag s2;
	_ =	strace s9  }
0x27: {  	s1 =	sld [smem:$0x3FAB]  }
0x28: {  	s2 =	sld [smem:$0x3FAC]  }
0x29: {  	s4 =	sld [smem:$0x3FAE]  }
0x2a: {  	p0 =	seq.s32 s5, $0x0;
	s5 =	sld [smem:$0x3FAF]  }
0x2b: {  	s6 =	sld [smem:$0x3FB0]  }
0x2c: {  	s7 =	sld [smem:$0x3FB1]  }
0x2d: {  	s3 =	simm.s32 $0x108;
	s8 =	sld [smem:$0x3FB2]  }
0x2e: {  	s3 =	simm.s32 @!p0 $0x1082;
	s9 =	sld [smem:$0x3FB3]  }
0x2f: {  	lr =	sadd.s32 s0, s3;
	s0 =	sld [smem:$0x3FAA]  }
0x30: {  	s3 =	sld [smem:$0x3FAD]  }
0x31: {  	[smem:$0x3FB6] =	sst s10  }
0x32: {  	s10 =	sld [smem:$0x3FB4];
	_ =	sdelay $0x3  }
0x33: {  	p0 =	seq.s32 s10, $0x1;
	s10 =	sld [smem:$0x3FB6];
	_ =	sdelay $0x3  }
0x34: {  	[smem:$0x3FB6] =	sst s10  }
0x35: {  	s10 =	sld [smem:$0x3FB5];
	_ =	sdelay $0x3  }
0x36: {  	p1 =	seq.s32 s10, $0x1;
	s10 =	sld [smem:$0x3FB6];
	_ =	sdelay $0x3  }
0x37: {  	[smem:$0x3FB6] =	sst s10  }
0x38: {  	s10 =	sld [smem:$0x3FB7]  }
0x39: {  	_ = 	snop;
	(pc) =	sbr.ind lr, $3  }
0x3a: {  	_ = 	snop  }
0x3b: {  	_ = 	snop  }
0x3c: {  	p2 =	seq.s32 s10, $0x1;
	s10 =	sld [smem:$0x3FB6]  }
0x3d: {  	_ =	shalt  }
0x3e: {  	_ =	shalt  }
0x3f: {  	_ =	shalt  }
0x40: {  	_ =	shalt  }
0x41: {  	_ =	shalt  }
0x42: {  	_ =	shalt  }
0x43: {  	_ =	shalt  }
0x44: {  	_ =	shalt  }
0x45: {  	_ =	shalt  }
0x46: {  	_ =	shalt  }
0x47: {  	_ =	shalt  }
0x48: {  	_ =	shalt  }
0x49: {  	_ =	shalt  }
0x4a: {  	_ =	shalt  }
0x4b: {  	_ =	shalt  }
0x4c: {  	_ =	shalt  }
0x4d: {  	_ =	shalt  }
0x4e: {  	_ =	shalt  }
0x4f: {  	_ =	shalt  }
0x50: {  	_ =	shalt  }
0x51: {  	_ =	shalt  }
0x52: {  	_ =	shalt  }
0x53: {  	_ =	shalt  }
0x54: {  	_ =	shalt  }
0x55: {  	_ =	shalt  }
0x56: {  	_ =	shalt  }
0x57: {  	_ =	shalt  }
0x58: {  	_ =	shalt  }
0x59: {  	_ =	shalt  }
0x5a: {  	_ =	shalt  }
0x5b: {  	_ =	shalt  }
0x5c: {  	_ =	shalt  }
0x5d: {  	_ =	shalt  }
0x5e: {  	_ =	shalt  }
0x5f: {  	_ =	shalt  }
0x60: {  	_ =	shalt  }
0x61: {  	_ =	shalt  }
0x62: {  	_ =	shalt  }
0x63: {  	_ =	shalt  }
0x64: {  	_ =	shalt  }
0x65: {  	_ =	shalt  }
0x66: {  	_ =	shalt  }
0x67: {  	_ =	shalt  }
0x68: {  	_ =	shalt  }
0x69: {  	_ =	shalt  }
0x6a: {  	_ =	shalt  }
0x6b: {  	_ =	shalt  }
0x6c: {  	_ =	shalt  }
0x6d: {  	_ =	shalt  }
0x6e: {  	_ =	shalt  }
0x6f: {  	_ =	shalt  }
0x70: {  	_ =	shalt  }
0x71: {  	_ =	shalt  }
0x72: {  	_ =	shalt  }
0x73: {  	_ =	shalt  }
0x74: {  	_ =	shalt  }
0x75: {  	_ =	shalt  }
0x76: {  	_ =	shalt  }
0x77: {  	_ =	shalt  }
0x78: {  	_ =	shalt  }
0x79: {  	_ =	shalt  }
0x7a: {  	_ =	shalt  }
0x7b: {  	_ =	shalt  }
0x7c: {  	_ =	shalt  }
0x7d: {  	_ =	shalt  }
0x7e: {  	_ =	shalt  }
0x7f: {  	_ =	shalt  }
0x80: {  	_ =	shalt  }
0x81: {  	_ =	shalt  }
0x82: {  	_ =	shalt  }
0x83: {  	_ =	shalt  }
0x84: {  	_ =	shalt  }
0x85: {  	_ =	shalt  }
0x86: {  	_ =	shalt  }
0x87: {  	_ =	shalt  }
.Lfunc_end0:
.L_simem_size_0:
called_computation.5_lowered:
.L_overlay_start_0:
0x88: {  	s2 =	sld [smem:$0x3FD9]  }
0x89: {  	s3 =	sld [smem:$0x3FFE];
	_ =	sdelay $0x1  }
0x8a: {  	s1 =	srdreg.scid  }
0x8b: {  	s0 =	sand.u32 $0x1, s1  }
0x8c: {  	s17 =	sshll.u32 s0, $0xA;
	s2 =	sadd.s32 s3, s2  }
0x8d: {  	s2 =	sadd.s32 s2, s17  }
0x8e: {  	[smem:$0x3FC2] =	sst s2  }
0x8f: {  	_ = 	snop  }
0x90: {  	s2 =	sld [smem:$0x3FD0];
	(tm) =	ssettm $0x1  }
0x91: {  	s18 =	sld [smem:$0x3FFB];
	_ =	sdelay $0x3  }
0x92: {  	_ =	strace s18  }
0x93: {  	s3 =	sld [smem:$0x3FFC];
	_ =	sdelay $0x3  }
0x94: {  	_ =	strace s3  }
0x95: {  	s3 =	sld [smem:$0x3FFD];
	_ =	sdelay $0x3  }
0x96: {  	_ =	strace s3  }
0x97: {  	_ =	strace $0x8FFFFFFF  }
0x98: {  	s19 =	sld [smem:$0x3FDB];
	_ =	sdelay $0x1  }
0x99: {  	s4 =	simm.s32 $_scs_section_size  }
0x9a: {  	s5 =	simm.s32 $_size__tile_overlayer_lowered;
	s6 =	simm.s32 $_tile_overlayer_lowered  }
0x9b: {  	s22 =	simm.s32 $0x1BFF;
	s21 =	sshll.u32 s6, $0x1;
	s3 =	sadd.s32 s4, s19  }
0x9c: {  	s7 =	simm.s32 $0x0;
	s20 =	sshll.u32 s5, $0x1;
	s5 =	sadd.s32 s21, s3  }
0x9d: {  	[timem:s7], [sflag:s22] =	dma.local [hbm:s5], s20  }
0x9e: {  	_ =	swait.ge [sflag:s22], s20  }
0x9f: {  	s4 =	ssub.s32 $0x0, s20;
	[sflag:s22] =	ssyncset.done $0x0  }
0xa0: {  	[sflag:s22] =	ssyncadd.s32 s4;
	_ =	sdelay $0x1  }
0xa1: {  	s23 =	simm.s32 $0x1B8B  }
0xa2: {  	_ =	swait.ge [sflag:s23], $0x1  }
0xa3: {  	[sflag:s23] =	ssyncset.done $0x0  }
0xa4: {  	s25 =	simm.s32 $0x1B8E;
	s24 =	sld [smem:$0x3FFE];
	[sflag:s23] =	ssyncadd.s32 $0xFFFFFFFF  }
0xa5: {  	s26 =	simm.s32 $execute0_lowered;
	[smem:$0x3FD2] =	sst s25  }
0xa6: {  	s5 =	sshll.u32 s26, $0x1;
	_ =	strace $0x80000055;
	[dreg:$0x1] =	wrdreg $0xFFFFFFFF  }
0xa7: {  	s28 =	simm.s32 $_size_execute0_lowered;
	s3 =	sadd.s32 s3, s5;
	[dreg:$0x0] =	wrdreg $0x0  }
0xa8: {  	s5 =	sshll.u32 s28, $0x1;
	[dreg:$0x2] =	wrdreg s3  }
0xa9: {  	[dreg:$0x3] =	wrdreg s5  }
0xaa: {  	[dreg:$0x4] =	wrdreg $0xC0  }
0xab: {  	_ =	task [dreg:s7], $0x5FFFF  }
0xac: {  	[dreg:$0x1] =	wrdreg $0xFFFFFFFF  }
0xad: {  	[dreg:$0x0] =	wrdreg $0x60  }
0xae: {  	[dreg:$0x2] =	wrdreg s24  }
0xaf: {  	[dreg:$0x3] =	wrdreg s2  }
0xb0: {  	[dreg:$0x4] =	wrdreg $0x0  }
0xb1: {  	[dreg:$0x5] =	wrdreg $0x9  }
0xb2: {  	_ =	task.clear_ibuf [dreg:s7], $0x6FFFF;
	_ =	strace $0x90000055  }
0xb3: {  	s29 =	simm.s32 $0x9;
	_ =	strace $0x80000057  }
0xb4: {  	_ =	swait.ge [sflag:s29], $0x1  }
0xb5: {  	[sflag:s29] =	ssyncadd.s32 $0xFFFFFFFF  }
0xb6: {  	_ =	strace $0x90000057  }
0xb7: {  	_ =	sfence  }
0xb8: {  	s30 =	sld [smem:$0x0];
	_ =	sdelay $0x2  }
0xb9: {  	s31 =	sshll.u32 s1, $0xD;
	s1 =	sshrl.u32 s1, $0x2  }
0xba: {  	s3 =	sand.u32 $0x4000, s31;
	s1 =	sadd.s32 s1, s30  }
0xbb: {  	s0 =	sor.u32 s3, s0;
	s1 =	sshll.u32 s1, $0x11  }
0xbc: {  	s0 =	sor.u32 s1, s0  }
0xbd: {  	s0 =	sadd.s32 $0x8F2B, s0  }
0xbe: {  	[sflag:s0] =	ssyncadd.remote.s32 $0x1  }
0xbf: {  	_ =	sfence.sel $0xFFFF  }
0xc0: {  	[dreg:$0x0] =	wrdreg $0xFFFFFFFF;
	(pc) =	sbr.abs _section_cstart, $3  }
0xc1: {  	[dreg:$0x1] =	wrdreg $0xFFFFFFFF  }
0xc2: {  	_ =	task.clear_ibuf [dreg:s7], $0x2FFFF;
	_ =	strace $0x9FFFFFFF  }
0xc3: {  	(tm) =	ssettm $0x7FFFFFFF  }
tec
execute0_lowered:
.L_overlay_start_1:
0x0: {  	(tag) =	ssettag $0x1  }
0x1: {  	s7 =	rddreg [dreg:$0x0]  }
0x2: {  	s0 =	srdreg.scid;
	s8 =	rddreg [dreg:$0x1]  }
0x3: {  	s2 =	rddreg [dreg:$0x2];
	s3 =	simm.s32 $0x0;
	s16 =	simm.s32 $0xC800  }
0x4: {  	s17 =	simm.s32 $0x1;
	s6 =	sand.u32 $0x1, s0;
	s0 =	stileid.u32  }
0x5: {  	s18 =	simm.s32 $0x0;
	[smem:$0x7FF] =	sst s3;
	s10 =	smul.u32 $0x7800, s0  }
0x6: {  	s4 =	sadd.s32 $0x41200, s7;
	s1 =	sshll.u32 s6, $0x4;
	s5 =	smul.u32 $0x78000, s6  }
0x7: {  	s6 =	ssub.s32 $0x2, s6;
	s13 =	sshll.u32 s0, $0x6;
	s1 =	sor.u32 s0, s1  }
0x8: {  	s31 =	sshrl.u32 s6, $0x1;
	s9 =	smul.u32 $0x500, s1;
	s1 =	rddreg [dreg:$0x3]  }
0x9: {  	_ =	strace $0x80000056;
	s12 =	sadd.s32 s10, s5;
	s5 =	sadd.s32 $0x4A00, s7  }
0xa: {  	s14 =	ssub.s32 s6, s31;
	s15 =	sadd.s32 s10, s2;
	s6 =	sor.u32 $0x1C02, s13  }
0xb: {  	s13 =	simm.s32 $0x7800;
	s12 =	sshrl.u32 s12, $0x3;
	s10 =	smax.u32 s14, $0x1  }
0xc: {  	s14 =	simm.s32 $0xA000;
	s11 =	sadd.s32 s9, s7;
	s12 =	sadd.s32 s12, s7  }
0xd: {  	s8 =	sadd.s32 s8, s9;
	s7 =	sadd.s32 $0xF200, s11;
	s9 =	sadd.s32 $0x50200, s12  }
0xe: {  	s11 =	sshrl.u32 s15, $0x3;
	s12 =	simm.s32 $0x2;
	s15 =	simm.s32 $0x80  }
.LBB2_1:
0xf: {  	[spmem:s11], [sflag:s6] =	dma.local [hbm:s5], $0xF00  }
0x10: {  	_ =	swait.ge [sflag:s12], $0xF00  }
0x11: {  	[sflag:s12] =	ssyncset.done $0x0  }
0x12: {  	[sflag:s12] =	ssyncadd.s32 $0xFFFFF100  }
0x13: {  	[tilespmem:s13], [sflag:$0x2] =	stream.linear.gather [hbm4b:s7+s3], $0x2800, $0x38;
	[tilespmem:$0xE000] =	vst v63  }
0x14: {  	_ =	swait.ge [sflag:s12], $0x2800  }
0x15: {  	[sflag:s12] =	ssyncset.done $0x0  }
0x16: {  	[sflag:s12] =	ssyncadd.s32 $0xFFFFD800  }
0x17: {  	[tilespmem:s14], [sflag:$0x2] =	stream.linear.gather [hbm4b:s8+s3], $0x2800, $0x38;
	[tilespmem:$0xE000] =	vst v63  }
0x18: {  	_ =	swait.ge [sflag:s12], $0x2800  }
0x19: {  	[sflag:s12] =	ssyncset.done $0x0  }
0x1a: {  	[sflag:s12] =	ssyncadd.s32 $0xFFFFD800  }
0x1b: {  	s19 =	simm.s32 $0x7800;
	[bflag:$0x0] =	sbarrier.arrive $0xFFFF  }
0x1c: {  	[tilespmem:s16], [sflag:$0x1] =	stream.indirect.gather [hbm4b:s4+s15], $0x30, s19, s15, $0xb8;
	[tilespmem:$0xE000] =	vst v63  }
0x1d: {  	_ =	swait.ge [sflag:s17], $0x1800  }
0x1e: {  	[sflag:s17] =	ssyncset.done $0x0  }
0x1f: {  	s31 =	simm.s32 $0xA000;
	[sflag:s17] =	ssyncadd.s32 $0xFFFFE800  }
0x20: {  	[spmem:s2] =	stream.indirect.scatter.add.f32 [tilespmem:s16], [sflag:$0x2], $0x30, s31, s15, $0xb8;
	[tilespmem:$0xE000] =	vst v63  }
0x21: {  	_ =	swait.ge [sflag:s12], $0x1800  }
0x22: {  	s20 =	simm.s32 $0x400;
	s19 =	simm.s32 $0x80;
	[sflag:s12] =	ssyncset.done $0x0  }
.LBB2_2:
0x23: {  	s21 =	sadd.s32 $0x7800, s19  }
0x24: {  	[sflag:s12] =	ssyncadd.s32 $0xFFFFE800;
	s22 =	smov.u32 s20;
	s23 =	sadd.s32 $0x200, s20  }
0x25: {  	[tilespmem:s16], [sflag:$0x1] =	stream.indirect.gather [hbm4b:s4+s15], $0x30, s21, s15, $0xb8;
	[tilespmem:$0xE000] =	vst v63  }
0x26: {  	p0 =	sne.s32 s20, $0x9E00;
	_ =	swait.ge [sflag:s17], $0x1800  }
.Ltmp0:
0x27: {  	[sflag:s17] =	ssyncset.done $0x0;
	(pc) =	sbr.rel @p0 .LBB2_2-.Ltmp0, $4  }
0x28: {  	s19 =	sadd.s32 $0xA000, s19;
	[sflag:s17] =	ssyncadd.s32 $0xFFFFE800  }
0x29: {  	[spmem:s2] =	stream.indirect.scatter.add.f32 [tilespmem:s16], [sflag:$0x2], $0x30, s19, s15, $0xb8;
	[tilespmem:$0xE000] =	vst v63  }
0x2a: {  	_ =	swait.ge [sflag:s12], $0x1800  }
0x2b: {  	s20 =	smov.u32 s23;
	s19 =	sshra.s32 s22, $0x2;
	[sflag:s12] =	ssyncset.done $0x0  }
0x2c: {  	s20 =	sadd.s32 $0x7800, s19;
	[sflag:s12] =	ssyncadd.s32 $0xFFFFE800  }
0x2d: {  	[tilespmem:s16], [sflag:$0x1] =	stream.indirect.gather [hbm4b:s4+s15], $0x30, s20, s15, $0xb8;
	[tilespmem:$0xE000] =	vst v63  }
0x2e: {  	_ =	swait.ge [sflag:s17], $0x1800  }
0x2f: {  	[sflag:s17] =	ssyncset.done $0x0  }
0x30: {  	s31 =	sadd.s32 $0xA000, s19;
	[sflag:s17] =	ssyncadd.s32 $0xFFFFE800  }
0x31: {  	[spmem:s2] =	stream.indirect.scatter.add.f32 [tilespmem:s16], [sflag:$0x2], $0x30, s31, s15, $0xb8;
	[tilespmem:$0xE000] =	vst v63  }
0x32: {  	_ =	swait.ge [sflag:s12], $0x1800  }
0x33: {  	s18 =	sadd.s32 $0x1, s18;
	[sflag:s12] =	ssyncset.done $0x0  }
0x34: {  	p0 =	sne.s32 s18, s10;
	[sflag:s12] =	ssyncadd.s32 $0xFFFFE800  }
.Ltmp1:
0x35: {  	[bflag:$0x0] =	sbarrier.arrive $0xFFFF;
	(pc) =	sbr.rel @p0 .LBB2_1-.Ltmp1, $4  }
0x36: {  	[hbm:s9], [sflag:s6] =	dma.local [spmem:s11], $0xF00  }
0x37: {  	_ =	swait.ge [sflag:s12], $0xF00  }
0x38: {  	[sflag:s12] =	ssyncset.done $0x0  }
0x39: {  	[sflag:s12] =	ssyncadd.s32 $0xFFFFF100  }
0x3a: {  	_ =	sfence.sel $0x180000  }
0x3b: {  	[bflag:$0x0] =	sbarrier.arrive $0xFFFF  }
0x3c: {  	p0 =	sne.s32 s0, $0x0;
	_ =	strace $0x90000056  }
0x3d: {  	s0 =	sadd.s32 @!p0 $0x100000, s1;
	[bflag:$0x2] =	sbarrier.arrive $0xFFFF  }
0x3e: {  	[sflag:s0] =	ssyncadd.tile.s32 @!p0 $0x1;
	_ =	shalt  }
.Lfunc_end2:
_tile_overlayer_lowered:
.L_overlay_start_2:
0x3f: {  	(tag) =	ssettag $0x2  }
0x40: {  	s0 =	rddreg [dreg:$0x0];
	s2 =	stileid.u32  }
0x41: {  	s1 =	rddreg [dreg:$0x1];
	p0 =	sne.s32 s2, $0x0  }
0x42: {  	s3 =	rddreg [dreg:$0x2];
	[bflag:$0x3] =	sbarrier.arrive $0xFFFF;
	s2 =	simm.s32 @!p0 $0x1C02  }
0x43: {  	[timem:s3], [sflag:s2] =	dma.local @!p0 [hbm:s0], s1  }
0x44: {  	s0 =	simm.s32 @!p0 $0x2  }
0x45: {  	_ =	swait.ge @!p0 [sflag:s0], s1  }
0x46: {  	s1 =	ssub.s32 @!p0 $0x0, s1;
	[sflag:s0] =	ssyncset.done @!p0 $0x0  }
0x47: {  	[sflag:s0] =	ssyncadd.s32 @!p0 s1  }
0x48: {  	[bflag:$0x3] =	sbarrier.arrive $0xFFFF  }
0x49: {  	_ =	shalt  }

// kernel: kernel.44.cloned.1.call-start
scs
__scs_entry_jumppad:
0x0: {  	(pc) =	sbr.rel $0x88, $3  }
0x1: {  	(tag) =	ssettag $0x0;
	lr =	simm.s32 $0x1  }
0x2: {  	[smem:$0x3F9B] =	sst lr;
	_ =	strace $0xD0000000  }
0x3: {  	_ = 	snop  }
0x4: {  	_ = 	snop  }
0x5: {  	_ = 	snop  }
0x6: {  	_ = 	snop  }
0x7: {  	_ = 	snop  }
__scs_overlays_trampoline_lowered:
0x8: {  	[smem:$0x3FAA] =	sst s0  }
0x9: {  	[smem:$0x3FAB] =	sst s1  }
0xa: {  	[smem:$0x3FAC] =	sst s2  }
0xb: {  	[smem:$0x3FAD] =	sst s3  }
0xc: {  	[smem:$0x3FAE] =	sst s4  }
0xd: {  	[smem:$0x3FAF] =	sst s5  }
0xe: {  	[smem:$0x3FB0] =	sst s6  }
0xf: {  	[smem:$0x3FB1] =	sst s7  }
0x10: {  	[smem:$0x3FB2] =	sst s8  }
0x11: {  	[smem:$0x3FB3] =	sst s9;
	s0 =	simm.s32 @!p0 $0x0  }
0x12: {  	s1 =	sld [smem:$0x3F99];
	s0 =	simm.s32 @p0 $0x1  }
0x13: {  	[smem:$0x3FB4] =	sst s0;
	s0 =	simm.s32 @!p1 $0x0  }
0x14: {  	s2 =	sld [smem:$0x3F98];
	s0 =	simm.s32 @p1 $0x1  }
0x15: {  	[smem:$0x3FB5] =	sst s0;
	s0 =	simm.s32 @!p2 $0x0  }
0x16: {  	s3 =	sld [smem:$0x3FDB];
	s0 =	simm.s32 @p2 $0x1  }
0x17: {  	s4 =	simm.s32 $0x1BF5;
	[smem:$0x3FB7] =	sst s0  }
0x18: {  	s0 =	sld [smem:$0x3F9A];
	_ =	swait.ge [sflag:s4], $0x0  }
0x19: {  	s7 =	sld [smem:$0x3F9B]  }
0x1a: {  	s8 =	sadd.s32 $0xFFFFE003, lr  }
0x1b: {  	s9 =	sadd.s32 $0xFFFFFEF7, lr;
	s5 =	simm.s32 $0xFFFFFFFF;
	p2 =	slt.u32 s8, $0xFFFFF086  }
0x1c: {  	p1 =	slt.u32 s9, $0xF7A;
	s5 =	simm.s32 @!p2 $0x0  }
0x1d: {  	s5 =	simm.s32 @p1 $0x1;
	p0 =	seq.s32 s7, s2  }
0x1e: {  	s7 =	smul.u32 @!p0 $0xF7A, s2;
	p2 =	seq.s32 @!p0 s5, $0x0  }
0x1f: {  	s9 =	smul.u32 $0xF7A, s1;
	s8 =	simm.s32 @!p0 $0x1BF5;
	p2 =	por !p2, p0  }
0x20: {  	[sflag:s8] =	ssyncset.s32 @!p0 $0xFFFFF086;
	s6 =	sadd.s32 @!p0 s3, s7;
	s7 =	simm.s32 @!p0 $0x108  }
0x21: {  	s3 =	sadd.s32 s3, s9;
	s6 =	sadd.s32 @!p0 $0x88, s6;
	s7 =	simm.s32 @p2 $0x1082  }
0x22: {  	[simem:s7], [sflag:s8] =	dma.local @!p0 [hbm:s6], $0xF7A  }
0x23: {  	s9 =	sor.u32 $0xD0000000, s2;
	s6 =	simm.s32 $0x108;
	_ =	swait.ge @!p0 [sflag:s8], $0x0  }
0x24: {  	s3 =	sadd.s32 $0x88, s3;
	s6 =	simm.s32 @!p1 $0x1082;
	[sflag:s4] =	ssyncset.s32 $0xFFFFF086  }
0x25: {  	[simem:s6], [sflag:s4] =	dma.local [hbm:s3], $0xF7A  }
0x26: {  	[smem:$0x3F9B] =	sst s1;
	(tag) =	ssettag s2;
	_ =	strace s9  }
0x27: {  	s1 =	sld [smem:$0x3FAB]  }
0x28: {  	s2 =	sld [smem:$0x3FAC]  }
0x29: {  	s4 =	sld [smem:$0x3FAE]  }
0x2a: {  	p0 =	seq.s32 s5, $0x0;
	s5 =	sld [smem:$0x3FAF]  }
0x2b: {  	s6 =	sld [smem:$0x3FB0]  }
0x2c: {  	s7 =	sld [smem:$0x3FB1]  }
0x2d: {  	s3 =	simm.s32 $0x108;
	s8 =	sld [smem:$0x3FB2]  }
0x2e: {  	s3 =	simm.s32 @!p0 $0x1082;
	s9 =	sld [smem:$0x3FB3]  }
0x2f: {  	lr =	sadd.s32 s0, s3;
	s0 =	sld [smem:$0x3FAA]  }
0x30: {  	s3 =	sld [smem:$0x3FAD]  }
0x31: {  	[smem:$0x3FB6] =	sst s10  }
0x32: {  	s10 =	sld [smem:$0x3FB4];
	_ =	sdelay $0x3  }
0x33: {  	p0 =	seq.s32 s10, $0x1;
	s10 =	sld [smem:$0x3FB6];
	_ =	sdelay $0x3  }
0x34: {  	[smem:$0x3FB6] =	sst s10  }
0x35: {  	s10 =	sld [smem:$0x3FB5];
	_ =	sdelay $0x3  }
0x36: {  	p1 =	seq.s32 s10, $0x1;
	s10 =	sld [smem:$0x3FB6];
	_ =	sdelay $0x3  }
0x37: {  	[smem:$0x3FB6] =	sst s10  }
0x38: {  	s10 =	sld [smem:$0x3FB7]  }
0x39: {  	_ = 	snop;
	(pc) =	sbr.ind lr, $3  }
0x3a: {  	_ = 	snop  }
0x3b: {  	_ = 	snop  }
0x3c: {  	p2 =	seq.s32 s10, $0x1;
	s10 =	sld [smem:$0x3FB6]  }
0x3d: {  	_ =	shalt  }
0x3e: {  	_ =	shalt  }
0x3f: {  	_ =	shalt  }
0x40: {  	_ =	shalt  }
0x41: {  	_ =	shalt  }
0x42: {  	_ =	shalt  }
0x43: {  	_ =	shalt  }
0x44: {  	_ =	shalt  }
0x45: {  	_ =	shalt  }
0x46: {  	_ =	shalt  }
0x47: {  	_ =	shalt  }
0x48: {  	_ =	shalt  }
0x49: {  	_ =	shalt  }
0x4a: {  	_ =	shalt  }
0x4b: {  	_ =	shalt  }
0x4c: {  	_ =	shalt  }
0x4d: {  	_ =	shalt  }
0x4e: {  	_ =	shalt  }
0x4f: {  	_ =	shalt  }
0x50: {  	_ =	shalt  }
0x51: {  	_ =	shalt  }
0x52: {  	_ =	shalt  }
0x53: {  	_ =	shalt  }
0x54: {  	_ =	shalt  }
0x55: {  	_ =	shalt  }
0x56: {  	_ =	shalt  }
0x57: {  	_ =	shalt  }
0x58: {  	_ =	shalt  }
0x59: {  	_ =	shalt  }
0x5a: {  	_ =	shalt  }
0x5b: {  	_ =	shalt  }
0x5c: {  	_ =	shalt  }
0x5d: {  	_ =	shalt  }
0x5e: {  	_ =	shalt  }
0x5f: {  	_ =	shalt  }
0x60: {  	_ =	shalt  }
0x61: {  	_ =	shalt  }
0x62: {  	_ =	shalt  }
0x63: {  	_ =	shalt  }
0x64: {  	_ =	shalt  }
0x65: {  	_ =	shalt  }
0x66: {  	_ =	shalt  }
0x67: {  	_ =	shalt  }
0x68: {  	_ =	shalt  }
0x69: {  	_ =	shalt  }
0x6a: {  	_ =	shalt  }
0x6b: {  	_ =	shalt  }
0x6c: {  	_ =	shalt  }
0x6d: {  	_ =	shalt  }
0x6e: {  	_ =	shalt  }
0x6f: {  	_ =	shalt  }
0x70: {  	_ =	shalt  }
0x71: {  	_ =	shalt  }
0x72: {  	_ =	shalt  }
0x73: {  	_ =	shalt  }
0x74: {  	_ =	shalt  }
0x75: {  	_ =	shalt  }
0x76: {  	_ =	shalt  }
0x77: {  	_ =	shalt  }
0x78: {  	_ =	shalt  }
0x79: {  	_ =	shalt  }
0x7a: {  	_ =	shalt  }
0x7b: {  	_ =	shalt  }
0x7c: {  	_ =	shalt  }
0x7d: {  	_ =	shalt  }
0x7e: {  	_ =	shalt  }
0x7f: {  	_ =	shalt  }
0x80: {  	_ =	shalt  }
0x81: {  	_ =	shalt  }
0x82: {  	_ =	shalt  }
0x83: {  	_ =	shalt  }
0x84: {  	_ =	shalt  }
0x85: {  	_ =	shalt  }
0x86: {  	_ =	shalt  }
0x87: {  	_ =	shalt  }
.Lfunc_end0:
.L_simem_size_0:
called_computation.6_lowered:
.L_overlay_start_0:
0x88: {  	s2 =	sld [smem:$0x3FD9]  }
0x89: {  	s3 =	sld [smem:$0x3FFE];
	_ =	sdelay $0x1  }
0x8a: {  	s1 =	srdreg.scid  }
0x8b: {  	s0 =	sand.u32 $0x1, s1  }
0x8c: {  	s17 =	sshll.u32 s0, $0xA;
	s2 =	sadd.s32 s3, s2  }
0x8d: {  	s2 =	sadd.s32 s2, s17  }
0x8e: {  	[smem:$0x3FC2] =	sst s2  }
0x8f: {  	_ = 	snop  }
0x90: {  	s2 =	sld [smem:$0x3FD0];
	(tm) =	ssettm $0x1  }
0x91: {  	s18 =	sld [smem:$0x3FFB];
	_ =	sdelay $0x3  }
0x92: {  	_ =	strace s18  }
0x93: {  	s3 =	sld [smem:$0x3FFC];
	_ =	sdelay $0x3  }
0x94: {  	_ =	strace s3  }
0x95: {  	s3 =	sld [smem:$0x3FFD];
	_ =	sdelay $0x3  }
0x96: {  	_ =	strace s3  }
0x97: {  	_ =	strace $0x8FFFFFFF  }
0x98: {  	s19 =	sld [smem:$0x3FDB];
	_ =	sdelay $0x1  }
0x99: {  	s4 =	simm.s32 $_scs_section_size  }
0x9a: {  	s5 =	simm.s32 $_size__tile_overlayer_lowered;
	s6 =	simm.s32 $_tile_overlayer_lowered  }
0x9b: {  	s22 =	simm.s32 $0x1BFF;
	s21 =	sshll.u32 s6, $0x1;
	s3 =	sadd.s32 s4, s19  }
0x9c: {  	s7 =	simm.s32 $0x0;
	s20 =	sshll.u32 s5, $0x1;
	s5 =	sadd.s32 s21, s3  }
0x9d: {  	[timem:s7], [sflag:s22] =	dma.local [hbm:s5], s20  }
0x9e: {  	_ =	swait.ge [sflag:s22], s20  }
0x9f: {  	s4 =	ssub.s32 $0x0, s20;
	[sflag:s22] =	ssyncset.done $0x0  }
0xa0: {  	[sflag:s22] =	ssyncadd.s32 s4;
	_ =	sdelay $0x1  }
0xa1: {  	s23 =	simm.s32 $0x1B8B  }
0xa2: {  	_ =	swait.ge [sflag:s23], $0x1  }
0xa3: {  	[sflag:s23] =	ssyncset.done $0x0  }
0xa4: {  	s25 =	simm.s32 $0x1B8E;
	s24 =	sld [smem:$0x3FFE];
	[sflag:s23] =	ssyncadd.s32 $0xFFFFFFFF  }
0xa5: {  	s26 =	simm.s32 $execute0_lowered;
	[smem:$0x3FD2] =	sst s25  }
0xa6: {  	s5 =	sshll.u32 s26, $0x1;
	_ =	strace $0x80000058;
	[dreg:$0x1] =	wrdreg $0xFFFFFFFF  }
0xa7: {  	s28 =	simm.s32 $_size_execute0_lowered;
	s3 =	sadd.s32 s3, s5;
	[dreg:$0x0] =	wrdreg $0x0  }
0xa8: {  	s5 =	sshll.u32 s28, $0x1;
	[dreg:$0x2] =	wrdreg s3  }
0xa9: {  	[dreg:$0x3] =	wrdreg s5  }
0xaa: {  	[dreg:$0x4] =	wrdreg $0xC0  }
0xab: {  	_ =	task [dreg:s7], $0x5FFFF  }
0xac: {  	[dreg:$0x1] =	wrdreg $0xFFFFFFFF  }
0xad: {  	[dreg:$0x0] =	wrdreg $0x60  }
0xae: {  	[dreg:$0x2] =	wrdreg s24  }
0xaf: {  	[dreg:$0x3] =	wrdreg s2  }
0xb0: {  	[dreg:$0x4] =	wrdreg $0x0  }
0xb1: {  	[dreg:$0x5] =	wrdreg $0x9  }
0xb2: {  	_ =	task.clear_ibuf [dreg:s7], $0x6FFFF;
	_ =	strace $0x90000058  }
0xb3: {  	s29 =	simm.s32 $0x9;
	_ =	strace $0x8000005A  }
0xb4: {  	_ =	swait.ge [sflag:s29], $0x1  }
0xb5: {  	[sflag:s29] =	ssyncadd.s32 $0xFFFFFFFF  }
0xb6: {  	_ =	strace $0x9000005A  }
0xb7: {  	_ =	sfence  }
0xb8: {  	s30 =	sld [smem:$0x0];
	_ =	sdelay $0x2  }
0xb9: {  	s31 =	sshll.u32 s1, $0xD;
	s1 =	sshrl.u32 s1, $0x2  }
0xba: {  	s3 =	sand.u32 $0x4000, s31;
	s1 =	sadd.s32 s1, s30  }
0xbb: {  	s0 =	sor.u32 s3, s0;
	s1 =	sshll.u32 s1, $0x11  }
0xbc: {  	s0 =	sor.u32 s1, s0  }
0xbd: {  	s0 =	sadd.s32 $0x8F2B, s0  }
0xbe: {  	[sflag:s0] =	ssyncadd.remote.s32 $0x1  }
0xbf: {  	_ =	sfence.sel $0xFFFF  }
0xc0: {  	[dreg:$0x0] =	wrdreg $0xFFFFFFFF;
	(pc) =	sbr.abs _section_cstart, $3  }
0xc1: {  	[dreg:$0x1] =	wrdreg $0xFFFFFFFF  }
0xc2: {  	_ =	task.clear_ibuf [dreg:s7], $0x2FFFF;
	_ =	strace $0x9FFFFFFF  }
0xc3: {  	(tm) =	ssettm $0x7FFFFFFF  }
tec
execute0_lowered:
.L_overlay_start_1:
0x0: {  	(tag) =	ssettag $0x1  }
0x1: {  	s7 =	rddreg [dreg:$0x0]  }
0x2: {  	s0 =	srdreg.scid;
	s8 =	rddreg [dreg:$0x1]  }
0x3: {  	s2 =	rddreg [dreg:$0x2];
	s3 =	simm.s32 $0x0;
	s16 =	simm.s32 $0xC800  }
0x4: {  	s17 =	simm.s32 $0x1;
	s6 =	sand.u32 $0x1, s0;
	s0 =	stileid.u32  }
0x5: {  	s18 =	simm.s32 $0x0;
	[smem:$0x7FF] =	sst s3;
	s10 =	smul.u32 $0x7800, s0  }
0x6: {  	s4 =	sadd.s32 $0x41200, s7;
	s1 =	sshll.u32 s6, $0x4;
	s5 =	smul.u32 $0x78000, s6  }
0x7: {  	s6 =	ssub.s32 $0x2, s6;
	s13 =	sshll.u32 s0, $0x6;
	s1 =	sor.u32 s0, s1  }
0x8: {  	s31 =	sshrl.u32 s6, $0x1;
	s9 =	smul.u32 $0x500, s1;
	s1 =	rddreg [dreg:$0x3]  }
0x9: {  	_ =	strace $0x80000059;
	s12 =	sadd.s32 s10, s5;
	s5 =	sadd.s32 $0x4A00, s7  }
0xa: {  	s14 =	ssub.s32 s6, s31;
	s15 =	sadd.s32 s10, s2;
	s6 =	sor.u32 $0x1C02, s13  }
0xb: {  	s13 =	simm.s32 $0x7800;
	s12 =	sshrl.u32 s12, $0x3;
	s10 =	smax.u32 s14, $0x1  }
0xc: {  	s14 =	simm.s32 $0xA000;
	s11 =	sadd.s32 s9, s7;
	s12 =	sadd.s32 s12, s7  }
0xd: {  	s8 =	sadd.s32 s8, s9;
	s7 =	sadd.s32 $0xF200, s11;
	s9 =	sadd.s32 $0x50200, s12  }
0xe: {  	s11 =	sshrl.u32 s15, $0x3;
	s12 =	simm.s32 $0x2;
	s15 =	simm.s32 $0x80  }
.LBB2_1:
0xf: {  	[spmem:s11], [sflag:s6] =	dma.local [hbm:s5], $0xF00  }
0x10: {  	_ =	swait.ge [sflag:s12], $0xF00  }
0x11: {  	[sflag:s12] =	ssyncset.done $0x0  }
0x12: {  	[sflag:s12] =	ssyncadd.s32 $0xFFFFF100  }
0x13: {  	[tilespmem:s13], [sflag:$0x2] =	stream.linear.gather [hbm4b:s7+s3], $0x2800, $0x38;
	[tilespmem:$0xE000] =	vst v63  }
0x14: {  	_ =	swait.ge [sflag:s12], $0x2800  }
0x15: {  	[sflag:s12] =	ssyncset.done $0x0  }
0x16: {  	[sflag:s12] =	ssyncadd.s32 $0xFFFFD800  }
0x17: {  	[tilespmem:s14], [sflag:$0x2] =	stream.linear.gather [hbm4b:s8+s3], $0x2800, $0x38;
	[tilespmem:$0xE000] =	vst v63  }
0x18: {  	_ =	swait.ge [sflag:s12], $0x2800  }
0x19: {  	[sflag:s12] =	ssyncset.done $0x0  }
0x1a: {  	[sflag:s12] =	ssyncadd.s32 $0xFFFFD800  }
0x1b: {  	s19 =	simm.s32 $0x7800;
	[bflag:$0x0] =	sbarrier.arrive $0xFFFF  }
0x1c: {  	[tilespmem:s16], [sflag:$0x1] =	stream.indirect.gather [hbm4b:s4+s15], $0x30, s19, s15, $0xb8;
	[tilespmem:$0xE000] =	vst v63  }
0x1d: {  	_ =	swait.ge [sflag:s17], $0x1800  }
0x1e: {  	[sflag:s17] =	ssyncset.done $0x0  }
0x1f: {  	s31 =	simm.s32 $0xA000;
	[sflag:s17] =	ssyncadd.s32 $0xFFFFE800  }
0x20: {  	[spmem:s2] =	stream.indirect.scatter.add.f32 [tilespmem:s16], [sflag:$0x2], $0x30, s31, s15, $0xb8;
	[tilespmem:$0xE000] =	vst v63  }
0x21: {  	_ =	swait.ge [sflag:s12], $0x1800  }
0x22: {  	s20 =	simm.s32 $0x400;
	s19 =	simm.s32 $0x80;
	[sflag:s12] =	ssyncset.done $0x0  }
.LBB2_2:
0x23: {  	s21 =	sadd.s32 $0x7800, s19  }
0x24: {  	[sflag:s12] =	ssyncadd.s32 $0xFFFFE800;
	s22 =	smov.u32 s20;
	s23 =	sadd.s32 $0x200, s20  }
0x25: {  	[tilespmem:s16], [sflag:$0x1] =	stream.indirect.gather [hbm4b:s4+s15], $0x30, s21, s15, $0xb8;
	[tilespmem:$0xE000] =	vst v63  }
0x26: {  	p0 =	sne.s32 s20, $0x9E00;
	_ =	swait.ge [sflag:s17], $0x1800  }
.Ltmp0:
0x27: {  	[sflag:s17] =	ssyncset.done $0x0;
	(pc) =	sbr.rel @p0 .LBB2_2-.Ltmp0, $4  }
0x28: {  	s19 =	sadd.s32 $0xA000, s19;
	[sflag:s17] =	ssyncadd.s32 $0xFFFFE800  }
0x29: {  	[spmem:s2] =	stream.indirect.scatter.add.f32 [tilespmem:s16], [sflag:$0x2], $0x30, s19, s15, $0xb8;
	[tilespmem:$0xE000] =	vst v63  }
0x2a: {  	_ =	swait.ge [sflag:s12], $0x1800  }
0x2b: {  	s20 =	smov.u32 s23;
	s19 =	sshra.s32 s22, $0x2;
	[sflag:s12] =	ssyncset.done $0x0  }
0x2c: {  	s20 =	sadd.s32 $0x7800, s19;
	[sflag:s12] =	ssyncadd.s32 $0xFFFFE800  }
0x2d: {  	[tilespmem:s16], [sflag:$0x1] =	stream.indirect.gather [hbm4b:s4+s15], $0x30, s20, s15, $0xb8;
	[tilespmem:$0xE000] =	vst v63  }
0x2e: {  	_ =	swait.ge [sflag:s17], $0x1800  }
0x2f: {  	[sflag:s17] =	ssyncset.done $0x0  }
0x30: {  	s31 =	sadd.s32 $0xA000, s19;
	[sflag:s17] =	ssyncadd.s32 $0xFFFFE800  }
0x31: {  	[spmem:s2] =	stream.indirect.scatter.add.f32 [tilespmem:s16], [sflag:$0x2], $0x30, s31, s15, $0xb8;
	[tilespmem:$0xE000] =	vst v63  }
0x32: {  	_ =	swait.ge [sflag:s12], $0x1800  }
0x33: {  	s18 =	sadd.s32 $0x1, s18;
	[sflag:s12] =	ssyncset.done $0x0  }
0x34: {  	p0 =	sne.s32 s18, s10;
	[sflag:s12] =	ssyncadd.s32 $0xFFFFE800  }
.Ltmp1:
0x35: {  	[bflag:$0x0] =	sbarrier.arrive $0xFFFF;
	(pc) =	sbr.rel @p0 .LBB2_1-.Ltmp1, $4  }
0x36: {  	[hbm:s9], [sflag:s6] =	dma.local [spmem:s11], $0xF00  }
0x37: {  	_ =	swait.ge [sflag:s12], $0xF00  }
0x38: {  	[sflag:s12] =	ssyncset.done $0x0  }
0x39: {  	[sflag:s12] =	ssyncadd.s32 $0xFFFFF100  }
0x3a: {  	_ =	sfence.sel $0x180000  }
0x3b: {  	[bflag:$0x0] =	sbarrier.arrive $0xFFFF  }
0x3c: {  	p0 =	sne.s32 s0, $0x0;
	_ =	strace $0x90000059  }
0x3d: {  	s0 =	sadd.s32 @!p0 $0x100000, s1;
	[bflag:$0x2] =	sbarrier.arrive $0xFFFF  }
0x3e: {  	[sflag:s0] =	ssyncadd.tile.s32 @!p0 $0x1;
	_ =	shalt  }
.Lfunc_end2:
_tile_overlayer_lowered:
.L_overlay_start_2:
0x3f: {  	(tag) =	ssettag $0x2  }
0x40: {  	s0 =	rddreg [dreg:$0x0];
	s2 =	stileid.u32  }
0x41: {  	s1 =	rddreg [dreg:$0x1];
	p0 =	sne.s32 s2, $0x0  }
0x42: {  	s3 =	rddreg [dreg:$0x2];
	[bflag:$0x3] =	sbarrier.arrive $0xFFFF;
	s2 =	simm.s32 @!p0 $0x1C02  }
0x43: {  	[timem:s3], [sflag:s2] =	dma.local @!p0 [hbm:s0], s1  }
0x44: {  	s0 =	simm.s32 @!p0 $0x2  }
0x45: {  	_ =	swait.ge @!p0 [sflag:s0], s1  }
0x46: {  	s1 =	ssub.s32 @!p0 $0x0, s1;
	[sflag:s0] =	ssyncset.done @!p0 $0x0  }
0x47: {  	[sflag:s0] =	ssyncadd.s32 @!p0 s1  }
0x48: {  	[bflag:$0x3] =	sbarrier.arrive $0xFFFF  }
0x49: {  	_ =	shalt  }

// kernel: kernel.47.cloned.1.call-start
scs
__scs_entry_jumppad:
0x0: {  	(pc) =	sbr.rel $0x88, $3  }
0x1: {  	(tag) =	ssettag $0x0;
	lr =	simm.s32 $0x1  }
0x2: {  	[smem:$0x3F9B] =	sst lr;
	_ =	strace $0xD0000000  }
0x3: {  	_ = 	snop  }
0x4: {  	_ = 	snop  }
0x5: {  	_ = 	snop  }
0x6: {  	_ = 	snop  }
0x7: {  	_ = 	snop  }
__scs_overlays_trampoline_lowered:
0x8: {  	[smem:$0x3FAA] =	sst s0  }
0x9: {  	[smem:$0x3FAB] =	sst s1  }
0xa: {  	[smem:$0x3FAC] =	sst s2  }
0xb: {  	[smem:$0x3FAD] =	sst s3  }
0xc: {  	[smem:$0x3FAE] =	sst s4  }
0xd: {  	[smem:$0x3FAF] =	sst s5  }
0xe: {  	[smem:$0x3FB0] =	sst s6  }
0xf: {  	[smem:$0x3FB1] =	sst s7  }
0x10: {  	[smem:$0x3FB2] =	sst s8  }
0x11: {  	[smem:$0x3FB3] =	sst s9;
	s0 =	simm.s32 @!p0 $0x0  }
0x12: {  	s1 =	sld [smem:$0x3F99];
	s0 =	simm.s32 @p0 $0x1  }
0x13: {  	[smem:$0x3FB4] =	sst s0;
	s0 =	simm.s32 @!p1 $0x0  }
0x14: {  	s2 =	sld [smem:$0x3F98];
	s0 =	simm.s32 @p1 $0x1  }
0x15: {  	[smem:$0x3FB5] =	sst s0;
	s0 =	simm.s32 @!p2 $0x0  }
0x16: {  	s3 =	sld [smem:$0x3FDB];
	s0 =	simm.s32 @p2 $0x1  }
0x17: {  	s4 =	simm.s32 $0x1BF5;
	[smem:$0x3FB7] =	sst s0  }
0x18: {  	s0 =	sld [smem:$0x3F9A];
	_ =	swait.ge [sflag:s4], $0x0  }
0x19: {  	s7 =	sld [smem:$0x3F9B]  }
0x1a: {  	s8 =	sadd.s32 $0xFFFFE003, lr  }
0x1b: {  	s9 =	sadd.s32 $0xFFFFFEF7, lr;
	s5 =	simm.s32 $0xFFFFFFFF;
	p2 =	slt.u32 s8, $0xFFFFF086  }
0x1c: {  	p1 =	slt.u32 s9, $0xF7A;
	s5 =	simm.s32 @!p2 $0x0  }
0x1d: {  	s5 =	simm.s32 @p1 $0x1;
	p0 =	seq.s32 s7, s2  }
0x1e: {  	s7 =	smul.u32 @!p0 $0xF7A, s2;
	p2 =	seq.s32 @!p0 s5, $0x0  }
0x1f: {  	s9 =	smul.u32 $0xF7A, s1;
	s8 =	simm.s32 @!p0 $0x1BF5;
	p2 =	por !p2, p0  }
0x20: {  	[sflag:s8] =	ssyncset.s32 @!p0 $0xFFFFF086;
	s6 =	sadd.s32 @!p0 s3, s7;
	s7 =	simm.s32 @!p0 $0x108  }
0x21: {  	s3 =	sadd.s32 s3, s9;
	s6 =	sadd.s32 @!p0 $0x88, s6;
	s7 =	simm.s32 @p2 $0x1082  }
0x22: {  	[simem:s7], [sflag:s8] =	dma.local @!p0 [hbm:s6], $0xF7A  }
0x23: {  	s9 =	sor.u32 $0xD0000000, s2;
	s6 =	simm.s32 $0x108;
	_ =	swait.ge @!p0 [sflag:s8], $0x0  }
0x24: {  	s3 =	sadd.s32 $0x88, s3;
	s6 =	simm.s32 @!p1 $0x1082;
	[sflag:s4] =	ssyncset.s32 $0xFFFFF086  }
0x25: {  	[simem:s6], [sflag:s4] =	dma.local [hbm:s3], $0xF7A  }
0x26: {  	[smem:$0x3F9B] =	sst s1;
	(tag) =	ssettag s2;
	_ =	strace s9  }
0x27: {  	s1 =	sld [smem:$0x3FAB]  }
0x28: {  	s2 =	sld [smem:$0x3FAC]  }
0x29: {  	s4 =	sld [smem:$0x3FAE]  }
0x2a: {  	p0 =	seq.s32 s5, $0x0;
	s5 =	sld [smem:$0x3FAF]  }
0x2b: {  	s6 =	sld [smem:$0x3FB0]  }
0x2c: {  	s7 =	sld [smem:$0x3FB1]  }
0x2d: {  	s3 =	simm.s32 $0x108;
	s8 =	sld [smem:$0x3FB2]  }
0x2e: {  	s3 =	simm.s32 @!p0 $0x1082;
	s9 =	sld [smem:$0x3FB3]  }
0x2f: {  	lr =	sadd.s32 s0, s3;
	s0 =	sld [smem:$0x3FAA]  }
0x30: {  	s3 =	sld [smem:$0x3FAD]  }
0x31: {  	[smem:$0x3FB6] =	sst s10  }
0x32: {  	s10 =	sld [smem:$0x3FB4];
	_ =	sdelay $0x3  }
0x33: {  	p0 =	seq.s32 s10, $0x1;
	s10 =	sld [smem:$0x3FB6];
	_ =	sdelay $0x3  }
0x34: {  	[smem:$0x3FB6] =	sst s10  }
0x35: {  	s10 =	sld [smem:$0x3FB5];
	_ =	sdelay $0x3  }
0x36: {  	p1 =	seq.s32 s10, $0x1;
	s10 =	sld [smem:$0x3FB6];
	_ =	sdelay $0x3  }
0x37: {  	[smem:$0x3FB6] =	sst s10  }
0x38: {  	s10 =	sld [smem:$0x3FB7]  }
0x39: {  	_ = 	snop;
	(pc) =	sbr.ind lr, $3  }
0x3a: {  	_ = 	snop  }
0x3b: {  	_ = 	snop  }
0x3c: {  	p2 =	seq.s32 s10, $0x1;
	s10 =	sld [smem:$0x3FB6]  }
0x3d: {  	_ =	shalt  }
0x3e: {  	_ =	shalt  }
0x3f: {  	_ =	shalt  }
0x40: {  	_ =	shalt  }
0x41: {  	_ =	shalt  }
0x42: {  	_ =	shalt  }
0x43: {  	_ =	shalt  }
0x44: {  	_ =	shalt  }
0x45: {  	_ =	shalt  }
0x46: {  	_ =	shalt  }
0x47: {  	_ =	shalt  }
0x48: {  	_ =	shalt  }
0x49: {  	_ =	shalt  }
0x4a: {  	_ =	shalt  }
0x4b: {  	_ =	shalt  }
0x4c: {  	_ =	shalt  }
0x4d: {  	_ =	shalt  }
0x4e: {  	_ =	shalt  }
0x4f: {  	_ =	shalt  }
0x50: {  	_ =	shalt  }
0x51: {  	_ =	shalt  }
0x52: {  	_ =	shalt  }
0x53: {  	_ =	shalt  }
0x54: {  	_ =	shalt  }
0x55: {  	_ =	shalt  }
0x56: {  	_ =	shalt  }
0x57: {  	_ =	shalt  }
0x58: {  	_ =	shalt  }
0x59: {  	_ =	shalt  }
0x5a: {  	_ =	shalt  }
0x5b: {  	_ =	shalt  }
0x5c: {  	_ =	shalt  }
0x5d: {  	_ =	shalt  }
0x5e: {  	_ =	shalt  }
0x5f: {  	_ =	shalt  }
0x60: {  	_ =	shalt  }
0x61: {  	_ =	shalt  }
0x62: {  	_ =	shalt  }
0x63: {  	_ =	shalt  }
0x64: {  	_ =	shalt  }
0x65: {  	_ =	shalt  }
0x66: {  	_ =	shalt  }
0x67: {  	_ =	shalt  }
0x68: {  	_ =	shalt  }
0x69: {  	_ =	shalt  }
0x6a: {  	_ =	shalt  }
0x6b: {  	_ =	shalt  }
0x6c: {  	_ =	shalt  }
0x6d: {  	_ =	shalt  }
0x6e: {  	_ =	shalt  }
0x6f: {  	_ =	shalt  }
0x70: {  	_ =	shalt  }
0x71: {  	_ =	shalt  }
0x72: {  	_ =	shalt  }
0x73: {  	_ =	shalt  }
0x74: {  	_ =	shalt  }
0x75: {  	_ =	shalt  }
0x76: {  	_ =	shalt  }
0x77: {  	_ =	shalt  }
0x78: {  	_ =	shalt  }
0x79: {  	_ =	shalt  }
0x7a: {  	_ =	shalt  }
0x7b: {  	_ =	shalt  }
0x7c: {  	_ =	shalt  }
0x7d: {  	_ =	shalt  }
0x7e: {  	_ =	shalt  }
0x7f: {  	_ =	shalt  }
0x80: {  	_ =	shalt  }
0x81: {  	_ =	shalt  }
0x82: {  	_ =	shalt  }
0x83: {  	_ =	shalt  }
0x84: {  	_ =	shalt  }
0x85: {  	_ =	shalt  }
0x86: {  	_ =	shalt  }
0x87: {  	_ =	shalt  }
.Lfunc_end0:
.L_simem_size_0:
called_computation.7_lowered:
.L_overlay_start_0:
0x88: {  	s2 =	sld [smem:$0x3FD9]  }
0x89: {  	s3 =	sld [smem:$0x3FFE];
	_ =	sdelay $0x1  }
0x8a: {  	s1 =	srdreg.scid  }
0x8b: {  	s0 =	sand.u32 $0x1, s1  }
0x8c: {  	s17 =	sshll.u32 s0, $0xA;
	s2 =	sadd.s32 s3, s2  }
0x8d: {  	s2 =	sadd.s32 s2, s17  }
0x8e: {  	[smem:$0x3FC2] =	sst s2  }
0x8f: {  	_ = 	snop  }
0x90: {  	s2 =	sld [smem:$0x3FD0];
	(tm) =	ssettm $0x1  }
0x91: {  	s18 =	sld [smem:$0x3FFB];
	_ =	sdelay $0x3  }
0x92: {  	_ =	strace s18  }
0x93: {  	s3 =	sld [smem:$0x3FFC];
	_ =	sdelay $0x3  }
0x94: {  	_ =	strace s3  }
0x95: {  	s3 =	sld [smem:$0x3FFD];
	_ =	sdelay $0x3  }
0x96: {  	_ =	strace s3  }
0x97: {  	_ =	strace $0x8FFFFFFF  }
0x98: {  	s19 =	sld [smem:$0x3FDB];
	_ =	sdelay $0x1  }
0x99: {  	s4 =	simm.s32 $_scs_section_size  }
0x9a: {  	s5 =	simm.s32 $_size__tile_overlayer_lowered;
	s6 =	simm.s32 $_tile_overlayer_lowered  }
0x9b: {  	s22 =	simm.s32 $0x1BFF;
	s21 =	sshll.u32 s6, $0x1;
	s3 =	sadd.s32 s4, s19  }
0x9c: {  	s7 =	simm.s32 $0x0;
	s20 =	sshll.u32 s5, $0x1;
	s5 =	sadd.s32 s21, s3  }
0x9d: {  	[timem:s7], [sflag:s22] =	dma.local [hbm:s5], s20  }
0x9e: {  	_ =	swait.ge [sflag:s22], s20  }
0x9f: {  	s4 =	ssub.s32 $0x0, s20;
	[sflag:s22] =	ssyncset.done $0x0  }
0xa0: {  	[sflag:s22] =	ssyncadd.s32 s4;
	_ =	sdelay $0x1  }
0xa1: {  	s23 =	simm.s32 $0x1B8B  }
0xa2: {  	_ =	swait.ge [sflag:s23], $0x1  }
0xa3: {  	[sflag:s23] =	ssyncset.done $0x0  }
0xa4: {  	s25 =	simm.s32 $0x1B8E;
	s24 =	sld [smem:$0x3FFE];
	[sflag:s23] =	ssyncadd.s32 $0xFFFFFFFF  }
0xa5: {  	s26 =	simm.s32 $execute0_lowered;
	[smem:$0x3FD2] =	sst s25  }
0xa6: {  	s5 =	sshll.u32 s26, $0x1;
	_ =	strace $0x8000005B;
	[dreg:$0x1] =	wrdreg $0xFFFFFFFF  }
0xa7: {  	s28 =	simm.s32 $_size_execute0_lowered;
	s3 =	sadd.s32 s3, s5;
	[dreg:$0x0] =	wrdreg $0x0  }
0xa8: {  	s5 =	sshll.u32 s28, $0x1;
	[dreg:$0x2] =	wrdreg s3  }
0xa9: {  	[dreg:$0x3] =	wrdreg s5  }
0xaa: {  	[dreg:$0x4] =	wrdreg $0xC0  }
0xab: {  	_ =	task [dreg:s7], $0x5FFFF  }
0xac: {  	[dreg:$0x1] =	wrdreg $0xFFFFFFFF  }
0xad: {  	[dreg:$0x0] =	wrdreg $0x60  }
0xae: {  	[dreg:$0x2] =	wrdreg s24  }
0xaf: {  	[dreg:$0x3] =	wrdreg s2  }
0xb0: {  	[dreg:$0x4] =	wrdreg $0x0  }
0xb1: {  	[dreg:$0x5] =	wrdreg $0x9  }
0xb2: {  	_ =	task.clear_ibuf [dreg:s7], $0x6FFFF;
	_ =	strace $0x9000005B  }
0xb3: {  	s29 =	simm.s32 $0x9;
	_ =	strace $0x8000005D  }
0xb4: {  	_ =	swait.ge [sflag:s29], $0x1  }
0xb5: {  	[sflag:s29] =	ssyncadd.s32 $0xFFFFFFFF  }
0xb6: {  	_ =	strace $0x9000005D  }
0xb7: {  	_ =	sfence  }
0xb8: {  	s30 =	sld [smem:$0x0];
	_ =	sdelay $0x2  }
0xb9: {  	s31 =	sshll.u32 s1, $0xD;
	s1 =	sshrl.u32 s1, $0x2  }
0xba: {  	s3 =	sand.u32 $0x4000, s31;
	s1 =	sadd.s32 s1, s30  }
0xbb: {  	s0 =	sor.u32 s3, s0;
	s1 =	sshll.u32 s1, $0x11  }
0xbc: {  	s0 =	sor.u32 s1, s0  }
0xbd: {  	s0 =	sadd.s32 $0x8F2B, s0  }
0xbe: {  	[sflag:s0] =	ssyncadd.remote.s32 $0x1  }
0xbf: {  	_ =	sfence.sel $0xFFFF  }
0xc0: {  	[dreg:$0x0] =	wrdreg $0xFFFFFFFF;
	(pc) =	sbr.abs _section_cstart, $3  }
0xc1: {  	[dreg:$0x1] =	wrdreg $0xFFFFFFFF  }
0xc2: {  	_ =	task.clear_ibuf [dreg:s7], $0x2FFFF;
	_ =	strace $0x9FFFFFFF  }
0xc3: {  	(tm) =	ssettm $0x7FFFFFFF  }
tec
execute0_lowered:
.L_overlay_start_1:
0x0: {  	(tag) =	ssettag $0x1  }
0x1: {  	s7 =	rddreg [dreg:$0x0]  }
0x2: {  	s0 =	srdreg.scid;
	s8 =	rddreg [dreg:$0x1]  }
0x3: {  	s2 =	rddreg [dreg:$0x2];
	s3 =	simm.s32 $0x0;
	s16 =	simm.s32 $0xC800  }
0x4: {  	s17 =	simm.s32 $0x1;
	s6 =	sand.u32 $0x1, s0;
	s0 =	stileid.u32  }
0x5: {  	s18 =	simm.s32 $0x0;
	[smem:$0x7FF] =	sst s3;
	s10 =	smul.u32 $0x7800, s0  }
0x6: {  	s4 =	sadd.s32 $0x41200, s7;
	s1 =	sshll.u32 s6, $0x4;
	s5 =	smul.u32 $0x78000, s6  }
0x7: {  	s6 =	ssub.s32 $0x2, s6;
	s13 =	sshll.u32 s0, $0x6;
	s1 =	sor.u32 s0, s1  }
0x8: {  	s31 =	sshrl.u32 s6, $0x1;
	s9 =	smul.u32 $0x500, s1;
	s1 =	rddreg [dreg:$0x3]  }
0x9: {  	_ =	strace $0x8000005C;
	s12 =	sadd.s32 s10, s5;
	s5 =	sadd.s32 $0x4A00, s7  }
0xa: {  	s14 =	ssub.s32 s6, s31;
	s15 =	sadd.s32 s10, s2;
	s6 =	sor.u32 $0x1C02, s13  }
0xb: {  	s13 =	simm.s32 $0x7800;
	s12 =	sshrl.u32 s12, $0x3;
	s10 =	smax.u32 s14, $0x1  }
0xc: {  	s14 =	simm.s32 $0xA000;
	s11 =	sadd.s32 s9, s7;
	s12 =	sadd.s32 s12, s7  }
0xd: {  	s8 =	sadd.s32 s8, s9;
	s7 =	sadd.s32 $0xF200, s11;
	s9 =	sadd.s32 $0x50200, s12  }
0xe: {  	s11 =	sshrl.u32 s15, $0x3;
	s12 =	simm.s32 $0x2;
	s15 =	simm.s32 $0x80  }
.LBB2_1:
0xf: {  	[spmem:s11], [sflag:s6] =	dma.local [hbm:s5], $0xF00  }
0x10: {  	_ =	swait.ge [sflag:s12], $0xF00  }
0x11: {  	[sflag:s12] =	ssyncset.done $0x0  }
0x12: {  	[sflag:s12] =	ssyncadd.s32 $0xFFFFF100  }
0x13: {  	[tilespmem:s13], [sflag:$0x2] =	stream.linear.gather [hbm4b:s7+s3], $0x2800, $0x38;
	[tilespmem:$0xE000] =	vst v63  }
0x14: {  	_ =	swait.ge [sflag:s12], $0x2800  }
0x15: {  	[sflag:s12] =	ssyncset.done $0x0  }
0x16: {  	[sflag:s12] =	ssyncadd.s32 $0xFFFFD800  }
0x17: {  	[tilespmem:s14], [sflag:$0x2] =	stream.linear.gather [hbm4b:s8+s3], $0x2800, $0x38;
	[tilespmem:$0xE000] =	vst v63  }
0x18: {  	_ =	swait.ge [sflag:s12], $0x2800  }
0x19: {  	[sflag:s12] =	ssyncset.done $0x0  }
0x1a: {  	[sflag:s12] =	ssyncadd.s32 $0xFFFFD800  }
0x1b: {  	s19 =	simm.s32 $0x7800;
	[bflag:$0x0] =	sbarrier.arrive $0xFFFF  }
0x1c: {  	[tilespmem:s16], [sflag:$0x1] =	stream.indirect.gather [hbm4b:s4+s15], $0x30, s19, s15, $0xb8;
	[tilespmem:$0xE000] =	vst v63  }
0x1d: {  	_ =	swait.ge [sflag:s17], $0x1800  }
0x1e: {  	[sflag:s17] =	ssyncset.done $0x0  }
0x1f: {  	s31 =	simm.s32 $0xA000;
	[sflag:s17] =	ssyncadd.s32 $0xFFFFE800  }
0x20: {  	[spmem:s2] =	stream.indirect.scatter.add.f32 [tilespmem:s16], [sflag:$0x2], $0x30, s31, s15, $0xb8;
	[tilespmem:$0xE000] =	vst v63  }
0x21: {  	_ =	swait.ge [sflag:s12], $0x1800  }
0x22: {  	s20 =	simm.s32 $0x400;
	s19 =	simm.s32 $0x80;
	[sflag:s12] =	ssyncset.done $0x0  }
.LBB2_2:
0x23: {  	s21 =	sadd.s32 $0x7800, s19  }
0x24: {  	[sflag:s12] =	ssyncadd.s32 $0xFFFFE800;
	s22 =	smov.u32 s20;
	s23 =	sadd.s32 $0x200, s20  }
0x25: {  	[tilespmem:s16], [sflag:$0x1] =	stream.indirect.gather [hbm4b:s4+s15], $0x30, s21, s15, $0xb8;
	[tilespmem:$0xE000] =	vst v63  }
0x26: {  	p0 =	sne.s32 s20, $0x9E00;
	_ =	swait.ge [sflag:s17], $0x1800  }
.Ltmp0:
0x27: {  	[sflag:s17] =	ssyncset.done $0x0;
	(pc) =	sbr.rel @p0 .LBB2_2-.Ltmp0, $4  }
0x28: {  	s19 =	sadd.s32 $0xA000, s19;
	[sflag:s17] =	ssyncadd.s32 $0xFFFFE800  }
0x29: {  	[spmem:s2] =	stream.indirect.scatter.add.f32 [tilespmem:s16], [sflag:$0x2], $0x30, s19, s15, $0xb8;
	[tilespmem:$0xE000] =	vst v63  }
0x2a: {  	_ =	swait.ge [sflag:s12], $0x1800  }
0x2b: {  	s20 =	smov.u32 s23;
	s19 =	sshra.s32 s22, $0x2;
	[sflag:s12] =	ssyncset.done $0x0  }
0x2c: {  	s20 =	sadd.s32 $0x7800, s19;
	[sflag:s12] =	ssyncadd.s32 $0xFFFFE800  }
0x2d: {  	[tilespmem:s16], [sflag:$0x1] =	stream.indirect.gather [hbm4b:s4+s15], $0x30, s20, s15, $0xb8;
	[tilespmem:$0xE000] =	vst v63  }
0x2e: {  	_ =	swait.ge [sflag:s17], $0x1800  }
0x2f: {  	[sflag:s17] =	ssyncset.done $0x0  }
0x30: {  	s31 =	sadd.s32 $0xA000, s19;
	[sflag:s17] =	ssyncadd.s32 $0xFFFFE800  }
0x31: {  	[spmem:s2] =	stream.indirect.scatter.add.f32 [tilespmem:s16], [sflag:$0x2], $0x30, s31, s15, $0xb8;
	[tilespmem:$0xE000] =	vst v63  }
0x32: {  	_ =	swait.ge [sflag:s12], $0x1800  }
0x33: {  	s18 =	sadd.s32 $0x1, s18;
	[sflag:s12] =	ssyncset.done $0x0  }
0x34: {  	p0 =	sne.s32 s18, s10;
	[sflag:s12] =	ssyncadd.s32 $0xFFFFE800  }
.Ltmp1:
0x35: {  	[bflag:$0x0] =	sbarrier.arrive $0xFFFF;
	(pc) =	sbr.rel @p0 .LBB2_1-.Ltmp1, $4  }
0x36: {  	[hbm:s9], [sflag:s6] =	dma.local [spmem:s11], $0xF00  }
0x37: {  	_ =	swait.ge [sflag:s12], $0xF00  }
0x38: {  	[sflag:s12] =	ssyncset.done $0x0  }
0x39: {  	[sflag:s12] =	ssyncadd.s32 $0xFFFFF100  }
0x3a: {  	_ =	sfence.sel $0x180000  }
0x3b: {  	[bflag:$0x0] =	sbarrier.arrive $0xFFFF  }
0x3c: {  	p0 =	sne.s32 s0, $0x0;
	_ =	strace $0x9000005C  }
0x3d: {  	s0 =	sadd.s32 @!p0 $0x100000, s1;
	[bflag:$0x2] =	sbarrier.arrive $0xFFFF  }
0x3e: {  	[sflag:s0] =	ssyncadd.tile.s32 @!p0 $0x1;
	_ =	shalt  }
.Lfunc_end2:
_tile_overlayer_lowered:
.L_overlay_start_2:
0x3f: {  	(tag) =	ssettag $0x2  }
0x40: {  	s0 =	rddreg [dreg:$0x0];
	s2 =	stileid.u32  }
0x41: {  	s1 =	rddreg [dreg:$0x1];
	p0 =	sne.s32 s2, $0x0  }
0x42: {  	s3 =	rddreg [dreg:$0x2];
	[bflag:$0x3] =	sbarrier.arrive $0xFFFF;
	s2 =	simm.s32 @!p0 $0x1C02  }
0x43: {  	[timem:s3], [sflag:s2] =	dma.local @!p0 [hbm:s0], s1  }
0x44: {  	s0 =	simm.s32 @!p0 $0x2  }
0x45: {  	_ =	swait.ge @!p0 [sflag:s0], s1  }
0x46: {  	s1 =	ssub.s32 @!p0 $0x0, s1;
	[sflag:s0] =	ssyncset.done @!p0 $0x0  }
0x47: {  	[sflag:s0] =	ssyncadd.s32 @!p0 s1  }
0x48: {  	[bflag:$0x3] =	sbarrier.arrive $0xFFFF  }
0x49: {  	_ =	shalt  }

// kernel: kernel.50.cloned.1.call-start
scs
__scs_entry_jumppad:
0x0: {  	(pc) =	sbr.rel $0x88, $3  }
0x1: {  	(tag) =	ssettag $0x0;
	lr =	simm.s32 $0x1  }
0x2: {  	[smem:$0x3F9B] =	sst lr;
	_ =	strace $0xD0000000  }
0x3: {  	_ = 	snop  }
0x4: {  	_ = 	snop  }
0x5: {  	_ = 	snop  }
0x6: {  	_ = 	snop  }
0x7: {  	_ = 	snop  }
__scs_overlays_trampoline_lowered:
0x8: {  	[smem:$0x3FAA] =	sst s0  }
0x9: {  	[smem:$0x3FAB] =	sst s1  }
0xa: {  	[smem:$0x3FAC] =	sst s2  }
0xb: {  	[smem:$0x3FAD] =	sst s3  }
0xc: {  	[smem:$0x3FAE] =	sst s4  }
0xd: {  	[smem:$0x3FAF] =	sst s5  }
0xe: {  	[smem:$0x3FB0] =	sst s6  }
0xf: {  	[smem:$0x3FB1] =	sst s7  }
0x10: {  	[smem:$0x3FB2] =	sst s8  }
0x11: {  	[smem:$0x3FB3] =	sst s9;
	s0 =	simm.s32 @!p0 $0x0  }
0x12: {  	s1 =	sld [smem:$0x3F99];
	s0 =	simm.s32 @p0 $0x1  }
0x13: {  	[smem:$0x3FB4] =	sst s0;
	s0 =	simm.s32 @!p1 $0x0  }
0x14: {  	s2 =	sld [smem:$0x3F98];
	s0 =	simm.s32 @p1 $0x1  }
0x15: {  	[smem:$0x3FB5] =	sst s0;
	s0 =	simm.s32 @!p2 $0x0  }
0x16: {  	s3 =	sld [smem:$0x3FDB];
	s0 =	simm.s32 @p2 $0x1  }
0x17: {  	s4 =	simm.s32 $0x1BF5;
	[smem:$0x3FB7] =	sst s0  }
0x18: {  	s0 =	sld [smem:$0x3F9A];
	_ =	swait.ge [sflag:s4], $0x0  }
0x19: {  	s7 =	sld [smem:$0x3F9B]  }
0x1a: {  	s8 =	sadd.s32 $0xFFFFE003, lr  }
0x1b: {  	s9 =	sadd.s32 $0xFFFFFEF7, lr;
	s5 =	simm.s32 $0xFFFFFFFF;
	p2 =	slt.u32 s8, $0xFFFFF086  }
0x1c: {  	p1 =	slt.u32 s9, $0xF7A;
	s5 =	simm.s32 @!p2 $0x0  }
0x1d: {  	s5 =	simm.s32 @p1 $0x1;
	p0 =	seq.s32 s7, s2  }
0x1e: {  	s7 =	smul.u32 @!p0 $0xF7A, s2;
	p2 =	seq.s32 @!p0 s5, $0x0  }
0x1f: {  	s9 =	smul.u32 $0xF7A, s1;
	s8 =	simm.s32 @!p0 $0x1BF5;
	p2 =	por !p2, p0  }
0x20: {  	[sflag:s8] =	ssyncset.s32 @!p0 $0xFFFFF086;
	s6 =	sadd.s32 @!p0 s3, s7;
	s7 =	simm.s32 @!p0 $0x108  }
0x21: {  	s3 =	sadd.s32 s3, s9;
	s6 =	sadd.s32 @!p0 $0x88, s6;
	s7 =	simm.s32 @p2 $0x1082  }
0x22: {  	[simem:s7], [sflag:s8] =	dma.local @!p0 [hbm:s6], $0xF7A  }
0x23: {  	s9 =	sor.u32 $0xD0000000, s2;
	s6 =	simm.s32 $0x108;
	_ =	swait.ge @!p0 [sflag:s8], $0x0  }
0x24: {  	s3 =	sadd.s32 $0x88, s3;
	s6 =	simm.s32 @!p1 $0x1082;
	[sflag:s4] =	ssyncset.s32 $0xFFFFF086  }
0x25: {  	[simem:s6], [sflag:s4] =	dma.local [hbm:s3], $0xF7A  }
0x26: {  	[smem:$0x3F9B] =	sst s1;
	(tag) =	ssettag s2;
	_ =	strace s9  }
0x27: {  	s1 =	sld [smem:$0x3FAB]  }
0x28: {  	s2 =	sld [smem:$0x3FAC]  }
0x29: {  	s4 =	sld [smem:$0x3FAE]  }
0x2a: {  	p0 =	seq.s32 s5, $0x0;
	s5 =	sld [smem:$0x3FAF]  }
0x2b: {  	s6 =	sld [smem:$0x3FB0]  }
0x2c: {  	s7 =	sld [smem:$0x3FB1]  }
0x2d: {  	s3 =	simm.s32 $0x108;
	s8 =	sld [smem:$0x3FB2]  }
0x2e: {  	s3 =	simm.s32 @!p0 $0x1082;
	s9 =	sld [smem:$0x3FB3]  }
0x2f: {  	lr =	sadd.s32 s0, s3;
	s0 =	sld [smem:$0x3FAA]  }
0x30: {  	s3 =	sld [smem:$0x3FAD]  }
0x31: {  	[smem:$0x3FB6] =	sst s10  }
0x32: {  	s10 =	sld [smem:$0x3FB4];
	_ =	sdelay $0x3  }
0x33: {  	p0 =	seq.s32 s10, $0x1;
	s10 =	sld [smem:$0x3FB6];
	_ =	sdelay $0x3  }
0x34: {  	[smem:$0x3FB6] =	sst s10  }
0x35: {  	s10 =	sld [smem:$0x3FB5];
	_ =	sdelay $0x3  }
0x36: {  	p1 =	seq.s32 s10, $0x1;
	s10 =	sld [smem:$0x3FB6];
	_ =	sdelay $0x3  }
0x37: {  	[smem:$0x3FB6] =	sst s10  }
0x38: {  	s10 =	sld [smem:$0x3FB7]  }
0x39: {  	_ = 	snop;
	(pc) =	sbr.ind lr, $3  }
0x3a: {  	_ = 	snop  }
0x3b: {  	_ = 	snop  }
0x3c: {  	p2 =	seq.s32 s10, $0x1;
	s10 =	sld [smem:$0x3FB6]  }
0x3d: {  	_ =	shalt  }
0x3e: {  	_ =	shalt  }
0x3f: {  	_ =	shalt  }
0x40: {  	_ =	shalt  }
0x41: {  	_ =	shalt  }
0x42: {  	_ =	shalt  }
0x43: {  	_ =	shalt  }
0x44: {  	_ =	shalt  }
0x45: {  	_ =	shalt  }
0x46: {  	_ =	shalt  }
0x47: {  	_ =	shalt  }
0x48: {  	_ =	shalt  }
0x49: {  	_ =	shalt  }
0x4a: {  	_ =	shalt  }
0x4b: {  	_ =	shalt  }
0x4c: {  	_ =	shalt  }
0x4d: {  	_ =	shalt  }
0x4e: {  	_ =	shalt  }
0x4f: {  	_ =	shalt  }
0x50: {  	_ =	shalt  }
0x51: {  	_ =	shalt  }
0x52: {  	_ =	shalt  }
0x53: {  	_ =	shalt  }
0x54: {  	_ =	shalt  }
0x55: {  	_ =	shalt  }
0x56: {  	_ =	shalt  }
0x57: {  	_ =	shalt  }
0x58: {  	_ =	shalt  }
0x59: {  	_ =	shalt  }
0x5a: {  	_ =	shalt  }
0x5b: {  	_ =	shalt  }
0x5c: {  	_ =	shalt  }
0x5d: {  	_ =	shalt  }
0x5e: {  	_ =	shalt  }
0x5f: {  	_ =	shalt  }
0x60: {  	_ =	shalt  }
0x61: {  	_ =	shalt  }
0x62: {  	_ =	shalt  }
0x63: {  	_ =	shalt  }
0x64: {  	_ =	shalt  }
0x65: {  	_ =	shalt  }
0x66: {  	_ =	shalt  }
0x67: {  	_ =	shalt  }
0x68: {  	_ =	shalt  }
0x69: {  	_ =	shalt  }
0x6a: {  	_ =	shalt  }
0x6b: {  	_ =	shalt  }
0x6c: {  	_ =	shalt  }
0x6d: {  	_ =	shalt  }
0x6e: {  	_ =	shalt  }
0x6f: {  	_ =	shalt  }
0x70: {  	_ =	shalt  }
0x71: {  	_ =	shalt  }
0x72: {  	_ =	shalt  }
0x73: {  	_ =	shalt  }
0x74: {  	_ =	shalt  }
0x75: {  	_ =	shalt  }
0x76: {  	_ =	shalt  }
0x77: {  	_ =	shalt  }
0x78: {  	_ =	shalt  }
0x79: {  	_ =	shalt  }
0x7a: {  	_ =	shalt  }
0x7b: {  	_ =	shalt  }
0x7c: {  	_ =	shalt  }
0x7d: {  	_ =	shalt  }
0x7e: {  	_ =	shalt  }
0x7f: {  	_ =	shalt  }
0x80: {  	_ =	shalt  }
0x81: {  	_ =	shalt  }
0x82: {  	_ =	shalt  }
0x83: {  	_ =	shalt  }
0x84: {  	_ =	shalt  }
0x85: {  	_ =	shalt  }
0x86: {  	_ =	shalt  }
0x87: {  	_ =	shalt  }
.Lfunc_end0:
.L_simem_size_0:
called_computation.8_lowered:
.L_overlay_start_0:
0x88: {  	s2 =	sld [smem:$0x3FD9]  }
0x89: {  	s3 =	sld [smem:$0x3FFE];
	_ =	sdelay $0x1  }
0x8a: {  	s1 =	srdreg.scid  }
0x8b: {  	s0 =	sand.u32 $0x1, s1  }
0x8c: {  	s17 =	sshll.u32 s0, $0xA;
	s2 =	sadd.s32 s3, s2  }
0x8d: {  	s2 =	sadd.s32 s2, s17  }
0x8e: {  	[smem:$0x3FC2] =	sst s2  }
0x8f: {  	_ = 	snop  }
0x90: {  	s2 =	sld [smem:$0x3FD0];
	(tm) =	ssettm $0x1  }
0x91: {  	s18 =	sld [smem:$0x3FFB];
	_ =	sdelay $0x3  }
0x92: {  	_ =	strace s18  }
0x93: {  	s3 =	sld [smem:$0x3FFC];
	_ =	sdelay $0x3  }
0x94: {  	_ =	strace s3  }
0x95: {  	s3 =	sld [smem:$0x3FFD];
	_ =	sdelay $0x3  }
0x96: {  	_ =	strace s3  }
0x97: {  	_ =	strace $0x8FFFFFFF  }
0x98: {  	s19 =	sld [smem:$0x3FDB];
	_ =	sdelay $0x1  }
0x99: {  	s4 =	simm.s32 $_scs_section_size  }
0x9a: {  	s5 =	simm.s32 $_size__tile_overlayer_lowered;
	s6 =	simm.s32 $_tile_overlayer_lowered  }
0x9b: {  	s22 =	simm.s32 $0x1BFF;
	s21 =	sshll.u32 s6, $0x1;
	s3 =	sadd.s32 s4, s19  }
0x9c: {  	s7 =	simm.s32 $0x0;
	s20 =	sshll.u32 s5, $0x1;
	s5 =	sadd.s32 s21, s3  }
0x9d: {  	[timem:s7], [sflag:s22] =	dma.local [hbm:s5], s20  }
0x9e: {  	_ =	swait.ge [sflag:s22], s20  }
0x9f: {  	s4 =	ssub.s32 $0x0, s20;
	[sflag:s22] =	ssyncset.done $0x0  }
0xa0: {  	[sflag:s22] =	ssyncadd.s32 s4;
	_ =	sdelay $0x1  }
0xa1: {  	s23 =	simm.s32 $0x1B8B  }
0xa2: {  	_ =	swait.ge [sflag:s23], $0x1  }
0xa3: {  	[sflag:s23] =	ssyncset.done $0x0  }
0xa4: {  	s25 =	simm.s32 $0x1B8E;
	s24 =	sld [smem:$0x3FFE];
	[sflag:s23] =	ssyncadd.s32 $0xFFFFFFFF  }
0xa5: {  	s26 =	simm.s32 $execute0_lowered;
	[smem:$0x3FD2] =	sst s25  }
0xa6: {  	s5 =	sshll.u32 s26, $0x1;
	_ =	strace $0x8000005E;
	[dreg:$0x1] =	wrdreg $0xFFFFFFFF  }
0xa7: {  	s28 =	simm.s32 $_size_execute0_lowered;
	s3 =	sadd.s32 s3, s5;
	[dreg:$0x0] =	wrdreg $0x0  }
0xa8: {  	s5 =	sshll.u32 s28, $0x1;
	[dreg:$0x2] =	wrdreg s3  }
0xa9: {  	[dreg:$0x3] =	wrdreg s5  }
0xaa: {  	[dreg:$0x4] =	wrdreg $0xC0  }
0xab: {  	_ =	task [dreg:s7], $0x5FFFF  }
0xac: {  	[dreg:$0x1] =	wrdreg $0xFFFFFFFF  }
0xad: {  	[dreg:$0x0] =	wrdreg $0x60  }
0xae: {  	[dreg:$0x2] =	wrdreg s24  }
0xaf: {  	[dreg:$0x3] =	wrdreg s2  }
0xb0: {  	[dreg:$0x4] =	wrdreg $0x0  }
0xb1: {  	[dreg:$0x5] =	wrdreg $0x9  }
0xb2: {  	_ =	task.clear_ibuf [dreg:s7], $0x6FFFF;
	_ =	strace $0x9000005E  }
0xb3: {  	s29 =	simm.s32 $0x9;
	_ =	strace $0x80000060  }
0xb4: {  	_ =	swait.ge [sflag:s29], $0x1  }
0xb5: {  	[sflag:s29] =	ssyncadd.s32 $0xFFFFFFFF  }
0xb6: {  	_ =	strace $0x90000060  }
0xb7: {  	_ =	sfence  }
0xb8: {  	s30 =	sld [smem:$0x0];
	_ =	sdelay $0x2  }
0xb9: {  	s31 =	sshll.u32 s1, $0xD;
	s1 =	sshrl.u32 s1, $0x2  }
0xba: {  	s3 =	sand.u32 $0x4000, s31;
	s1 =	sadd.s32 s1, s30  }
0xbb: {  	s0 =	sor.u32 s3, s0;
	s1 =	sshll.u32 s1, $0x11  }
0xbc: {  	s0 =	sor.u32 s1, s0  }
0xbd: {  	s0 =	sadd.s32 $0x8F2B, s0  }
0xbe: {  	[sflag:s0] =	ssyncadd.remote.s32 $0x1  }
0xbf: {  	_ =	sfence.sel $0xFFFF  }
0xc0: {  	[dreg:$0x0] =	wrdreg $0xFFFFFFFF;
	(pc) =	sbr.abs _section_cstart, $3  }
0xc1: {  	[dreg:$0x1] =	wrdreg $0xFFFFFFFF  }
0xc2: {  	_ =	task.clear_ibuf [dreg:s7], $0x2FFFF;
	_ =	strace $0x9FFFFFFF  }
0xc3: {  	(tm) =	ssettm $0x7FFFFFFF  }
tec
execute0_lowered:
.L_overlay_start_1:
0x0: {  	(tag) =	ssettag $0x1  }
0x1: {  	s7 =	rddreg [dreg:$0x0]  }
0x2: {  	s0 =	srdreg.scid;
	s8 =	rddreg [dreg:$0x1]  }
0x3: {  	s2 =	rddreg [dreg:$0x2];
	s3 =	simm.s32 $0x0;
	s16 =	simm.s32 $0xC800  }
0x4: {  	s17 =	simm.s32 $0x1;
	s6 =	sand.u32 $0x1, s0;
	s0 =	stileid.u32  }
0x5: {  	s18 =	simm.s32 $0x0;
	[smem:$0x7FF] =	sst s3;
	s10 =	smul.u32 $0x7800, s0  }
0x6: {  	s4 =	sadd.s32 $0x41200, s7;
	s1 =	sshll.u32 s6, $0x4;
	s5 =	smul.u32 $0x78000, s6  }
0x7: {  	s6 =	ssub.s32 $0x2, s6;
	s13 =	sshll.u32 s0, $0x6;
	s1 =	sor.u32 s0, s1  }
0x8: {  	s31 =	sshrl.u32 s6, $0x1;
	s9 =	smul.u32 $0x500, s1;
	s1 =	rddreg [dreg:$0x3]  }
0x9: {  	_ =	strace $0x8000005F;
	s12 =	sadd.s32 s10, s5;
	s5 =	sadd.s32 $0x4A00, s7  }
0xa: {  	s14 =	ssub.s32 s6, s31;
	s15 =	sadd.s32 s10, s2;
	s6 =	sor.u32 $0x1C02, s13  }
0xb: {  	s13 =	simm.s32 $0x7800;
	s12 =	sshrl.u32 s12, $0x3;
	s10 =	smax.u32 s14, $0x1  }
0xc: {  	s14 =	simm.s32 $0xA000;
	s11 =	sadd.s32 s9, s7;
	s12 =	sadd.s32 s12, s7  }
0xd: {  	s8 =	sadd.s32 s8, s9;
	s7 =	sadd.s32 $0xF200, s11;
	s9 =	sadd.s32 $0x50200, s12  }
0xe: {  	s11 =	sshrl.u32 s15, $0x3;
	s12 =	simm.s32 $0x2;
	s15 =	simm.s32 $0x80  }
.LBB2_1:
0xf: {  	[spmem:s11], [sflag:s6] =	dma.local [hbm:s5], $0xF00  }
0x10: {  	_ =	swait.ge [sflag:s12], $0xF00  }
0x11: {  	[sflag:s12] =	ssyncset.done $0x0  }
0x12: {  	[sflag:s12] =	ssyncadd.s32 $0xFFFFF100  }
0x13: {  	[tilespmem:s13], [sflag:$0x2] =	stream.linear.gather [hbm4b:s7+s3], $0x2800, $0x38;
	[tilespmem:$0xE000] =	vst v63  }
0x14: {  	_ =	swait.ge [sflag:s12], $0x2800  }
0x15: {  	[sflag:s12] =	ssyncset.done $0x0  }
0x16: {  	[sflag:s12] =	ssyncadd.s32 $0xFFFFD800  }
0x17: {  	[tilespmem:s14], [sflag:$0x2] =	stream.linear.gather [hbm4b:s8+s3], $0x2800, $0x38;
	[tilespmem:$0xE000] =	vst v63  }
0x18: {  	_ =	swait.ge [sflag:s12], $0x2800  }
0x19: {  	[sflag:s12] =	ssyncset.done $0x0  }
0x1a: {  	[sflag:s12] =	ssyncadd.s32 $0xFFFFD800  }
0x1b: {  	s19 =	simm.s32 $0x7800;
	[bflag:$0x0] =	sbarrier.arrive $0xFFFF  }
0x1c: {  	[tilespmem:s16], [sflag:$0x1] =	stream.indirect.gather [hbm4b:s4+s15], $0x30, s19, s15, $0xb8;
	[tilespmem:$0xE000] =	vst v63  }
0x1d: {  	_ =	swait.ge [sflag:s17], $0x1800  }
0x1e: {  	[sflag:s17] =	ssyncset.done $0x0  }
0x1f: {  	s31 =	simm.s32 $0xA000;
	[sflag:s17] =	ssyncadd.s32 $0xFFFFE800  }
0x20: {  	[spmem:s2] =	stream.indirect.scatter.add.f32 [tilespmem:s16], [sflag:$0x2], $0x30, s31, s15, $0xb8;
	[tilespmem:$0xE000] =	vst v63  }
0x21: {  	_ =	swait.ge [sflag:s12], $0x1800  }
0x22: {  	s20 =	simm.s32 $0x400;
	s19 =	simm.s32 $0x80;
	[sflag:s12] =	ssyncset.done $0x0  }
.LBB2_2:
0x23: {  	s21 =	sadd.s32 $0x7800, s19  }
0x24: {  	[sflag:s12] =	ssyncadd.s32 $0xFFFFE800;
	s22 =	smov.u32 s20;
	s23 =	sadd.s32 $0x200, s20  }
0x25: {  	[tilespmem:s16], [sflag:$0x1] =	stream.indirect.gather [hbm4b:s4+s15], $0x30, s21, s15, $0xb8;
	[tilespmem:$0xE000] =	vst v63  }
0x26: {  	p0 =	sne.s32 s20, $0x9E00;
	_ =	swait.ge [sflag:s17], $0x1800  }
.Ltmp0:
0x27: {  	[sflag:s17] =	ssyncset.done $0x0;
	(pc) =	sbr.rel @p0 .LBB2_2-.Ltmp0, $4  }
0x28: {  	s19 =	sadd.s32 $0xA000, s19;
	[sflag:s17] =	ssyncadd.s32 $0xFFFFE800  }
0x29: {  	[spmem:s2] =	stream.indirect.scatter.add.f32 [tilespmem:s16], [sflag:$0x2], $0x30, s19, s15, $0xb8;
	[tilespmem:$0xE000] =	vst v63  }
0x2a: {  	_ =	swait.ge [sflag:s12], $0x1800  }
0x2b: {  	s20 =	smov.u32 s23;
	s19 =	sshra.s32 s22, $0x2;
	[sflag:s12] =	ssyncset.done $0x0  }
0x2c: {  	s20 =	sadd.s32 $0x7800, s19;
	[sflag:s12] =	ssyncadd.s32 $0xFFFFE800  }
0x2d: {  	[tilespmem:s16], [sflag:$0x1] =	stream.indirect.gather [hbm4b:s4+s15], $0x30, s20, s15, $0xb8;
	[tilespmem:$0xE000] =	vst v63  }
0x2e: {  	_ =	swait.ge [sflag:s17], $0x1800  }
0x2f: {  	[sflag:s17] =	ssyncset.done $0x0  }
0x30: {  	s31 =	sadd.s32 $0xA000, s19;
	[sflag:s17] =	ssyncadd.s32 $0xFFFFE800  }
0x31: {  	[spmem:s2] =	stream.indirect.scatter.add.f32 [tilespmem:s16], [sflag:$0x2], $0x30, s31, s15, $0xb8;
	[tilespmem:$0xE000] =	vst v63  }
0x32: {  	_ =	swait.ge [sflag:s12], $0x1800  }
0x33: {  	s18 =	sadd.s32 $0x1, s18;
	[sflag:s12] =	ssyncset.done $0x0  }
0x34: {  	p0 =	sne.s32 s18, s10;
	[sflag:s12] =	ssyncadd.s32 $0xFFFFE800  }
.Ltmp1:
0x35: {  	[bflag:$0x0] =	sbarrier.arrive $0xFFFF;
	(pc) =	sbr.rel @p0 .LBB2_1-.Ltmp1, $4  }
0x36: {  	[hbm:s9], [sflag:s6] =	dma.local [spmem:s11], $0xF00  }
0x37: {  	_ =	swait.ge [sflag:s12], $0xF00  }
0x38: {  	[sflag:s12] =	ssyncset.done $0x0  }
0x39: {  	[sflag:s12] =	ssyncadd.s32 $0xFFFFF100  }
0x3a: {  	_ =	sfence.sel $0x180000  }
0x3b: {  	[bflag:$0x0] =	sbarrier.arrive $0xFFFF  }
0x3c: {  	p0 =	sne.s32 s0, $0x0;
	_ =	strace $0x9000005F  }
0x3d: {  	s0 =	sadd.s32 @!p0 $0x100000, s1;
	[bflag:$0x2] =	sbarrier.arrive $0xFFFF  }
0x3e: {  	[sflag:s0] =	ssyncadd.tile.s32 @!p0 $0x1;
	_ =	shalt  }
.Lfunc_end2:
_tile_overlayer_lowered:
.L_overlay_start_2:
0x3f: {  	(tag) =	ssettag $0x2  }
0x40: {  	s0 =	rddreg [dreg:$0x0];
	s2 =	stileid.u32  }
0x41: {  	s1 =	rddreg [dreg:$0x1];
	p0 =	sne.s32 s2, $0x0  }
0x42: {  	s3 =	rddreg [dreg:$0x2];
	[bflag:$0x3] =	sbarrier.arrive $0xFFFF;
	s2 =	simm.s32 @!p0 $0x1C02  }
0x43: {  	[timem:s3], [sflag:s2] =	dma.local @!p0 [hbm:s0], s1  }
0x44: {  	s0 =	simm.s32 @!p0 $0x2  }
0x45: {  	_ =	swait.ge @!p0 [sflag:s0], s1  }
0x46: {  	s1 =	ssub.s32 @!p0 $0x0, s1;
	[sflag:s0] =	ssyncset.done @!p0 $0x0  }
0x47: {  	[sflag:s0] =	ssyncadd.s32 @!p0 s1  }
0x48: {  	[bflag:$0x3] =	sbarrier.arrive $0xFFFF  }
0x49: {  	_ =	shalt  }

// kernel: kernel.53.cloned.1.call-start
scs
__scs_entry_jumppad:
0x0: {  	(pc) =	sbr.rel $0x88, $3  }
0x1: {  	(tag) =	ssettag $0x0;
	lr =	simm.s32 $0x1  }
0x2: {  	[smem:$0x3F9B] =	sst lr;
	_ =	strace $0xD0000000  }
0x3: {  	_ = 	snop  }
0x4: {  	_ = 	snop  }
0x5: {  	_ = 	snop  }
0x6: {  	_ = 	snop  }
0x7: {  	_ = 	snop  }
__scs_overlays_trampoline_lowered:
0x8: {  	[smem:$0x3FAA] =	sst s0  }
0x9: {  	[smem:$0x3FAB] =	sst s1  }
0xa: {  	[smem:$0x3FAC] =	sst s2  }
0xb: {  	[smem:$0x3FAD] =	sst s3  }
0xc: {  	[smem:$0x3FAE] =	sst s4  }
0xd: {  	[smem:$0x3FAF] =	sst s5  }
0xe: {  	[smem:$0x3FB0] =	sst s6  }
0xf: {  	[smem:$0x3FB1] =	sst s7  }
0x10: {  	[smem:$0x3FB2] =	sst s8  }
0x11: {  	[smem:$0x3FB3] =	sst s9;
	s0 =	simm.s32 @!p0 $0x0  }
0x12: {  	s1 =	sld [smem:$0x3F99];
	s0 =	simm.s32 @p0 $0x1  }
0x13: {  	[smem:$0x3FB4] =	sst s0;
	s0 =	simm.s32 @!p1 $0x0  }
0x14: {  	s2 =	sld [smem:$0x3F98];
	s0 =	simm.s32 @p1 $0x1  }
0x15: {  	[smem:$0x3FB5] =	sst s0;
	s0 =	simm.s32 @!p2 $0x0  }
0x16: {  	s3 =	sld [smem:$0x3FDB];
	s0 =	simm.s32 @p2 $0x1  }
0x17: {  	s4 =	simm.s32 $0x1BF5;
	[smem:$0x3FB7] =	sst s0  }
0x18: {  	s0 =	sld [smem:$0x3F9A];
	_ =	swait.ge [sflag:s4], $0x0  }
0x19: {  	s7 =	sld [smem:$0x3F9B]  }
0x1a: {  	s8 =	sadd.s32 $0xFFFFE003, lr  }
0x1b: {  	s9 =	sadd.s32 $0xFFFFFEF7, lr;
	s5 =	simm.s32 $0xFFFFFFFF;
	p2 =	slt.u32 s8, $0xFFFFF086  }
0x1c: {  	p1 =	slt.u32 s9, $0xF7A;
	s5 =	simm.s32 @!p2 $0x0  }
0x1d: {  	s5 =	simm.s32 @p1 $0x1;
	p0 =	seq.s32 s7, s2  }
0x1e: {  	s7 =	smul.u32 @!p0 $0xF7A, s2;
	p2 =	seq.s32 @!p0 s5, $0x0  }
0x1f: {  	s9 =	smul.u32 $0xF7A, s1;
	s8 =	simm.s32 @!p0 $0x1BF5;
	p2 =	por !p2, p0  }
0x20: {  	[sflag:s8] =	ssyncset.s32 @!p0 $0xFFFFF086;
	s6 =	sadd.s32 @!p0 s3, s7;
	s7 =	simm.s32 @!p0 $0x108  }
0x21: {  	s3 =	sadd.s32 s3, s9;
	s6 =	sadd.s32 @!p0 $0x88, s6;
	s7 =	simm.s32 @p2 $0x1082  }
0x22: {  	[simem:s7], [sflag:s8] =	dma.local @!p0 [hbm:s6], $0xF7A  }
0x23: {  	s9 =	sor.u32 $0xD0000000, s2;
	s6 =	simm.s32 $0x108;
	_ =	swait.ge @!p0 [sflag:s8], $0x0  }
0x24: {  	s3 =	sadd.s32 $0x88, s3;
	s6 =	simm.s32 @!p1 $0x1082;
	[sflag:s4] =	ssyncset.s32 $0xFFFFF086  }
0x25: {  	[simem:s6], [sflag:s4] =	dma.local [hbm:s3], $0xF7A  }
0x26: {  	[smem:$0x3F9B] =	sst s1;
	(tag) =	ssettag s2;
	_ =	strace s9  }
0x27: {  	s1 =	sld [smem:$0x3FAB]  }
0x28: {  	s2 =	sld [smem:$0x3FAC]  }
0x29: {  	s4 =	sld [smem:$0x3FAE]  }
0x2a: {  	p0 =	seq.s32 s5, $0x0;
	s5 =	sld [smem:$0x3FAF]  }
0x2b: {  	s6 =	sld [smem:$0x3FB0]  }
0x2c: {  	s7 =	sld [smem:$0x3FB1]  }
0x2d: {  	s3 =	simm.s32 $0x108;
	s8 =	sld [smem:$0x3FB2]  }
0x2e: {  	s3 =	simm.s32 @!p0 $0x1082;
	s9 =	sld [smem:$0x3FB3]  }
0x2f: {  	lr =	sadd.s32 s0, s3;
	s0 =	sld [smem:$0x3FAA]  }
0x30: {  	s3 =	sld [smem:$0x3FAD]  }
0x31: {  	[smem:$0x3FB6] =	sst s10  }
0x32: {  	s10 =	sld [smem:$0x3FB4];
	_ =	sdelay $0x3  }
0x33: {  	p0 =	seq.s32 s10, $0x1;
	s10 =	sld [smem:$0x3FB6];
	_ =	sdelay $0x3  }
0x34: {  	[smem:$0x3FB6] =	sst s10  }
0x35: {  	s10 =	sld [smem:$0x3FB5];
	_ =	sdelay $0x3  }
0x36: {  	p1 =	seq.s32 s10, $0x1;
	s10 =	sld [smem:$0x3FB6];
	_ =	sdelay $0x3  }
0x37: {  	[smem:$0x3FB6] =	sst s10  }
0x38: {  	s10 =	sld [smem:$0x3FB7]  }
0x39: {  	_ = 	snop;
	(pc) =	sbr.ind lr, $3  }
0x3a: {  	_ = 	snop  }
0x3b: {  	_ = 	snop  }
0x3c: {  	p2 =	seq.s32 s10, $0x1;
	s10 =	sld [smem:$0x3FB6]  }
0x3d: {  	_ =	shalt  }
0x3e: {  	_ =	shalt  }
0x3f: {  	_ =	shalt  }
0x40: {  	_ =	shalt  }
0x41: {  	_ =	shalt  }
0x42: {  	_ =	shalt  }
0x43: {  	_ =	shalt  }
0x44: {  	_ =	shalt  }
0x45: {  	_ =	shalt  }
0x46: {  	_ =	shalt  }
0x47: {  	_ =	shalt  }
0x48: {  	_ =	shalt  }
0x49: {  	_ =	shalt  }
0x4a: {  	_ =	shalt  }
0x4b: {  	_ =	shalt  }
0x4c: {  	_ =	shalt  }
0x4d: {  	_ =	shalt  }
0x4e: {  	_ =	shalt  }
0x4f: {  	_ =	shalt  }
0x50: {  	_ =	shalt  }
0x51: {  	_ =	shalt  }
0x52: {  	_ =	shalt  }
0x53: {  	_ =	shalt  }
0x54: {  	_ =	shalt  }
0x55: {  	_ =	shalt  }
0x56: {  	_ =	shalt  }
0x57: {  	_ =	shalt  }
0x58: {  	_ =	shalt  }
0x59: {  	_ =	shalt  }
0x5a: {  	_ =	shalt  }
0x5b: {  	_ =	shalt  }
0x5c: {  	_ =	shalt  }
0x5d: {  	_ =	shalt  }
0x5e: {  	_ =	shalt  }
0x5f: {  	_ =	shalt  }
0x60: {  	_ =	shalt  }
0x61: {  	_ =	shalt  }
0x62: {  	_ =	shalt  }
0x63: {  	_ =	shalt  }
0x64: {  	_ =	shalt  }
0x65: {  	_ =	shalt  }
0x66: {  	_ =	shalt  }
0x67: {  	_ =	shalt  }
0x68: {  	_ =	shalt  }
0x69: {  	_ =	shalt  }
0x6a: {  	_ =	shalt  }
0x6b: {  	_ =	shalt  }
0x6c: {  	_ =	shalt  }
0x6d: {  	_ =	shalt  }
0x6e: {  	_ =	shalt  }
0x6f: {  	_ =	shalt  }
0x70: {  	_ =	shalt  }
0x71: {  	_ =	shalt  }
0x72: {  	_ =	shalt  }
0x73: {  	_ =	shalt  }
0x74: {  	_ =	shalt  }
0x75: {  	_ =	shalt  }
0x76: {  	_ =	shalt  }
0x77: {  	_ =	shalt  }
0x78: {  	_ =	shalt  }
0x79: {  	_ =	shalt  }
0x7a: {  	_ =	shalt  }
0x7b: {  	_ =	shalt  }
0x7c: {  	_ =	shalt  }
0x7d: {  	_ =	shalt  }
0x7e: {  	_ =	shalt  }
0x7f: {  	_ =	shalt  }
0x80: {  	_ =	shalt  }
0x81: {  	_ =	shalt  }
0x82: {  	_ =	shalt  }
0x83: {  	_ =	shalt  }
0x84: {  	_ =	shalt  }
0x85: {  	_ =	shalt  }
0x86: {  	_ =	shalt  }
0x87: {  	_ =	shalt  }
.Lfunc_end0:
.L_simem_size_0:
called_computation.9_lowered:
.L_overlay_start_0:
0x88: {  	s2 =	sld [smem:$0x3FD9]  }
0x89: {  	s3 =	sld [smem:$0x3FFE];
	_ =	sdelay $0x1  }
0x8a: {  	s1 =	srdreg.scid  }
0x8b: {  	s0 =	sand.u32 $0x1, s1  }
0x8c: {  	s17 =	sshll.u32 s0, $0xA;
	s2 =	sadd.s32 s3, s2  }
0x8d: {  	s2 =	sadd.s32 s2, s17  }
0x8e: {  	[smem:$0x3FC2] =	sst s2  }
0x8f: {  	_ = 	snop  }
0x90: {  	s2 =	sld [smem:$0x3FD0];
	(tm) =	ssettm $0x1  }
0x91: {  	s18 =	sld [smem:$0x3FFB];
	_ =	sdelay $0x3  }
0x92: {  	_ =	strace s18  }
0x93: {  	s3 =	sld [smem:$0x3FFC];
	_ =	sdelay $0x3  }
0x94: {  	_ =	strace s3  }
0x95: {  	s3 =	sld [smem:$0x3FFD];
	_ =	sdelay $0x3  }
0x96: {  	_ =	strace s3  }
0x97: {  	_ =	strace $0x8FFFFFFF  }
0x98: {  	s19 =	sld [smem:$0x3FDB];
	_ =	sdelay $0x1  }
0x99: {  	s4 =	simm.s32 $_scs_section_size  }
0x9a: {  	s5 =	simm.s32 $_size__tile_overlayer_lowered;
	s6 =	simm.s32 $_tile_overlayer_lowered  }
0x9b: {  	s22 =	simm.s32 $0x1BFF;
	s21 =	sshll.u32 s6, $0x1;
	s3 =	sadd.s32 s4, s19  }
0x9c: {  	s7 =	simm.s32 $0x0;
	s20 =	sshll.u32 s5, $0x1;
	s5 =	sadd.s32 s21, s3  }
0x9d: {  	[timem:s7], [sflag:s22] =	dma.local [hbm:s5], s20  }
0x9e: {  	_ =	swait.ge [sflag:s22], s20  }
0x9f: {  	s4 =	ssub.s32 $0x0, s20;
	[sflag:s22] =	ssyncset.done $0x0  }
0xa0: {  	[sflag:s22] =	ssyncadd.s32 s4;
	_ =	sdelay $0x1  }
0xa1: {  	s23 =	simm.s32 $0x1B8B  }
0xa2: {  	_ =	swait.ge [sflag:s23], $0x1  }
0xa3: {  	[sflag:s23] =	ssyncset.done $0x0  }
0xa4: {  	s25 =	simm.s32 $0x1B8E;
	s24 =	sld [smem:$0x3FFE];
	[sflag:s23] =	ssyncadd.s32 $0xFFFFFFFF  }
0xa5: {  	s26 =	simm.s32 $execute0_lowered;
	[smem:$0x3FD2] =	sst s25  }
0xa6: {  	s5 =	sshll.u32 s26, $0x1;
	_ =	strace $0x80000061;
	[dreg:$0x1] =	wrdreg $0xFFFFFFFF  }
0xa7: {  	s28 =	simm.s32 $_size_execute0_lowered;
	s3 =	sadd.s32 s3, s5;
	[dreg:$0x0] =	wrdreg $0x0  }
0xa8: {  	s5 =	sshll.u32 s28, $0x1;
	[dreg:$0x2] =	wrdreg s3  }
0xa9: {  	[dreg:$0x3] =	wrdreg s5  }
0xaa: {  	[dreg:$0x4] =	wrdreg $0xC0  }
0xab: {  	_ =	task [dreg:s7], $0x5FFFF  }
0xac: {  	[dreg:$0x1] =	wrdreg $0xFFFFFFFF  }
0xad: {  	[dreg:$0x0] =	wrdreg $0x60  }
0xae: {  	[dreg:$0x2] =	wrdreg s24  }
0xaf: {  	[dreg:$0x3] =	wrdreg s2  }
0xb0: {  	[dreg:$0x4] =	wrdreg $0x0  }
0xb1: {  	[dreg:$0x5] =	wrdreg $0x9  }
0xb2: {  	_ =	task.clear_ibuf [dreg:s7], $0x6FFFF;
	_ =	strace $0x90000061  }
0xb3: {  	s29 =	simm.s32 $0x9;
	_ =	strace $0x80000063  }
0xb4: {  	_ =	swait.ge [sflag:s29], $0x1  }
0xb5: {  	[sflag:s29] =	ssyncadd.s32 $0xFFFFFFFF  }
0xb6: {  	_ =	strace $0x90000063  }
0xb7: {  	_ =	sfence  }
0xb8: {  	s30 =	sld [smem:$0x0];
	_ =	sdelay $0x2  }
0xb9: {  	s31 =	sshll.u32 s1, $0xD;
	s1 =	sshrl.u32 s1, $0x2  }
0xba: {  	s3 =	sand.u32 $0x4000, s31;
	s1 =	sadd.s32 s1, s30  }
0xbb: {  	s0 =	sor.u32 s3, s0;
	s1 =	sshll.u32 s1, $0x11  }
0xbc: {  	s0 =	sor.u32 s1, s0  }
0xbd: {  	s0 =	sadd.s32 $0x8F2B, s0  }
0xbe: {  	[sflag:s0] =	ssyncadd.remote.s32 $0x1  }
0xbf: {  	_ =	sfence.sel $0xFFFF  }
0xc0: {  	[dreg:$0x0] =	wrdreg $0xFFFFFFFF;
	(pc) =	sbr.abs _section_cstart, $3  }
0xc1: {  	[dreg:$0x1] =	wrdreg $0xFFFFFFFF  }
0xc2: {  	_ =	task.clear_ibuf [dreg:s7], $0x2FFFF;
	_ =	strace $0x9FFFFFFF  }
0xc3: {  	(tm) =	ssettm $0x7FFFFFFF  }
tec
execute0_lowered:
.L_overlay_start_1:
0x0: {  	(tag) =	ssettag $0x1  }
0x1: {  	s7 =	rddreg [dreg:$0x0]  }
0x2: {  	s0 =	srdreg.scid;
	s8 =	rddreg [dreg:$0x1]  }
0x3: {  	s2 =	rddreg [dreg:$0x2];
	s3 =	simm.s32 $0x0;
	s16 =	simm.s32 $0xC800  }
0x4: {  	s17 =	simm.s32 $0x1;
	s6 =	sand.u32 $0x1, s0;
	s0 =	stileid.u32  }
0x5: {  	s18 =	simm.s32 $0x0;
	[smem:$0x7FF] =	sst s3;
	s10 =	smul.u32 $0x7800, s0  }
0x6: {  	s4 =	sadd.s32 $0x41200, s7;
	s1 =	sshll.u32 s6, $0x4;
	s5 =	smul.u32 $0x78000, s6  }
0x7: {  	s6 =	ssub.s32 $0x2, s6;
	s13 =	sshll.u32 s0, $0x6;
	s1 =	sor.u32 s0, s1  }
0x8: {  	s31 =	sshrl.u32 s6, $0x1;
	s9 =	smul.u32 $0x500, s1;
	s1 =	rddreg [dreg:$0x3]  }
0x9: {  	_ =	strace $0x80000062;
	s12 =	sadd.s32 s10, s5;
	s5 =	sadd.s32 $0x4A00, s7  }
0xa: {  	s14 =	ssub.s32 s6, s31;
	s15 =	sadd.s32 s10, s2;
	s6 =	sor.u32 $0x1C02, s13  }
0xb: {  	s13 =	simm.s32 $0x7800;
	s12 =	sshrl.u32 s12, $0x3;
	s10 =	smax.u32 s14, $0x1  }
0xc: {  	s14 =	simm.s32 $0xA000;
	s11 =	sadd.s32 s9, s7;
	s12 =	sadd.s32 s12, s7  }
0xd: {  	s8 =	sadd.s32 s8, s9;
	s7 =	sadd.s32 $0xF200, s11;
	s9 =	sadd.s32 $0x50200, s12  }
0xe: {  	s11 =	sshrl.u32 s15, $0x3;
	s12 =	simm.s32 $0x2;
	s15 =	simm.s32 $0x80  }
.LBB2_1:
0xf: {  	[spmem:s11], [sflag:s6] =	dma.local [hbm:s5], $0xF00  }
0x10: {  	_ =	swait.ge [sflag:s12], $0xF00  }
0x11: {  	[sflag:s12] =	ssyncset.done $0x0  }
0x12: {  	[sflag:s12] =	ssyncadd.s32 $0xFFFFF100  }
0x13: {  	[tilespmem:s13], [sflag:$0x2] =	stream.linear.gather [hbm4b:s7+s3], $0x2800, $0x38;
	[tilespmem:$0xE000] =	vst v63  }
0x14: {  	_ =	swait.ge [sflag:s12], $0x2800  }
0x15: {  	[sflag:s12] =	ssyncset.done $0x0  }
0x16: {  	[sflag:s12] =	ssyncadd.s32 $0xFFFFD800  }
0x17: {  	[tilespmem:s14], [sflag:$0x2] =	stream.linear.gather [hbm4b:s8+s3], $0x2800, $0x38;
	[tilespmem:$0xE000] =	vst v63  }
0x18: {  	_ =	swait.ge [sflag:s12], $0x2800  }
0x19: {  	[sflag:s12] =	ssyncset.done $0x0  }
0x1a: {  	[sflag:s12] =	ssyncadd.s32 $0xFFFFD800  }
0x1b: {  	s19 =	simm.s32 $0x7800;
	[bflag:$0x0] =	sbarrier.arrive $0xFFFF  }
0x1c: {  	[tilespmem:s16], [sflag:$0x1] =	stream.indirect.gather [hbm4b:s4+s15], $0x30, s19, s15, $0xb8;
	[tilespmem:$0xE000] =	vst v63  }
0x1d: {  	_ =	swait.ge [sflag:s17], $0x1800  }
0x1e: {  	[sflag:s17] =	ssyncset.done $0x0  }
0x1f: {  	s31 =	simm.s32 $0xA000;
	[sflag:s17] =	ssyncadd.s32 $0xFFFFE800  }
0x20: {  	[spmem:s2] =	stream.indirect.scatter.add.f32 [tilespmem:s16], [sflag:$0x2], $0x30, s31, s15, $0xb8;
	[tilespmem:$0xE000] =	vst v63  }
0x21: {  	_ =	swait.ge [sflag:s12], $0x1800  }
0x22: {  	s20 =	simm.s32 $0x400;
	s19 =	simm.s32 $0x80;
	[sflag:s12] =	ssyncset.done $0x0  }
.LBB2_2:
0x23: {  	s21 =	sadd.s32 $0x7800, s19  }
0x24: {  	[sflag:s12] =	ssyncadd.s32 $0xFFFFE800;
	s22 =	smov.u32 s20;
	s23 =	sadd.s32 $0x200, s20  }
0x25: {  	[tilespmem:s16], [sflag:$0x1] =	stream.indirect.gather [hbm4b:s4+s15], $0x30, s21, s15, $0xb8;
	[tilespmem:$0xE000] =	vst v63  }
0x26: {  	p0 =	sne.s32 s20, $0x9E00;
	_ =	swait.ge [sflag:s17], $0x1800  }
.Ltmp0:
0x27: {  	[sflag:s17] =	ssyncset.done $0x0;
	(pc) =	sbr.rel @p0 .LBB2_2-.Ltmp0, $4  }
0x28: {  	s19 =	sadd.s32 $0xA000, s19;
	[sflag:s17] =	ssyncadd.s32 $0xFFFFE800  }
0x29: {  	[spmem:s2] =	stream.indirect.scatter.add.f32 [tilespmem:s16], [sflag:$0x2], $0x30, s19, s15, $0xb8;
	[tilespmem:$0xE000] =	vst v63  }
0x2a: {  	_ =	swait.ge [sflag:s12], $0x1800  }
0x2b: {  	s20 =	smov.u32 s23;
	s19 =	sshra.s32 s22, $0x2;
	[sflag:s12] =	ssyncset.done $0x0  }
0x2c: {  	s20 =	sadd.s32 $0x7800, s19;
	[sflag:s12] =	ssyncadd.s32 $0xFFFFE800  }
0x2d: {  	[tilespmem:s16], [sflag:$0x1] =	stream.indirect.gather [hbm4b:s4+s15], $0x30, s20, s15, $0xb8;
	[tilespmem:$0xE000] =	vst v63  }
0x2e: {  	_ =	swait.ge [sflag:s17], $0x1800  }
0x2f: {  	[sflag:s17] =	ssyncset.done $0x0  }
0x30: {  	s31 =	sadd.s32 $0xA000, s19;
	[sflag:s17] =	ssyncadd.s32 $0xFFFFE800  }
0x31: {  	[spmem:s2] =	stream.indirect.scatter.add.f32 [tilespmem:s16], [sflag:$0x2], $0x30, s31, s15, $0xb8;
	[tilespmem:$0xE000] =	vst v63  }
0x32: {  	_ =	swait.ge [sflag:s12], $0x1800  }
0x33: {  	s18 =	sadd.s32 $0x1, s18;
	[sflag:s12] =	ssyncset.done $0x0  }
0x34: {  	p0 =	sne.s32 s18, s10;
	[sflag:s12] =	ssyncadd.s32 $0xFFFFE800  }
.Ltmp1:
0x35: {  	[bflag:$0x0] =	sbarrier.arrive $0xFFFF;
	(pc) =	sbr.rel @p0 .LBB2_1-.Ltmp1, $4  }
0x36: {  	[hbm:s9], [sflag:s6] =	dma.local [spmem:s11], $0xF00  }
0x37: {  	_ =	swait.ge [sflag:s12], $0xF00  }
0x38: {  	[sflag:s12] =	ssyncset.done $0x0  }
0x39: {  	[sflag:s12] =	ssyncadd.s32 $0xFFFFF100  }
0x3a: {  	_ =	sfence.sel $0x180000  }
0x3b: {  	[bflag:$0x0] =	sbarrier.arrive $0xFFFF  }
0x3c: {  	p0 =	sne.s32 s0, $0x0;
	_ =	strace $0x90000062  }
0x3d: {  	s0 =	sadd.s32 @!p0 $0x100000, s1;
	[bflag:$0x2] =	sbarrier.arrive $0xFFFF  }
0x3e: {  	[sflag:s0] =	ssyncadd.tile.s32 @!p0 $0x1;
	_ =	shalt  }
.Lfunc_end2:
_tile_overlayer_lowered:
.L_overlay_start_2:
0x3f: {  	(tag) =	ssettag $0x2  }
0x40: {  	s0 =	rddreg [dreg:$0x0];
	s2 =	stileid.u32  }
0x41: {  	s1 =	rddreg [dreg:$0x1];
	p0 =	sne.s32 s2, $0x0  }
0x42: {  	s3 =	rddreg [dreg:$0x2];
	[bflag:$0x3] =	sbarrier.arrive $0xFFFF;
	s2 =	simm.s32 @!p0 $0x1C02  }
0x43: {  	[timem:s3], [sflag:s2] =	dma.local @!p0 [hbm:s0], s1  }
0x44: {  	s0 =	simm.s32 @!p0 $0x2  }
0x45: {  	_ =	swait.ge @!p0 [sflag:s0], s1  }
0x46: {  	s1 =	ssub.s32 @!p0 $0x0, s1;
	[sflag:s0] =	ssyncset.done @!p0 $0x0  }
0x47: {  	[sflag:s0] =	ssyncadd.s32 @!p0 s1  }
0x48: {  	[bflag:$0x3] =	sbarrier.arrive $0xFFFF  }
0x49: {  	_ =	shalt  }

// kernel: kernel.56.cloned.1.call-start
scs
__scs_entry_jumppad:
0x0: {  	(pc) =	sbr.rel $0x88, $3  }
0x1: {  	(tag) =	ssettag $0x0;
	lr =	simm.s32 $0x1  }
0x2: {  	[smem:$0x3F9B] =	sst lr;
	_ =	strace $0xD0000000  }
0x3: {  	_ = 	snop  }
0x4: {  	_ = 	snop  }
0x5: {  	_ = 	snop  }
0x6: {  	_ = 	snop  }
0x7: {  	_ = 	snop  }
__scs_overlays_trampoline_lowered:
0x8: {  	[smem:$0x3FAA] =	sst s0  }
0x9: {  	[smem:$0x3FAB] =	sst s1  }
0xa: {  	[smem:$0x3FAC] =	sst s2  }
0xb: {  	[smem:$0x3FAD] =	sst s3  }
0xc: {  	[smem:$0x3FAE] =	sst s4  }
0xd: {  	[smem:$0x3FAF] =	sst s5  }
0xe: {  	[smem:$0x3FB0] =	sst s6  }
0xf: {  	[smem:$0x3FB1] =	sst s7  }
0x10: {  	[smem:$0x3FB2] =	sst s8  }
0x11: {  	[smem:$0x3FB3] =	sst s9;
	s0 =	simm.s32 @!p0 $0x0  }
0x12: {  	s1 =	sld [smem:$0x3F99];
	s0 =	simm.s32 @p0 $0x1  }
0x13: {  	[smem:$0x3FB4] =	sst s0;
	s0 =	simm.s32 @!p1 $0x0  }
0x14: {  	s2 =	sld [smem:$0x3F98];
	s0 =	simm.s32 @p1 $0x1  }
0x15: {  	[smem:$0x3FB5] =	sst s0;
	s0 =	simm.s32 @!p2 $0x0  }
0x16: {  	s3 =	sld [smem:$0x3FDB];
	s0 =	simm.s32 @p2 $0x1  }
0x17: {  	s4 =	simm.s32 $0x1BF5;
	[smem:$0x3FB7] =	sst s0  }
0x18: {  	s0 =	sld [smem:$0x3F9A];
	_ =	swait.ge [sflag:s4], $0x0  }
0x19: {  	s7 =	sld [smem:$0x3F9B]  }
0x1a: {  	s8 =	sadd.s32 $0xFFFFE003, lr  }
0x1b: {  	s9 =	sadd.s32 $0xFFFFFEF7, lr;
	s5 =	simm.s32 $0xFFFFFFFF;
	p2 =	slt.u32 s8, $0xFFFFF086  }
0x1c: {  	p1 =	slt.u32 s9, $0xF7A;
	s5 =	simm.s32 @!p2 $0x0  }
0x1d: {  	s5 =	simm.s32 @p1 $0x1;
	p0 =	seq.s32 s7, s2  }
0x1e: {  	s7 =	smul.u32 @!p0 $0xF7A, s2;
	p2 =	seq.s32 @!p0 s5, $0x0  }
0x1f: {  	s9 =	smul.u32 $0xF7A, s1;
	s8 =	simm.s32 @!p0 $0x1BF5;
	p2 =	por !p2, p0  }
0x20: {  	[sflag:s8] =	ssyncset.s32 @!p0 $0xFFFFF086;
	s6 =	sadd.s32 @!p0 s3, s7;
	s7 =	simm.s32 @!p0 $0x108  }
0x21: {  	s3 =	sadd.s32 s3, s9;
	s6 =	sadd.s32 @!p0 $0x88, s6;
	s7 =	simm.s32 @p2 $0x1082  }
0x22: {  	[simem:s7], [sflag:s8] =	dma.local @!p0 [hbm:s6], $0xF7A  }
0x23: {  	s9 =	sor.u32 $0xD0000000, s2;
	s6 =	simm.s32 $0x108;
	_ =	swait.ge @!p0 [sflag:s8], $0x0  }
0x24: {  	s3 =	sadd.s32 $0x88, s3;
	s6 =	simm.s32 @!p1 $0x1082;
	[sflag:s4] =	ssyncset.s32 $0xFFFFF086  }
0x25: {  	[simem:s6], [sflag:s4] =	dma.local [hbm:s3], $0xF7A  }
0x26: {  	[smem:$0x3F9B] =	sst s1;
	(tag) =	ssettag s2;
	_ =	strace s9  }
0x27: {  	s1 =	sld [smem:$0x3FAB]  }
0x28: {  	s2 =	sld [smem:$0x3FAC]  }
0x29: {  	s4 =	sld [smem:$0x3FAE]  }
0x2a: {  	p0 =	seq.s32 s5, $0x0;
	s5 =	sld [smem:$0x3FAF]  }
0x2b: {  	s6 =	sld [smem:$0x3FB0]  }
0x2c: {  	s7 =	sld [smem:$0x3FB1]  }
0x2d: {  	s3 =	simm.s32 $0x108;
	s8 =	sld [smem:$0x3FB2]  }
0x2e: {  	s3 =	simm.s32 @!p0 $0x1082;
	s9 =	sld [smem:$0x3FB3]  }
0x2f: {  	lr =	sadd.s32 s0, s3;
	s0 =	sld [smem:$0x3FAA]  }
0x30: {  	s3 =	sld [smem:$0x3FAD]  }
0x31: {  	[smem:$0x3FB6] =	sst s10  }
0x32: {  	s10 =	sld [smem:$0x3FB4];
	_ =	sdelay $0x3  }
0x33: {  	p0 =	seq.s32 s10, $0x1;
	s10 =	sld [smem:$0x3FB6];
	_ =	sdelay $0x3  }
0x34: {  	[smem:$0x3FB6] =	sst s10  }
0x35: {  	s10 =	sld [smem:$0x3FB5];
	_ =	sdelay $0x3  }
0x36: {  	p1 =	seq.s32 s10, $0x1;
	s10 =	sld [smem:$0x3FB6];
	_ =	sdelay $0x3  }
0x37: {  	[smem:$0x3FB6] =	sst s10  }
0x38: {  	s10 =	sld [smem:$0x3FB7]  }
0x39: {  	_ = 	snop;
	(pc) =	sbr.ind lr, $3  }
0x3a: {  	_ = 	snop  }
0x3b: {  	_ = 	snop  }
0x3c: {  	p2 =	seq.s32 s10, $0x1;
	s10 =	sld [smem:$0x3FB6]  }
0x3d: {  	_ =	shalt  }
0x3e: {  	_ =	shalt  }
0x3f: {  	_ =	shalt  }
0x40: {  	_ =	shalt  }
0x41: {  	_ =	shalt  }
0x42: {  	_ =	shalt  }
0x43: {  	_ =	shalt  }
0x44: {  	_ =	shalt  }
0x45: {  	_ =	shalt  }
0x46: {  	_ =	shalt  }
0x47: {  	_ =	shalt  }
0x48: {  	_ =	shalt  }
0x49: {  	_ =	shalt  }
0x4a: {  	_ =	shalt  }
0x4b: {  	_ =	shalt  }
0x4c: {  	_ =	shalt  }
0x4d: {  	_ =	shalt  }
0x4e: {  	_ =	shalt  }
0x4f: {  	_ =	shalt  }
0x50: {  	_ =	shalt  }
0x51: {  	_ =	shalt  }
0x52: {  	_ =	shalt  }
0x53: {  	_ =	shalt  }
0x54: {  	_ =	shalt  }
0x55: {  	_ =	shalt  }
0x56: {  	_ =	shalt  }
0x57: {  	_ =	shalt  }
0x58: {  	_ =	shalt  }
0x59: {  	_ =	shalt  }
0x5a: {  	_ =	shalt  }
0x5b: {  	_ =	shalt  }
0x5c: {  	_ =	shalt  }
0x5d: {  	_ =	shalt  }
0x5e: {  	_ =	shalt  }
0x5f: {  	_ =	shalt  }
0x60: {  	_ =	shalt  }
0x61: {  	_ =	shalt  }
0x62: {  	_ =	shalt  }
0x63: {  	_ =	shalt  }
0x64: {  	_ =	shalt  }
0x65: {  	_ =	shalt  }
0x66: {  	_ =	shalt  }
0x67: {  	_ =	shalt  }
0x68: {  	_ =	shalt  }
0x69: {  	_ =	shalt  }
0x6a: {  	_ =	shalt  }
0x6b: {  	_ =	shalt  }
0x6c: {  	_ =	shalt  }
0x6d: {  	_ =	shalt  }
0x6e: {  	_ =	shalt  }
0x6f: {  	_ =	shalt  }
0x70: {  	_ =	shalt  }
0x71: {  	_ =	shalt  }
0x72: {  	_ =	shalt  }
0x73: {  	_ =	shalt  }
0x74: {  	_ =	shalt  }
0x75: {  	_ =	shalt  }
0x76: {  	_ =	shalt  }
0x77: {  	_ =	shalt  }
0x78: {  	_ =	shalt  }
0x79: {  	_ =	shalt  }
0x7a: {  	_ =	shalt  }
0x7b: {  	_ =	shalt  }
0x7c: {  	_ =	shalt  }
0x7d: {  	_ =	shalt  }
0x7e: {  	_ =	shalt  }
0x7f: {  	_ =	shalt  }
0x80: {  	_ =	shalt  }
0x81: {  	_ =	shalt  }
0x82: {  	_ =	shalt  }
0x83: {  	_ =	shalt  }
0x84: {  	_ =	shalt  }
0x85: {  	_ =	shalt  }
0x86: {  	_ =	shalt  }
0x87: {  	_ =	shalt  }
.Lfunc_end0:
.L_simem_size_0:
called_computation.10_lowered:
.L_overlay_start_0:
0x88: {  	s2 =	sld [smem:$0x3FD9]  }
0x89: {  	s3 =	sld [smem:$0x3FFE];
	_ =	sdelay $0x1  }
0x8a: {  	s1 =	srdreg.scid  }
0x8b: {  	s0 =	sand.u32 $0x1, s1  }
0x8c: {  	s17 =	sshll.u32 s0, $0xA;
	s2 =	sadd.s32 s3, s2  }
0x8d: {  	s2 =	sadd.s32 s2, s17  }
0x8e: {  	[smem:$0x3FC2] =	sst s2  }
0x8f: {  	_ = 	snop  }
0x90: {  	s2 =	sld [smem:$0x3FD0];
	(tm) =	ssettm $0x1  }
0x91: {  	s18 =	sld [smem:$0x3FFB];
	_ =	sdelay $0x3  }
0x92: {  	_ =	strace s18  }
0x93: {  	s3 =	sld [smem:$0x3FFC];
	_ =	sdelay $0x3  }
0x94: {  	_ =	strace s3  }
0x95: {  	s3 =	sld [smem:$0x3FFD];
	_ =	sdelay $0x3  }
0x96: {  	_ =	strace s3  }
0x97: {  	_ =	strace $0x8FFFFFFF  }
0x98: {  	s19 =	sld [smem:$0x3FDB];
	_ =	sdelay $0x1  }
0x99: {  	s4 =	simm.s32 $_scs_section_size  }
0x9a: {  	s5 =	simm.s32 $_size__tile_overlayer_lowered;
	s6 =	simm.s32 $_tile_overlayer_lowered  }
0x9b: {  	s22 =	simm.s32 $0x1BFF;
	s21 =	sshll.u32 s6, $0x1;
	s3 =	sadd.s32 s4, s19  }
0x9c: {  	s7 =	simm.s32 $0x0;
	s20 =	sshll.u32 s5, $0x1;
	s5 =	sadd.s32 s21, s3  }
0x9d: {  	[timem:s7], [sflag:s22] =	dma.local [hbm:s5], s20  }
0x9e: {  	_ =	swait.ge [sflag:s22], s20  }
0x9f: {  	s4 =	ssub.s32 $0x0, s20;
	[sflag:s22] =	ssyncset.done $0x0  }
0xa0: {  	[sflag:s22] =	ssyncadd.s32 s4;
	_ =	sdelay $0x1  }
0xa1: {  	s23 =	simm.s32 $0x1B8B  }
0xa2: {  	_ =	swait.ge [sflag:s23], $0x1  }
0xa3: {  	[sflag:s23] =	ssyncset.done $0x0  }
0xa4: {  	s25 =	simm.s32 $0x1B8E;
	s24 =	sld [smem:$0x3FFE];
	[sflag:s23] =	ssyncadd.s32 $0xFFFFFFFF  }
0xa5: {  	s26 =	simm.s32 $execute0_lowered;
	[smem:$0x3FD2] =	sst s25  }
0xa6: {  	s5 =	sshll.u32 s26, $0x1;
	_ =	strace $0x80000064;
	[dreg:$0x1] =	wrdreg $0xFFFFFFFF  }
0xa7: {  	s28 =	simm.s32 $_size_execute0_lowered;
	s3 =	sadd.s32 s3, s5;
	[dreg:$0x0] =	wrdreg $0x0  }
0xa8: {  	s5 =	sshll.u32 s28, $0x1;
	[dreg:$0x2] =	wrdreg s3  }
0xa9: {  	[dreg:$0x3] =	wrdreg s5  }
0xaa: {  	[dreg:$0x4] =	wrdreg $0xC0  }
0xab: {  	_ =	task [dreg:s7], $0x5FFFF  }
0xac: {  	[dreg:$0x1] =	wrdreg $0xFFFFFFFF  }
0xad: {  	[dreg:$0x0] =	wrdreg $0x60  }
0xae: {  	[dreg:$0x2] =	wrdreg s24  }
0xaf: {  	[dreg:$0x3] =	wrdreg s2  }
0xb0: {  	[dreg:$0x4] =	wrdreg $0x0  }
0xb1: {  	[dreg:$0x5] =	wrdreg $0x9  }
0xb2: {  	_ =	task.clear_ibuf [dreg:s7], $0x6FFFF;
	_ =	strace $0x90000064  }
0xb3: {  	s29 =	simm.s32 $0x9;
	_ =	strace $0x80000066  }
0xb4: {  	_ =	swait.ge [sflag:s29], $0x1  }
0xb5: {  	[sflag:s29] =	ssyncadd.s32 $0xFFFFFFFF  }
0xb6: {  	_ =	strace $0x90000066  }
0xb7: {  	_ =	sfence  }
0xb8: {  	s30 =	sld [smem:$0x0];
	_ =	sdelay $0x2  }
0xb9: {  	s31 =	sshll.u32 s1, $0xD;
	s1 =	sshrl.u32 s1, $0x2  }
0xba: {  	s3 =	sand.u32 $0x4000, s31;
	s1 =	sadd.s32 s1, s30  }
0xbb: {  	s0 =	sor.u32 s3, s0;
	s1 =	sshll.u32 s1, $0x11  }
0xbc: {  	s0 =	sor.u32 s1, s0  }
0xbd: {  	s0 =	sadd.s32 $0x8F2B, s0  }
0xbe: {  	[sflag:s0] =	ssyncadd.remote.s32 $0x1  }
0xbf: {  	_ =	sfence.sel $0xFFFF  }
0xc0: {  	[dreg:$0x0] =	wrdreg $0xFFFFFFFF;
	(pc) =	sbr.abs _section_cstart, $3  }
0xc1: {  	[dreg:$0x1] =	wrdreg $0xFFFFFFFF  }
0xc2: {  	_ =	task.clear_ibuf [dreg:s7], $0x2FFFF;
	_ =	strace $0x9FFFFFFF  }
0xc3: {  	(tm) =	ssettm $0x7FFFFFFF  }
tec
execute0_lowered:
.L_overlay_start_1:
0x0: {  	(tag) =	ssettag $0x1  }
0x1: {  	s7 =	rddreg [dreg:$0x0]  }
0x2: {  	s0 =	srdreg.scid;
	s8 =	rddreg [dreg:$0x1]  }
0x3: {  	s2 =	rddreg [dreg:$0x2];
	s3 =	simm.s32 $0x0;
	s16 =	simm.s32 $0xC800  }
0x4: {  	s17 =	simm.s32 $0x1;
	s6 =	sand.u32 $0x1, s0;
	s0 =	stileid.u32  }
0x5: {  	s18 =	simm.s32 $0x0;
	[smem:$0x7FF] =	sst s3;
	s10 =	smul.u32 $0x7800, s0  }
0x6: {  	s4 =	sadd.s32 $0x41200, s7;
	s1 =	sshll.u32 s6, $0x4;
	s5 =	smul.u32 $0x78000, s6  }
0x7: {  	s6 =	ssub.s32 $0x2, s6;
	s13 =	sshll.u32 s0, $0x6;
	s1 =	sor.u32 s0, s1  }
0x8: {  	s31 =	sshrl.u32 s6, $0x1;
	s9 =	smul.u32 $0x500, s1;
	s1 =	rddreg [dreg:$0x3]  }
0x9: {  	_ =	strace $0x80000065;
	s12 =	sadd.s32 s10, s5;
	s5 =	sadd.s32 $0x4A00, s7  }
0xa: {  	s14 =	ssub.s32 s6, s31;
	s15 =	sadd.s32 s10, s2;
	s6 =	sor.u32 $0x1C02, s13  }
0xb: {  	s13 =	simm.s32 $0x7800;
	s12 =	sshrl.u32 s12, $0x3;
	s10 =	smax.u32 s14, $0x1  }
0xc: {  	s14 =	simm.s32 $0xA000;
	s11 =	sadd.s32 s9, s7;
	s12 =	sadd.s32 s12, s7  }
0xd: {  	s8 =	sadd.s32 s8, s9;
	s7 =	sadd.s32 $0xF200, s11;
	s9 =	sadd.s32 $0x50200, s12  }
0xe: {  	s11 =	sshrl.u32 s15, $0x3;
	s12 =	simm.s32 $0x2;
	s15 =	simm.s32 $0x80  }
.LBB2_1:
0xf: {  	[spmem:s11], [sflag:s6] =	dma.local [hbm:s5], $0xF00  }
0x10: {  	_ =	swait.ge [sflag:s12], $0xF00  }
0x11: {  	[sflag:s12] =	ssyncset.done $0x0  }
0x12: {  	[sflag:s12] =	ssyncadd.s32 $0xFFFFF100  }
0x13: {  	[tilespmem:s13], [sflag:$0x2] =	stream.linear.gather [hbm4b:s7+s3], $0x2800, $0x38;
	[tilespmem:$0xE000] =	vst v63  }
0x14: {  	_ =	swait.ge [sflag:s12], $0x2800  }
0x15: {  	[sflag:s12] =	ssyncset.done $0x0  }
0x16: {  	[sflag:s12] =	ssyncadd.s32 $0xFFFFD800  }
0x17: {  	[tilespmem:s14], [sflag:$0x2] =	stream.linear.gather [hbm4b:s8+s3], $0x2800, $0x38;
	[tilespmem:$0xE000] =	vst v63  }
0x18: {  	_ =	swait.ge [sflag:s12], $0x2800  }
0x19: {  	[sflag:s12] =	ssyncset.done $0x0  }
0x1a: {  	[sflag:s12] =	ssyncadd.s32 $0xFFFFD800  }
0x1b: {  	s19 =	simm.s32 $0x7800;
	[bflag:$0x0] =	sbarrier.arrive $0xFFFF  }
0x1c: {  	[tilespmem:s16], [sflag:$0x1] =	stream.indirect.gather [hbm4b:s4+s15], $0x30, s19, s15, $0xb8;
	[tilespmem:$0xE000] =	vst v63  }
0x1d: {  	_ =	swait.ge [sflag:s17], $0x1800  }
0x1e: {  	[sflag:s17] =	ssyncset.done $0x0  }
0x1f: {  	s31 =	simm.s32 $0xA000;
	[sflag:s17] =	ssyncadd.s32 $0xFFFFE800  }
0x20: {  	[spmem:s2] =	stream.indirect.scatter.add.f32 [tilespmem:s16], [sflag:$0x2], $0x30, s31, s15, $0xb8;
	[tilespmem:$0xE000] =	vst v63  }
0x21: {  	_ =	swait.ge [sflag:s12], $0x1800  }
0x22: {  	s20 =	simm.s32 $0x400;
	s19 =	simm.s32 $0x80;
	[sflag:s12] =	ssyncset.done $0x0  }
.LBB2_2:
0x23: {  	s21 =	sadd.s32 $0x7800, s19  }
0x24: {  	[sflag:s12] =	ssyncadd.s32 $0xFFFFE800;
	s22 =	smov.u32 s20;
	s23 =	sadd.s32 $0x200, s20  }
0x25: {  	[tilespmem:s16], [sflag:$0x1] =	stream.indirect.gather [hbm4b:s4+s15], $0x30, s21, s15, $0xb8;
	[tilespmem:$0xE000] =	vst v63  }
0x26: {  	p0 =	sne.s32 s20, $0x9E00;
	_ =	swait.ge [sflag:s17], $0x1800  }
.Ltmp0:
0x27: {  	[sflag:s17] =	ssyncset.done $0x0;
	(pc) =	sbr.rel @p0 .LBB2_2-.Ltmp0, $4  }
0x28: {  	s19 =	sadd.s32 $0xA000, s19;
	[sflag:s17] =	ssyncadd.s32 $0xFFFFE800  }
0x29: {  	[spmem:s2] =	stream.indirect.scatter.add.f32 [tilespmem:s16], [sflag:$0x2], $0x30, s19, s15, $0xb8;
	[tilespmem:$0xE000] =	vst v63  }
0x2a: {  	_ =	swait.ge [sflag:s12], $0x1800  }
0x2b: {  	s20 =	smov.u32 s23;
	s19 =	sshra.s32 s22, $0x2;
	[sflag:s12] =	ssyncset.done $0x0  }
0x2c: {  	s20 =	sadd.s32 $0x7800, s19;
	[sflag:s12] =	ssyncadd.s32 $0xFFFFE800  }
0x2d: {  	[tilespmem:s16], [sflag:$0x1] =	stream.indirect.gather [hbm4b:s4+s15], $0x30, s20, s15, $0xb8;
	[tilespmem:$0xE000] =	vst v63  }
0x2e: {  	_ =	swait.ge [sflag:s17], $0x1800  }
0x2f: {  	[sflag:s17] =	ssyncset.done $0x0  }
0x30: {  	s31 =	sadd.s32 $0xA000, s19;
	[sflag:s17] =	ssyncadd.s32 $0xFFFFE800  }
0x31: {  	[spmem:s2] =	stream.indirect.scatter.add.f32 [tilespmem:s16], [sflag:$0x2], $0x30, s31, s15, $0xb8;
	[tilespmem:$0xE000] =	vst v63  }
0x32: {  	_ =	swait.ge [sflag:s12], $0x1800  }
0x33: {  	s18 =	sadd.s32 $0x1, s18;
	[sflag:s12] =	ssyncset.done $0x0  }
0x34: {  	p0 =	sne.s32 s18, s10;
	[sflag:s12] =	ssyncadd.s32 $0xFFFFE800  }
.Ltmp1:
0x35: {  	[bflag:$0x0] =	sbarrier.arrive $0xFFFF;
	(pc) =	sbr.rel @p0 .LBB2_1-.Ltmp1, $4  }
0x36: {  	[hbm:s9], [sflag:s6] =	dma.local [spmem:s11], $0xF00  }
0x37: {  	_ =	swait.ge [sflag:s12], $0xF00  }
0x38: {  	[sflag:s12] =	ssyncset.done $0x0  }
0x39: {  	[sflag:s12] =	ssyncadd.s32 $0xFFFFF100  }
0x3a: {  	_ =	sfence.sel $0x180000  }
0x3b: {  	[bflag:$0x0] =	sbarrier.arrive $0xFFFF  }
0x3c: {  	p0 =	sne.s32 s0, $0x0;
	_ =	strace $0x90000065  }
0x3d: {  	s0 =	sadd.s32 @!p0 $0x100000, s1;
	[bflag:$0x2] =	sbarrier.arrive $0xFFFF  }
0x3e: {  	[sflag:s0] =	ssyncadd.tile.s32 @!p0 $0x1;
	_ =	shalt  }
.Lfunc_end2:
_tile_overlayer_lowered:
.L_overlay_start_2:
0x3f: {  	(tag) =	ssettag $0x2  }
0x40: {  	s0 =	rddreg [dreg:$0x0];
	s2 =	stileid.u32  }
0x41: {  	s1 =	rddreg [dreg:$0x1];
	p0 =	sne.s32 s2, $0x0  }
0x42: {  	s3 =	rddreg [dreg:$0x2];
	[bflag:$0x3] =	sbarrier.arrive $0xFFFF;
	s2 =	simm.s32 @!p0 $0x1C02  }
0x43: {  	[timem:s3], [sflag:s2] =	dma.local @!p0 [hbm:s0], s1  }
0x44: {  	s0 =	simm.s32 @!p0 $0x2  }
0x45: {  	_ =	swait.ge @!p0 [sflag:s0], s1  }
0x46: {  	s1 =	ssub.s32 @!p0 $0x0, s1;
	[sflag:s0] =	ssyncset.done @!p0 $0x0  }
0x47: {  	[sflag:s0] =	ssyncadd.s32 @!p0 s1  }
0x48: {  	[bflag:$0x3] =	sbarrier.arrive $0xFFFF  }
0x49: {  	_ =	shalt  }

</sc_bundles>
